<compile_context>
chip_gen: v7x
topology: tpu7x:2x2x1
jax: 0.10.2.dev20260603
libtpu: 0.0.44.dev20260713+nightly
codegen_flags: <defaults>
</compile_context>

<pallas_src>
import functools
import math

import jax
import jax.numpy as jnp
from jax import lax
from jax.experimental import pallas as pl
from jax.experimental.pallas import tpu as pltpu
from jax.experimental.pallas import tpu_sc as plsc

NUM_CORES = 2
NUM_SUBCORES = 16
NUM_WORKERS = NUM_CORES * NUM_SUBCORES
LANES = 16
TILE = 128
TPB = 10
BLOCK = TILE * TPB

_C0 = math.sqrt(1.0 / (4.0 * math.pi))
_C1 = math.sqrt(3.0 / (4.0 * math.pi))
_C2M2 = math.sqrt(15.0 / (4.0 * math.pi))
_C20 = 0.25 * math.sqrt(5.0 / math.pi)
_C22 = 0.25 * math.sqrt(15.0 / math.pi)
_C3M3 = math.sqrt(35.0 / (32.0 * math.pi))
_C3M2 = 0.5 * math.sqrt(105.0 / math.pi)
_C3M1 = math.sqrt(21.0 / (32.0 * math.pi))
_C30 = 0.25 * math.sqrt(7.0 / math.pi)
_C32 = 0.25 * math.sqrt(105.0 / math.pi)


def _splat_f(v):
    return jnp.full((LANES,), v, jnp.float32)


def _splat_i(v):
    return jnp.full((LANES,), v, jnp.int32)


def _rsqrt_newton(s2):
    i = lax.bitcast_convert_type(s2, jnp.int32)
    seed = _splat_i(0x5F3759DF) - lax.shift_right_arithmetic(i, _splat_i(1))
    y = lax.bitcast_convert_type(seed, jnp.float32)
    half = _splat_f(0.5) * s2
    three_half = _splat_f(1.5)
    for _ in range(2):
        y = y * (three_half - half * y * y)
    return y


def _sh_coeffs(X, Y, Z):
    X2 = X * X
    Y2 = Y * Y
    Z2 = Z * Z
    XY = X * Y
    one = _splat_f(1.0)
    return [
        _splat_f(_C0),
        _splat_f(-_C1) * Y,
        _splat_f(_C1) * Z,
        _splat_f(-_C1) * X,
        _splat_f(_C2M2) * XY,
        _splat_f(-_C2M2) * (Y * Z),
        _splat_f(_C20) * (_splat_f(3.0) * Z2 - one),
        _splat_f(-_C2M2) * (X * Z),
        _splat_f(_C22) * (X2 - Y2),
        _splat_f(-_C3M3) * Y * (_splat_f(3.0) * X2 - Y2),
        _splat_f(_C3M2) * XY * Z,
        _splat_f(-_C3M1) * Y * (_splat_f(5.0) * Z2 - one),
        _splat_f(_C30) * Z * (_splat_f(5.0) * Z2 - _splat_f(3.0)),
        _splat_f(-_C3M1) * X * (_splat_f(5.0) * Z2 - one),
        _splat_f(_C32) * Z * (X2 - Y2),
        _splat_f(-_C3M3) * X * (X2 - _splat_f(3.0) * Y2),
    ]


def kernel(xyz_data, xyz_query, nn_idx):
    num_edges = nn_idx.shape[0]
    assert num_edges % (TILE * TPB) == 0
    nblocks_total = num_edges // BLOCK
    nfull = nblocks_total // NUM_WORKERS
    nrem = nblocks_total - nfull * NUM_WORKERS
    assert nfull >= 3 and nfull % 2 == 1
    half_words = num_edges * 8

    data_h = xyz_data * jnp.float32(0.5)
    query_h = xyz_query * jnp.float32(0.5)
    xd, yd, zd = (data_h[:, c] for c in range(3))
    xq, yq, zq = (query_h[:, c] for c in range(3))
    idx_q = nn_idx[:, 0]
    idx_d = nn_idx[:, 1]

    mesh = plsc.VectorSubcoreMesh(core_axis_name="c", subcore_axis_name="s")

    scratch = (
        [pltpu.VMEM((BLOCK,), jnp.int32)] * 4
        + [pltpu.VMEM((BLOCK,), jnp.float32)] * 12
        + [pltpu.VMEM((BLOCK * 16,), jnp.float32)] * 2
        + [pltpu.VMEM_SHARED((50000,), jnp.float32)] * 6
        + [pltpu.SemaphoreType.DMA] * 4
    )

    @functools.partial(
        pl.kernel,
        out_type=jax.ShapeDtypeStruct((num_edges * 16,), jnp.float32),
        mesh=mesh,
        scratch_types=scratch,
        compiler_params=pltpu.CompilerParams(
            needs_layout_passes=False, use_tc_tiling_on_sc=False
        ),
    )
    def sc_kernel(
        xd_hbm, yd_hbm, zd_hbm, xq_hbm, yq_hbm, zq_hbm, iq_hbm, id_hbm, out_hbm,
        iq0, iq1, id0, id1,
        xd0, xd1, yd0, yd1, zd0, zd1, xq0, xq1, yq0, yq1, zq0, zq1,
        ov0, ov1,
        sp0, sp1, sp2, sp3, sp4, sp5,
        sg0, sg1, so0, so1,
    ):
        wid = lax.axis_index("s") * NUM_CORES + lax.axis_index("c")
        iq_v = (iq0, iq1)
        id_v = (id0, id1)
        planes = ((xd0, xd1), (yd0, yd1), (zd0, zd1),
                  (xq0, xq1), (yq0, yq1), (zq0, zq1))
        out_v = (ov0, ov1)
        sem_g = (sg0, sg1)
        sem_o = (so0, so1)
        hbm_tables = (xd_hbm, yd_hbm, zd_hbm, xq_hbm, yq_hbm, zq_hbm)
        tables = (sp0, sp1, sp2, sp3, sp4, sp5)
        n_rows = hbm_tables[0].shape[0]
        sid = lax.axis_index("s")
        chunk = 2000
        nchunk_mine = (n_rows // chunk - sid + NUM_SUBCORES - 1) // NUM_SUBCORES

        def stage_body(k, _):
            c0 = (sid + k * NUM_SUBCORES) * chunk
            for hbm_t, sp_t in zip(hbm_tables, tables):
                pltpu.sync_copy(
                    hbm_t.at[pl.ds(c0, chunk)], sp_t.at[pl.ds(c0, chunk)]
                )
            return 0

        lax.fori_loop(0, nchunk_mine, stage_body, 0)
        plsc.subcore_barrier()

        def gather_args(s):
            for t, tab in enumerate(tables):
                idx = id_v[s] if t < 3 else iq_v[s]
                yield tab.at[idx], planes[t][s], sem_g[s]

        def fetch(j, s):
            base = (wid + NUM_WORKERS * j) * BLOCK
            pltpu.sync_copy(iq_hbm.at[pl.ds(base, BLOCK)], iq_v[s])
            pltpu.sync_copy(id_hbm.at[pl.ds(base, BLOCK)], id_v[s])
            for src, dst, sem in gather_args(s):
                pltpu.async_copy(src, dst, sem)

        def drain_gathers(s):
            for src, dst, sem in gather_args(s):
                pltpu.make_async_copy(src, dst, sem).wait()

        def out_chunks(j, s):
            tile0 = (wid + NUM_WORKERS * j) * TPB
            for gg in range(2):
                src = out_v[s].at[pl.ds(gg * (TPB * 1024), TPB * 1024)]
                dst = out_hbm.at[
                    pl.ds(gg * half_words + tile0 * 1024, TPB * 1024)
                ]
                yield src, dst, sem_o[s]

        def put_out(j, s):
            for src, dst, sem in out_chunks(j, s):
                pltpu.async_copy(src, dst, sem)

        def wait_out(j, s):
            for src, dst, sem in out_chunks(j, s):
                pltpu.make_async_copy(src, dst, sem).wait()

        UNROLL = 2

        def compute(s):
            xdv, ydv, zdv = planes[0][s], planes[1][s], planes[2][s]
            xqv, yqv, zqv = planes[3][s], planes[4][s], planes[5][s]
            ov = out_v[s]

            def group(jj):
                sl = pl.ds(jj * LANES, LANES)
                dx = xdv[sl] - xqv[sl]
                dy = ydv[sl] - yqv[sl]
                dz = zdv[sl] - zqv[sl]
                s2 = dx * dx + dy * dy + dz * dz
                rinv = _rsqrt_newton(s2)
                coeffs = _sh_coeffs(dx * rinv, dy * rinv, dz * rinv)
                obase = (jj // 8) * 1024 + (jj % 8) * LANES
                for c in range(16):
                    off = (c // 8) * (TPB * 1024) + (c % 8) * TILE
                    ov[pl.ds(obase + off, LANES)] = coeffs[c]

            def vec_body(j, _):
                for u in range(UNROLL):
                    group(j * UNROLL + u)
                return 0

            lax.fori_loop(0, (BLOCK // LANES) // UNROLL, vec_body, 0)

        def block_step(j, s):
            fetch(j + 1, 1 - s)
            drain_gathers(s)

            @pl.when(j >= 2)
            def _():
                wait_out(j - 2, s)

            compute(s)
            put_out(j, s)

        fetch(0, 0)

        def pair_body(i, _):
            block_step(2 * i, 0)
            block_step(2 * i + 1, 1)
            return 0

        lax.fori_loop(0, (nfull - 1) // 2, pair_body, 0)

        j_tail = nfull - 1
        has_extra = wid < nrem

        @pl.when(has_extra)
        def _():
            fetch(nfull, 1)

        drain_gathers(0)
        wait_out(j_tail - 2, 0)
        compute(0)
        put_out(j_tail, 0)
        wait_out(j_tail - 1, 1)

        @pl.when(has_extra)
        def _():
            drain_gathers(1)
            compute(1)
            put_out(nfull, 1)
            wait_out(nfull, 1)

        wait_out(j_tail, 0)

    out = sc_kernel(xd, yd, zd, xq, yq, zq, idx_q, idx_d)
    out = out.reshape(2, num_edges // TILE, 8, TILE)
    return out.transpose(1, 3, 0, 2).reshape(num_edges, 16)

# --- scband reference (transcript-rebuilt; emitter-appended) ---
"""Pipeline reference for scband-build-spharm-coeff-54640573939793 (READ-ONLY COPY).

The authoritative reference and input builder live on the scoring server;
editing this copy changes nothing except your own understanding.
"""

import jax, jax.numpy as jnp
import numpy as np
import math

L = 3  # spherical harmonic max degree (matches init kwarg l)

N_DATA = 50000
N_QUERY = 50000
N_EDGES = 1600000


def setup_inputs(seed: int = 0) -> dict:
    key = jax.random.key(seed)
    k1, k2, k3 = jax.random.split(key, 3)
    xyz_data = jax.random.normal(k1, (N_DATA, 3), dtype=jnp.float32)
    xyz_query = jax.random.normal(k2, (N_QUERY, 3), dtype=jnp.float32)
    nn_idx = jax.random.randint(k3, (N_EDGES, 2), 0, N_DATA, dtype=jnp.int32)
    return {"xyz_data": xyz_data, "xyz_query": xyz_query, "nn_idx": nn_idx}


def _assoc_legendre(l_max, x, sin_theta):
    # P[l][m] associated Legendre with Condon-Shortley phase, m >= 0
    P = [[None] * (l_max + 1) for _ in range(l_max + 1)]
    pmm = jnp.ones_like(x)
    for m in range(l_max + 1):
        if m > 0:
            pmm = pmm * (-(2.0 * m - 1.0)) * sin_theta
        P[m][m] = pmm
        if m < l_max:
            P[m + 1][m] = x * (2.0 * m + 1.0) * P[m][m]
        for l in range(m + 2, l_max + 1):
            P[l][m] = ((2.0 * l - 1.0) * x * P[l - 1][m] - (l + m - 1.0) * P[l - 2][m]) / (l - m)
    return P


def _sph_harm_reorder(l_max, phi, theta):
    # Real spherical harmonics evaluated at azimuth phi, polar angle theta,
    # ordered (l, m) with l=0..l_max and m=-l..l -> (l_max+1)**2 coeffs.
    x = jnp.cos(theta)
    st = jnp.sin(theta)  # theta in [0, pi] so st >= 0
    P = _assoc_legendre(l_max, x, st)
    outs = []
    for l in range(l_max + 1):
        for m in range(-l, l + 1):
            am = abs(m)
            norm = math.sqrt((2.0 * l + 1.0) / (4.0 * math.pi) * math.factorial(l - am) / math.factorial(l + am))
            if m == 0:
                y = norm * P[l][0]
            elif m > 0:
                y = math.sqrt(2.0) * norm * P[l][am] * jnp.cos(am * phi)
            else:
                y = math.sqrt(2.0) * norm * P[l][am] * jnp.sin(am * phi)
            outs.append(y)
    return jnp.stack(outs, axis=-1)


def _proj_to_sphere(xyz):
    l2norm = jnp.sqrt(jnp.sum(xyz ** 2, axis=-1, keepdims=True))
    return xyz / (l2norm + 1e-10)


def reference(xyz_data, xyz_query, nn_idx):
    idx = nn_idx.astype(jnp.int32)
    delta = xyz_data[idx[:, 1]] - xyz_query[idx[:, 0]]  # gather on both endpoints
    delta = _proj_to_sphere(delta)
    phi = jnp.arctan2(delta[:, 1], delta[:, 0])
    theta = jnp.arctan2(delta[:, 2], jnp.linalg.norm(delta[:, :2], axis=-1))
    phi = jnp.where(phi < 0, phi + 2.0 * np.pi, phi)
    theta = np.pi / 2.0 - theta
    coeff = _sph_harm_reorder(L, phi, theta)
    return coeff

if __name__ == "__main__":
    import jax
    _d = setup_inputs()
    print(jax.jit(kernel)(*tuple(_d.values())))

</pallas_src>

<mosaic_0001>
#map = affine_map<(d0, d1) -> (0)>
module attributes {stable_mosaic.version = 14 : i64} {
  func.func @sc_kernel(%arg0: i32, %arg1: i32, %arg2: memref<50000xf32, #tpu.memory_space<hbm>>, %arg3: memref<50000xf32, #tpu.memory_space<hbm>>, %arg4: memref<50000xf32, #tpu.memory_space<hbm>>, %arg5: memref<50000xf32, #tpu.memory_space<hbm>>, %arg6: memref<50000xf32, #tpu.memory_space<hbm>>, %arg7: memref<50000xf32, #tpu.memory_space<hbm>>, %arg8: memref<1600000xi32, #tpu.memory_space<hbm>>, %arg9: memref<1600000xi32, #tpu.memory_space<hbm>>, %arg10: memref<25600000xf32, #tpu.memory_space<hbm>>, %arg11: memref<1280xi32, #tpu.memory_space<vmem>>, %arg12: memref<1280xi32, #tpu.memory_space<vmem>>, %arg13: memref<1280xi32, #tpu.memory_space<vmem>>, %arg14: memref<1280xi32, #tpu.memory_space<vmem>>, %arg15: memref<1280xf32, #tpu.memory_space<vmem>>, %arg16: memref<1280xf32, #tpu.memory_space<vmem>>, %arg17: memref<1280xf32, #tpu.memory_space<vmem>>, %arg18: memref<1280xf32, #tpu.memory_space<vmem>>, %arg19: memref<1280xf32, #tpu.memory_space<vmem>>, %arg20: memref<1280xf32, #tpu.memory_space<vmem>>, %arg21: memref<1280xf32, #tpu.memory_space<vmem>>, %arg22: memref<1280xf32, #tpu.memory_space<vmem>>, %arg23: memref<1280xf32, #tpu.memory_space<vmem>>, %arg24: memref<1280xf32, #tpu.memory_space<vmem>>, %arg25: memref<1280xf32, #tpu.memory_space<vmem>>, %arg26: memref<1280xf32, #tpu.memory_space<vmem>>, %arg27: memref<20480xf32, #tpu.memory_space<vmem>>, %arg28: memref<20480xf32, #tpu.memory_space<vmem>>, %arg29: memref<50000xf32, #tpu.memory_space<vmem_shared>>, %arg30: memref<50000xf32, #tpu.memory_space<vmem_shared>>, %arg31: memref<50000xf32, #tpu.memory_space<vmem_shared>>, %arg32: memref<50000xf32, #tpu.memory_space<vmem_shared>>, %arg33: memref<50000xf32, #tpu.memory_space<vmem_shared>>, %arg34: memref<50000xf32, #tpu.memory_space<vmem_shared>>, %arg35: memref<!tpu.dma_semaphore, #tpu.memory_space<semaphore_mem>>, %arg36: memref<!tpu.dma_semaphore, #tpu.memory_space<semaphore_mem>>, %arg37: memref<!tpu.dma_semaphore, #tpu.memory_space<semaphore_mem>>, %arg38: memref<!tpu.dma_semaphore, #tpu.memory_space<semaphore_mem>>) attributes {dimension_semantics = [#tpu.dimension_semantics<core_parallel>, #tpu.dimension_semantics<subcore_parallel>], iteration_bounds = array<i64: 2, 16>, scalar_prefetch = 0 : i64, scratch_operands = 28 : i64, tpu.core_type = #tpu.core_type<sc_vector_subcore>, window_params = [{transform_indices = #map}, {transform_indices = #map}, {transform_indices = #map}, {transform_indices = #map}, {transform_indices = #map}, {transform_indices = #map}, {transform_indices = #map}, {transform_indices = #map}, {transform_indices = #map}]} {
    %mul3A = arith.constant 2 : i32
    %mul3A_0 = arith.muli %arg1, %mul3A : i32
    %add3A = arith.addi %mul3A_0, %arg0 : i32
    %sub3A = arith.constant 25 : i32
    %sub3A_1 = arith.subi %sub3A, %arg1 : i32
    %add3A_2 = arith.constant 16 : i32
    %add3A_3 = arith.addi %sub3A_1, %add3A_2 : i32
    %sub3A_4 = arith.constant 1 : i32
    %sub3A_5 = arith.subi %add3A_3, %sub3A_4 : i32
    %jit3A = arith.constant 16 : i32
    %div3A = arith.divsi %sub3A_5, %jit3A : i32
    %sign3A = arith.constant 0 : i32
    %sign3A_6 = arith.cmpi sgt, %sub3A_5, %sign3A : i32
    %sign3A_7 = arith.extui %sign3A_6 : i1 to i32
    %sign3A_8 = arith.constant 0 : i32
    %sign3A_9 = arith.cmpi slt, %sub3A_5, %sign3A_8 : i32
    %sign3A_10 = arith.extui %sign3A_9 : i1 to i32
    %sign3A_11 = arith.subi %sign3A_7, %sign3A_10 : i32
    %sign3A_12 = arith.constant 0 : i32
    %sign3A_13 = arith.cmpi sgt, %jit3A, %sign3A_12 : i32
    %sign3A_14 = arith.extui %sign3A_13 : i1 to i32
    %sign3A_15 = arith.constant 0 : i32
    %sign3A_16 = arith.cmpi slt, %jit3A, %sign3A_15 : i32
    %sign3A_17 = arith.extui %sign3A_16 : i1 to i32
    %sign3A_18 = arith.subi %sign3A_14, %sign3A_17 : i32
    %ne3A = arith.cmpi ne, %sign3A_11, %sign3A_18 : i32
    %rem3A = arith.remsi %sub3A_5, %jit3A : i32
    %ne3A_19 = arith.constant 0 : i32
    %ne3A_20 = arith.cmpi ne, %rem3A, %ne3A_19 : i32
    %and3A = arith.andi %ne3A, %ne3A_20 : i1
    %sub3A_21 = arith.constant 1 : i32
    %sub3A_22 = arith.subi %div3A, %sub3A_21 : i32
    %select_n3A = arith.select %and3A, %sub3A_22, %div3A : i32
    %while3A = arith.constant 0 : i32
    %while3A_23 = arith.constant 0 : i32
    %while3A_24 = arith.subi %select_n3A, %while3A : i32
    %while3A_25 = arith.addi %while3A, %while3A_24 : i32
    %while3A_26 = arith.constant 1 : i32
    %while3A_27 = arith.divsi %while3A_24, %while3A_26 : i32
    %while3A_28 = arith.muli %while3A_27, %while3A_26 : i32
    %while3A_29 = arith.addi %while3A, %while3A_28 : i32
    %while3A_30 = arith.constant 1 : i32
    %while3A_31 = scf.for %while3A_174 = %while3A to %while3A_29 step %while3A_30 iter_args(%while3A_175 = %while3A_23) -> (i32)  : i32 {
      %mul3A_176 = arith.constant 16 : i32
      %mul3A_177 = arith.muli %while3A_174, %mul3A_176 : i32
      %add3A_178 = arith.addi %arg1, %mul3A_177 : i32
      %mul3A_179 = arith.constant 2000 : i32
      %mul3A_180 = arith.muli %add3A_178, %mul3A_179 : i32
      "tpu.region"() ({
        %run_scoped3A = tpu.sem_alloc : memref<!tpu.dma_semaphore, #tpu.memory_space<semaphore_mem>>
        %dma_start3A_182 = tpu.memref_slice %arg29[%mul3A_180] : memref<50000xf32, #tpu.memory_space<vmem_shared>> -> memref<2000xf32, #tpu.memory_space<vmem_shared>>
        %dma_start3A_183 = tpu.memref_slice %arg2[%mul3A_180] : memref<50000xf32, #tpu.memory_space<hbm>> -> memref<2000xf32, #tpu.memory_space<hbm>>
        tpu.enqueue_dma source(%dma_start3A_183 : memref<2000xf32, #tpu.memory_space<hbm>>) target(%dma_start3A_182 : memref<2000xf32, #tpu.memory_space<vmem_shared>>) target_semaphore(%run_scoped3A : memref<!tpu.dma_semaphore, #tpu.memory_space<semaphore_mem>>)
        %dma_wait3A_184 = tpu.memref_slice %arg29[%mul3A_180] : memref<50000xf32, #tpu.memory_space<vmem_shared>> -> memref<2000xf32, #tpu.memory_space<vmem_shared>>
        %dma_wait3A_185 = tpu.memref_slice %arg2[%mul3A_180] : memref<50000xf32, #tpu.memory_space<hbm>> -> memref<2000xf32, #tpu.memory_space<hbm>>
        tpu.wait_dma2 semaphore(%run_scoped3A : memref<!tpu.dma_semaphore, #tpu.memory_space<semaphore_mem>>) src(%dma_wait3A_185 : memref<2000xf32, #tpu.memory_space<hbm>>) dst(%dma_wait3A_184 : memref<2000xf32, #tpu.memory_space<vmem_shared>>)
        tpu.yield
      }) : () -> ()
      "tpu.region"() ({
        %run_scoped3A = tpu.sem_alloc : memref<!tpu.dma_semaphore, #tpu.memory_space<semaphore_mem>>
        %dma_start3A_182 = tpu.memref_slice %arg30[%mul3A_180] : memref<50000xf32, #tpu.memory_space<vmem_shared>> -> memref<2000xf32, #tpu.memory_space<vmem_shared>>
        %dma_start3A_183 = tpu.memref_slice %arg3[%mul3A_180] : memref<50000xf32, #tpu.memory_space<hbm>> -> memref<2000xf32, #tpu.memory_space<hbm>>
        tpu.enqueue_dma source(%dma_start3A_183 : memref<2000xf32, #tpu.memory_space<hbm>>) target(%dma_start3A_182 : memref<2000xf32, #tpu.memory_space<vmem_shared>>) target_semaphore(%run_scoped3A : memref<!tpu.dma_semaphore, #tpu.memory_space<semaphore_mem>>)
        %dma_wait3A_184 = tpu.memref_slice %arg30[%mul3A_180] : memref<50000xf32, #tpu.memory_space<vmem_shared>> -> memref<2000xf32, #tpu.memory_space<vmem_shared>>
        %dma_wait3A_185 = tpu.memref_slice %arg3[%mul3A_180] : memref<50000xf32, #tpu.memory_space<hbm>> -> memref<2000xf32, #tpu.memory_space<hbm>>
        tpu.wait_dma2 semaphore(%run_scoped3A : memref<!tpu.dma_semaphore, #tpu.memory_space<semaphore_mem>>) src(%dma_wait3A_185 : memref<2000xf32, #tpu.memory_space<hbm>>) dst(%dma_wait3A_184 : memref<2000xf32, #tpu.memory_space<vmem_shared>>)
        tpu.yield
      }) : () -> ()
      "tpu.region"() ({
        %run_scoped3A = tpu.sem_alloc : memref<!tpu.dma_semaphore, #tpu.memory_space<semaphore_mem>>
        %dma_start3A_182 = tpu.memref_slice %arg31[%mul3A_180] : memref<50000xf32, #tpu.memory_space<vmem_shared>> -> memref<2000xf32, #tpu.memory_space<vmem_shared>>
        %dma_start3A_183 = tpu.memref_slice %arg4[%mul3A_180] : memref<50000xf32, #tpu.memory_space<hbm>> -> memref<2000xf32, #tpu.memory_space<hbm>>
        tpu.enqueue_dma source(%dma_start3A_183 : memref<2000xf32, #tpu.memory_space<hbm>>) target(%dma_start3A_182 : memref<2000xf32, #tpu.memory_space<vmem_shared>>) target_semaphore(%run_scoped3A : memref<!tpu.dma_semaphore, #tpu.memory_space<semaphore_mem>>)
        %dma_wait3A_184 = tpu.memref_slice %arg31[%mul3A_180] : memref<50000xf32, #tpu.memory_space<vmem_shared>> -> memref<2000xf32, #tpu.memory_space<vmem_shared>>
        %dma_wait3A_185 = tpu.memref_slice %arg4[%mul3A_180] : memref<50000xf32, #tpu.memory_space<hbm>> -> memref<2000xf32, #tpu.memory_space<hbm>>
        tpu.wait_dma2 semaphore(%run_scoped3A : memref<!tpu.dma_semaphore, #tpu.memory_space<semaphore_mem>>) src(%dma_wait3A_185 : memref<2000xf32, #tpu.memory_space<hbm>>) dst(%dma_wait3A_184 : memref<2000xf32, #tpu.memory_space<vmem_shared>>)
        tpu.yield
      }) : () -> ()
      "tpu.region"() ({
        %run_scoped3A = tpu.sem_alloc : memref<!tpu.dma_semaphore, #tpu.memory_space<semaphore_mem>>
        %dma_start3A_182 = tpu.memref_slice %arg32[%mul3A_180] : memref<50000xf32, #tpu.memory_space<vmem_shared>> -> memref<2000xf32, #tpu.memory_space<vmem_shared>>
        %dma_start3A_183 = tpu.memref_slice %arg5[%mul3A_180] : memref<50000xf32, #tpu.memory_space<hbm>> -> memref<2000xf32, #tpu.memory_space<hbm>>
        tpu.enqueue_dma source(%dma_start3A_183 : memref<2000xf32, #tpu.memory_space<hbm>>) target(%dma_start3A_182 : memref<2000xf32, #tpu.memory_space<vmem_shared>>) target_semaphore(%run_scoped3A : memref<!tpu.dma_semaphore, #tpu.memory_space<semaphore_mem>>)
        %dma_wait3A_184 = tpu.memref_slice %arg32[%mul3A_180] : memref<50000xf32, #tpu.memory_space<vmem_shared>> -> memref<2000xf32, #tpu.memory_space<vmem_shared>>
        %dma_wait3A_185 = tpu.memref_slice %arg5[%mul3A_180] : memref<50000xf32, #tpu.memory_space<hbm>> -> memref<2000xf32, #tpu.memory_space<hbm>>
        tpu.wait_dma2 semaphore(%run_scoped3A : memref<!tpu.dma_semaphore, #tpu.memory_space<semaphore_mem>>) src(%dma_wait3A_185 : memref<2000xf32, #tpu.memory_space<hbm>>) dst(%dma_wait3A_184 : memref<2000xf32, #tpu.memory_space<vmem_shared>>)
        tpu.yield
      }) : () -> ()
      "tpu.region"() ({
        %run_scoped3A = tpu.sem_alloc : memref<!tpu.dma_semaphore, #tpu.memory_space<semaphore_mem>>
        %dma_start3A_182 = tpu.memref_slice %arg33[%mul3A_180] : memref<50000xf32, #tpu.memory_space<vmem_shared>> -> memref<2000xf32, #tpu.memory_space<vmem_shared>>
        %dma_start3A_183 = tpu.memref_slice %arg6[%mul3A_180] : memref<50000xf32, #tpu.memory_space<hbm>> -> memref<2000xf32, #tpu.memory_space<hbm>>
        tpu.enqueue_dma source(%dma_start3A_183 : memref<2000xf32, #tpu.memory_space<hbm>>) target(%dma_start3A_182 : memref<2000xf32, #tpu.memory_space<vmem_shared>>) target_semaphore(%run_scoped3A : memref<!tpu.dma_semaphore, #tpu.memory_space<semaphore_mem>>)
        %dma_wait3A_184 = tpu.memref_slice %arg33[%mul3A_180] : memref<50000xf32, #tpu.memory_space<vmem_shared>> -> memref<2000xf32, #tpu.memory_space<vmem_shared>>
        %dma_wait3A_185 = tpu.memref_slice %arg6[%mul3A_180] : memref<50000xf32, #tpu.memory_space<hbm>> -> memref<2000xf32, #tpu.memory_space<hbm>>
        tpu.wait_dma2 semaphore(%run_scoped3A : memref<!tpu.dma_semaphore, #tpu.memory_space<semaphore_mem>>) src(%dma_wait3A_185 : memref<2000xf32, #tpu.memory_space<hbm>>) dst(%dma_wait3A_184 : memref<2000xf32, #tpu.memory_space<vmem_shared>>)
        tpu.yield
      }) : () -> ()
      "tpu.region"() ({
        %run_scoped3A = tpu.sem_alloc : memref<!tpu.dma_semaphore, #tpu.memory_space<semaphore_mem>>
        %dma_start3A_182 = tpu.memref_slice %arg34[%mul3A_180] : memref<50000xf32, #tpu.memory_space<vmem_shared>> -> memref<2000xf32, #tpu.memory_space<vmem_shared>>
        %dma_start3A_183 = tpu.memref_slice %arg7[%mul3A_180] : memref<50000xf32, #tpu.memory_space<hbm>> -> memref<2000xf32, #tpu.memory_space<hbm>>
        tpu.enqueue_dma source(%dma_start3A_183 : memref<2000xf32, #tpu.memory_space<hbm>>) target(%dma_start3A_182 : memref<2000xf32, #tpu.memory_space<vmem_shared>>) target_semaphore(%run_scoped3A : memref<!tpu.dma_semaphore, #tpu.memory_space<semaphore_mem>>)
        %dma_wait3A_184 = tpu.memref_slice %arg34[%mul3A_180] : memref<50000xf32, #tpu.memory_space<vmem_shared>> -> memref<2000xf32, #tpu.memory_space<vmem_shared>>
        %dma_wait3A_185 = tpu.memref_slice %arg7[%mul3A_180] : memref<50000xf32, #tpu.memory_space<hbm>> -> memref<2000xf32, #tpu.memory_space<hbm>>
        tpu.wait_dma2 semaphore(%run_scoped3A : memref<!tpu.dma_semaphore, #tpu.memory_space<semaphore_mem>>) src(%dma_wait3A_185 : memref<2000xf32, #tpu.memory_space<hbm>>) dst(%dma_wait3A_184 : memref<2000xf32, #tpu.memory_space<vmem_shared>>)
        tpu.yield
      }) : () -> ()
      %while3A_181 = arith.constant 0 : i32
      scf.yield %while3A_181 : i32
    }
    %while3A_32 = arith.constant 1 : i32
    %while3A_33 = scf.for %while3A_174 = %while3A_29 to %while3A_25 step %while3A_32 iter_args(%while3A_175 = %while3A_31) -> (i32)  : i32 {
      %mul3A_176 = arith.constant 16 : i32
      %mul3A_177 = arith.muli %while3A_174, %mul3A_176 : i32
      %add3A_178 = arith.addi %arg1, %mul3A_177 : i32
      %mul3A_179 = arith.constant 2000 : i32
      %mul3A_180 = arith.muli %add3A_178, %mul3A_179 : i32
      "tpu.region"() ({
        %run_scoped3A = tpu.sem_alloc : memref<!tpu.dma_semaphore, #tpu.memory_space<semaphore_mem>>
        %dma_start3A_182 = tpu.memref_slice %arg29[%mul3A_180] : memref<50000xf32, #tpu.memory_space<vmem_shared>> -> memref<2000xf32, #tpu.memory_space<vmem_shared>>
        %dma_start3A_183 = tpu.memref_slice %arg2[%mul3A_180] : memref<50000xf32, #tpu.memory_space<hbm>> -> memref<2000xf32, #tpu.memory_space<hbm>>
        tpu.enqueue_dma source(%dma_start3A_183 : memref<2000xf32, #tpu.memory_space<hbm>>) target(%dma_start3A_182 : memref<2000xf32, #tpu.memory_space<vmem_shared>>) target_semaphore(%run_scoped3A : memref<!tpu.dma_semaphore, #tpu.memory_space<semaphore_mem>>)
        %dma_wait3A_184 = tpu.memref_slice %arg29[%mul3A_180] : memref<50000xf32, #tpu.memory_space<vmem_shared>> -> memref<2000xf32, #tpu.memory_space<vmem_shared>>
        %dma_wait3A_185 = tpu.memref_slice %arg2[%mul3A_180] : memref<50000xf32, #tpu.memory_space<hbm>> -> memref<2000xf32, #tpu.memory_space<hbm>>
        tpu.wait_dma2 semaphore(%run_scoped3A : memref<!tpu.dma_semaphore, #tpu.memory_space<semaphore_mem>>) src(%dma_wait3A_185 : memref<2000xf32, #tpu.memory_space<hbm>>) dst(%dma_wait3A_184 : memref<2000xf32, #tpu.memory_space<vmem_shared>>)
        tpu.yield
      }) : () -> ()
      "tpu.region"() ({
        %run_scoped3A = tpu.sem_alloc : memref<!tpu.dma_semaphore, #tpu.memory_space<semaphore_mem>>
        %dma_start3A_182 = tpu.memref_slice %arg30[%mul3A_180] : memref<50000xf32, #tpu.memory_space<vmem_shared>> -> memref<2000xf32, #tpu.memory_space<vmem_shared>>
        %dma_start3A_183 = tpu.memref_slice %arg3[%mul3A_180] : memref<50000xf32, #tpu.memory_space<hbm>> -> memref<2000xf32, #tpu.memory_space<hbm>>
        tpu.enqueue_dma source(%dma_start3A_183 : memref<2000xf32, #tpu.memory_space<hbm>>) target(%dma_start3A_182 : memref<2000xf32, #tpu.memory_space<vmem_shared>>) target_semaphore(%run_scoped3A : memref<!tpu.dma_semaphore, #tpu.memory_space<semaphore_mem>>)
        %dma_wait3A_184 = tpu.memref_slice %arg30[%mul3A_180] : memref<50000xf32, #tpu.memory_space<vmem_shared>> -> memref<2000xf32, #tpu.memory_space<vmem_shared>>
        %dma_wait3A_185 = tpu.memref_slice %arg3[%mul3A_180] : memref<50000xf32, #tpu.memory_space<hbm>> -> memref<2000xf32, #tpu.memory_space<hbm>>
        tpu.wait_dma2 semaphore(%run_scoped3A : memref<!tpu.dma_semaphore, #tpu.memory_space<semaphore_mem>>) src(%dma_wait3A_185 : memref<2000xf32, #tpu.memory_space<hbm>>) dst(%dma_wait3A_184 : memref<2000xf32, #tpu.memory_space<vmem_shared>>)
        tpu.yield
      }) : () -> ()
      "tpu.region"() ({
        %run_scoped3A = tpu.sem_alloc : memref<!tpu.dma_semaphore, #tpu.memory_space<semaphore_mem>>
        %dma_start3A_182 = tpu.memref_slice %arg31[%mul3A_180] : memref<50000xf32, #tpu.memory_space<vmem_shared>> -> memref<2000xf32, #tpu.memory_space<vmem_shared>>
        %dma_start3A_183 = tpu.memref_slice %arg4[%mul3A_180] : memref<50000xf32, #tpu.memory_space<hbm>> -> memref<2000xf32, #tpu.memory_space<hbm>>
        tpu.enqueue_dma source(%dma_start3A_183 : memref<2000xf32, #tpu.memory_space<hbm>>) target(%dma_start3A_182 : memref<2000xf32, #tpu.memory_space<vmem_shared>>) target_semaphore(%run_scoped3A : memref<!tpu.dma_semaphore, #tpu.memory_space<semaphore_mem>>)
        %dma_wait3A_184 = tpu.memref_slice %arg31[%mul3A_180] : memref<50000xf32, #tpu.memory_space<vmem_shared>> -> memref<2000xf32, #tpu.memory_space<vmem_shared>>
        %dma_wait3A_185 = tpu.memref_slice %arg4[%mul3A_180] : memref<50000xf32, #tpu.memory_space<hbm>> -> memref<2000xf32, #tpu.memory_space<hbm>>
        tpu.wait_dma2 semaphore(%run_scoped3A : memref<!tpu.dma_semaphore, #tpu.memory_space<semaphore_mem>>) src(%dma_wait3A_185 : memref<2000xf32, #tpu.memory_space<hbm>>) dst(%dma_wait3A_184 : memref<2000xf32, #tpu.memory_space<vmem_shared>>)
        tpu.yield
      }) : () -> ()
      "tpu.region"() ({
        %run_scoped3A = tpu.sem_alloc : memref<!tpu.dma_semaphore, #tpu.memory_space<semaphore_mem>>
        %dma_start3A_182 = tpu.memref_slice %arg32[%mul3A_180] : memref<50000xf32, #tpu.memory_space<vmem_shared>> -> memref<2000xf32, #tpu.memory_space<vmem_shared>>
        %dma_start3A_183 = tpu.memref_slice %arg5[%mul3A_180] : memref<50000xf32, #tpu.memory_space<hbm>> -> memref<2000xf32, #tpu.memory_space<hbm>>
        tpu.enqueue_dma source(%dma_start3A_183 : memref<2000xf32, #tpu.memory_space<hbm>>) target(%dma_start3A_182 : memref<2000xf32, #tpu.memory_space<vmem_shared>>) target_semaphore(%run_scoped3A : memref<!tpu.dma_semaphore, #tpu.memory_space<semaphore_mem>>)
        %dma_wait3A_184 = tpu.memref_slice %arg32[%mul3A_180] : memref<50000xf32, #tpu.memory_space<vmem_shared>> -> memref<2000xf32, #tpu.memory_space<vmem_shared>>
        %dma_wait3A_185 = tpu.memref_slice %arg5[%mul3A_180] : memref<50000xf32, #tpu.memory_space<hbm>> -> memref<2000xf32, #tpu.memory_space<hbm>>
        tpu.wait_dma2 semaphore(%run_scoped3A : memref<!tpu.dma_semaphore, #tpu.memory_space<semaphore_mem>>) src(%dma_wait3A_185 : memref<2000xf32, #tpu.memory_space<hbm>>) dst(%dma_wait3A_184 : memref<2000xf32, #tpu.memory_space<vmem_shared>>)
        tpu.yield
      }) : () -> ()
      "tpu.region"() ({
        %run_scoped3A = tpu.sem_alloc : memref<!tpu.dma_semaphore, #tpu.memory_space<semaphore_mem>>
        %dma_start3A_182 = tpu.memref_slice %arg33[%mul3A_180] : memref<50000xf32, #tpu.memory_space<vmem_shared>> -> memref<2000xf32, #tpu.memory_space<vmem_shared>>
        %dma_start3A_183 = tpu.memref_slice %arg6[%mul3A_180] : memref<50000xf32, #tpu.memory_space<hbm>> -> memref<2000xf32, #tpu.memory_space<hbm>>
        tpu.enqueue_dma source(%dma_start3A_183 : memref<2000xf32, #tpu.memory_space<hbm>>) target(%dma_start3A_182 : memref<2000xf32, #tpu.memory_space<vmem_shared>>) target_semaphore(%run_scoped3A : memref<!tpu.dma_semaphore, #tpu.memory_space<semaphore_mem>>)
        %dma_wait3A_184 = tpu.memref_slice %arg33[%mul3A_180] : memref<50000xf32, #tpu.memory_space<vmem_shared>> -> memref<2000xf32, #tpu.memory_space<vmem_shared>>
        %dma_wait3A_185 = tpu.memref_slice %arg6[%mul3A_180] : memref<50000xf32, #tpu.memory_space<hbm>> -> memref<2000xf32, #tpu.memory_space<hbm>>
        tpu.wait_dma2 semaphore(%run_scoped3A : memref<!tpu.dma_semaphore, #tpu.memory_space<semaphore_mem>>) src(%dma_wait3A_185 : memref<2000xf32, #tpu.memory_space<hbm>>) dst(%dma_wait3A_184 : memref<2000xf32, #tpu.memory_space<vmem_shared>>)
        tpu.yield
      }) : () -> ()
      "tpu.region"() ({
        %run_scoped3A = tpu.sem_alloc : memref<!tpu.dma_semaphore, #tpu.memory_space<semaphore_mem>>
        %dma_start3A_182 = tpu.memref_slice %arg34[%mul3A_180] : memref<50000xf32, #tpu.memory_space<vmem_shared>> -> memref<2000xf32, #tpu.memory_space<vmem_shared>>
        %dma_start3A_183 = tpu.memref_slice %arg7[%mul3A_180] : memref<50000xf32, #tpu.memory_space<hbm>> -> memref<2000xf32, #tpu.memory_space<hbm>>
        tpu.enqueue_dma source(%dma_start3A_183 : memref<2000xf32, #tpu.memory_space<hbm>>) target(%dma_start3A_182 : memref<2000xf32, #tpu.memory_space<vmem_shared>>) target_semaphore(%run_scoped3A : memref<!tpu.dma_semaphore, #tpu.memory_space<semaphore_mem>>)
        %dma_wait3A_184 = tpu.memref_slice %arg34[%mul3A_180] : memref<50000xf32, #tpu.memory_space<vmem_shared>> -> memref<2000xf32, #tpu.memory_space<vmem_shared>>
        %dma_wait3A_185 = tpu.memref_slice %arg7[%mul3A_180] : memref<50000xf32, #tpu.memory_space<hbm>> -> memref<2000xf32, #tpu.memory_space<hbm>>
        tpu.wait_dma2 semaphore(%run_scoped3A : memref<!tpu.dma_semaphore, #tpu.memory_space<semaphore_mem>>) src(%dma_wait3A_185 : memref<2000xf32, #tpu.memory_space<hbm>>) dst(%dma_wait3A_184 : memref<2000xf32, #tpu.memory_space<vmem_shared>>)
        tpu.yield
      }) : () -> ()
      %while3A_181 = arith.constant 0 : i32
      scf.yield %while3A_181 : i32
    }
    %barrier3A = arith.constant 0 : index
    tpu.barrier barrier_id(%barrier3A)
    %add3A_34 = arith.constant 0 : i32
    %add3A_35 = arith.addi %add3A, %add3A_34 : i32
    %mul3A_36 = arith.constant 1280 : i32
    %mul3A_37 = arith.muli %add3A_35, %mul3A_36 : i32
    "tpu.region"() ({
      %run_scoped3A = tpu.sem_alloc : memref<!tpu.dma_semaphore, #tpu.memory_space<semaphore_mem>>
      %dma_start3A_174 = tpu.memref_slice %arg8[%mul3A_37] : memref<1600000xi32, #tpu.memory_space<hbm>> -> memref<1280xi32, #tpu.memory_space<hbm>>
      %dma_start3A_175 = tpu.memref_slice %arg8[%mul3A_37] : memref<1600000xi32, #tpu.memory_space<hbm>> -> memref<1280xi32, #tpu.memory_space<hbm>>
      tpu.enqueue_dma source(%dma_start3A_175 : memref<1280xi32, #tpu.memory_space<hbm>>) target(%arg11 : memref<1280xi32, #tpu.memory_space<vmem>>) target_semaphore(%run_scoped3A : memref<!tpu.dma_semaphore, #tpu.memory_space<semaphore_mem>>)
      %dma_wait3A_176 = tpu.memref_slice %arg8[%mul3A_37] : memref<1600000xi32, #tpu.memory_space<hbm>> -> memref<1280xi32, #tpu.memory_space<hbm>>
      %dma_wait3A_177 = tpu.memref_slice %arg8[%mul3A_37] : memref<1600000xi32, #tpu.memory_space<hbm>> -> memref<1280xi32, #tpu.memory_space<hbm>>
      tpu.wait_dma2 semaphore(%run_scoped3A : memref<!tpu.dma_semaphore, #tpu.memory_space<semaphore_mem>>) src(%dma_wait3A_177 : memref<1280xi32, #tpu.memory_space<hbm>>) dst(%arg11 : memref<1280xi32, #tpu.memory_space<vmem>>)
      tpu.yield
    }) : () -> ()
    "tpu.region"() ({
      %run_scoped3A = tpu.sem_alloc : memref<!tpu.dma_semaphore, #tpu.memory_space<semaphore_mem>>
      %dma_start3A_174 = tpu.memref_slice %arg9[%mul3A_37] : memref<1600000xi32, #tpu.memory_space<hbm>> -> memref<1280xi32, #tpu.memory_space<hbm>>
      %dma_start3A_175 = tpu.memref_slice %arg9[%mul3A_37] : memref<1600000xi32, #tpu.memory_space<hbm>> -> memref<1280xi32, #tpu.memory_space<hbm>>
      tpu.enqueue_dma source(%dma_start3A_175 : memref<1280xi32, #tpu.memory_space<hbm>>) target(%arg13 : memref<1280xi32, #tpu.memory_space<vmem>>) target_semaphore(%run_scoped3A : memref<!tpu.dma_semaphore, #tpu.memory_space<semaphore_mem>>)
      %dma_wait3A_176 = tpu.memref_slice %arg9[%mul3A_37] : memref<1600000xi32, #tpu.memory_space<hbm>> -> memref<1280xi32, #tpu.memory_space<hbm>>
      %dma_wait3A_177 = tpu.memref_slice %arg9[%mul3A_37] : memref<1600000xi32, #tpu.memory_space<hbm>> -> memref<1280xi32, #tpu.memory_space<hbm>>
      tpu.wait_dma2 semaphore(%run_scoped3A : memref<!tpu.dma_semaphore, #tpu.memory_space<semaphore_mem>>) src(%dma_wait3A_177 : memref<1280xi32, #tpu.memory_space<hbm>>) dst(%arg13 : memref<1280xi32, #tpu.memory_space<vmem>>)
      tpu.yield
    }) : () -> ()
    %dma_start3A = arith.constant 0 : i32
    %dma_start3A_38 = tpu.memref_slice %arg29[%dma_start3A] : memref<50000xf32, #tpu.memory_space<vmem_shared>> -> memref<50000xf32, #tpu.memory_space<vmem_shared>>
    tpu.enqueue_indirect_dma source(%dma_start3A_38 : memref<50000xf32, #tpu.memory_space<vmem_shared>>) target(%arg15 : memref<1280xf32, #tpu.memory_space<vmem>>) offsets(%arg13 : memref<1280xi32, #tpu.memory_space<vmem>>) semaphore(%arg35 : memref<!tpu.dma_semaphore, #tpu.memory_space<semaphore_mem>>)
    %dma_start3A_39 = arith.constant 0 : i32
    %dma_start3A_40 = tpu.memref_slice %arg30[%dma_start3A_39] : memref<50000xf32, #tpu.memory_space<vmem_shared>> -> memref<50000xf32, #tpu.memory_space<vmem_shared>>
    tpu.enqueue_indirect_dma source(%dma_start3A_40 : memref<50000xf32, #tpu.memory_space<vmem_shared>>) target(%arg17 : memref<1280xf32, #tpu.memory_space<vmem>>) offsets(%arg13 : memref<1280xi32, #tpu.memory_space<vmem>>) semaphore(%arg35 : memref<!tpu.dma_semaphore, #tpu.memory_space<semaphore_mem>>)
    %dma_start3A_41 = arith.constant 0 : i32
    %dma_start3A_42 = tpu.memref_slice %arg31[%dma_start3A_41] : memref<50000xf32, #tpu.memory_space<vmem_shared>> -> memref<50000xf32, #tpu.memory_space<vmem_shared>>
    tpu.enqueue_indirect_dma source(%dma_start3A_42 : memref<50000xf32, #tpu.memory_space<vmem_shared>>) target(%arg19 : memref<1280xf32, #tpu.memory_space<vmem>>) offsets(%arg13 : memref<1280xi32, #tpu.memory_space<vmem>>) semaphore(%arg35 : memref<!tpu.dma_semaphore, #tpu.memory_space<semaphore_mem>>)
    %dma_start3A_43 = arith.constant 0 : i32
    %dma_start3A_44 = tpu.memref_slice %arg32[%dma_start3A_43] : memref<50000xf32, #tpu.memory_space<vmem_shared>> -> memref<50000xf32, #tpu.memory_space<vmem_shared>>
    tpu.enqueue_indirect_dma source(%dma_start3A_44 : memref<50000xf32, #tpu.memory_space<vmem_shared>>) target(%arg21 : memref<1280xf32, #tpu.memory_space<vmem>>) offsets(%arg11 : memref<1280xi32, #tpu.memory_space<vmem>>) semaphore(%arg35 : memref<!tpu.dma_semaphore, #tpu.memory_space<semaphore_mem>>)
    %dma_start3A_45 = arith.constant 0 : i32
    %dma_start3A_46 = tpu.memref_slice %arg33[%dma_start3A_45] : memref<50000xf32, #tpu.memory_space<vmem_shared>> -> memref<50000xf32, #tpu.memory_space<vmem_shared>>
    tpu.enqueue_indirect_dma source(%dma_start3A_46 : memref<50000xf32, #tpu.memory_space<vmem_shared>>) target(%arg23 : memref<1280xf32, #tpu.memory_space<vmem>>) offsets(%arg11 : memref<1280xi32, #tpu.memory_space<vmem>>) semaphore(%arg35 : memref<!tpu.dma_semaphore, #tpu.memory_space<semaphore_mem>>)
    %dma_start3A_47 = arith.constant 0 : i32
    %dma_start3A_48 = tpu.memref_slice %arg34[%dma_start3A_47] : memref<50000xf32, #tpu.memory_space<vmem_shared>> -> memref<50000xf32, #tpu.memory_space<vmem_shared>>
    tpu.enqueue_indirect_dma source(%dma_start3A_48 : memref<50000xf32, #tpu.memory_space<vmem_shared>>) target(%arg25 : memref<1280xf32, #tpu.memory_space<vmem>>) offsets(%arg11 : memref<1280xi32, #tpu.memory_space<vmem>>) semaphore(%arg35 : memref<!tpu.dma_semaphore, #tpu.memory_space<semaphore_mem>>)
    %scan3A = arith.constant 0 : i32
    %scan3A_49 = arith.constant 0 : i32
    %scan3A_50 = arith.constant 19 : i32
    %scan3A_51 = arith.addi %scan3A_49, %scan3A_50 : i32
    %scan3A_52 = arith.constant 1 : i32
    %scan3A_53 = scf.for %scan3A_174 = %scan3A_49 to %scan3A_51 step %scan3A_52 iter_args(%scan3A_175 = %scan3A) -> (i32)  : i32 {
      %mul3A_176 = arith.constant 2 : i32
      %mul3A_177 = arith.muli %mul3A_176, %scan3A_174 : i32
      %add3A_178 = arith.constant 1 : i32
      %add3A_179 = arith.addi %mul3A_177, %add3A_178 : i32
      %mul3A_180 = arith.constant 32 : i32
      %mul3A_181 = arith.muli %mul3A_180, %add3A_179 : i32
      %add3A_182 = arith.addi %add3A, %mul3A_181 : i32
      %mul3A_183 = arith.constant 1280 : i32
      %mul3A_184 = arith.muli %add3A_182, %mul3A_183 : i32
      "tpu.region"() ({
        %run_scoped3A = tpu.sem_alloc : memref<!tpu.dma_semaphore, #tpu.memory_space<semaphore_mem>>
        %dma_start3A_318 = tpu.memref_slice %arg8[%mul3A_184] : memref<1600000xi32, #tpu.memory_space<hbm>> -> memref<1280xi32, #tpu.memory_space<hbm>>
        %dma_start3A_319 = tpu.memref_slice %arg8[%mul3A_184] : memref<1600000xi32, #tpu.memory_space<hbm>> -> memref<1280xi32, #tpu.memory_space<hbm>>
        tpu.enqueue_dma source(%dma_start3A_319 : memref<1280xi32, #tpu.memory_space<hbm>>) target(%arg12 : memref<1280xi32, #tpu.memory_space<vmem>>) target_semaphore(%run_scoped3A : memref<!tpu.dma_semaphore, #tpu.memory_space<semaphore_mem>>)
        %dma_wait3A_320 = tpu.memref_slice %arg8[%mul3A_184] : memref<1600000xi32, #tpu.memory_space<hbm>> -> memref<1280xi32, #tpu.memory_space<hbm>>
        %dma_wait3A_321 = tpu.memref_slice %arg8[%mul3A_184] : memref<1600000xi32, #tpu.memory_space<hbm>> -> memref<1280xi32, #tpu.memory_space<hbm>>
        tpu.wait_dma2 semaphore(%run_scoped3A : memref<!tpu.dma_semaphore, #tpu.memory_space<semaphore_mem>>) src(%dma_wait3A_321 : memref<1280xi32, #tpu.memory_space<hbm>>) dst(%arg12 : memref<1280xi32, #tpu.memory_space<vmem>>)
        tpu.yield
      }) : () -> ()
      "tpu.region"() ({
        %run_scoped3A = tpu.sem_alloc : memref<!tpu.dma_semaphore, #tpu.memory_space<semaphore_mem>>
        %dma_start3A_318 = tpu.memref_slice %arg9[%mul3A_184] : memref<1600000xi32, #tpu.memory_space<hbm>> -> memref<1280xi32, #tpu.memory_space<hbm>>
        %dma_start3A_319 = tpu.memref_slice %arg9[%mul3A_184] : memref<1600000xi32, #tpu.memory_space<hbm>> -> memref<1280xi32, #tpu.memory_space<hbm>>
        tpu.enqueue_dma source(%dma_start3A_319 : memref<1280xi32, #tpu.memory_space<hbm>>) target(%arg14 : memref<1280xi32, #tpu.memory_space<vmem>>) target_semaphore(%run_scoped3A : memref<!tpu.dma_semaphore, #tpu.memory_space<semaphore_mem>>)
        %dma_wait3A_320 = tpu.memref_slice %arg9[%mul3A_184] : memref<1600000xi32, #tpu.memory_space<hbm>> -> memref<1280xi32, #tpu.memory_space<hbm>>
        %dma_wait3A_321 = tpu.memref_slice %arg9[%mul3A_184] : memref<1600000xi32, #tpu.memory_space<hbm>> -> memref<1280xi32, #tpu.memory_space<hbm>>
        tpu.wait_dma2 semaphore(%run_scoped3A : memref<!tpu.dma_semaphore, #tpu.memory_space<semaphore_mem>>) src(%dma_wait3A_321 : memref<1280xi32, #tpu.memory_space<hbm>>) dst(%arg14 : memref<1280xi32, #tpu.memory_space<vmem>>)
        tpu.yield
      }) : () -> ()
      %dma_start3A_185 = arith.constant 0 : i32
      %dma_start3A_186 = tpu.memref_slice %arg29[%dma_start3A_185] : memref<50000xf32, #tpu.memory_space<vmem_shared>> -> memref<50000xf32, #tpu.memory_space<vmem_shared>>
      tpu.enqueue_indirect_dma source(%dma_start3A_186 : memref<50000xf32, #tpu.memory_space<vmem_shared>>) target(%arg16 : memref<1280xf32, #tpu.memory_space<vmem>>) offsets(%arg14 : memref<1280xi32, #tpu.memory_space<vmem>>) semaphore(%arg36 : memref<!tpu.dma_semaphore, #tpu.memory_space<semaphore_mem>>)
      %dma_start3A_187 = arith.constant 0 : i32
      %dma_start3A_188 = tpu.memref_slice %arg30[%dma_start3A_187] : memref<50000xf32, #tpu.memory_space<vmem_shared>> -> memref<50000xf32, #tpu.memory_space<vmem_shared>>
      tpu.enqueue_indirect_dma source(%dma_start3A_188 : memref<50000xf32, #tpu.memory_space<vmem_shared>>) target(%arg18 : memref<1280xf32, #tpu.memory_space<vmem>>) offsets(%arg14 : memref<1280xi32, #tpu.memory_space<vmem>>) semaphore(%arg36 : memref<!tpu.dma_semaphore, #tpu.memory_space<semaphore_mem>>)
      %dma_start3A_189 = arith.constant 0 : i32
      %dma_start3A_190 = tpu.memref_slice %arg31[%dma_start3A_189] : memref<50000xf32, #tpu.memory_space<vmem_shared>> -> memref<50000xf32, #tpu.memory_space<vmem_shared>>
      tpu.enqueue_indirect_dma source(%dma_start3A_190 : memref<50000xf32, #tpu.memory_space<vmem_shared>>) target(%arg20 : memref<1280xf32, #tpu.memory_space<vmem>>) offsets(%arg14 : memref<1280xi32, #tpu.memory_space<vmem>>) semaphore(%arg36 : memref<!tpu.dma_semaphore, #tpu.memory_space<semaphore_mem>>)
      %dma_start3A_191 = arith.constant 0 : i32
      %dma_start3A_192 = tpu.memref_slice %arg32[%dma_start3A_191] : memref<50000xf32, #tpu.memory_space<vmem_shared>> -> memref<50000xf32, #tpu.memory_space<vmem_shared>>
      tpu.enqueue_indirect_dma source(%dma_start3A_192 : memref<50000xf32, #tpu.memory_space<vmem_shared>>) target(%arg22 : memref<1280xf32, #tpu.memory_space<vmem>>) offsets(%arg12 : memref<1280xi32, #tpu.memory_space<vmem>>) semaphore(%arg36 : memref<!tpu.dma_semaphore, #tpu.memory_space<semaphore_mem>>)
      %dma_start3A_193 = arith.constant 0 : i32
      %dma_start3A_194 = tpu.memref_slice %arg33[%dma_start3A_193] : memref<50000xf32, #tpu.memory_space<vmem_shared>> -> memref<50000xf32, #tpu.memory_space<vmem_shared>>
      tpu.enqueue_indirect_dma source(%dma_start3A_194 : memref<50000xf32, #tpu.memory_space<vmem_shared>>) target(%arg24 : memref<1280xf32, #tpu.memory_space<vmem>>) offsets(%arg12 : memref<1280xi32, #tpu.memory_space<vmem>>) semaphore(%arg36 : memref<!tpu.dma_semaphore, #tpu.memory_space<semaphore_mem>>)
      %dma_start3A_195 = arith.constant 0 : i32
      %dma_start3A_196 = tpu.memref_slice %arg34[%dma_start3A_195] : memref<50000xf32, #tpu.memory_space<vmem_shared>> -> memref<50000xf32, #tpu.memory_space<vmem_shared>>
      tpu.enqueue_indirect_dma source(%dma_start3A_196 : memref<50000xf32, #tpu.memory_space<vmem_shared>>) target(%arg26 : memref<1280xf32, #tpu.memory_space<vmem>>) offsets(%arg12 : memref<1280xi32, #tpu.memory_space<vmem>>) semaphore(%arg36 : memref<!tpu.dma_semaphore, #tpu.memory_space<semaphore_mem>>)
      %dma_wait3A_197 = arith.constant 0 : i32
      %dma_wait3A_198 = tpu.memref_slice %arg29[%dma_wait3A_197] : memref<50000xf32, #tpu.memory_space<vmem_shared>> -> memref<50000xf32, #tpu.memory_space<vmem_shared>>
      tpu.wait_indirect_dma semaphore(%arg35 : memref<!tpu.dma_semaphore, #tpu.memory_space<semaphore_mem>>) src(%dma_wait3A_198 : memref<50000xf32, #tpu.memory_space<vmem_shared>>) dst(%arg15 : memref<1280xf32, #tpu.memory_space<vmem>>)
      %dma_wait3A_199 = arith.constant 0 : i32
      %dma_wait3A_200 = tpu.memref_slice %arg30[%dma_wait3A_199] : memref<50000xf32, #tpu.memory_space<vmem_shared>> -> memref<50000xf32, #tpu.memory_space<vmem_shared>>
      tpu.wait_indirect_dma semaphore(%arg35 : memref<!tpu.dma_semaphore, #tpu.memory_space<semaphore_mem>>) src(%dma_wait3A_200 : memref<50000xf32, #tpu.memory_space<vmem_shared>>) dst(%arg17 : memref<1280xf32, #tpu.memory_space<vmem>>)
      %dma_wait3A_201 = arith.constant 0 : i32
      %dma_wait3A_202 = tpu.memref_slice %arg31[%dma_wait3A_201] : memref<50000xf32, #tpu.memory_space<vmem_shared>> -> memref<50000xf32, #tpu.memory_space<vmem_shared>>
      tpu.wait_indirect_dma semaphore(%arg35 : memref<!tpu.dma_semaphore, #tpu.memory_space<semaphore_mem>>) src(%dma_wait3A_202 : memref<50000xf32, #tpu.memory_space<vmem_shared>>) dst(%arg19 : memref<1280xf32, #tpu.memory_space<vmem>>)
      %dma_wait3A_203 = arith.constant 0 : i32
      %dma_wait3A_204 = tpu.memref_slice %arg32[%dma_wait3A_203] : memref<50000xf32, #tpu.memory_space<vmem_shared>> -> memref<50000xf32, #tpu.memory_space<vmem_shared>>
      tpu.wait_indirect_dma semaphore(%arg35 : memref<!tpu.dma_semaphore, #tpu.memory_space<semaphore_mem>>) src(%dma_wait3A_204 : memref<50000xf32, #tpu.memory_space<vmem_shared>>) dst(%arg21 : memref<1280xf32, #tpu.memory_space<vmem>>)
      %dma_wait3A_205 = arith.constant 0 : i32
      %dma_wait3A_206 = tpu.memref_slice %arg33[%dma_wait3A_205] : memref<50000xf32, #tpu.memory_space<vmem_shared>> -> memref<50000xf32, #tpu.memory_space<vmem_shared>>
      tpu.wait_indirect_dma semaphore(%arg35 : memref<!tpu.dma_semaphore, #tpu.memory_space<semaphore_mem>>) src(%dma_wait3A_206 : memref<50000xf32, #tpu.memory_space<vmem_shared>>) dst(%arg23 : memref<1280xf32, #tpu.memory_space<vmem>>)
      %dma_wait3A_207 = arith.constant 0 : i32
      %dma_wait3A_208 = tpu.memref_slice %arg34[%dma_wait3A_207] : memref<50000xf32, #tpu.memory_space<vmem_shared>> -> memref<50000xf32, #tpu.memory_space<vmem_shared>>
      tpu.wait_indirect_dma semaphore(%arg35 : memref<!tpu.dma_semaphore, #tpu.memory_space<semaphore_mem>>) src(%dma_wait3A_208 : memref<50000xf32, #tpu.memory_space<vmem_shared>>) dst(%arg25 : memref<1280xf32, #tpu.memory_space<vmem>>)
      %ge3A = arith.constant 2 : i32
      %ge3A_209 = arith.cmpi sge, %mul3A_177, %ge3A : i32
      %convert_element_type3A_210 = arith.extui %ge3A_209 : i1 to i32
      %cond3A_211 = arith.constant 0 : i32
      %cond3A_212 = arith.cmpi ne, %convert_element_type3A_210, %cond3A_211 : i32
      scf.if %cond3A_212 {
        %sub3A_318 = arith.constant 2 : i32
        %sub3A_319 = arith.subi %mul3A_177, %sub3A_318 : i32
        %mul3A_320 = arith.constant 32 : i32
        %mul3A_321 = arith.muli %mul3A_320, %sub3A_319 : i32
        %add3A_322 = arith.addi %add3A, %mul3A_321 : i32
        %mul3A_323 = arith.constant 10 : i32
        %mul3A_324 = arith.muli %add3A_322, %mul3A_323 : i32
        %mul3A_325 = arith.constant 1024 : i32
        %mul3A_326 = arith.muli %mul3A_324, %mul3A_325 : i32
        %add3A_327 = arith.constant 0 : i32
        %add3A_328 = arith.addi %add3A_327, %mul3A_326 : i32
        %dma_wait3A_329 = arith.constant 0 : i32
        %dma_wait3A_330 = tpu.memref_slice %arg27[%dma_wait3A_329] : memref<20480xf32, #tpu.memory_space<vmem>> -> memref<10240xf32, #tpu.memory_space<vmem>>
        %dma_wait3A_331 = tpu.memref_slice %arg10[%add3A_328] : memref<25600000xf32, #tpu.memory_space<hbm>> -> memref<10240xf32, #tpu.memory_space<hbm>>
        %dma_wait3A_332 = tpu.memref_slice %arg10[%add3A_328] : memref<25600000xf32, #tpu.memory_space<hbm>> -> memref<10240xf32, #tpu.memory_space<hbm>>
        %dma_wait3A_333 = arith.constant 0 : i32
        %dma_wait3A_334 = tpu.memref_slice %arg27[%dma_wait3A_333] : memref<20480xf32, #tpu.memory_space<vmem>> -> memref<10240xf32, #tpu.memory_space<vmem>>
        tpu.wait_dma2 semaphore(%arg37 : memref<!tpu.dma_semaphore, #tpu.memory_space<semaphore_mem>>) src(%dma_wait3A_334 : memref<10240xf32, #tpu.memory_space<vmem>>) dst(%dma_wait3A_332 : memref<10240xf32, #tpu.memory_space<hbm>>)
        %mul3A_335 = arith.constant 1024 : i32
        %mul3A_336 = arith.muli %mul3A_324, %mul3A_335 : i32
        %add3A_337 = arith.constant 12800000 : i32
        %add3A_338 = arith.addi %add3A_337, %mul3A_336 : i32
        %dma_wait3A_339 = arith.constant 10240 : i32
        %dma_wait3A_340 = tpu.memref_slice %arg27[%dma_wait3A_339] : memref<20480xf32, #tpu.memory_space<vmem>> -> memref<10240xf32, #tpu.memory_space<vmem>>
        %dma_wait3A_341 = tpu.memref_slice %arg10[%add3A_338] : memref<25600000xf32, #tpu.memory_space<hbm>> -> memref<10240xf32, #tpu.memory_space<hbm>>
        %dma_wait3A_342 = tpu.memref_slice %arg10[%add3A_338] : memref<25600000xf32, #tpu.memory_space<hbm>> -> memref<10240xf32, #tpu.memory_space<hbm>>
        %dma_wait3A_343 = arith.constant 10240 : i32
        %dma_wait3A_344 = tpu.memref_slice %arg27[%dma_wait3A_343] : memref<20480xf32, #tpu.memory_space<vmem>> -> memref<10240xf32, #tpu.memory_space<vmem>>
        tpu.wait_dma2 semaphore(%arg37 : memref<!tpu.dma_semaphore, #tpu.memory_space<semaphore_mem>>) src(%dma_wait3A_344 : memref<10240xf32, #tpu.memory_space<vmem>>) dst(%dma_wait3A_342 : memref<10240xf32, #tpu.memory_space<hbm>>)
      } else {
      }
      %scan3A_213 = arith.constant 0 : i32
      %scan3A_214 = arith.constant 0 : i32
      %scan3A_215 = arith.constant 40 : i32
      %scan3A_216 = arith.addi %scan3A_214, %scan3A_215 : i32
      %scan3A_217 = arith.constant 1 : i32
      %scan3A_218 = scf.for %scan3A_318 = %scan3A_214 to %scan3A_216 step %scan3A_217 iter_args(%scan3A_319 = %scan3A_213) -> (i32)  : i32 {
        %mul3A_320 = arith.constant 2 : i32
        %mul3A_321 = arith.muli %scan3A_318, %mul3A_320 : i32
        %add3A_322 = arith.constant 0 : i32
        %add3A_323 = arith.addi %mul3A_321, %add3A_322 : i32
        %mul3A_324 = arith.constant 16 : i32
        %mul3A_325 = arith.muli %add3A_323, %mul3A_324 : i32
        %get3A = arith.index_cast %mul3A_325 : i32 to index
        %get3A_326 = tpu.vector_load %arg15[%get3A] {strides = array<i32>} : memref<1280xf32, #tpu.memory_space<vmem>>, vector<16xf32>,
        %get3A_327 = arith.index_cast %mul3A_325 : i32 to index
        %get3A_328 = tpu.vector_load %arg21[%get3A_327] {strides = array<i32>} : memref<1280xf32, #tpu.memory_space<vmem>>, vector<16xf32>,
        %sub3A_329 = arith.subf %get3A_326, %get3A_328 : vector<16xf32>
        %get3A_330 = arith.index_cast %mul3A_325 : i32 to index
        %get3A_331 = tpu.vector_load %arg17[%get3A_330] {strides = array<i32>} : memref<1280xf32, #tpu.memory_space<vmem>>, vector<16xf32>,
        %get3A_332 = arith.index_cast %mul3A_325 : i32 to index
        %get3A_333 = tpu.vector_load %arg23[%get3A_332] {strides = array<i32>} : memref<1280xf32, #tpu.memory_space<vmem>>, vector<16xf32>,
        %sub3A_334 = arith.subf %get3A_331, %get3A_333 : vector<16xf32>
        %get3A_335 = arith.index_cast %mul3A_325 : i32 to index
        %get3A_336 = tpu.vector_load %arg19[%get3A_335] {strides = array<i32>} : memref<1280xf32, #tpu.memory_space<vmem>>, vector<16xf32>,
        %get3A_337 = arith.index_cast %mul3A_325 : i32 to index
        %get3A_338 = tpu.vector_load %arg25[%get3A_337] {strides = array<i32>} : memref<1280xf32, #tpu.memory_space<vmem>>, vector<16xf32>,
        %sub3A_339 = arith.subf %get3A_336, %get3A_338 : vector<16xf32>
        %mul3A_340 = arith.mulf %sub3A_329, %sub3A_329 : vector<16xf32>
        %mul3A_341 = arith.mulf %sub3A_334, %sub3A_334 : vector<16xf32>
        %add3A_342 = arith.addf %mul3A_340, %mul3A_341 : vector<16xf32>
        %mul3A_343 = arith.mulf %sub3A_339, %sub3A_339 : vector<16xf32>
        %add3A_344 = arith.addf %add3A_342, %mul3A_343 : vector<16xf32>
        %bitcast_convert_type3A = tpu.bitcast %add3A_344 : vector<16xf32> -> vector<16xi32>
        %broadcast_in_dim3A = arith.constant 1597463007 : i32
        %broadcast_in_dim3A_345 = vector.broadcast %broadcast_in_dim3A : i32 to vector<16xi32>
        %broadcast_in_dim3A_346 = arith.constant 1 : i32
        %broadcast_in_dim3A_347 = vector.broadcast %broadcast_in_dim3A_346 : i32 to vector<16xi32>
        %shift_right_arithmetic3A = arith.shrsi %bitcast_convert_type3A, %broadcast_in_dim3A_347 : vector<16xi32>
        %sub3A_348 = arith.subi %broadcast_in_dim3A_345, %shift_right_arithmetic3A : vector<16xi32>
        %bitcast_convert_type3A_349 = tpu.bitcast %sub3A_348 : vector<16xi32> -> vector<16xf32>
        %broadcast_in_dim3A_350 = arith.constant 5.000000e-01 : f32
        %broadcast_in_dim3A_351 = vector.broadcast %broadcast_in_dim3A_350 : f32 to vector<16xf32>
        %mul3A_352 = arith.mulf %broadcast_in_dim3A_351, %add3A_344 : vector<16xf32>
        %broadcast_in_dim3A_353 = arith.constant 1.500000e+00 : f32
        %broadcast_in_dim3A_354 = vector.broadcast %broadcast_in_dim3A_353 : f32 to vector<16xf32>
        %mul3A_355 = arith.mulf %mul3A_352, %bitcast_convert_type3A_349 : vector<16xf32>
        %mul3A_356 = arith.mulf %mul3A_355, %bitcast_convert_type3A_349 : vector<16xf32>
        %sub3A_357 = arith.subf %broadcast_in_dim3A_354, %mul3A_356 : vector<16xf32>
        %mul3A_358 = arith.mulf %bitcast_convert_type3A_349, %sub3A_357 : vector<16xf32>
        %mul3A_359 = arith.mulf %mul3A_352, %mul3A_358 : vector<16xf32>
        %mul3A_360 = arith.mulf %mul3A_359, %mul3A_358 : vector<16xf32>
        %sub3A_361 = arith.subf %broadcast_in_dim3A_354, %mul3A_360 : vector<16xf32>
        %mul3A_362 = arith.mulf %mul3A_358, %sub3A_361 : vector<16xf32>
        %mul3A_363 = arith.mulf %sub3A_329, %mul3A_362 : vector<16xf32>
        %mul3A_364 = arith.mulf %sub3A_334, %mul3A_362 : vector<16xf32>
        %mul3A_365 = arith.mulf %sub3A_339, %mul3A_362 : vector<16xf32>
        %mul3A_366 = arith.mulf %mul3A_363, %mul3A_363 : vector<16xf32>
        %mul3A_367 = arith.mulf %mul3A_364, %mul3A_364 : vector<16xf32>
        %mul3A_368 = arith.mulf %mul3A_365, %mul3A_365 : vector<16xf32>
        %mul3A_369 = arith.mulf %mul3A_363, %mul3A_364 : vector<16xf32>
        %broadcast_in_dim3A_370 = arith.constant 1.000000e+00 : f32
        %broadcast_in_dim3A_371 = vector.broadcast %broadcast_in_dim3A_370 : f32 to vector<16xf32>
        %broadcast_in_dim3A_372 = arith.constant 0.282094806 : f32
        %broadcast_in_dim3A_373 = vector.broadcast %broadcast_in_dim3A_372 : f32 to vector<16xf32>
        %broadcast_in_dim3A_374 = arith.constant -0.488602519 : f32
        %broadcast_in_dim3A_375 = vector.broadcast %broadcast_in_dim3A_374 : f32 to vector<16xf32>
        %mul3A_376 = arith.mulf %broadcast_in_dim3A_375, %mul3A_364 : vector<16xf32>
        %broadcast_in_dim3A_377 = arith.constant 0.488602519 : f32
        %broadcast_in_dim3A_378 = vector.broadcast %broadcast_in_dim3A_377 : f32 to vector<16xf32>
        %mul3A_379 = arith.mulf %broadcast_in_dim3A_378, %mul3A_365 : vector<16xf32>
        %broadcast_in_dim3A_380 = arith.constant -0.488602519 : f32
        %broadcast_in_dim3A_381 = vector.broadcast %broadcast_in_dim3A_380 : f32 to vector<16xf32>
        %mul3A_382 = arith.mulf %broadcast_in_dim3A_381, %mul3A_363 : vector<16xf32>
        %broadcast_in_dim3A_383 = arith.constant 1.09254849 : f32
        %broadcast_in_dim3A_384 = vector.broadcast %broadcast_in_dim3A_383 : f32 to vector<16xf32>
        %mul3A_385 = arith.mulf %broadcast_in_dim3A_384, %mul3A_369 : vector<16xf32>
        %broadcast_in_dim3A_386 = arith.constant -1.09254849 : f32
        %broadcast_in_dim3A_387 = vector.broadcast %broadcast_in_dim3A_386 : f32 to vector<16xf32>
        %mul3A_388 = arith.mulf %mul3A_364, %mul3A_365 : vector<16xf32>
        %mul3A_389 = arith.mulf %broadcast_in_dim3A_387, %mul3A_388 : vector<16xf32>
        %broadcast_in_dim3A_390 = arith.constant 0.31539157 : f32
        %broadcast_in_dim3A_391 = vector.broadcast %broadcast_in_dim3A_390 : f32 to vector<16xf32>
        %broadcast_in_dim3A_392 = arith.constant 3.000000e+00 : f32
        %broadcast_in_dim3A_393 = vector.broadcast %broadcast_in_dim3A_392 : f32 to vector<16xf32>
        %mul3A_394 = arith.mulf %broadcast_in_dim3A_393, %mul3A_368 : vector<16xf32>
        %sub3A_395 = arith.subf %mul3A_394, %broadcast_in_dim3A_371 : vector<16xf32>
        %mul3A_396 = arith.mulf %broadcast_in_dim3A_391, %sub3A_395 : vector<16xf32>
        %broadcast_in_dim3A_397 = arith.constant -1.09254849 : f32
        %broadcast_in_dim3A_398 = vector.broadcast %broadcast_in_dim3A_397 : f32 to vector<16xf32>
        %mul3A_399 = arith.mulf %mul3A_363, %mul3A_365 : vector<16xf32>
        %mul3A_400 = arith.mulf %broadcast_in_dim3A_398, %mul3A_399 : vector<16xf32>
        %broadcast_in_dim3A_401 = arith.constant 0.546274245 : f32
        %broadcast_in_dim3A_402 = vector.broadcast %broadcast_in_dim3A_401 : f32 to vector<16xf32>
        %sub3A_403 = arith.subf %mul3A_366, %mul3A_367 : vector<16xf32>
        %mul3A_404 = arith.mulf %broadcast_in_dim3A_402, %sub3A_403 : vector<16xf32>
        %broadcast_in_dim3A_405 = arith.constant -0.590043604 : f32
        %broadcast_in_dim3A_406 = vector.broadcast %broadcast_in_dim3A_405 : f32 to vector<16xf32>
        %mul3A_407 = arith.mulf %broadcast_in_dim3A_406, %mul3A_364 : vector<16xf32>
        %broadcast_in_dim3A_408 = arith.constant 3.000000e+00 : f32
        %broadcast_in_dim3A_409 = vector.broadcast %broadcast_in_dim3A_408 : f32 to vector<16xf32>
        %mul3A_410 = arith.mulf %broadcast_in_dim3A_409, %mul3A_366 : vector<16xf32>
        %sub3A_411 = arith.subf %mul3A_410, %mul3A_367 : vector<16xf32>
        %mul3A_412 = arith.mulf %mul3A_407, %sub3A_411 : vector<16xf32>
        %broadcast_in_dim3A_413 = arith.constant 2.89061141 : f32
        %broadcast_in_dim3A_414 = vector.broadcast %broadcast_in_dim3A_413 : f32 to vector<16xf32>
        %mul3A_415 = arith.mulf %broadcast_in_dim3A_414, %mul3A_369 : vector<16xf32>
        %mul3A_416 = arith.mulf %mul3A_415, %mul3A_365 : vector<16xf32>
        %broadcast_in_dim3A_417 = arith.constant -0.457045794 : f32
        %broadcast_in_dim3A_418 = vector.broadcast %broadcast_in_dim3A_417 : f32 to vector<16xf32>
        %mul3A_419 = arith.mulf %broadcast_in_dim3A_418, %mul3A_364 : vector<16xf32>
        %broadcast_in_dim3A_420 = arith.constant 5.000000e+00 : f32
        %broadcast_in_dim3A_421 = vector.broadcast %broadcast_in_dim3A_420 : f32 to vector<16xf32>
        %mul3A_422 = arith.mulf %broadcast_in_dim3A_421, %mul3A_368 : vector<16xf32>
        %sub3A_423 = arith.subf %mul3A_422, %broadcast_in_dim3A_371 : vector<16xf32>
        %mul3A_424 = arith.mulf %mul3A_419, %sub3A_423 : vector<16xf32>
        %broadcast_in_dim3A_425 = arith.constant 0.373176336 : f32
        %broadcast_in_dim3A_426 = vector.broadcast %broadcast_in_dim3A_425 : f32 to vector<16xf32>
        %mul3A_427 = arith.mulf %broadcast_in_dim3A_426, %mul3A_365 : vector<16xf32>
        %broadcast_in_dim3A_428 = arith.constant 5.000000e+00 : f32
        %broadcast_in_dim3A_429 = vector.broadcast %broadcast_in_dim3A_428 : f32 to vector<16xf32>
        %mul3A_430 = arith.mulf %broadcast_in_dim3A_429, %mul3A_368 : vector<16xf32>
        %broadcast_in_dim3A_431 = arith.constant 3.000000e+00 : f32
        %broadcast_in_dim3A_432 = vector.broadcast %broadcast_in_dim3A_431 : f32 to vector<16xf32>
        %sub3A_433 = arith.subf %mul3A_430, %broadcast_in_dim3A_432 : vector<16xf32>
        %mul3A_434 = arith.mulf %mul3A_427, %sub3A_433 : vector<16xf32>
        %broadcast_in_dim3A_435 = arith.constant -0.457045794 : f32
        %broadcast_in_dim3A_436 = vector.broadcast %broadcast_in_dim3A_435 : f32 to vector<16xf32>
        %mul3A_437 = arith.mulf %broadcast_in_dim3A_436, %mul3A_363 : vector<16xf32>
        %broadcast_in_dim3A_438 = arith.constant 5.000000e+00 : f32
        %broadcast_in_dim3A_439 = vector.broadcast %broadcast_in_dim3A_438 : f32 to vector<16xf32>
        %mul3A_440 = arith.mulf %broadcast_in_dim3A_439, %mul3A_368 : vector<16xf32>
        %sub3A_441 = arith.subf %mul3A_440, %broadcast_in_dim3A_371 : vector<16xf32>
        %mul3A_442 = arith.mulf %mul3A_437, %sub3A_441 : vector<16xf32>
        %broadcast_in_dim3A_443 = arith.constant 1.44530571 : f32
        %broadcast_in_dim3A_444 = vector.broadcast %broadcast_in_dim3A_443 : f32 to vector<16xf32>
        %mul3A_445 = arith.mulf %broadcast_in_dim3A_444, %mul3A_365 : vector<16xf32>
        %sub3A_446 = arith.subf %mul3A_366, %mul3A_367 : vector<16xf32>
        %mul3A_447 = arith.mulf %mul3A_445, %sub3A_446 : vector<16xf32>
        %broadcast_in_dim3A_448 = arith.constant -0.590043604 : f32
        %broadcast_in_dim3A_449 = vector.broadcast %broadcast_in_dim3A_448 : f32 to vector<16xf32>
        %mul3A_450 = arith.mulf %broadcast_in_dim3A_449, %mul3A_363 : vector<16xf32>
        %broadcast_in_dim3A_451 = arith.constant 3.000000e+00 : f32
        %broadcast_in_dim3A_452 = vector.broadcast %broadcast_in_dim3A_451 : f32 to vector<16xf32>
        %mul3A_453 = arith.mulf %broadcast_in_dim3A_452, %mul3A_367 : vector<16xf32>
        %sub3A_454 = arith.subf %mul3A_366, %mul3A_453 : vector<16xf32>
        %mul3A_455 = arith.mulf %mul3A_450, %sub3A_454 : vector<16xf32>
        %jit3A_456 = arith.constant 8 : i32
        %div3A_457 = arith.divsi %add3A_323, %jit3A_456 : i32
        %sign3A_458 = arith.constant 0 : i32
        %sign3A_459 = arith.cmpi sgt, %add3A_323, %sign3A_458 : i32
        %sign3A_460 = arith.extui %sign3A_459 : i1 to i32
        %sign3A_461 = arith.constant 0 : i32
        %sign3A_462 = arith.cmpi slt, %add3A_323, %sign3A_461 : i32
        %sign3A_463 = arith.extui %sign3A_462 : i1 to i32
        %sign3A_464 = arith.subi %sign3A_460, %sign3A_463 : i32
        %sign3A_465 = arith.constant 0 : i32
        %sign3A_466 = arith.cmpi sgt, %jit3A_456, %sign3A_465 : i32
        %sign3A_467 = arith.extui %sign3A_466 : i1 to i32
        %sign3A_468 = arith.constant 0 : i32
        %sign3A_469 = arith.cmpi slt, %jit3A_456, %sign3A_468 : i32
        %sign3A_470 = arith.extui %sign3A_469 : i1 to i32
        %sign3A_471 = arith.subi %sign3A_467, %sign3A_470 : i32
        %ne3A_472 = arith.cmpi ne, %sign3A_464, %sign3A_471 : i32
        %rem3A_473 = arith.remsi %add3A_323, %jit3A_456 : i32
        %ne3A_474 = arith.constant 0 : i32
        %ne3A_475 = arith.cmpi ne, %rem3A_473, %ne3A_474 : i32
        %and3A_476 = arith.andi %ne3A_472, %ne3A_475 : i1
        %sub3A_477 = arith.constant 1 : i32
        %sub3A_478 = arith.subi %div3A_457, %sub3A_477 : i32
        %select_n3A_479 = arith.select %and3A_476, %sub3A_478, %div3A_457 : i32
        %mul3A_480 = arith.constant 1024 : i32
        %mul3A_481 = arith.muli %select_n3A_479, %mul3A_480 : i32
        %jit3A_482 = arith.constant 8 : i32
        %eq3A = arith.constant 0 : i32
        %eq3A_483 = arith.cmpi eq, %jit3A_482, %eq3A : i32
        %jit3A_484 = arith.constant 1 : i32
        %select_n3A_485 = arith.select %eq3A_483, %jit3A_484, %jit3A_482 : i32
        %rem3A_486 = arith.remsi %add3A_323, %select_n3A_485 : i32
        %ne3A_487 = arith.constant 0 : i32
        %ne3A_488 = arith.cmpi ne, %rem3A_486, %ne3A_487 : i32
        %lt3A_489 = arith.constant 0 : i32
        %lt3A_490 = arith.cmpi slt, %rem3A_486, %lt3A_489 : i32
        %lt3A_491 = arith.constant 0 : i32
        %lt3A_492 = arith.cmpi slt, %select_n3A_485, %lt3A_491 : i32
        %ne3A_493 = arith.xori %lt3A_490, %lt3A_492 : i1
        %and3A_494 = arith.andi %ne3A_493, %ne3A_488 : i1
        %add3A_495 = arith.addi %rem3A_486, %select_n3A_485 : i32
        %select_n3A_496 = arith.select %and3A_494, %add3A_495, %rem3A_486 : i32
        %mul3A_497 = arith.constant 16 : i32
        %mul3A_498 = arith.muli %select_n3A_496, %mul3A_497 : i32
        %add3A_499 = arith.addi %mul3A_481, %mul3A_498 : i32
        %add3A_500 = arith.constant 0 : i32
        %add3A_501 = arith.addi %add3A_499, %add3A_500 : i32
        %swap3A = arith.index_cast %add3A_501 : i32 to index
        %swap3A_502 = tpu.vector_load %arg27[%swap3A] {strides = array<i32>} : memref<20480xf32, #tpu.memory_space<vmem>>, vector<16xf32>,
        tpu.vector_store %arg27[%swap3A], %broadcast_in_dim3A_373 {strides = array<i32>} : memref<20480xf32, #tpu.memory_space<vmem>>, vector<16xf32>,
        %add3A_503 = arith.constant 128 : i32
        %add3A_504 = arith.addi %add3A_499, %add3A_503 : i32
        %swap3A_505 = arith.index_cast %add3A_504 : i32 to index
        %swap3A_506 = tpu.vector_load %arg27[%swap3A_505] {strides = array<i32>} : memref<20480xf32, #tpu.memory_space<vmem>>, vector<16xf32>,
        tpu.vector_store %arg27[%swap3A_505], %mul3A_376 {strides = array<i32>} : memref<20480xf32, #tpu.memory_space<vmem>>, vector<16xf32>,
        %add3A_507 = arith.constant 256 : i32
        %add3A_508 = arith.addi %add3A_499, %add3A_507 : i32
        %swap3A_509 = arith.index_cast %add3A_508 : i32 to index
        %swap3A_510 = tpu.vector_load %arg27[%swap3A_509] {strides = array<i32>} : memref<20480xf32, #tpu.memory_space<vmem>>, vector<16xf32>,
        tpu.vector_store %arg27[%swap3A_509], %mul3A_379 {strides = array<i32>} : memref<20480xf32, #tpu.memory_space<vmem>>, vector<16xf32>,
        %add3A_511 = arith.constant 384 : i32
        %add3A_512 = arith.addi %add3A_499, %add3A_511 : i32
        %swap3A_513 = arith.index_cast %add3A_512 : i32 to index
        %swap3A_514 = tpu.vector_load %arg27[%swap3A_513] {strides = array<i32>} : memref<20480xf32, #tpu.memory_space<vmem>>, vector<16xf32>,
        tpu.vector_store %arg27[%swap3A_513], %mul3A_382 {strides = array<i32>} : memref<20480xf32, #tpu.memory_space<vmem>>, vector<16xf32>,
        %add3A_515 = arith.constant 512 : i32
        %add3A_516 = arith.addi %add3A_499, %add3A_515 : i32
        %swap3A_517 = arith.index_cast %add3A_516 : i32 to index
        %swap3A_518 = tpu.vector_load %arg27[%swap3A_517] {strides = array<i32>} : memref<20480xf32, #tpu.memory_space<vmem>>, vector<16xf32>,
        tpu.vector_store %arg27[%swap3A_517], %mul3A_385 {strides = array<i32>} : memref<20480xf32, #tpu.memory_space<vmem>>, vector<16xf32>,
        %add3A_519 = arith.constant 640 : i32
        %add3A_520 = arith.addi %add3A_499, %add3A_519 : i32
        %swap3A_521 = arith.index_cast %add3A_520 : i32 to index
        %swap3A_522 = tpu.vector_load %arg27[%swap3A_521] {strides = array<i32>} : memref<20480xf32, #tpu.memory_space<vmem>>, vector<16xf32>,
        tpu.vector_store %arg27[%swap3A_521], %mul3A_389 {strides = array<i32>} : memref<20480xf32, #tpu.memory_space<vmem>>, vector<16xf32>,
        %add3A_523 = arith.constant 768 : i32
        %add3A_524 = arith.addi %add3A_499, %add3A_523 : i32
        %swap3A_525 = arith.index_cast %add3A_524 : i32 to index
        %swap3A_526 = tpu.vector_load %arg27[%swap3A_525] {strides = array<i32>} : memref<20480xf32, #tpu.memory_space<vmem>>, vector<16xf32>,
        tpu.vector_store %arg27[%swap3A_525], %mul3A_396 {strides = array<i32>} : memref<20480xf32, #tpu.memory_space<vmem>>, vector<16xf32>,
        %add3A_527 = arith.constant 896 : i32
        %add3A_528 = arith.addi %add3A_499, %add3A_527 : i32
        %swap3A_529 = arith.index_cast %add3A_528 : i32 to index
        %swap3A_530 = tpu.vector_load %arg27[%swap3A_529] {strides = array<i32>} : memref<20480xf32, #tpu.memory_space<vmem>>, vector<16xf32>,
        tpu.vector_store %arg27[%swap3A_529], %mul3A_400 {strides = array<i32>} : memref<20480xf32, #tpu.memory_space<vmem>>, vector<16xf32>,
        %add3A_531 = arith.constant 10240 : i32
        %add3A_532 = arith.addi %add3A_499, %add3A_531 : i32
        %swap3A_533 = arith.index_cast %add3A_532 : i32 to index
        %swap3A_534 = tpu.vector_load %arg27[%swap3A_533] {strides = array<i32>} : memref<20480xf32, #tpu.memory_space<vmem>>, vector<16xf32>,
        tpu.vector_store %arg27[%swap3A_533], %mul3A_404 {strides = array<i32>} : memref<20480xf32, #tpu.memory_space<vmem>>, vector<16xf32>,
        %add3A_535 = arith.constant 10368 : i32
        %add3A_536 = arith.addi %add3A_499, %add3A_535 : i32
        %swap3A_537 = arith.index_cast %add3A_536 : i32 to index
        %swap3A_538 = tpu.vector_load %arg27[%swap3A_537] {strides = array<i32>} : memref<20480xf32, #tpu.memory_space<vmem>>, vector<16xf32>,
        tpu.vector_store %arg27[%swap3A_537], %mul3A_412 {strides = array<i32>} : memref<20480xf32, #tpu.memory_space<vmem>>, vector<16xf32>,
        %add3A_539 = arith.constant 10496 : i32
        %add3A_540 = arith.addi %add3A_499, %add3A_539 : i32
        %swap3A_541 = arith.index_cast %add3A_540 : i32 to index
        %swap3A_542 = tpu.vector_load %arg27[%swap3A_541] {strides = array<i32>} : memref<20480xf32, #tpu.memory_space<vmem>>, vector<16xf32>,
        tpu.vector_store %arg27[%swap3A_541], %mul3A_416 {strides = array<i32>} : memref<20480xf32, #tpu.memory_space<vmem>>, vector<16xf32>,
        %add3A_543 = arith.constant 10624 : i32
        %add3A_544 = arith.addi %add3A_499, %add3A_543 : i32
        %swap3A_545 = arith.index_cast %add3A_544 : i32 to index
        %swap3A_546 = tpu.vector_load %arg27[%swap3A_545] {strides = array<i32>} : memref<20480xf32, #tpu.memory_space<vmem>>, vector<16xf32>,
        tpu.vector_store %arg27[%swap3A_545], %mul3A_424 {strides = array<i32>} : memref<20480xf32, #tpu.memory_space<vmem>>, vector<16xf32>,
        %add3A_547 = arith.constant 10752 : i32
        %add3A_548 = arith.addi %add3A_499, %add3A_547 : i32
        %swap3A_549 = arith.index_cast %add3A_548 : i32 to index
        %swap3A_550 = tpu.vector_load %arg27[%swap3A_549] {strides = array<i32>} : memref<20480xf32, #tpu.memory_space<vmem>>, vector<16xf32>,
        tpu.vector_store %arg27[%swap3A_549], %mul3A_434 {strides = array<i32>} : memref<20480xf32, #tpu.memory_space<vmem>>, vector<16xf32>,
        %add3A_551 = arith.constant 10880 : i32
        %add3A_552 = arith.addi %add3A_499, %add3A_551 : i32
        %swap3A_553 = arith.index_cast %add3A_552 : i32 to index
        %swap3A_554 = tpu.vector_load %arg27[%swap3A_553] {strides = array<i32>} : memref<20480xf32, #tpu.memory_space<vmem>>, vector<16xf32>,
        tpu.vector_store %arg27[%swap3A_553], %mul3A_442 {strides = array<i32>} : memref<20480xf32, #tpu.memory_space<vmem>>, vector<16xf32>,
        %add3A_555 = arith.constant 11008 : i32
        %add3A_556 = arith.addi %add3A_499, %add3A_555 : i32
        %swap3A_557 = arith.index_cast %add3A_556 : i32 to index
        %swap3A_558 = tpu.vector_load %arg27[%swap3A_557] {strides = array<i32>} : memref<20480xf32, #tpu.memory_space<vmem>>, vector<16xf32>,
        tpu.vector_store %arg27[%swap3A_557], %mul3A_447 {strides = array<i32>} : memref<20480xf32, #tpu.memory_space<vmem>>, vector<16xf32>,
        %add3A_559 = arith.constant 11136 : i32
        %add3A_560 = arith.addi %add3A_499, %add3A_559 : i32
        %swap3A_561 = arith.index_cast %add3A_560 : i32 to index
        %swap3A_562 = tpu.vector_load %arg27[%swap3A_561] {strides = array<i32>} : memref<20480xf32, #tpu.memory_space<vmem>>, vector<16xf32>,
        tpu.vector_store %arg27[%swap3A_561], %mul3A_455 {strides = array<i32>} : memref<20480xf32, #tpu.memory_space<vmem>>, vector<16xf32>,
        %mul3A_563 = arith.constant 2 : i32
        %mul3A_564 = arith.muli %scan3A_318, %mul3A_563 : i32
        %add3A_565 = arith.constant 1 : i32
        %add3A_566 = arith.addi %mul3A_564, %add3A_565 : i32
        %mul3A_567 = arith.constant 16 : i32
        %mul3A_568 = arith.muli %add3A_566, %mul3A_567 : i32
        %get3A_569 = arith.index_cast %mul3A_568 : i32 to index
        %get3A_570 = tpu.vector_load %arg15[%get3A_569] {strides = array<i32>} : memref<1280xf32, #tpu.memory_space<vmem>>, vector<16xf32>,
        %get3A_571 = arith.index_cast %mul3A_568 : i32 to index
        %get3A_572 = tpu.vector_load %arg21[%get3A_571] {strides = array<i32>} : memref<1280xf32, #tpu.memory_space<vmem>>, vector<16xf32>,
        %sub3A_573 = arith.subf %get3A_570, %get3A_572 : vector<16xf32>
        %get3A_574 = arith.index_cast %mul3A_568 : i32 to index
        %get3A_575 = tpu.vector_load %arg17[%get3A_574] {strides = array<i32>} : memref<1280xf32, #tpu.memory_space<vmem>>, vector<16xf32>,
        %get3A_576 = arith.index_cast %mul3A_568 : i32 to index
        %get3A_577 = tpu.vector_load %arg23[%get3A_576] {strides = array<i32>} : memref<1280xf32, #tpu.memory_space<vmem>>, vector<16xf32>,
        %sub3A_578 = arith.subf %get3A_575, %get3A_577 : vector<16xf32>
        %get3A_579 = arith.index_cast %mul3A_568 : i32 to index
        %get3A_580 = tpu.vector_load %arg19[%get3A_579] {strides = array<i32>} : memref<1280xf32, #tpu.memory_space<vmem>>, vector<16xf32>,
        %get3A_581 = arith.index_cast %mul3A_568 : i32 to index
        %get3A_582 = tpu.vector_load %arg25[%get3A_581] {strides = array<i32>} : memref<1280xf32, #tpu.memory_space<vmem>>, vector<16xf32>,
        %sub3A_583 = arith.subf %get3A_580, %get3A_582 : vector<16xf32>
        %mul3A_584 = arith.mulf %sub3A_573, %sub3A_573 : vector<16xf32>
        %mul3A_585 = arith.mulf %sub3A_578, %sub3A_578 : vector<16xf32>
        %add3A_586 = arith.addf %mul3A_584, %mul3A_585 : vector<16xf32>
        %mul3A_587 = arith.mulf %sub3A_583, %sub3A_583 : vector<16xf32>
        %add3A_588 = arith.addf %add3A_586, %mul3A_587 : vector<16xf32>
        %bitcast_convert_type3A_589 = tpu.bitcast %add3A_588 : vector<16xf32> -> vector<16xi32>
        %broadcast_in_dim3A_590 = arith.constant 1597463007 : i32
        %broadcast_in_dim3A_591 = vector.broadcast %broadcast_in_dim3A_590 : i32 to vector<16xi32>
        %broadcast_in_dim3A_592 = arith.constant 1 : i32
        %broadcast_in_dim3A_593 = vector.broadcast %broadcast_in_dim3A_592 : i32 to vector<16xi32>
        %shift_right_arithmetic3A_594 = arith.shrsi %bitcast_convert_type3A_589, %broadcast_in_dim3A_593 : vector<16xi32>
        %sub3A_595 = arith.subi %broadcast_in_dim3A_591, %shift_right_arithmetic3A_594 : vector<16xi32>
        %bitcast_convert_type3A_596 = tpu.bitcast %sub3A_595 : vector<16xi32> -> vector<16xf32>
        %broadcast_in_dim3A_597 = arith.constant 5.000000e-01 : f32
        %broadcast_in_dim3A_598 = vector.broadcast %broadcast_in_dim3A_597 : f32 to vector<16xf32>
        %mul3A_599 = arith.mulf %broadcast_in_dim3A_598, %add3A_588 : vector<16xf32>
        %broadcast_in_dim3A_600 = arith.constant 1.500000e+00 : f32
        %broadcast_in_dim3A_601 = vector.broadcast %broadcast_in_dim3A_600 : f32 to vector<16xf32>
        %mul3A_602 = arith.mulf %mul3A_599, %bitcast_convert_type3A_596 : vector<16xf32>
        %mul3A_603 = arith.mulf %mul3A_602, %bitcast_convert_type3A_596 : vector<16xf32>
        %sub3A_604 = arith.subf %broadcast_in_dim3A_601, %mul3A_603 : vector<16xf32>
        %mul3A_605 = arith.mulf %bitcast_convert_type3A_596, %sub3A_604 : vector<16xf32>
        %mul3A_606 = arith.mulf %mul3A_599, %mul3A_605 : vector<16xf32>
        %mul3A_607 = arith.mulf %mul3A_606, %mul3A_605 : vector<16xf32>
        %sub3A_608 = arith.subf %broadcast_in_dim3A_601, %mul3A_607 : vector<16xf32>
        %mul3A_609 = arith.mulf %mul3A_605, %sub3A_608 : vector<16xf32>
        %mul3A_610 = arith.mulf %sub3A_573, %mul3A_609 : vector<16xf32>
        %mul3A_611 = arith.mulf %sub3A_578, %mul3A_609 : vector<16xf32>
        %mul3A_612 = arith.mulf %sub3A_583, %mul3A_609 : vector<16xf32>
        %mul3A_613 = arith.mulf %mul3A_610, %mul3A_610 : vector<16xf32>
        %mul3A_614 = arith.mulf %mul3A_611, %mul3A_611 : vector<16xf32>
        %mul3A_615 = arith.mulf %mul3A_612, %mul3A_612 : vector<16xf32>
        %mul3A_616 = arith.mulf %mul3A_610, %mul3A_611 : vector<16xf32>
        %broadcast_in_dim3A_617 = arith.constant 1.000000e+00 : f32
        %broadcast_in_dim3A_618 = vector.broadcast %broadcast_in_dim3A_617 : f32 to vector<16xf32>
        %broadcast_in_dim3A_619 = arith.constant 0.282094806 : f32
        %broadcast_in_dim3A_620 = vector.broadcast %broadcast_in_dim3A_619 : f32 to vector<16xf32>
        %broadcast_in_dim3A_621 = arith.constant -0.488602519 : f32
        %broadcast_in_dim3A_622 = vector.broadcast %broadcast_in_dim3A_621 : f32 to vector<16xf32>
        %mul3A_623 = arith.mulf %broadcast_in_dim3A_622, %mul3A_611 : vector<16xf32>
        %broadcast_in_dim3A_624 = arith.constant 0.488602519 : f32
        %broadcast_in_dim3A_625 = vector.broadcast %broadcast_in_dim3A_624 : f32 to vector<16xf32>
        %mul3A_626 = arith.mulf %broadcast_in_dim3A_625, %mul3A_612 : vector<16xf32>
        %broadcast_in_dim3A_627 = arith.constant -0.488602519 : f32
        %broadcast_in_dim3A_628 = vector.broadcast %broadcast_in_dim3A_627 : f32 to vector<16xf32>
        %mul3A_629 = arith.mulf %broadcast_in_dim3A_628, %mul3A_610 : vector<16xf32>
        %broadcast_in_dim3A_630 = arith.constant 1.09254849 : f32
        %broadcast_in_dim3A_631 = vector.broadcast %broadcast_in_dim3A_630 : f32 to vector<16xf32>
        %mul3A_632 = arith.mulf %broadcast_in_dim3A_631, %mul3A_616 : vector<16xf32>
        %broadcast_in_dim3A_633 = arith.constant -1.09254849 : f32
        %broadcast_in_dim3A_634 = vector.broadcast %broadcast_in_dim3A_633 : f32 to vector<16xf32>
        %mul3A_635 = arith.mulf %mul3A_611, %mul3A_612 : vector<16xf32>
        %mul3A_636 = arith.mulf %broadcast_in_dim3A_634, %mul3A_635 : vector<16xf32>
        %broadcast_in_dim3A_637 = arith.constant 0.31539157 : f32
        %broadcast_in_dim3A_638 = vector.broadcast %broadcast_in_dim3A_637 : f32 to vector<16xf32>
        %broadcast_in_dim3A_639 = arith.constant 3.000000e+00 : f32
        %broadcast_in_dim3A_640 = vector.broadcast %broadcast_in_dim3A_639 : f32 to vector<16xf32>
        %mul3A_641 = arith.mulf %broadcast_in_dim3A_640, %mul3A_615 : vector<16xf32>
        %sub3A_642 = arith.subf %mul3A_641, %broadcast_in_dim3A_618 : vector<16xf32>
        %mul3A_643 = arith.mulf %broadcast_in_dim3A_638, %sub3A_642 : vector<16xf32>
        %broadcast_in_dim3A_644 = arith.constant -1.09254849 : f32
        %broadcast_in_dim3A_645 = vector.broadcast %broadcast_in_dim3A_644 : f32 to vector<16xf32>
        %mul3A_646 = arith.mulf %mul3A_610, %mul3A_612 : vector<16xf32>
        %mul3A_647 = arith.mulf %broadcast_in_dim3A_645, %mul3A_646 : vector<16xf32>
        %broadcast_in_dim3A_648 = arith.constant 0.546274245 : f32
        %broadcast_in_dim3A_649 = vector.broadcast %broadcast_in_dim3A_648 : f32 to vector<16xf32>
        %sub3A_650 = arith.subf %mul3A_613, %mul3A_614 : vector<16xf32>
        %mul3A_651 = arith.mulf %broadcast_in_dim3A_649, %sub3A_650 : vector<16xf32>
        %broadcast_in_dim3A_652 = arith.constant -0.590043604 : f32
        %broadcast_in_dim3A_653 = vector.broadcast %broadcast_in_dim3A_652 : f32 to vector<16xf32>
        %mul3A_654 = arith.mulf %broadcast_in_dim3A_653, %mul3A_611 : vector<16xf32>
        %broadcast_in_dim3A_655 = arith.constant 3.000000e+00 : f32
        %broadcast_in_dim3A_656 = vector.broadcast %broadcast_in_dim3A_655 : f32 to vector<16xf32>
        %mul3A_657 = arith.mulf %broadcast_in_dim3A_656, %mul3A_613 : vector<16xf32>
        %sub3A_658 = arith.subf %mul3A_657, %mul3A_614 : vector<16xf32>
        %mul3A_659 = arith.mulf %mul3A_654, %sub3A_658 : vector<16xf32>
        %broadcast_in_dim3A_660 = arith.constant 2.89061141 : f32
        %broadcast_in_dim3A_661 = vector.broadcast %broadcast_in_dim3A_660 : f32 to vector<16xf32>
        %mul3A_662 = arith.mulf %broadcast_in_dim3A_661, %mul3A_616 : vector<16xf32>
        %mul3A_663 = arith.mulf %mul3A_662, %mul3A_612 : vector<16xf32>
        %broadcast_in_dim3A_664 = arith.constant -0.457045794 : f32
        %broadcast_in_dim3A_665 = vector.broadcast %broadcast_in_dim3A_664 : f32 to vector<16xf32>
        %mul3A_666 = arith.mulf %broadcast_in_dim3A_665, %mul3A_611 : vector<16xf32>
        %broadcast_in_dim3A_667 = arith.constant 5.000000e+00 : f32
        %broadcast_in_dim3A_668 = vector.broadcast %broadcast_in_dim3A_667 : f32 to vector<16xf32>
        %mul3A_669 = arith.mulf %broadcast_in_dim3A_668, %mul3A_615 : vector<16xf32>
        %sub3A_670 = arith.subf %mul3A_669, %broadcast_in_dim3A_618 : vector<16xf32>
        %mul3A_671 = arith.mulf %mul3A_666, %sub3A_670 : vector<16xf32>
        %broadcast_in_dim3A_672 = arith.constant 0.373176336 : f32
        %broadcast_in_dim3A_673 = vector.broadcast %broadcast_in_dim3A_672 : f32 to vector<16xf32>
        %mul3A_674 = arith.mulf %broadcast_in_dim3A_673, %mul3A_612 : vector<16xf32>
        %broadcast_in_dim3A_675 = arith.constant 5.000000e+00 : f32
        %broadcast_in_dim3A_676 = vector.broadcast %broadcast_in_dim3A_675 : f32 to vector<16xf32>
        %mul3A_677 = arith.mulf %broadcast_in_dim3A_676, %mul3A_615 : vector<16xf32>
        %broadcast_in_dim3A_678 = arith.constant 3.000000e+00 : f32
        %broadcast_in_dim3A_679 = vector.broadcast %broadcast_in_dim3A_678 : f32 to vector<16xf32>
        %sub3A_680 = arith.subf %mul3A_677, %broadcast_in_dim3A_679 : vector<16xf32>
        %mul3A_681 = arith.mulf %mul3A_674, %sub3A_680 : vector<16xf32>
        %broadcast_in_dim3A_682 = arith.constant -0.457045794 : f32
        %broadcast_in_dim3A_683 = vector.broadcast %broadcast_in_dim3A_682 : f32 to vector<16xf32>
        %mul3A_684 = arith.mulf %broadcast_in_dim3A_683, %mul3A_610 : vector<16xf32>
        %broadcast_in_dim3A_685 = arith.constant 5.000000e+00 : f32
        %broadcast_in_dim3A_686 = vector.broadcast %broadcast_in_dim3A_685 : f32 to vector<16xf32>
        %mul3A_687 = arith.mulf %broadcast_in_dim3A_686, %mul3A_615 : vector<16xf32>
        %sub3A_688 = arith.subf %mul3A_687, %broadcast_in_dim3A_618 : vector<16xf32>
        %mul3A_689 = arith.mulf %mul3A_684, %sub3A_688 : vector<16xf32>
        %broadcast_in_dim3A_690 = arith.constant 1.44530571 : f32
        %broadcast_in_dim3A_691 = vector.broadcast %broadcast_in_dim3A_690 : f32 to vector<16xf32>
        %mul3A_692 = arith.mulf %broadcast_in_dim3A_691, %mul3A_612 : vector<16xf32>
        %sub3A_693 = arith.subf %mul3A_613, %mul3A_614 : vector<16xf32>
        %mul3A_694 = arith.mulf %mul3A_692, %sub3A_693 : vector<16xf32>
        %broadcast_in_dim3A_695 = arith.constant -0.590043604 : f32
        %broadcast_in_dim3A_696 = vector.broadcast %broadcast_in_dim3A_695 : f32 to vector<16xf32>
        %mul3A_697 = arith.mulf %broadcast_in_dim3A_696, %mul3A_610 : vector<16xf32>
        %broadcast_in_dim3A_698 = arith.constant 3.000000e+00 : f32
        %broadcast_in_dim3A_699 = vector.broadcast %broadcast_in_dim3A_698 : f32 to vector<16xf32>
        %mul3A_700 = arith.mulf %broadcast_in_dim3A_699, %mul3A_614 : vector<16xf32>
        %sub3A_701 = arith.subf %mul3A_613, %mul3A_700 : vector<16xf32>
        %mul3A_702 = arith.mulf %mul3A_697, %sub3A_701 : vector<16xf32>
        %jit3A_703 = arith.constant 8 : i32
        %div3A_704 = arith.divsi %add3A_566, %jit3A_703 : i32
        %sign3A_705 = arith.constant 0 : i32
        %sign3A_706 = arith.cmpi sgt, %add3A_566, %sign3A_705 : i32
        %sign3A_707 = arith.extui %sign3A_706 : i1 to i32
        %sign3A_708 = arith.constant 0 : i32
        %sign3A_709 = arith.cmpi slt, %add3A_566, %sign3A_708 : i32
        %sign3A_710 = arith.extui %sign3A_709 : i1 to i32
        %sign3A_711 = arith.subi %sign3A_707, %sign3A_710 : i32
        %sign3A_712 = arith.constant 0 : i32
        %sign3A_713 = arith.cmpi sgt, %jit3A_703, %sign3A_712 : i32
        %sign3A_714 = arith.extui %sign3A_713 : i1 to i32
        %sign3A_715 = arith.constant 0 : i32
        %sign3A_716 = arith.cmpi slt, %jit3A_703, %sign3A_715 : i32
        %sign3A_717 = arith.extui %sign3A_716 : i1 to i32
        %sign3A_718 = arith.subi %sign3A_714, %sign3A_717 : i32
        %ne3A_719 = arith.cmpi ne, %sign3A_711, %sign3A_718 : i32
        %rem3A_720 = arith.remsi %add3A_566, %jit3A_703 : i32
        %ne3A_721 = arith.constant 0 : i32
        %ne3A_722 = arith.cmpi ne, %rem3A_720, %ne3A_721 : i32
        %and3A_723 = arith.andi %ne3A_719, %ne3A_722 : i1
        %sub3A_724 = arith.constant 1 : i32
        %sub3A_725 = arith.subi %div3A_704, %sub3A_724 : i32
        %select_n3A_726 = arith.select %and3A_723, %sub3A_725, %div3A_704 : i32
        %mul3A_727 = arith.constant 1024 : i32
        %mul3A_728 = arith.muli %select_n3A_726, %mul3A_727 : i32
        %jit3A_729 = arith.constant 8 : i32
        %eq3A_730 = arith.constant 0 : i32
        %eq3A_731 = arith.cmpi eq, %jit3A_729, %eq3A_730 : i32
        %jit3A_732 = arith.constant 1 : i32
        %select_n3A_733 = arith.select %eq3A_731, %jit3A_732, %jit3A_729 : i32
        %rem3A_734 = arith.remsi %add3A_566, %select_n3A_733 : i32
        %ne3A_735 = arith.constant 0 : i32
        %ne3A_736 = arith.cmpi ne, %rem3A_734, %ne3A_735 : i32
        %lt3A_737 = arith.constant 0 : i32
        %lt3A_738 = arith.cmpi slt, %rem3A_734, %lt3A_737 : i32
        %lt3A_739 = arith.constant 0 : i32
        %lt3A_740 = arith.cmpi slt, %select_n3A_733, %lt3A_739 : i32
        %ne3A_741 = arith.xori %lt3A_738, %lt3A_740 : i1
        %and3A_742 = arith.andi %ne3A_741, %ne3A_736 : i1
        %add3A_743 = arith.addi %rem3A_734, %select_n3A_733 : i32
        %select_n3A_744 = arith.select %and3A_742, %add3A_743, %rem3A_734 : i32
        %mul3A_745 = arith.constant 16 : i32
        %mul3A_746 = arith.muli %select_n3A_744, %mul3A_745 : i32
        %add3A_747 = arith.addi %mul3A_728, %mul3A_746 : i32
        %add3A_748 = arith.constant 0 : i32
        %add3A_749 = arith.addi %add3A_747, %add3A_748 : i32
        %swap3A_750 = arith.index_cast %add3A_749 : i32 to index
        %swap3A_751 = tpu.vector_load %arg27[%swap3A_750] {strides = array<i32>} : memref<20480xf32, #tpu.memory_space<vmem>>, vector<16xf32>,
        tpu.vector_store %arg27[%swap3A_750], %broadcast_in_dim3A_620 {strides = array<i32>} : memref<20480xf32, #tpu.memory_space<vmem>>, vector<16xf32>,
        %add3A_752 = arith.constant 128 : i32
        %add3A_753 = arith.addi %add3A_747, %add3A_752 : i32
        %swap3A_754 = arith.index_cast %add3A_753 : i32 to index
        %swap3A_755 = tpu.vector_load %arg27[%swap3A_754] {strides = array<i32>} : memref<20480xf32, #tpu.memory_space<vmem>>, vector<16xf32>,
        tpu.vector_store %arg27[%swap3A_754], %mul3A_623 {strides = array<i32>} : memref<20480xf32, #tpu.memory_space<vmem>>, vector<16xf32>,
        %add3A_756 = arith.constant 256 : i32
        %add3A_757 = arith.addi %add3A_747, %add3A_756 : i32
        %swap3A_758 = arith.index_cast %add3A_757 : i32 to index
        %swap3A_759 = tpu.vector_load %arg27[%swap3A_758] {strides = array<i32>} : memref<20480xf32, #tpu.memory_space<vmem>>, vector<16xf32>,
        tpu.vector_store %arg27[%swap3A_758], %mul3A_626 {strides = array<i32>} : memref<20480xf32, #tpu.memory_space<vmem>>, vector<16xf32>,
        %add3A_760 = arith.constant 384 : i32
        %add3A_761 = arith.addi %add3A_747, %add3A_760 : i32
        %swap3A_762 = arith.index_cast %add3A_761 : i32 to index
        %swap3A_763 = tpu.vector_load %arg27[%swap3A_762] {strides = array<i32>} : memref<20480xf32, #tpu.memory_space<vmem>>, vector<16xf32>,
        tpu.vector_store %arg27[%swap3A_762], %mul3A_629 {strides = array<i32>} : memref<20480xf32, #tpu.memory_space<vmem>>, vector<16xf32>,
        %add3A_764 = arith.constant 512 : i32
        %add3A_765 = arith.addi %add3A_747, %add3A_764 : i32
        %swap3A_766 = arith.index_cast %add3A_765 : i32 to index
        %swap3A_767 = tpu.vector_load %arg27[%swap3A_766] {strides = array<i32>} : memref<20480xf32, #tpu.memory_space<vmem>>, vector<16xf32>,
        tpu.vector_store %arg27[%swap3A_766], %mul3A_632 {strides = array<i32>} : memref<20480xf32, #tpu.memory_space<vmem>>, vector<16xf32>,
        %add3A_768 = arith.constant 640 : i32
        %add3A_769 = arith.addi %add3A_747, %add3A_768 : i32
        %swap3A_770 = arith.index_cast %add3A_769 : i32 to index
        %swap3A_771 = tpu.vector_load %arg27[%swap3A_770] {strides = array<i32>} : memref<20480xf32, #tpu.memory_space<vmem>>, vector<16xf32>,
        tpu.vector_store %arg27[%swap3A_770], %mul3A_636 {strides = array<i32>} : memref<20480xf32, #tpu.memory_space<vmem>>, vector<16xf32>,
        %add3A_772 = arith.constant 768 : i32
        %add3A_773 = arith.addi %add3A_747, %add3A_772 : i32
        %swap3A_774 = arith.index_cast %add3A_773 : i32 to index
        %swap3A_775 = tpu.vector_load %arg27[%swap3A_774] {strides = array<i32>} : memref<20480xf32, #tpu.memory_space<vmem>>, vector<16xf32>,
        tpu.vector_store %arg27[%swap3A_774], %mul3A_643 {strides = array<i32>} : memref<20480xf32, #tpu.memory_space<vmem>>, vector<16xf32>,
        %add3A_776 = arith.constant 896 : i32
        %add3A_777 = arith.addi %add3A_747, %add3A_776 : i32
        %swap3A_778 = arith.index_cast %add3A_777 : i32 to index
        %swap3A_779 = tpu.vector_load %arg27[%swap3A_778] {strides = array<i32>} : memref<20480xf32, #tpu.memory_space<vmem>>, vector<16xf32>,
        tpu.vector_store %arg27[%swap3A_778], %mul3A_647 {strides = array<i32>} : memref<20480xf32, #tpu.memory_space<vmem>>, vector<16xf32>,
        %add3A_780 = arith.constant 10240 : i32
        %add3A_781 = arith.addi %add3A_747, %add3A_780 : i32
        %swap3A_782 = arith.index_cast %add3A_781 : i32 to index
        %swap3A_783 = tpu.vector_load %arg27[%swap3A_782] {strides = array<i32>} : memref<20480xf32, #tpu.memory_space<vmem>>, vector<16xf32>,
        tpu.vector_store %arg27[%swap3A_782], %mul3A_651 {strides = array<i32>} : memref<20480xf32, #tpu.memory_space<vmem>>, vector<16xf32>,
        %add3A_784 = arith.constant 10368 : i32
        %add3A_785 = arith.addi %add3A_747, %add3A_784 : i32
        %swap3A_786 = arith.index_cast %add3A_785 : i32 to index
        %swap3A_787 = tpu.vector_load %arg27[%swap3A_786] {strides = array<i32>} : memref<20480xf32, #tpu.memory_space<vmem>>, vector<16xf32>,
        tpu.vector_store %arg27[%swap3A_786], %mul3A_659 {strides = array<i32>} : memref<20480xf32, #tpu.memory_space<vmem>>, vector<16xf32>,
        %add3A_788 = arith.constant 10496 : i32
        %add3A_789 = arith.addi %add3A_747, %add3A_788 : i32
        %swap3A_790 = arith.index_cast %add3A_789 : i32 to index
        %swap3A_791 = tpu.vector_load %arg27[%swap3A_790] {strides = array<i32>} : memref<20480xf32, #tpu.memory_space<vmem>>, vector<16xf32>,
        tpu.vector_store %arg27[%swap3A_790], %mul3A_663 {strides = array<i32>} : memref<20480xf32, #tpu.memory_space<vmem>>, vector<16xf32>,
        %add3A_792 = arith.constant 10624 : i32
        %add3A_793 = arith.addi %add3A_747, %add3A_792 : i32
        %swap3A_794 = arith.index_cast %add3A_793 : i32 to index
        %swap3A_795 = tpu.vector_load %arg27[%swap3A_794] {strides = array<i32>} : memref<20480xf32, #tpu.memory_space<vmem>>, vector<16xf32>,
        tpu.vector_store %arg27[%swap3A_794], %mul3A_671 {strides = array<i32>} : memref<20480xf32, #tpu.memory_space<vmem>>, vector<16xf32>,
        %add3A_796 = arith.constant 10752 : i32
        %add3A_797 = arith.addi %add3A_747, %add3A_796 : i32
        %swap3A_798 = arith.index_cast %add3A_797 : i32 to index
        %swap3A_799 = tpu.vector_load %arg27[%swap3A_798] {strides = array<i32>} : memref<20480xf32, #tpu.memory_space<vmem>>, vector<16xf32>,
        tpu.vector_store %arg27[%swap3A_798], %mul3A_681 {strides = array<i32>} : memref<20480xf32, #tpu.memory_space<vmem>>, vector<16xf32>,
        %add3A_800 = arith.constant 10880 : i32
        %add3A_801 = arith.addi %add3A_747, %add3A_800 : i32
        %swap3A_802 = arith.index_cast %add3A_801 : i32 to index
        %swap3A_803 = tpu.vector_load %arg27[%swap3A_802] {strides = array<i32>} : memref<20480xf32, #tpu.memory_space<vmem>>, vector<16xf32>,
        tpu.vector_store %arg27[%swap3A_802], %mul3A_689 {strides = array<i32>} : memref<20480xf32, #tpu.memory_space<vmem>>, vector<16xf32>,
        %add3A_804 = arith.constant 11008 : i32
        %add3A_805 = arith.addi %add3A_747, %add3A_804 : i32
        %swap3A_806 = arith.index_cast %add3A_805 : i32 to index
        %swap3A_807 = tpu.vector_load %arg27[%swap3A_806] {strides = array<i32>} : memref<20480xf32, #tpu.memory_space<vmem>>, vector<16xf32>,
        tpu.vector_store %arg27[%swap3A_806], %mul3A_694 {strides = array<i32>} : memref<20480xf32, #tpu.memory_space<vmem>>, vector<16xf32>,
        %add3A_808 = arith.constant 11136 : i32
        %add3A_809 = arith.addi %add3A_747, %add3A_808 : i32
        %swap3A_810 = arith.index_cast %add3A_809 : i32 to index
        %swap3A_811 = tpu.vector_load %arg27[%swap3A_810] {strides = array<i32>} : memref<20480xf32, #tpu.memory_space<vmem>>, vector<16xf32>,
        tpu.vector_store %arg27[%swap3A_810], %mul3A_702 {strides = array<i32>} : memref<20480xf32, #tpu.memory_space<vmem>>, vector<16xf32>,
        %scan3A_812 = arith.constant 0 : i32
        scf.yield %scan3A_812 : i32
      }
      %scan3A_219 = arith.constant 40 : i32
      %mul3A_220 = arith.constant 32 : i32
      %mul3A_221 = arith.muli %mul3A_220, %mul3A_177 : i32
      %add3A_222 = arith.addi %add3A, %mul3A_221 : i32
      %mul3A_223 = arith.constant 10 : i32
      %mul3A_224 = arith.muli %add3A_222, %mul3A_223 : i32
      %mul3A_225 = arith.constant 1024 : i32
      %mul3A_226 = arith.muli %mul3A_224, %mul3A_225 : i32
      %add3A_227 = arith.constant 0 : i32
      %add3A_228 = arith.addi %add3A_227, %mul3A_226 : i32
      %dma_start3A_229 = arith.constant 0 : i32
      %dma_start3A_230 = tpu.memref_slice %arg27[%dma_start3A_229] : memref<20480xf32, #tpu.memory_space<vmem>> -> memref<10240xf32, #tpu.memory_space<vmem>>
      %dma_start3A_231 = tpu.memref_slice %arg10[%add3A_228] : memref<25600000xf32, #tpu.memory_space<hbm>> -> memref<10240xf32, #tpu.memory_space<hbm>>
      %dma_start3A_232 = tpu.memref_slice %arg10[%add3A_228] : memref<25600000xf32, #tpu.memory_space<hbm>> -> memref<10240xf32, #tpu.memory_space<hbm>>
      %dma_start3A_233 = arith.constant 0 : i32
      %dma_start3A_234 = tpu.memref_slice %arg27[%dma_start3A_233] : memref<20480xf32, #tpu.memory_space<vmem>> -> memref<10240xf32, #tpu.memory_space<vmem>>
      tpu.enqueue_dma source(%dma_start3A_234 : memref<10240xf32, #tpu.memory_space<vmem>>) target(%dma_start3A_232 : memref<10240xf32, #tpu.memory_space<hbm>>) target_semaphore(%arg37 : memref<!tpu.dma_semaphore, #tpu.memory_space<semaphore_mem>>)
      %mul3A_235 = arith.constant 1024 : i32
      %mul3A_236 = arith.muli %mul3A_224, %mul3A_235 : i32
      %add3A_237 = arith.constant 12800000 : i32
      %add3A_238 = arith.addi %add3A_237, %mul3A_236 : i32
      %dma_start3A_239 = arith.constant 10240 : i32
      %dma_start3A_240 = tpu.memref_slice %arg27[%dma_start3A_239] : memref<20480xf32, #tpu.memory_space<vmem>> -> memref<10240xf32, #tpu.memory_space<vmem>>
      %dma_start3A_241 = tpu.memref_slice %arg10[%add3A_238] : memref<25600000xf32, #tpu.memory_space<hbm>> -> memref<10240xf32, #tpu.memory_space<hbm>>
      %dma_start3A_242 = tpu.memref_slice %arg10[%add3A_238] : memref<25600000xf32, #tpu.memory_space<hbm>> -> memref<10240xf32, #tpu.memory_space<hbm>>
      %dma_start3A_243 = arith.constant 10240 : i32
      %dma_start3A_244 = tpu.memref_slice %arg27[%dma_start3A_243] : memref<20480xf32, #tpu.memory_space<vmem>> -> memref<10240xf32, #tpu.memory_space<vmem>>
      tpu.enqueue_dma source(%dma_start3A_244 : memref<10240xf32, #tpu.memory_space<vmem>>) target(%dma_start3A_242 : memref<10240xf32, #tpu.memory_space<hbm>>) target_semaphore(%arg37 : memref<!tpu.dma_semaphore, #tpu.memory_space<semaphore_mem>>)
      %mul3A_245 = arith.constant 2 : i32
      %mul3A_246 = arith.muli %mul3A_245, %scan3A_174 : i32
      %add3A_247 = arith.constant 1 : i32
      %add3A_248 = arith.addi %mul3A_246, %add3A_247 : i32
      %add3A_249 = arith.constant 1 : i32
      %add3A_250 = arith.addi %add3A_248, %add3A_249 : i32
      %mul3A_251 = arith.constant 32 : i32
      %mul3A_252 = arith.muli %mul3A_251, %add3A_250 : i32
      %add3A_253 = arith.addi %add3A, %mul3A_252 : i32
      %mul3A_254 = arith.constant 1280 : i32
      %mul3A_255 = arith.muli %add3A_253, %mul3A_254 : i32
      "tpu.region"() ({
        %run_scoped3A = tpu.sem_alloc : memref<!tpu.dma_semaphore, #tpu.memory_space<semaphore_mem>>
        %dma_start3A_318 = tpu.memref_slice %arg8[%mul3A_255] : memref<1600000xi32, #tpu.memory_space<hbm>> -> memref<1280xi32, #tpu.memory_space<hbm>>
        %dma_start3A_319 = tpu.memref_slice %arg8[%mul3A_255] : memref<1600000xi32, #tpu.memory_space<hbm>> -> memref<1280xi32, #tpu.memory_space<hbm>>
        tpu.enqueue_dma source(%dma_start3A_319 : memref<1280xi32, #tpu.memory_space<hbm>>) target(%arg11 : memref<1280xi32, #tpu.memory_space<vmem>>) target_semaphore(%run_scoped3A : memref<!tpu.dma_semaphore, #tpu.memory_space<semaphore_mem>>)
        %dma_wait3A_320 = tpu.memref_slice %arg8[%mul3A_255] : memref<1600000xi32, #tpu.memory_space<hbm>> -> memref<1280xi32, #tpu.memory_space<hbm>>
        %dma_wait3A_321 = tpu.memref_slice %arg8[%mul3A_255] : memref<1600000xi32, #tpu.memory_space<hbm>> -> memref<1280xi32, #tpu.memory_space<hbm>>
        tpu.wait_dma2 semaphore(%run_scoped3A : memref<!tpu.dma_semaphore, #tpu.memory_space<semaphore_mem>>) src(%dma_wait3A_321 : memref<1280xi32, #tpu.memory_space<hbm>>) dst(%arg11 : memref<1280xi32, #tpu.memory_space<vmem>>)
        tpu.yield
      }) : () -> ()
      "tpu.region"() ({
        %run_scoped3A = tpu.sem_alloc : memref<!tpu.dma_semaphore, #tpu.memory_space<semaphore_mem>>
        %dma_start3A_318 = tpu.memref_slice %arg9[%mul3A_255] : memref<1600000xi32, #tpu.memory_space<hbm>> -> memref<1280xi32, #tpu.memory_space<hbm>>
        %dma_start3A_319 = tpu.memref_slice %arg9[%mul3A_255] : memref<1600000xi32, #tpu.memory_space<hbm>> -> memref<1280xi32, #tpu.memory_space<hbm>>
        tpu.enqueue_dma source(%dma_start3A_319 : memref<1280xi32, #tpu.memory_space<hbm>>) target(%arg13 : memref<1280xi32, #tpu.memory_space<vmem>>) target_semaphore(%run_scoped3A : memref<!tpu.dma_semaphore, #tpu.memory_space<semaphore_mem>>)
        %dma_wait3A_320 = tpu.memref_slice %arg9[%mul3A_255] : memref<1600000xi32, #tpu.memory_space<hbm>> -> memref<1280xi32, #tpu.memory_space<hbm>>
        %dma_wait3A_321 = tpu.memref_slice %arg9[%mul3A_255] : memref<1600000xi32, #tpu.memory_space<hbm>> -> memref<1280xi32, #tpu.memory_space<hbm>>
        tpu.wait_dma2 semaphore(%run_scoped3A : memref<!tpu.dma_semaphore, #tpu.memory_space<semaphore_mem>>) src(%dma_wait3A_321 : memref<1280xi32, #tpu.memory_space<hbm>>) dst(%arg13 : memref<1280xi32, #tpu.memory_space<vmem>>)
        tpu.yield
      }) : () -> ()
      %dma_start3A_256 = arith.constant 0 : i32
      %dma_start3A_257 = tpu.memref_slice %arg29[%dma_start3A_256] : memref<50000xf32, #tpu.memory_space<vmem_shared>> -> memref<50000xf32, #tpu.memory_space<vmem_shared>>
      tpu.enqueue_indirect_dma source(%dma_start3A_257 : memref<50000xf32, #tpu.memory_space<vmem_shared>>) target(%arg15 : memref<1280xf32, #tpu.memory_space<vmem>>) offsets(%arg13 : memref<1280xi32, #tpu.memory_space<vmem>>) semaphore(%arg35 : memref<!tpu.dma_semaphore, #tpu.memory_space<semaphore_mem>>)
      %dma_start3A_258 = arith.constant 0 : i32
      %dma_start3A_259 = tpu.memref_slice %arg30[%dma_start3A_258] : memref<50000xf32, #tpu.memory_space<vmem_shared>> -> memref<50000xf32, #tpu.memory_space<vmem_shared>>
      tpu.enqueue_indirect_dma source(%dma_start3A_259 : memref<50000xf32, #tpu.memory_space<vmem_shared>>) target(%arg17 : memref<1280xf32, #tpu.memory_space<vmem>>) offsets(%arg13 : memref<1280xi32, #tpu.memory_space<vmem>>) semaphore(%arg35 : memref<!tpu.dma_semaphore, #tpu.memory_space<semaphore_mem>>)
      %dma_start3A_260 = arith.constant 0 : i32
      %dma_start3A_261 = tpu.memref_slice %arg31[%dma_start3A_260] : memref<50000xf32, #tpu.memory_space<vmem_shared>> -> memref<50000xf32, #tpu.memory_space<vmem_shared>>
      tpu.enqueue_indirect_dma source(%dma_start3A_261 : memref<50000xf32, #tpu.memory_space<vmem_shared>>) target(%arg19 : memref<1280xf32, #tpu.memory_space<vmem>>) offsets(%arg13 : memref<1280xi32, #tpu.memory_space<vmem>>) semaphore(%arg35 : memref<!tpu.dma_semaphore, #tpu.memory_space<semaphore_mem>>)
      %dma_start3A_262 = arith.constant 0 : i32
      %dma_start3A_263 = tpu.memref_slice %arg32[%dma_start3A_262] : memref<50000xf32, #tpu.memory_space<vmem_shared>> -> memref<50000xf32, #tpu.memory_space<vmem_shared>>
      tpu.enqueue_indirect_dma source(%dma_start3A_263 : memref<50000xf32, #tpu.memory_space<vmem_shared>>) target(%arg21 : memref<1280xf32, #tpu.memory_space<vmem>>) offsets(%arg11 : memref<1280xi32, #tpu.memory_space<vmem>>) semaphore(%arg35 : memref<!tpu.dma_semaphore, #tpu.memory_space<semaphore_mem>>)
      %dma_start3A_264 = arith.constant 0 : i32
      %dma_start3A_265 = tpu.memref_slice %arg33[%dma_start3A_264] : memref<50000xf32, #tpu.memory_space<vmem_shared>> -> memref<50000xf32, #tpu.memory_space<vmem_shared>>
      tpu.enqueue_indirect_dma source(%dma_start3A_265 : memref<50000xf32, #tpu.memory_space<vmem_shared>>) target(%arg23 : memref<1280xf32, #tpu.memory_space<vmem>>) offsets(%arg11 : memref<1280xi32, #tpu.memory_space<vmem>>) semaphore(%arg35 : memref<!tpu.dma_semaphore, #tpu.memory_space<semaphore_mem>>)
      %dma_start3A_266 = arith.constant 0 : i32
      %dma_start3A_267 = tpu.memref_slice %arg34[%dma_start3A_266] : memref<50000xf32, #tpu.memory_space<vmem_shared>> -> memref<50000xf32, #tpu.memory_space<vmem_shared>>
      tpu.enqueue_indirect_dma source(%dma_start3A_267 : memref<50000xf32, #tpu.memory_space<vmem_shared>>) target(%arg25 : memref<1280xf32, #tpu.memory_space<vmem>>) offsets(%arg11 : memref<1280xi32, #tpu.memory_space<vmem>>) semaphore(%arg35 : memref<!tpu.dma_semaphore, #tpu.memory_space<semaphore_mem>>)
      %dma_wait3A_268 = arith.constant 0 : i32
      %dma_wait3A_269 = tpu.memref_slice %arg29[%dma_wait3A_268] : memref<50000xf32, #tpu.memory_space<vmem_shared>> -> memref<50000xf32, #tpu.memory_space<vmem_shared>>
      tpu.wait_indirect_dma semaphore(%arg36 : memref<!tpu.dma_semaphore, #tpu.memory_space<semaphore_mem>>) src(%dma_wait3A_269 : memref<50000xf32, #tpu.memory_space<vmem_shared>>) dst(%arg16 : memref<1280xf32, #tpu.memory_space<vmem>>)
      %dma_wait3A_270 = arith.constant 0 : i32
      %dma_wait3A_271 = tpu.memref_slice %arg30[%dma_wait3A_270] : memref<50000xf32, #tpu.memory_space<vmem_shared>> -> memref<50000xf32, #tpu.memory_space<vmem_shared>>
      tpu.wait_indirect_dma semaphore(%arg36 : memref<!tpu.dma_semaphore, #tpu.memory_space<semaphore_mem>>) src(%dma_wait3A_271 : memref<50000xf32, #tpu.memory_space<vmem_shared>>) dst(%arg18 : memref<1280xf32, #tpu.memory_space<vmem>>)
      %dma_wait3A_272 = arith.constant 0 : i32
      %dma_wait3A_273 = tpu.memref_slice %arg31[%dma_wait3A_272] : memref<50000xf32, #tpu.memory_space<vmem_shared>> -> memref<50000xf32, #tpu.memory_space<vmem_shared>>
      tpu.wait_indirect_dma semaphore(%arg36 : memref<!tpu.dma_semaphore, #tpu.memory_space<semaphore_mem>>) src(%dma_wait3A_273 : memref<50000xf32, #tpu.memory_space<vmem_shared>>) dst(%arg20 : memref<1280xf32, #tpu.memory_space<vmem>>)
      %dma_wait3A_274 = arith.constant 0 : i32
      %dma_wait3A_275 = tpu.memref_slice %arg32[%dma_wait3A_274] : memref<50000xf32, #tpu.memory_space<vmem_shared>> -> memref<50000xf32, #tpu.memory_space<vmem_shared>>
      tpu.wait_indirect_dma semaphore(%arg36 : memref<!tpu.dma_semaphore, #tpu.memory_space<semaphore_mem>>) src(%dma_wait3A_275 : memref<50000xf32, #tpu.memory_space<vmem_shared>>) dst(%arg22 : memref<1280xf32, #tpu.memory_space<vmem>>)
      %dma_wait3A_276 = arith.constant 0 : i32
      %dma_wait3A_277 = tpu.memref_slice %arg33[%dma_wait3A_276] : memref<50000xf32, #tpu.memory_space<vmem_shared>> -> memref<50000xf32, #tpu.memory_space<vmem_shared>>
      tpu.wait_indirect_dma semaphore(%arg36 : memref<!tpu.dma_semaphore, #tpu.memory_space<semaphore_mem>>) src(%dma_wait3A_277 : memref<50000xf32, #tpu.memory_space<vmem_shared>>) dst(%arg24 : memref<1280xf32, #tpu.memory_space<vmem>>)
      %dma_wait3A_278 = arith.constant 0 : i32
      %dma_wait3A_279 = tpu.memref_slice %arg34[%dma_wait3A_278] : memref<50000xf32, #tpu.memory_space<vmem_shared>> -> memref<50000xf32, #tpu.memory_space<vmem_shared>>
      tpu.wait_indirect_dma semaphore(%arg36 : memref<!tpu.dma_semaphore, #tpu.memory_space<semaphore_mem>>) src(%dma_wait3A_279 : memref<50000xf32, #tpu.memory_space<vmem_shared>>) dst(%arg26 : memref<1280xf32, #tpu.memory_space<vmem>>)
      %ge3A_280 = arith.constant 2 : i32
      %ge3A_281 = arith.cmpi sge, %add3A_248, %ge3A_280 : i32
      %convert_element_type3A_282 = arith.extui %ge3A_281 : i1 to i32
      %cond3A_283 = arith.constant 0 : i32
      %cond3A_284 = arith.cmpi ne, %convert_element_type3A_282, %cond3A_283 : i32
      scf.if %cond3A_284 {
        %sub3A_318 = arith.constant 2 : i32
        %sub3A_319 = arith.subi %add3A_248, %sub3A_318 : i32
        %mul3A_320 = arith.constant 32 : i32
        %mul3A_321 = arith.muli %mul3A_320, %sub3A_319 : i32
        %add3A_322 = arith.addi %add3A, %mul3A_321 : i32
        %mul3A_323 = arith.constant 10 : i32
        %mul3A_324 = arith.muli %add3A_322, %mul3A_323 : i32
        %mul3A_325 = arith.constant 1024 : i32
        %mul3A_326 = arith.muli %mul3A_324, %mul3A_325 : i32
        %add3A_327 = arith.constant 0 : i32
        %add3A_328 = arith.addi %add3A_327, %mul3A_326 : i32
        %dma_wait3A_329 = arith.constant 0 : i32
        %dma_wait3A_330 = tpu.memref_slice %arg28[%dma_wait3A_329] : memref<20480xf32, #tpu.memory_space<vmem>> -> memref<10240xf32, #tpu.memory_space<vmem>>
        %dma_wait3A_331 = tpu.memref_slice %arg10[%add3A_328] : memref<25600000xf32, #tpu.memory_space<hbm>> -> memref<10240xf32, #tpu.memory_space<hbm>>
        %dma_wait3A_332 = tpu.memref_slice %arg10[%add3A_328] : memref<25600000xf32, #tpu.memory_space<hbm>> -> memref<10240xf32, #tpu.memory_space<hbm>>
        %dma_wait3A_333 = arith.constant 0 : i32
        %dma_wait3A_334 = tpu.memref_slice %arg28[%dma_wait3A_333] : memref<20480xf32, #tpu.memory_space<vmem>> -> memref<10240xf32, #tpu.memory_space<vmem>>
        tpu.wait_dma2 semaphore(%arg38 : memref<!tpu.dma_semaphore, #tpu.memory_space<semaphore_mem>>) src(%dma_wait3A_334 : memref<10240xf32, #tpu.memory_space<vmem>>) dst(%dma_wait3A_332 : memref<10240xf32, #tpu.memory_space<hbm>>)
        %mul3A_335 = arith.constant 1024 : i32
        %mul3A_336 = arith.muli %mul3A_324, %mul3A_335 : i32
        %add3A_337 = arith.constant 12800000 : i32
        %add3A_338 = arith.addi %add3A_337, %mul3A_336 : i32
        %dma_wait3A_339 = arith.constant 10240 : i32
        %dma_wait3A_340 = tpu.memref_slice %arg28[%dma_wait3A_339] : memref<20480xf32, #tpu.memory_space<vmem>> -> memref<10240xf32, #tpu.memory_space<vmem>>
        %dma_wait3A_341 = tpu.memref_slice %arg10[%add3A_338] : memref<25600000xf32, #tpu.memory_space<hbm>> -> memref<10240xf32, #tpu.memory_space<hbm>>
        %dma_wait3A_342 = tpu.memref_slice %arg10[%add3A_338] : memref<25600000xf32, #tpu.memory_space<hbm>> -> memref<10240xf32, #tpu.memory_space<hbm>>
        %dma_wait3A_343 = arith.constant 10240 : i32
        %dma_wait3A_344 = tpu.memref_slice %arg28[%dma_wait3A_343] : memref<20480xf32, #tpu.memory_space<vmem>> -> memref<10240xf32, #tpu.memory_space<vmem>>
        tpu.wait_dma2 semaphore(%arg38 : memref<!tpu.dma_semaphore, #tpu.memory_space<semaphore_mem>>) src(%dma_wait3A_344 : memref<10240xf32, #tpu.memory_space<vmem>>) dst(%dma_wait3A_342 : memref<10240xf32, #tpu.memory_space<hbm>>)
      } else {
      }
      %scan3A_285 = arith.constant 0 : i32
      %scan3A_286 = arith.constant 0 : i32
      %scan3A_287 = arith.constant 40 : i32
      %scan3A_288 = arith.addi %scan3A_286, %scan3A_287 : i32
      %scan3A_289 = arith.constant 1 : i32
      %scan3A_290 = scf.for %scan3A_318 = %scan3A_286 to %scan3A_288 step %scan3A_289 iter_args(%scan3A_319 = %scan3A_285) -> (i32)  : i32 {
        %mul3A_320 = arith.constant 2 : i32
        %mul3A_321 = arith.muli %scan3A_318, %mul3A_320 : i32
        %add3A_322 = arith.constant 0 : i32
        %add3A_323 = arith.addi %mul3A_321, %add3A_322 : i32
        %mul3A_324 = arith.constant 16 : i32
        %mul3A_325 = arith.muli %add3A_323, %mul3A_324 : i32
        %get3A = arith.index_cast %mul3A_325 : i32 to index
        %get3A_326 = tpu.vector_load %arg16[%get3A] {strides = array<i32>} : memref<1280xf32, #tpu.memory_space<vmem>>, vector<16xf32>,
        %get3A_327 = arith.index_cast %mul3A_325 : i32 to index
        %get3A_328 = tpu.vector_load %arg22[%get3A_327] {strides = array<i32>} : memref<1280xf32, #tpu.memory_space<vmem>>, vector<16xf32>,
        %sub3A_329 = arith.subf %get3A_326, %get3A_328 : vector<16xf32>
        %get3A_330 = arith.index_cast %mul3A_325 : i32 to index
        %get3A_331 = tpu.vector_load %arg18[%get3A_330] {strides = array<i32>} : memref<1280xf32, #tpu.memory_space<vmem>>, vector<16xf32>,
        %get3A_332 = arith.index_cast %mul3A_325 : i32 to index
        %get3A_333 = tpu.vector_load %arg24[%get3A_332] {strides = array<i32>} : memref<1280xf32, #tpu.memory_space<vmem>>, vector<16xf32>,
        %sub3A_334 = arith.subf %get3A_331, %get3A_333 : vector<16xf32>
        %get3A_335 = arith.index_cast %mul3A_325 : i32 to index
        %get3A_336 = tpu.vector_load %arg20[%get3A_335] {strides = array<i32>} : memref<1280xf32, #tpu.memory_space<vmem>>, vector<16xf32>,
        %get3A_337 = arith.index_cast %mul3A_325 : i32 to index
        %get3A_338 = tpu.vector_load %arg26[%get3A_337] {strides = array<i32>} : memref<1280xf32, #tpu.memory_space<vmem>>, vector<16xf32>,
        %sub3A_339 = arith.subf %get3A_336, %get3A_338 : vector<16xf32>
        %mul3A_340 = arith.mulf %sub3A_329, %sub3A_329 : vector<16xf32>
        %mul3A_341 = arith.mulf %sub3A_334, %sub3A_334 : vector<16xf32>
        %add3A_342 = arith.addf %mul3A_340, %mul3A_341 : vector<16xf32>
        %mul3A_343 = arith.mulf %sub3A_339, %sub3A_339 : vector<16xf32>
        %add3A_344 = arith.addf %add3A_342, %mul3A_343 : vector<16xf32>
        %bitcast_convert_type3A = tpu.bitcast %add3A_344 : vector<16xf32> -> vector<16xi32>
        %broadcast_in_dim3A = arith.constant 1597463007 : i32
        %broadcast_in_dim3A_345 = vector.broadcast %broadcast_in_dim3A : i32 to vector<16xi32>
        %broadcast_in_dim3A_346 = arith.constant 1 : i32
        %broadcast_in_dim3A_347 = vector.broadcast %broadcast_in_dim3A_346 : i32 to vector<16xi32>
        %shift_right_arithmetic3A = arith.shrsi %bitcast_convert_type3A, %broadcast_in_dim3A_347 : vector<16xi32>
        %sub3A_348 = arith.subi %broadcast_in_dim3A_345, %shift_right_arithmetic3A : vector<16xi32>
        %bitcast_convert_type3A_349 = tpu.bitcast %sub3A_348 : vector<16xi32> -> vector<16xf32>
        %broadcast_in_dim3A_350 = arith.constant 5.000000e-01 : f32
        %broadcast_in_dim3A_351 = vector.broadcast %broadcast_in_dim3A_350 : f32 to vector<16xf32>
        %mul3A_352 = arith.mulf %broadcast_in_dim3A_351, %add3A_344 : vector<16xf32>
        %broadcast_in_dim3A_353 = arith.constant 1.500000e+00 : f32
        %broadcast_in_dim3A_354 = vector.broadcast %broadcast_in_dim3A_353 : f32 to vector<16xf32>
        %mul3A_355 = arith.mulf %mul3A_352, %bitcast_convert_type3A_349 : vector<16xf32>
        %mul3A_356 = arith.mulf %mul3A_355, %bitcast_convert_type3A_349 : vector<16xf32>
        %sub3A_357 = arith.subf %broadcast_in_dim3A_354, %mul3A_356 : vector<16xf32>
        %mul3A_358 = arith.mulf %bitcast_convert_type3A_349, %sub3A_357 : vector<16xf32>
        %mul3A_359 = arith.mulf %mul3A_352, %mul3A_358 : vector<16xf32>
        %mul3A_360 = arith.mulf %mul3A_359, %mul3A_358 : vector<16xf32>
        %sub3A_361 = arith.subf %broadcast_in_dim3A_354, %mul3A_360 : vector<16xf32>
        %mul3A_362 = arith.mulf %mul3A_358, %sub3A_361 : vector<16xf32>
        %mul3A_363 = arith.mulf %sub3A_329, %mul3A_362 : vector<16xf32>
        %mul3A_364 = arith.mulf %sub3A_334, %mul3A_362 : vector<16xf32>
        %mul3A_365 = arith.mulf %sub3A_339, %mul3A_362 : vector<16xf32>
        %mul3A_366 = arith.mulf %mul3A_363, %mul3A_363 : vector<16xf32>
        %mul3A_367 = arith.mulf %mul3A_364, %mul3A_364 : vector<16xf32>
        %mul3A_368 = arith.mulf %mul3A_365, %mul3A_365 : vector<16xf32>
        %mul3A_369 = arith.mulf %mul3A_363, %mul3A_364 : vector<16xf32>
        %broadcast_in_dim3A_370 = arith.constant 1.000000e+00 : f32
        %broadcast_in_dim3A_371 = vector.broadcast %broadcast_in_dim3A_370 : f32 to vector<16xf32>
        %broadcast_in_dim3A_372 = arith.constant 0.282094806 : f32
        %broadcast_in_dim3A_373 = vector.broadcast %broadcast_in_dim3A_372 : f32 to vector<16xf32>
        %broadcast_in_dim3A_374 = arith.constant -0.488602519 : f32
        %broadcast_in_dim3A_375 = vector.broadcast %broadcast_in_dim3A_374 : f32 to vector<16xf32>
        %mul3A_376 = arith.mulf %broadcast_in_dim3A_375, %mul3A_364 : vector<16xf32>
        %broadcast_in_dim3A_377 = arith.constant 0.488602519 : f32
        %broadcast_in_dim3A_378 = vector.broadcast %broadcast_in_dim3A_377 : f32 to vector<16xf32>
        %mul3A_379 = arith.mulf %broadcast_in_dim3A_378, %mul3A_365 : vector<16xf32>
        %broadcast_in_dim3A_380 = arith.constant -0.488602519 : f32
        %broadcast_in_dim3A_381 = vector.broadcast %broadcast_in_dim3A_380 : f32 to vector<16xf32>
        %mul3A_382 = arith.mulf %broadcast_in_dim3A_381, %mul3A_363 : vector<16xf32>
        %broadcast_in_dim3A_383 = arith.constant 1.09254849 : f32
        %broadcast_in_dim3A_384 = vector.broadcast %broadcast_in_dim3A_383 : f32 to vector<16xf32>
        %mul3A_385 = arith.mulf %broadcast_in_dim3A_384, %mul3A_369 : vector<16xf32>
        %broadcast_in_dim3A_386 = arith.constant -1.09254849 : f32
        %broadcast_in_dim3A_387 = vector.broadcast %broadcast_in_dim3A_386 : f32 to vector<16xf32>
        %mul3A_388 = arith.mulf %mul3A_364, %mul3A_365 : vector<16xf32>
        %mul3A_389 = arith.mulf %broadcast_in_dim3A_387, %mul3A_388 : vector<16xf32>
        %broadcast_in_dim3A_390 = arith.constant 0.31539157 : f32
        %broadcast_in_dim3A_391 = vector.broadcast %broadcast_in_dim3A_390 : f32 to vector<16xf32>
        %broadcast_in_dim3A_392 = arith.constant 3.000000e+00 : f32
        %broadcast_in_dim3A_393 = vector.broadcast %broadcast_in_dim3A_392 : f32 to vector<16xf32>
        %mul3A_394 = arith.mulf %broadcast_in_dim3A_393, %mul3A_368 : vector<16xf32>
        %sub3A_395 = arith.subf %mul3A_394, %broadcast_in_dim3A_371 : vector<16xf32>
        %mul3A_396 = arith.mulf %broadcast_in_dim3A_391, %sub3A_395 : vector<16xf32>
        %broadcast_in_dim3A_397 = arith.constant -1.09254849 : f32
        %broadcast_in_dim3A_398 = vector.broadcast %broadcast_in_dim3A_397 : f32 to vector<16xf32>
        %mul3A_399 = arith.mulf %mul3A_363, %mul3A_365 : vector<16xf32>
        %mul3A_400 = arith.mulf %broadcast_in_dim3A_398, %mul3A_399 : vector<16xf32>
        %broadcast_in_dim3A_401 = arith.constant 0.546274245 : f32
        %broadcast_in_dim3A_402 = vector.broadcast %broadcast_in_dim3A_401 : f32 to vector<16xf32>
        %sub3A_403 = arith.subf %mul3A_366, %mul3A_367 : vector<16xf32>
        %mul3A_404 = arith.mulf %broadcast_in_dim3A_402, %sub3A_403 : vector<16xf32>
        %broadcast_in_dim3A_405 = arith.constant -0.590043604 : f32
        %broadcast_in_dim3A_406 = vector.broadcast %broadcast_in_dim3A_405 : f32 to vector<16xf32>
        %mul3A_407 = arith.mulf %broadcast_in_dim3A_406, %mul3A_364 : vector<16xf32>
        %broadcast_in_dim3A_408 = arith.constant 3.000000e+00 : f32
        %broadcast_in_dim3A_409 = vector.broadcast %broadcast_in_dim3A_408 : f32 to vector<16xf32>
        %mul3A_410 = arith.mulf %broadcast_in_dim3A_409, %mul3A_366 : vector<16xf32>
        %sub3A_411 = arith.subf %mul3A_410, %mul3A_367 : vector<16xf32>
        %mul3A_412 = arith.mulf %mul3A_407, %sub3A_411 : vector<16xf32>
        %broadcast_in_dim3A_413 = arith.constant 2.89061141 : f32
        %broadcast_in_dim3A_414 = vector.broadcast %broadcast_in_dim3A_413 : f32 to vector<16xf32>
        %mul3A_415 = arith.mulf %broadcast_in_dim3A_414, %mul3A_369 : vector<16xf32>
        %mul3A_416 = arith.mulf %mul3A_415, %mul3A_365 : vector<16xf32>
        %broadcast_in_dim3A_417 = arith.constant -0.457045794 : f32
        %broadcast_in_dim3A_418 = vector.broadcast %broadcast_in_dim3A_417 : f32 to vector<16xf32>
        %mul3A_419 = arith.mulf %broadcast_in_dim3A_418, %mul3A_364 : vector<16xf32>
        %broadcast_in_dim3A_420 = arith.constant 5.000000e+00 : f32
        %broadcast_in_dim3A_421 = vector.broadcast %broadcast_in_dim3A_420 : f32 to vector<16xf32>
        %mul3A_422 = arith.mulf %broadcast_in_dim3A_421, %mul3A_368 : vector<16xf32>
        %sub3A_423 = arith.subf %mul3A_422, %broadcast_in_dim3A_371 : vector<16xf32>
        %mul3A_424 = arith.mulf %mul3A_419, %sub3A_423 : vector<16xf32>
        %broadcast_in_dim3A_425 = arith.constant 0.373176336 : f32
        %broadcast_in_dim3A_426 = vector.broadcast %broadcast_in_dim3A_425 : f32 to vector<16xf32>
        %mul3A_427 = arith.mulf %broadcast_in_dim3A_426, %mul3A_365 : vector<16xf32>
        %broadcast_in_dim3A_428 = arith.constant 5.000000e+00 : f32
        %broadcast_in_dim3A_429 = vector.broadcast %broadcast_in_dim3A_428 : f32 to vector<16xf32>
        %mul3A_430 = arith.mulf %broadcast_in_dim3A_429, %mul3A_368 : vector<16xf32>
        %broadcast_in_dim3A_431 = arith.constant 3.000000e+00 : f32
        %broadcast_in_dim3A_432 = vector.broadcast %broadcast_in_dim3A_431 : f32 to vector<16xf32>
        %sub3A_433 = arith.subf %mul3A_430, %broadcast_in_dim3A_432 : vector<16xf32>
        %mul3A_434 = arith.mulf %mul3A_427, %sub3A_433 : vector<16xf32>
        %broadcast_in_dim3A_435 = arith.constant -0.457045794 : f32
        %broadcast_in_dim3A_436 = vector.broadcast %broadcast_in_dim3A_435 : f32 to vector<16xf32>
        %mul3A_437 = arith.mulf %broadcast_in_dim3A_436, %mul3A_363 : vector<16xf32>
        %broadcast_in_dim3A_438 = arith.constant 5.000000e+00 : f32
        %broadcast_in_dim3A_439 = vector.broadcast %broadcast_in_dim3A_438 : f32 to vector<16xf32>
        %mul3A_440 = arith.mulf %broadcast_in_dim3A_439, %mul3A_368 : vector<16xf32>
        %sub3A_441 = arith.subf %mul3A_440, %broadcast_in_dim3A_371 : vector<16xf32>
        %mul3A_442 = arith.mulf %mul3A_437, %sub3A_441 : vector<16xf32>
        %broadcast_in_dim3A_443 = arith.constant 1.44530571 : f32
        %broadcast_in_dim3A_444 = vector.broadcast %broadcast_in_dim3A_443 : f32 to vector<16xf32>
        %mul3A_445 = arith.mulf %broadcast_in_dim3A_444, %mul3A_365 : vector<16xf32>
        %sub3A_446 = arith.subf %mul3A_366, %mul3A_367 : vector<16xf32>
        %mul3A_447 = arith.mulf %mul3A_445, %sub3A_446 : vector<16xf32>
        %broadcast_in_dim3A_448 = arith.constant -0.590043604 : f32
        %broadcast_in_dim3A_449 = vector.broadcast %broadcast_in_dim3A_448 : f32 to vector<16xf32>
        %mul3A_450 = arith.mulf %broadcast_in_dim3A_449, %mul3A_363 : vector<16xf32>
        %broadcast_in_dim3A_451 = arith.constant 3.000000e+00 : f32
        %broadcast_in_dim3A_452 = vector.broadcast %broadcast_in_dim3A_451 : f32 to vector<16xf32>
        %mul3A_453 = arith.mulf %broadcast_in_dim3A_452, %mul3A_367 : vector<16xf32>
        %sub3A_454 = arith.subf %mul3A_366, %mul3A_453 : vector<16xf32>
        %mul3A_455 = arith.mulf %mul3A_450, %sub3A_454 : vector<16xf32>
        %jit3A_456 = arith.constant 8 : i32
        %div3A_457 = arith.divsi %add3A_323, %jit3A_456 : i32
        %sign3A_458 = arith.constant 0 : i32
        %sign3A_459 = arith.cmpi sgt, %add3A_323, %sign3A_458 : i32
        %sign3A_460 = arith.extui %sign3A_459 : i1 to i32
        %sign3A_461 = arith.constant 0 : i32
        %sign3A_462 = arith.cmpi slt, %add3A_323, %sign3A_461 : i32
        %sign3A_463 = arith.extui %sign3A_462 : i1 to i32
        %sign3A_464 = arith.subi %sign3A_460, %sign3A_463 : i32
        %sign3A_465 = arith.constant 0 : i32
        %sign3A_466 = arith.cmpi sgt, %jit3A_456, %sign3A_465 : i32
        %sign3A_467 = arith.extui %sign3A_466 : i1 to i32
        %sign3A_468 = arith.constant 0 : i32
        %sign3A_469 = arith.cmpi slt, %jit3A_456, %sign3A_468 : i32
        %sign3A_470 = arith.extui %sign3A_469 : i1 to i32
        %sign3A_471 = arith.subi %sign3A_467, %sign3A_470 : i32
        %ne3A_472 = arith.cmpi ne, %sign3A_464, %sign3A_471 : i32
        %rem3A_473 = arith.remsi %add3A_323, %jit3A_456 : i32
        %ne3A_474 = arith.constant 0 : i32
        %ne3A_475 = arith.cmpi ne, %rem3A_473, %ne3A_474 : i32
        %and3A_476 = arith.andi %ne3A_472, %ne3A_475 : i1
        %sub3A_477 = arith.constant 1 : i32
        %sub3A_478 = arith.subi %div3A_457, %sub3A_477 : i32
        %select_n3A_479 = arith.select %and3A_476, %sub3A_478, %div3A_457 : i32
        %mul3A_480 = arith.constant 1024 : i32
        %mul3A_481 = arith.muli %select_n3A_479, %mul3A_480 : i32
        %jit3A_482 = arith.constant 8 : i32
        %eq3A = arith.constant 0 : i32
        %eq3A_483 = arith.cmpi eq, %jit3A_482, %eq3A : i32
        %jit3A_484 = arith.constant 1 : i32
        %select_n3A_485 = arith.select %eq3A_483, %jit3A_484, %jit3A_482 : i32
        %rem3A_486 = arith.remsi %add3A_323, %select_n3A_485 : i32
        %ne3A_487 = arith.constant 0 : i32
        %ne3A_488 = arith.cmpi ne, %rem3A_486, %ne3A_487 : i32
        %lt3A_489 = arith.constant 0 : i32
        %lt3A_490 = arith.cmpi slt, %rem3A_486, %lt3A_489 : i32
        %lt3A_491 = arith.constant 0 : i32
        %lt3A_492 = arith.cmpi slt, %select_n3A_485, %lt3A_491 : i32
        %ne3A_493 = arith.xori %lt3A_490, %lt3A_492 : i1
        %and3A_494 = arith.andi %ne3A_493, %ne3A_488 : i1
        %add3A_495 = arith.addi %rem3A_486, %select_n3A_485 : i32
        %select_n3A_496 = arith.select %and3A_494, %add3A_495, %rem3A_486 : i32
        %mul3A_497 = arith.constant 16 : i32
        %mul3A_498 = arith.muli %select_n3A_496, %mul3A_497 : i32
        %add3A_499 = arith.addi %mul3A_481, %mul3A_498 : i32
        %add3A_500 = arith.constant 0 : i32
        %add3A_501 = arith.addi %add3A_499, %add3A_500 : i32
        %swap3A = arith.index_cast %add3A_501 : i32 to index
        %swap3A_502 = tpu.vector_load %arg28[%swap3A] {strides = array<i32>} : memref<20480xf32, #tpu.memory_space<vmem>>, vector<16xf32>,
        tpu.vector_store %arg28[%swap3A], %broadcast_in_dim3A_373 {strides = array<i32>} : memref<20480xf32, #tpu.memory_space<vmem>>, vector<16xf32>,
        %add3A_503 = arith.constant 128 : i32
        %add3A_504 = arith.addi %add3A_499, %add3A_503 : i32
        %swap3A_505 = arith.index_cast %add3A_504 : i32 to index
        %swap3A_506 = tpu.vector_load %arg28[%swap3A_505] {strides = array<i32>} : memref<20480xf32, #tpu.memory_space<vmem>>, vector<16xf32>,
        tpu.vector_store %arg28[%swap3A_505], %mul3A_376 {strides = array<i32>} : memref<20480xf32, #tpu.memory_space<vmem>>, vector<16xf32>,
        %add3A_507 = arith.constant 256 : i32
        %add3A_508 = arith.addi %add3A_499, %add3A_507 : i32
        %swap3A_509 = arith.index_cast %add3A_508 : i32 to index
        %swap3A_510 = tpu.vector_load %arg28[%swap3A_509] {strides = array<i32>} : memref<20480xf32, #tpu.memory_space<vmem>>, vector<16xf32>,
        tpu.vector_store %arg28[%swap3A_509], %mul3A_379 {strides = array<i32>} : memref<20480xf32, #tpu.memory_space<vmem>>, vector<16xf32>,
        %add3A_511 = arith.constant 384 : i32
        %add3A_512 = arith.addi %add3A_499, %add3A_511 : i32
        %swap3A_513 = arith.index_cast %add3A_512 : i32 to index
        %swap3A_514 = tpu.vector_load %arg28[%swap3A_513] {strides = array<i32>} : memref<20480xf32, #tpu.memory_space<vmem>>, vector<16xf32>,
        tpu.vector_store %arg28[%swap3A_513], %mul3A_382 {strides = array<i32>} : memref<20480xf32, #tpu.memory_space<vmem>>, vector<16xf32>,
        %add3A_515 = arith.constant 512 : i32
        %add3A_516 = arith.addi %add3A_499, %add3A_515 : i32
        %swap3A_517 = arith.index_cast %add3A_516 : i32 to index
        %swap3A_518 = tpu.vector_load %arg28[%swap3A_517] {strides = array<i32>} : memref<20480xf32, #tpu.memory_space<vmem>>, vector<16xf32>,
        tpu.vector_store %arg28[%swap3A_517], %mul3A_385 {strides = array<i32>} : memref<20480xf32, #tpu.memory_space<vmem>>, vector<16xf32>,
        %add3A_519 = arith.constant 640 : i32
        %add3A_520 = arith.addi %add3A_499, %add3A_519 : i32
        %swap3A_521 = arith.index_cast %add3A_520 : i32 to index
        %swap3A_522 = tpu.vector_load %arg28[%swap3A_521] {strides = array<i32>} : memref<20480xf32, #tpu.memory_space<vmem>>, vector<16xf32>,
        tpu.vector_store %arg28[%swap3A_521], %mul3A_389 {strides = array<i32>} : memref<20480xf32, #tpu.memory_space<vmem>>, vector<16xf32>,
        %add3A_523 = arith.constant 768 : i32
        %add3A_524 = arith.addi %add3A_499, %add3A_523 : i32
        %swap3A_525 = arith.index_cast %add3A_524 : i32 to index
        %swap3A_526 = tpu.vector_load %arg28[%swap3A_525] {strides = array<i32>} : memref<20480xf32, #tpu.memory_space<vmem>>, vector<16xf32>,
        tpu.vector_store %arg28[%swap3A_525], %mul3A_396 {strides = array<i32>} : memref<20480xf32, #tpu.memory_space<vmem>>, vector<16xf32>,
        %add3A_527 = arith.constant 896 : i32
        %add3A_528 = arith.addi %add3A_499, %add3A_527 : i32
        %swap3A_529 = arith.index_cast %add3A_528 : i32 to index
        %swap3A_530 = tpu.vector_load %arg28[%swap3A_529] {strides = array<i32>} : memref<20480xf32, #tpu.memory_space<vmem>>, vector<16xf32>,
        tpu.vector_store %arg28[%swap3A_529], %mul3A_400 {strides = array<i32>} : memref<20480xf32, #tpu.memory_space<vmem>>, vector<16xf32>,
        %add3A_531 = arith.constant 10240 : i32
        %add3A_532 = arith.addi %add3A_499, %add3A_531 : i32
        %swap3A_533 = arith.index_cast %add3A_532 : i32 to index
        %swap3A_534 = tpu.vector_load %arg28[%swap3A_533] {strides = array<i32>} : memref<20480xf32, #tpu.memory_space<vmem>>, vector<16xf32>,
        tpu.vector_store %arg28[%swap3A_533], %mul3A_404 {strides = array<i32>} : memref<20480xf32, #tpu.memory_space<vmem>>, vector<16xf32>,
        %add3A_535 = arith.constant 10368 : i32
        %add3A_536 = arith.addi %add3A_499, %add3A_535 : i32
        %swap3A_537 = arith.index_cast %add3A_536 : i32 to index
        %swap3A_538 = tpu.vector_load %arg28[%swap3A_537] {strides = array<i32>} : memref<20480xf32, #tpu.memory_space<vmem>>, vector<16xf32>,
        tpu.vector_store %arg28[%swap3A_537], %mul3A_412 {strides = array<i32>} : memref<20480xf32, #tpu.memory_space<vmem>>, vector<16xf32>,
        %add3A_539 = arith.constant 10496 : i32
        %add3A_540 = arith.addi %add3A_499, %add3A_539 : i32
        %swap3A_541 = arith.index_cast %add3A_540 : i32 to index
        %swap3A_542 = tpu.vector_load %arg28[%swap3A_541] {strides = array<i32>} : memref<20480xf32, #tpu.memory_space<vmem>>, vector<16xf32>,
        tpu.vector_store %arg28[%swap3A_541], %mul3A_416 {strides = array<i32>} : memref<20480xf32, #tpu.memory_space<vmem>>, vector<16xf32>,
        %add3A_543 = arith.constant 10624 : i32
        %add3A_544 = arith.addi %add3A_499, %add3A_543 : i32
        %swap3A_545 = arith.index_cast %add3A_544 : i32 to index
        %swap3A_546 = tpu.vector_load %arg28[%swap3A_545] {strides = array<i32>} : memref<20480xf32, #tpu.memory_space<vmem>>, vector<16xf32>,
        tpu.vector_store %arg28[%swap3A_545], %mul3A_424 {strides = array<i32>} : memref<20480xf32, #tpu.memory_space<vmem>>, vector<16xf32>,
        %add3A_547 = arith.constant 10752 : i32
        %add3A_548 = arith.addi %add3A_499, %add3A_547 : i32
        %swap3A_549 = arith.index_cast %add3A_548 : i32 to index
        %swap3A_550 = tpu.vector_load %arg28[%swap3A_549] {strides = array<i32>} : memref<20480xf32, #tpu.memory_space<vmem>>, vector<16xf32>,
        tpu.vector_store %arg28[%swap3A_549], %mul3A_434 {strides = array<i32>} : memref<20480xf32, #tpu.memory_space<vmem>>, vector<16xf32>,
        %add3A_551 = arith.constant 10880 : i32
        %add3A_552 = arith.addi %add3A_499, %add3A_551 : i32
        %swap3A_553 = arith.index_cast %add3A_552 : i32 to index
        %swap3A_554 = tpu.vector_load %arg28[%swap3A_553] {strides = array<i32>} : memref<20480xf32, #tpu.memory_space<vmem>>, vector<16xf32>,
        tpu.vector_store %arg28[%swap3A_553], %mul3A_442 {strides = array<i32>} : memref<20480xf32, #tpu.memory_space<vmem>>, vector<16xf32>,
        %add3A_555 = arith.constant 11008 : i32
        %add3A_556 = arith.addi %add3A_499, %add3A_555 : i32
        %swap3A_557 = arith.index_cast %add3A_556 : i32 to index
        %swap3A_558 = tpu.vector_load %arg28[%swap3A_557] {strides = array<i32>} : memref<20480xf32, #tpu.memory_space<vmem>>, vector<16xf32>,
        tpu.vector_store %arg28[%swap3A_557], %mul3A_447 {strides = array<i32>} : memref<20480xf32, #tpu.memory_space<vmem>>, vector<16xf32>,
        %add3A_559 = arith.constant 11136 : i32
        %add3A_560 = arith.addi %add3A_499, %add3A_559 : i32
        %swap3A_561 = arith.index_cast %add3A_560 : i32 to index
        %swap3A_562 = tpu.vector_load %arg28[%swap3A_561] {strides = array<i32>} : memref<20480xf32, #tpu.memory_space<vmem>>, vector<16xf32>,
        tpu.vector_store %arg28[%swap3A_561], %mul3A_455 {strides = array<i32>} : memref<20480xf32, #tpu.memory_space<vmem>>, vector<16xf32>,
        %mul3A_563 = arith.constant 2 : i32
        %mul3A_564 = arith.muli %scan3A_318, %mul3A_563 : i32
        %add3A_565 = arith.constant 1 : i32
        %add3A_566 = arith.addi %mul3A_564, %add3A_565 : i32
        %mul3A_567 = arith.constant 16 : i32
        %mul3A_568 = arith.muli %add3A_566, %mul3A_567 : i32
        %get3A_569 = arith.index_cast %mul3A_568 : i32 to index
        %get3A_570 = tpu.vector_load %arg16[%get3A_569] {strides = array<i32>} : memref<1280xf32, #tpu.memory_space<vmem>>, vector<16xf32>,
        %get3A_571 = arith.index_cast %mul3A_568 : i32 to index
        %get3A_572 = tpu.vector_load %arg22[%get3A_571] {strides = array<i32>} : memref<1280xf32, #tpu.memory_space<vmem>>, vector<16xf32>,
        %sub3A_573 = arith.subf %get3A_570, %get3A_572 : vector<16xf32>
        %get3A_574 = arith.index_cast %mul3A_568 : i32 to index
        %get3A_575 = tpu.vector_load %arg18[%get3A_574] {strides = array<i32>} : memref<1280xf32, #tpu.memory_space<vmem>>, vector<16xf32>,
        %get3A_576 = arith.index_cast %mul3A_568 : i32 to index
        %get3A_577 = tpu.vector_load %arg24[%get3A_576] {strides = array<i32>} : memref<1280xf32, #tpu.memory_space<vmem>>, vector<16xf32>,
        %sub3A_578 = arith.subf %get3A_575, %get3A_577 : vector<16xf32>
        %get3A_579 = arith.index_cast %mul3A_568 : i32 to index
        %get3A_580 = tpu.vector_load %arg20[%get3A_579] {strides = array<i32>} : memref<1280xf32, #tpu.memory_space<vmem>>, vector<16xf32>,
        %get3A_581 = arith.index_cast %mul3A_568 : i32 to index
        %get3A_582 = tpu.vector_load %arg26[%get3A_581] {strides = array<i32>} : memref<1280xf32, #tpu.memory_space<vmem>>, vector<16xf32>,
        %sub3A_583 = arith.subf %get3A_580, %get3A_582 : vector<16xf32>
        %mul3A_584 = arith.mulf %sub3A_573, %sub3A_573 : vector<16xf32>
        %mul3A_585 = arith.mulf %sub3A_578, %sub3A_578 : vector<16xf32>
        %add3A_586 = arith.addf %mul3A_584, %mul3A_585 : vector<16xf32>
        %mul3A_587 = arith.mulf %sub3A_583, %sub3A_583 : vector<16xf32>
        %add3A_588 = arith.addf %add3A_586, %mul3A_587 : vector<16xf32>
        %bitcast_convert_type3A_589 = tpu.bitcast %add3A_588 : vector<16xf32> -> vector<16xi32>
        %broadcast_in_dim3A_590 = arith.constant 1597463007 : i32
        %broadcast_in_dim3A_591 = vector.broadcast %broadcast_in_dim3A_590 : i32 to vector<16xi32>
        %broadcast_in_dim3A_592 = arith.constant 1 : i32
        %broadcast_in_dim3A_593 = vector.broadcast %broadcast_in_dim3A_592 : i32 to vector<16xi32>
        %shift_right_arithmetic3A_594 = arith.shrsi %bitcast_convert_type3A_589, %broadcast_in_dim3A_593 : vector<16xi32>
        %sub3A_595 = arith.subi %broadcast_in_dim3A_591, %shift_right_arithmetic3A_594 : vector<16xi32>
        %bitcast_convert_type3A_596 = tpu.bitcast %sub3A_595 : vector<16xi32> -> vector<16xf32>
        %broadcast_in_dim3A_597 = arith.constant 5.000000e-01 : f32
        %broadcast_in_dim3A_598 = vector.broadcast %broadcast_in_dim3A_597 : f32 to vector<16xf32>
        %mul3A_599 = arith.mulf %broadcast_in_dim3A_598, %add3A_588 : vector<16xf32>
        %broadcast_in_dim3A_600 = arith.constant 1.500000e+00 : f32
        %broadcast_in_dim3A_601 = vector.broadcast %broadcast_in_dim3A_600 : f32 to vector<16xf32>
        %mul3A_602 = arith.mulf %mul3A_599, %bitcast_convert_type3A_596 : vector<16xf32>
        %mul3A_603 = arith.mulf %mul3A_602, %bitcast_convert_type3A_596 : vector<16xf32>
        %sub3A_604 = arith.subf %broadcast_in_dim3A_601, %mul3A_603 : vector<16xf32>
        %mul3A_605 = arith.mulf %bitcast_convert_type3A_596, %sub3A_604 : vector<16xf32>
        %mul3A_606 = arith.mulf %mul3A_599, %mul3A_605 : vector<16xf32>
        %mul3A_607 = arith.mulf %mul3A_606, %mul3A_605 : vector<16xf32>
        %sub3A_608 = arith.subf %broadcast_in_dim3A_601, %mul3A_607 : vector<16xf32>
        %mul3A_609 = arith.mulf %mul3A_605, %sub3A_608 : vector<16xf32>
        %mul3A_610 = arith.mulf %sub3A_573, %mul3A_609 : vector<16xf32>
        %mul3A_611 = arith.mulf %sub3A_578, %mul3A_609 : vector<16xf32>
        %mul3A_612 = arith.mulf %sub3A_583, %mul3A_609 : vector<16xf32>
        %mul3A_613 = arith.mulf %mul3A_610, %mul3A_610 : vector<16xf32>
        %mul3A_614 = arith.mulf %mul3A_611, %mul3A_611 : vector<16xf32>
        %mul3A_615 = arith.mulf %mul3A_612, %mul3A_612 : vector<16xf32>
        %mul3A_616 = arith.mulf %mul3A_610, %mul3A_611 : vector<16xf32>
        %broadcast_in_dim3A_617 = arith.constant 1.000000e+00 : f32
        %broadcast_in_dim3A_618 = vector.broadcast %broadcast_in_dim3A_617 : f32 to vector<16xf32>
        %broadcast_in_dim3A_619 = arith.constant 0.282094806 : f32
        %broadcast_in_dim3A_620 = vector.broadcast %broadcast_in_dim3A_619 : f32 to vector<16xf32>
        %broadcast_in_dim3A_621 = arith.constant -0.488602519 : f32
        %broadcast_in_dim3A_622 = vector.broadcast %broadcast_in_dim3A_621 : f32 to vector<16xf32>
        %mul3A_623 = arith.mulf %broadcast_in_dim3A_622, %mul3A_611 : vector<16xf32>
        %broadcast_in_dim3A_624 = arith.constant 0.488602519 : f32
        %broadcast_in_dim3A_625 = vector.broadcast %broadcast_in_dim3A_624 : f32 to vector<16xf32>
        %mul3A_626 = arith.mulf %broadcast_in_dim3A_625, %mul3A_612 : vector<16xf32>
        %broadcast_in_dim3A_627 = arith.constant -0.488602519 : f32
        %broadcast_in_dim3A_628 = vector.broadcast %broadcast_in_dim3A_627 : f32 to vector<16xf32>
        %mul3A_629 = arith.mulf %broadcast_in_dim3A_628, %mul3A_610 : vector<16xf32>
        %broadcast_in_dim3A_630 = arith.constant 1.09254849 : f32
        %broadcast_in_dim3A_631 = vector.broadcast %broadcast_in_dim3A_630 : f32 to vector<16xf32>
        %mul3A_632 = arith.mulf %broadcast_in_dim3A_631, %mul3A_616 : vector<16xf32>
        %broadcast_in_dim3A_633 = arith.constant -1.09254849 : f32
        %broadcast_in_dim3A_634 = vector.broadcast %broadcast_in_dim3A_633 : f32 to vector<16xf32>
        %mul3A_635 = arith.mulf %mul3A_611, %mul3A_612 : vector<16xf32>
        %mul3A_636 = arith.mulf %broadcast_in_dim3A_634, %mul3A_635 : vector<16xf32>
        %broadcast_in_dim3A_637 = arith.constant 0.31539157 : f32
        %broadcast_in_dim3A_638 = vector.broadcast %broadcast_in_dim3A_637 : f32 to vector<16xf32>
        %broadcast_in_dim3A_639 = arith.constant 3.000000e+00 : f32
        %broadcast_in_dim3A_640 = vector.broadcast %broadcast_in_dim3A_639 : f32 to vector<16xf32>
        %mul3A_641 = arith.mulf %broadcast_in_dim3A_640, %mul3A_615 : vector<16xf32>
        %sub3A_642 = arith.subf %mul3A_641, %broadcast_in_dim3A_618 : vector<16xf32>
        %mul3A_643 = arith.mulf %broadcast_in_dim3A_638, %sub3A_642 : vector<16xf32>
        %broadcast_in_dim3A_644 = arith.constant -1.09254849 : f32
        %broadcast_in_dim3A_645 = vector.broadcast %broadcast_in_dim3A_644 : f32 to vector<16xf32>
        %mul3A_646 = arith.mulf %mul3A_610, %mul3A_612 : vector<16xf32>
        %mul3A_647 = arith.mulf %broadcast_in_dim3A_645, %mul3A_646 : vector<16xf32>
        %broadcast_in_dim3A_648 = arith.constant 0.546274245 : f32
        %broadcast_in_dim3A_649 = vector.broadcast %broadcast_in_dim3A_648 : f32 to vector<16xf32>
        %sub3A_650 = arith.subf %mul3A_613, %mul3A_614 : vector<16xf32>
        %mul3A_651 = arith.mulf %broadcast_in_dim3A_649, %sub3A_650 : vector<16xf32>
        %broadcast_in_dim3A_652 = arith.constant -0.590043604 : f32
        %broadcast_in_dim3A_653 = vector.broadcast %broadcast_in_dim3A_652 : f32 to vector<16xf32>
        %mul3A_654 = arith.mulf %broadcast_in_dim3A_653, %mul3A_611 : vector<16xf32>
        %broadcast_in_dim3A_655 = arith.constant 3.000000e+00 : f32
        %broadcast_in_dim3A_656 = vector.broadcast %broadcast_in_dim3A_655 : f32 to vector<16xf32>
        %mul3A_657 = arith.mulf %broadcast_in_dim3A_656, %mul3A_613 : vector<16xf32>
        %sub3A_658 = arith.subf %mul3A_657, %mul3A_614 : vector<16xf32>
        %mul3A_659 = arith.mulf %mul3A_654, %sub3A_658 : vector<16xf32>
        %broadcast_in_dim3A_660 = arith.constant 2.89061141 : f32
        %broadcast_in_dim3A_661 = vector.broadcast %broadcast_in_dim3A_660 : f32 to vector<16xf32>
        %mul3A_662 = arith.mulf %broadcast_in_dim3A_661, %mul3A_616 : vector<16xf32>
        %mul3A_663 = arith.mulf %mul3A_662, %mul3A_612 : vector<16xf32>
        %broadcast_in_dim3A_664 = arith.constant -0.457045794 : f32
        %broadcast_in_dim3A_665 = vector.broadcast %broadcast_in_dim3A_664 : f32 to vector<16xf32>
        %mul3A_666 = arith.mulf %broadcast_in_dim3A_665, %mul3A_611 : vector<16xf32>
        %broadcast_in_dim3A_667 = arith.constant 5.000000e+00 : f32
        %broadcast_in_dim3A_668 = vector.broadcast %broadcast_in_dim3A_667 : f32 to vector<16xf32>
        %mul3A_669 = arith.mulf %broadcast_in_dim3A_668, %mul3A_615 : vector<16xf32>
        %sub3A_670 = arith.subf %mul3A_669, %broadcast_in_dim3A_618 : vector<16xf32>
        %mul3A_671 = arith.mulf %mul3A_666, %sub3A_670 : vector<16xf32>
        %broadcast_in_dim3A_672 = arith.constant 0.373176336 : f32
        %broadcast_in_dim3A_673 = vector.broadcast %broadcast_in_dim3A_672 : f32 to vector<16xf32>
        %mul3A_674 = arith.mulf %broadcast_in_dim3A_673, %mul3A_612 : vector<16xf32>
        %broadcast_in_dim3A_675 = arith.constant 5.000000e+00 : f32
        %broadcast_in_dim3A_676 = vector.broadcast %broadcast_in_dim3A_675 : f32 to vector<16xf32>
        %mul3A_677 = arith.mulf %broadcast_in_dim3A_676, %mul3A_615 : vector<16xf32>
        %broadcast_in_dim3A_678 = arith.constant 3.000000e+00 : f32
        %broadcast_in_dim3A_679 = vector.broadcast %broadcast_in_dim3A_678 : f32 to vector<16xf32>
        %sub3A_680 = arith.subf %mul3A_677, %broadcast_in_dim3A_679 : vector<16xf32>
        %mul3A_681 = arith.mulf %mul3A_674, %sub3A_680 : vector<16xf32>
        %broadcast_in_dim3A_682 = arith.constant -0.457045794 : f32
        %broadcast_in_dim3A_683 = vector.broadcast %broadcast_in_dim3A_682 : f32 to vector<16xf32>
        %mul3A_684 = arith.mulf %broadcast_in_dim3A_683, %mul3A_610 : vector<16xf32>
        %broadcast_in_dim3A_685 = arith.constant 5.000000e+00 : f32
        %broadcast_in_dim3A_686 = vector.broadcast %broadcast_in_dim3A_685 : f32 to vector<16xf32>
        %mul3A_687 = arith.mulf %broadcast_in_dim3A_686, %mul3A_615 : vector<16xf32>
        %sub3A_688 = arith.subf %mul3A_687, %broadcast_in_dim3A_618 : vector<16xf32>
        %mul3A_689 = arith.mulf %mul3A_684, %sub3A_688 : vector<16xf32>
        %broadcast_in_dim3A_690 = arith.constant 1.44530571 : f32
        %broadcast_in_dim3A_691 = vector.broadcast %broadcast_in_dim3A_690 : f32 to vector<16xf32>
        %mul3A_692 = arith.mulf %broadcast_in_dim3A_691, %mul3A_612 : vector<16xf32>
        %sub3A_693 = arith.subf %mul3A_613, %mul3A_614 : vector<16xf32>
        %mul3A_694 = arith.mulf %mul3A_692, %sub3A_693 : vector<16xf32>
        %broadcast_in_dim3A_695 = arith.constant -0.590043604 : f32
        %broadcast_in_dim3A_696 = vector.broadcast %broadcast_in_dim3A_695 : f32 to vector<16xf32>
        %mul3A_697 = arith.mulf %broadcast_in_dim3A_696, %mul3A_610 : vector<16xf32>
        %broadcast_in_dim3A_698 = arith.constant 3.000000e+00 : f32
        %broadcast_in_dim3A_699 = vector.broadcast %broadcast_in_dim3A_698 : f32 to vector<16xf32>
        %mul3A_700 = arith.mulf %broadcast_in_dim3A_699, %mul3A_614 : vector<16xf32>
        %sub3A_701 = arith.subf %mul3A_613, %mul3A_700 : vector<16xf32>
        %mul3A_702 = arith.mulf %mul3A_697, %sub3A_701 : vector<16xf32>
        %jit3A_703 = arith.constant 8 : i32
        %div3A_704 = arith.divsi %add3A_566, %jit3A_703 : i32
        %sign3A_705 = arith.constant 0 : i32
        %sign3A_706 = arith.cmpi sgt, %add3A_566, %sign3A_705 : i32
        %sign3A_707 = arith.extui %sign3A_706 : i1 to i32
        %sign3A_708 = arith.constant 0 : i32
        %sign3A_709 = arith.cmpi slt, %add3A_566, %sign3A_708 : i32
        %sign3A_710 = arith.extui %sign3A_709 : i1 to i32
        %sign3A_711 = arith.subi %sign3A_707, %sign3A_710 : i32
        %sign3A_712 = arith.constant 0 : i32
        %sign3A_713 = arith.cmpi sgt, %jit3A_703, %sign3A_712 : i32
        %sign3A_714 = arith.extui %sign3A_713 : i1 to i32
        %sign3A_715 = arith.constant 0 : i32
        %sign3A_716 = arith.cmpi slt, %jit3A_703, %sign3A_715 : i32
        %sign3A_717 = arith.extui %sign3A_716 : i1 to i32
        %sign3A_718 = arith.subi %sign3A_714, %sign3A_717 : i32
        %ne3A_719 = arith.cmpi ne, %sign3A_711, %sign3A_718 : i32
        %rem3A_720 = arith.remsi %add3A_566, %jit3A_703 : i32
        %ne3A_721 = arith.constant 0 : i32
        %ne3A_722 = arith.cmpi ne, %rem3A_720, %ne3A_721 : i32
        %and3A_723 = arith.andi %ne3A_719, %ne3A_722 : i1
        %sub3A_724 = arith.constant 1 : i32
        %sub3A_725 = arith.subi %div3A_704, %sub3A_724 : i32
        %select_n3A_726 = arith.select %and3A_723, %sub3A_725, %div3A_704 : i32
        %mul3A_727 = arith.constant 1024 : i32
        %mul3A_728 = arith.muli %select_n3A_726, %mul3A_727 : i32
        %jit3A_729 = arith.constant 8 : i32
        %eq3A_730 = arith.constant 0 : i32
        %eq3A_731 = arith.cmpi eq, %jit3A_729, %eq3A_730 : i32
        %jit3A_732 = arith.constant 1 : i32
        %select_n3A_733 = arith.select %eq3A_731, %jit3A_732, %jit3A_729 : i32
        %rem3A_734 = arith.remsi %add3A_566, %select_n3A_733 : i32
        %ne3A_735 = arith.constant 0 : i32
        %ne3A_736 = arith.cmpi ne, %rem3A_734, %ne3A_735 : i32
        %lt3A_737 = arith.constant 0 : i32
        %lt3A_738 = arith.cmpi slt, %rem3A_734, %lt3A_737 : i32
        %lt3A_739 = arith.constant 0 : i32
        %lt3A_740 = arith.cmpi slt, %select_n3A_733, %lt3A_739 : i32
        %ne3A_741 = arith.xori %lt3A_738, %lt3A_740 : i1
        %and3A_742 = arith.andi %ne3A_741, %ne3A_736 : i1
        %add3A_743 = arith.addi %rem3A_734, %select_n3A_733 : i32
        %select_n3A_744 = arith.select %and3A_742, %add3A_743, %rem3A_734 : i32
        %mul3A_745 = arith.constant 16 : i32
        %mul3A_746 = arith.muli %select_n3A_744, %mul3A_745 : i32
        %add3A_747 = arith.addi %mul3A_728, %mul3A_746 : i32
        %add3A_748 = arith.constant 0 : i32
        %add3A_749 = arith.addi %add3A_747, %add3A_748 : i32
        %swap3A_750 = arith.index_cast %add3A_749 : i32 to index
        %swap3A_751 = tpu.vector_load %arg28[%swap3A_750] {strides = array<i32>} : memref<20480xf32, #tpu.memory_space<vmem>>, vector<16xf32>,
        tpu.vector_store %arg28[%swap3A_750], %broadcast_in_dim3A_620 {strides = array<i32>} : memref<20480xf32, #tpu.memory_space<vmem>>, vector<16xf32>,
        %add3A_752 = arith.constant 128 : i32
        %add3A_753 = arith.addi %add3A_747, %add3A_752 : i32
        %swap3A_754 = arith.index_cast %add3A_753 : i32 to index
        %swap3A_755 = tpu.vector_load %arg28[%swap3A_754] {strides = array<i32>} : memref<20480xf32, #tpu.memory_space<vmem>>, vector<16xf32>,
        tpu.vector_store %arg28[%swap3A_754], %mul3A_623 {strides = array<i32>} : memref<20480xf32, #tpu.memory_space<vmem>>, vector<16xf32>,
        %add3A_756 = arith.constant 256 : i32
        %add3A_757 = arith.addi %add3A_747, %add3A_756 : i32
        %swap3A_758 = arith.index_cast %add3A_757 : i32 to index
        %swap3A_759 = tpu.vector_load %arg28[%swap3A_758] {strides = array<i32>} : memref<20480xf32, #tpu.memory_space<vmem>>, vector<16xf32>,
        tpu.vector_store %arg28[%swap3A_758], %mul3A_626 {strides = array<i32>} : memref<20480xf32, #tpu.memory_space<vmem>>, vector<16xf32>,
        %add3A_760 = arith.constant 384 : i32
        %add3A_761 = arith.addi %add3A_747, %add3A_760 : i32
        %swap3A_762 = arith.index_cast %add3A_761 : i32 to index
        %swap3A_763 = tpu.vector_load %arg28[%swap3A_762] {strides = array<i32>} : memref<20480xf32, #tpu.memory_space<vmem>>, vector<16xf32>,
        tpu.vector_store %arg28[%swap3A_762], %mul3A_629 {strides = array<i32>} : memref<20480xf32, #tpu.memory_space<vmem>>, vector<16xf32>,
        %add3A_764 = arith.constant 512 : i32
        %add3A_765 = arith.addi %add3A_747, %add3A_764 : i32
        %swap3A_766 = arith.index_cast %add3A_765 : i32 to index
        %swap3A_767 = tpu.vector_load %arg28[%swap3A_766] {strides = array<i32>} : memref<20480xf32, #tpu.memory_space<vmem>>, vector<16xf32>,
        tpu.vector_store %arg28[%swap3A_766], %mul3A_632 {strides = array<i32>} : memref<20480xf32, #tpu.memory_space<vmem>>, vector<16xf32>,
        %add3A_768 = arith.constant 640 : i32
        %add3A_769 = arith.addi %add3A_747, %add3A_768 : i32
        %swap3A_770 = arith.index_cast %add3A_769 : i32 to index
        %swap3A_771 = tpu.vector_load %arg28[%swap3A_770] {strides = array<i32>} : memref<20480xf32, #tpu.memory_space<vmem>>, vector<16xf32>,
        tpu.vector_store %arg28[%swap3A_770], %mul3A_636 {strides = array<i32>} : memref<20480xf32, #tpu.memory_space<vmem>>, vector<16xf32>,
        %add3A_772 = arith.constant 768 : i32
        %add3A_773 = arith.addi %add3A_747, %add3A_772 : i32
        %swap3A_774 = arith.index_cast %add3A_773 : i32 to index
        %swap3A_775 = tpu.vector_load %arg28[%swap3A_774] {strides = array<i32>} : memref<20480xf32, #tpu.memory_space<vmem>>, vector<16xf32>,
        tpu.vector_store %arg28[%swap3A_774], %mul3A_643 {strides = array<i32>} : memref<20480xf32, #tpu.memory_space<vmem>>, vector<16xf32>,
        %add3A_776 = arith.constant 896 : i32
        %add3A_777 = arith.addi %add3A_747, %add3A_776 : i32
        %swap3A_778 = arith.index_cast %add3A_777 : i32 to index
        %swap3A_779 = tpu.vector_load %arg28[%swap3A_778] {strides = array<i32>} : memref<20480xf32, #tpu.memory_space<vmem>>, vector<16xf32>,
        tpu.vector_store %arg28[%swap3A_778], %mul3A_647 {strides = array<i32>} : memref<20480xf32, #tpu.memory_space<vmem>>, vector<16xf32>,
        %add3A_780 = arith.constant 10240 : i32
        %add3A_781 = arith.addi %add3A_747, %add3A_780 : i32
        %swap3A_782 = arith.index_cast %add3A_781 : i32 to index
        %swap3A_783 = tpu.vector_load %arg28[%swap3A_782] {strides = array<i32>} : memref<20480xf32, #tpu.memory_space<vmem>>, vector<16xf32>,
        tpu.vector_store %arg28[%swap3A_782], %mul3A_651 {strides = array<i32>} : memref<20480xf32, #tpu.memory_space<vmem>>, vector<16xf32>,
        %add3A_784 = arith.constant 10368 : i32
        %add3A_785 = arith.addi %add3A_747, %add3A_784 : i32
        %swap3A_786 = arith.index_cast %add3A_785 : i32 to index
        %swap3A_787 = tpu.vector_load %arg28[%swap3A_786] {strides = array<i32>} : memref<20480xf32, #tpu.memory_space<vmem>>, vector<16xf32>,
        tpu.vector_store %arg28[%swap3A_786], %mul3A_659 {strides = array<i32>} : memref<20480xf32, #tpu.memory_space<vmem>>, vector<16xf32>,
        %add3A_788 = arith.constant 10496 : i32
        %add3A_789 = arith.addi %add3A_747, %add3A_788 : i32
        %swap3A_790 = arith.index_cast %add3A_789 : i32 to index
        %swap3A_791 = tpu.vector_load %arg28[%swap3A_790] {strides = array<i32>} : memref<20480xf32, #tpu.memory_space<vmem>>, vector<16xf32>,
        tpu.vector_store %arg28[%swap3A_790], %mul3A_663 {strides = array<i32>} : memref<20480xf32, #tpu.memory_space<vmem>>, vector<16xf32>,
        %add3A_792 = arith.constant 10624 : i32
        %add3A_793 = arith.addi %add3A_747, %add3A_792 : i32
        %swap3A_794 = arith.index_cast %add3A_793 : i32 to index
        %swap3A_795 = tpu.vector_load %arg28[%swap3A_794] {strides = array<i32>} : memref<20480xf32, #tpu.memory_space<vmem>>, vector<16xf32>,
        tpu.vector_store %arg28[%swap3A_794], %mul3A_671 {strides = array<i32>} : memref<20480xf32, #tpu.memory_space<vmem>>, vector<16xf32>,
        %add3A_796 = arith.constant 10752 : i32
        %add3A_797 = arith.addi %add3A_747, %add3A_796 : i32
        %swap3A_798 = arith.index_cast %add3A_797 : i32 to index
        %swap3A_799 = tpu.vector_load %arg28[%swap3A_798] {strides = array<i32>} : memref<20480xf32, #tpu.memory_space<vmem>>, vector<16xf32>,
        tpu.vector_store %arg28[%swap3A_798], %mul3A_681 {strides = array<i32>} : memref<20480xf32, #tpu.memory_space<vmem>>, vector<16xf32>,
        %add3A_800 = arith.constant 10880 : i32
        %add3A_801 = arith.addi %add3A_747, %add3A_800 : i32
        %swap3A_802 = arith.index_cast %add3A_801 : i32 to index
        %swap3A_803 = tpu.vector_load %arg28[%swap3A_802] {strides = array<i32>} : memref<20480xf32, #tpu.memory_space<vmem>>, vector<16xf32>,
        tpu.vector_store %arg28[%swap3A_802], %mul3A_689 {strides = array<i32>} : memref<20480xf32, #tpu.memory_space<vmem>>, vector<16xf32>,
        %add3A_804 = arith.constant 11008 : i32
        %add3A_805 = arith.addi %add3A_747, %add3A_804 : i32
        %swap3A_806 = arith.index_cast %add3A_805 : i32 to index
        %swap3A_807 = tpu.vector_load %arg28[%swap3A_806] {strides = array<i32>} : memref<20480xf32, #tpu.memory_space<vmem>>, vector<16xf32>,
        tpu.vector_store %arg28[%swap3A_806], %mul3A_694 {strides = array<i32>} : memref<20480xf32, #tpu.memory_space<vmem>>, vector<16xf32>,
        %add3A_808 = arith.constant 11136 : i32
        %add3A_809 = arith.addi %add3A_747, %add3A_808 : i32
        %swap3A_810 = arith.index_cast %add3A_809 : i32 to index
        %swap3A_811 = tpu.vector_load %arg28[%swap3A_810] {strides = array<i32>} : memref<20480xf32, #tpu.memory_space<vmem>>, vector<16xf32>,
        tpu.vector_store %arg28[%swap3A_810], %mul3A_702 {strides = array<i32>} : memref<20480xf32, #tpu.memory_space<vmem>>, vector<16xf32>,
        %scan3A_812 = arith.constant 0 : i32
        scf.yield %scan3A_812 : i32
      }
      %scan3A_291 = arith.constant 40 : i32
      %mul3A_292 = arith.constant 32 : i32
      %mul3A_293 = arith.muli %mul3A_292, %add3A_248 : i32
      %add3A_294 = arith.addi %add3A, %mul3A_293 : i32
      %mul3A_295 = arith.constant 10 : i32
      %mul3A_296 = arith.muli %add3A_294, %mul3A_295 : i32
      %mul3A_297 = arith.constant 1024 : i32
      %mul3A_298 = arith.muli %mul3A_296, %mul3A_297 : i32
      %add3A_299 = arith.constant 0 : i32
      %add3A_300 = arith.addi %add3A_299, %mul3A_298 : i32
      %dma_start3A_301 = arith.constant 0 : i32
      %dma_start3A_302 = tpu.memref_slice %arg28[%dma_start3A_301] : memref<20480xf32, #tpu.memory_space<vmem>> -> memref<10240xf32, #tpu.memory_space<vmem>>
      %dma_start3A_303 = tpu.memref_slice %arg10[%add3A_300] : memref<25600000xf32, #tpu.memory_space<hbm>> -> memref<10240xf32, #tpu.memory_space<hbm>>
      %dma_start3A_304 = tpu.memref_slice %arg10[%add3A_300] : memref<25600000xf32, #tpu.memory_space<hbm>> -> memref<10240xf32, #tpu.memory_space<hbm>>
      %dma_start3A_305 = arith.constant 0 : i32
      %dma_start3A_306 = tpu.memref_slice %arg28[%dma_start3A_305] : memref<20480xf32, #tpu.memory_space<vmem>> -> memref<10240xf32, #tpu.memory_space<vmem>>
      tpu.enqueue_dma source(%dma_start3A_306 : memref<10240xf32, #tpu.memory_space<vmem>>) target(%dma_start3A_304 : memref<10240xf32, #tpu.memory_space<hbm>>) target_semaphore(%arg38 : memref<!tpu.dma_semaphore, #tpu.memory_space<semaphore_mem>>)
      %mul3A_307 = arith.constant 1024 : i32
      %mul3A_308 = arith.muli %mul3A_296, %mul3A_307 : i32
      %add3A_309 = arith.constant 12800000 : i32
      %add3A_310 = arith.addi %add3A_309, %mul3A_308 : i32
      %dma_start3A_311 = arith.constant 10240 : i32
      %dma_start3A_312 = tpu.memref_slice %arg28[%dma_start3A_311] : memref<20480xf32, #tpu.memory_space<vmem>> -> memref<10240xf32, #tpu.memory_space<vmem>>
      %dma_start3A_313 = tpu.memref_slice %arg10[%add3A_310] : memref<25600000xf32, #tpu.memory_space<hbm>> -> memref<10240xf32, #tpu.memory_space<hbm>>
      %dma_start3A_314 = tpu.memref_slice %arg10[%add3A_310] : memref<25600000xf32, #tpu.memory_space<hbm>> -> memref<10240xf32, #tpu.memory_space<hbm>>
      %dma_start3A_315 = arith.constant 10240 : i32
      %dma_start3A_316 = tpu.memref_slice %arg28[%dma_start3A_315] : memref<20480xf32, #tpu.memory_space<vmem>> -> memref<10240xf32, #tpu.memory_space<vmem>>
      tpu.enqueue_dma source(%dma_start3A_316 : memref<10240xf32, #tpu.memory_space<vmem>>) target(%dma_start3A_314 : memref<10240xf32, #tpu.memory_space<hbm>>) target_semaphore(%arg38 : memref<!tpu.dma_semaphore, #tpu.memory_space<semaphore_mem>>)
      %scan3A_317 = arith.constant 0 : i32
      scf.yield %scan3A_317 : i32
    }
    %scan3A_54 = arith.constant 19 : i32
    %lt3A = arith.constant 2 : i32
    %lt3A_55 = arith.cmpi slt, %add3A, %lt3A : i32
    %convert_element_type3A = arith.extui %lt3A_55 : i1 to i32
    %cond3A = arith.constant 0 : i32
    %cond3A_56 = arith.cmpi ne, %convert_element_type3A, %cond3A : i32
    scf.if %cond3A_56 {
      %add3A_174 = arith.constant 1248 : i32
      %add3A_175 = arith.addi %add3A, %add3A_174 : i32
      %mul3A_176 = arith.constant 1280 : i32
      %mul3A_177 = arith.muli %add3A_175, %mul3A_176 : i32
      "tpu.region"() ({
        %run_scoped3A = tpu.sem_alloc : memref<!tpu.dma_semaphore, #tpu.memory_space<semaphore_mem>>
        %dma_start3A_190 = tpu.memref_slice %arg8[%mul3A_177] : memref<1600000xi32, #tpu.memory_space<hbm>> -> memref<1280xi32, #tpu.memory_space<hbm>>
        %dma_start3A_191 = tpu.memref_slice %arg8[%mul3A_177] : memref<1600000xi32, #tpu.memory_space<hbm>> -> memref<1280xi32, #tpu.memory_space<hbm>>
        tpu.enqueue_dma source(%dma_start3A_191 : memref<1280xi32, #tpu.memory_space<hbm>>) target(%arg12 : memref<1280xi32, #tpu.memory_space<vmem>>) target_semaphore(%run_scoped3A : memref<!tpu.dma_semaphore, #tpu.memory_space<semaphore_mem>>)
        %dma_wait3A_192 = tpu.memref_slice %arg8[%mul3A_177] : memref<1600000xi32, #tpu.memory_space<hbm>> -> memref<1280xi32, #tpu.memory_space<hbm>>
        %dma_wait3A_193 = tpu.memref_slice %arg8[%mul3A_177] : memref<1600000xi32, #tpu.memory_space<hbm>> -> memref<1280xi32, #tpu.memory_space<hbm>>
        tpu.wait_dma2 semaphore(%run_scoped3A : memref<!tpu.dma_semaphore, #tpu.memory_space<semaphore_mem>>) src(%dma_wait3A_193 : memref<1280xi32, #tpu.memory_space<hbm>>) dst(%arg12 : memref<1280xi32, #tpu.memory_space<vmem>>)
        tpu.yield
      }) : () -> ()
      "tpu.region"() ({
        %run_scoped3A = tpu.sem_alloc : memref<!tpu.dma_semaphore, #tpu.memory_space<semaphore_mem>>
        %dma_start3A_190 = tpu.memref_slice %arg9[%mul3A_177] : memref<1600000xi32, #tpu.memory_space<hbm>> -> memref<1280xi32, #tpu.memory_space<hbm>>
        %dma_start3A_191 = tpu.memref_slice %arg9[%mul3A_177] : memref<1600000xi32, #tpu.memory_space<hbm>> -> memref<1280xi32, #tpu.memory_space<hbm>>
        tpu.enqueue_dma source(%dma_start3A_191 : memref<1280xi32, #tpu.memory_space<hbm>>) target(%arg14 : memref<1280xi32, #tpu.memory_space<vmem>>) target_semaphore(%run_scoped3A : memref<!tpu.dma_semaphore, #tpu.memory_space<semaphore_mem>>)
        %dma_wait3A_192 = tpu.memref_slice %arg9[%mul3A_177] : memref<1600000xi32, #tpu.memory_space<hbm>> -> memref<1280xi32, #tpu.memory_space<hbm>>
        %dma_wait3A_193 = tpu.memref_slice %arg9[%mul3A_177] : memref<1600000xi32, #tpu.memory_space<hbm>> -> memref<1280xi32, #tpu.memory_space<hbm>>
        tpu.wait_dma2 semaphore(%run_scoped3A : memref<!tpu.dma_semaphore, #tpu.memory_space<semaphore_mem>>) src(%dma_wait3A_193 : memref<1280xi32, #tpu.memory_space<hbm>>) dst(%arg14 : memref<1280xi32, #tpu.memory_space<vmem>>)
        tpu.yield
      }) : () -> ()
      %dma_start3A_178 = arith.constant 0 : i32
      %dma_start3A_179 = tpu.memref_slice %arg29[%dma_start3A_178] : memref<50000xf32, #tpu.memory_space<vmem_shared>> -> memref<50000xf32, #tpu.memory_space<vmem_shared>>
      tpu.enqueue_indirect_dma source(%dma_start3A_179 : memref<50000xf32, #tpu.memory_space<vmem_shared>>) target(%arg16 : memref<1280xf32, #tpu.memory_space<vmem>>) offsets(%arg14 : memref<1280xi32, #tpu.memory_space<vmem>>) semaphore(%arg36 : memref<!tpu.dma_semaphore, #tpu.memory_space<semaphore_mem>>)
      %dma_start3A_180 = arith.constant 0 : i32
      %dma_start3A_181 = tpu.memref_slice %arg30[%dma_start3A_180] : memref<50000xf32, #tpu.memory_space<vmem_shared>> -> memref<50000xf32, #tpu.memory_space<vmem_shared>>
      tpu.enqueue_indirect_dma source(%dma_start3A_181 : memref<50000xf32, #tpu.memory_space<vmem_shared>>) target(%arg18 : memref<1280xf32, #tpu.memory_space<vmem>>) offsets(%arg14 : memref<1280xi32, #tpu.memory_space<vmem>>) semaphore(%arg36 : memref<!tpu.dma_semaphore, #tpu.memory_space<semaphore_mem>>)
      %dma_start3A_182 = arith.constant 0 : i32
      %dma_start3A_183 = tpu.memref_slice %arg31[%dma_start3A_182] : memref<50000xf32, #tpu.memory_space<vmem_shared>> -> memref<50000xf32, #tpu.memory_space<vmem_shared>>
      tpu.enqueue_indirect_dma source(%dma_start3A_183 : memref<50000xf32, #tpu.memory_space<vmem_shared>>) target(%arg20 : memref<1280xf32, #tpu.memory_space<vmem>>) offsets(%arg14 : memref<1280xi32, #tpu.memory_space<vmem>>) semaphore(%arg36 : memref<!tpu.dma_semaphore, #tpu.memory_space<semaphore_mem>>)
      %dma_start3A_184 = arith.constant 0 : i32
      %dma_start3A_185 = tpu.memref_slice %arg32[%dma_start3A_184] : memref<50000xf32, #tpu.memory_space<vmem_shared>> -> memref<50000xf32, #tpu.memory_space<vmem_shared>>
      tpu.enqueue_indirect_dma source(%dma_start3A_185 : memref<50000xf32, #tpu.memory_space<vmem_shared>>) target(%arg22 : memref<1280xf32, #tpu.memory_space<vmem>>) offsets(%arg12 : memref<1280xi32, #tpu.memory_space<vmem>>) semaphore(%arg36 : memref<!tpu.dma_semaphore, #tpu.memory_space<semaphore_mem>>)
      %dma_start3A_186 = arith.constant 0 : i32
      %dma_start3A_187 = tpu.memref_slice %arg33[%dma_start3A_186] : memref<50000xf32, #tpu.memory_space<vmem_shared>> -> memref<50000xf32, #tpu.memory_space<vmem_shared>>
      tpu.enqueue_indirect_dma source(%dma_start3A_187 : memref<50000xf32, #tpu.memory_space<vmem_shared>>) target(%arg24 : memref<1280xf32, #tpu.memory_space<vmem>>) offsets(%arg12 : memref<1280xi32, #tpu.memory_space<vmem>>) semaphore(%arg36 : memref<!tpu.dma_semaphore, #tpu.memory_space<semaphore_mem>>)
      %dma_start3A_188 = arith.constant 0 : i32
      %dma_start3A_189 = tpu.memref_slice %arg34[%dma_start3A_188] : memref<50000xf32, #tpu.memory_space<vmem_shared>> -> memref<50000xf32, #tpu.memory_space<vmem_shared>>
      tpu.enqueue_indirect_dma source(%dma_start3A_189 : memref<50000xf32, #tpu.memory_space<vmem_shared>>) target(%arg26 : memref<1280xf32, #tpu.memory_space<vmem>>) offsets(%arg12 : memref<1280xi32, #tpu.memory_space<vmem>>) semaphore(%arg36 : memref<!tpu.dma_semaphore, #tpu.memory_space<semaphore_mem>>)
    } else {
    }
    %dma_wait3A = arith.constant 0 : i32
    %dma_wait3A_57 = tpu.memref_slice %arg29[%dma_wait3A] : memref<50000xf32, #tpu.memory_space<vmem_shared>> -> memref<50000xf32, #tpu.memory_space<vmem_shared>>
    tpu.wait_indirect_dma semaphore(%arg35 : memref<!tpu.dma_semaphore, #tpu.memory_space<semaphore_mem>>) src(%dma_wait3A_57 : memref<50000xf32, #tpu.memory_space<vmem_shared>>) dst(%arg15 : memref<1280xf32, #tpu.memory_space<vmem>>)
    %dma_wait3A_58 = arith.constant 0 : i32
    %dma_wait3A_59 = tpu.memref_slice %arg30[%dma_wait3A_58] : memref<50000xf32, #tpu.memory_space<vmem_shared>> -> memref<50000xf32, #tpu.memory_space<vmem_shared>>
    tpu.wait_indirect_dma semaphore(%arg35 : memref<!tpu.dma_semaphore, #tpu.memory_space<semaphore_mem>>) src(%dma_wait3A_59 : memref<50000xf32, #tpu.memory_space<vmem_shared>>) dst(%arg17 : memref<1280xf32, #tpu.memory_space<vmem>>)
    %dma_wait3A_60 = arith.constant 0 : i32
    %dma_wait3A_61 = tpu.memref_slice %arg31[%dma_wait3A_60] : memref<50000xf32, #tpu.memory_space<vmem_shared>> -> memref<50000xf32, #tpu.memory_space<vmem_shared>>
    tpu.wait_indirect_dma semaphore(%arg35 : memref<!tpu.dma_semaphore, #tpu.memory_space<semaphore_mem>>) src(%dma_wait3A_61 : memref<50000xf32, #tpu.memory_space<vmem_shared>>) dst(%arg19 : memref<1280xf32, #tpu.memory_space<vmem>>)
    %dma_wait3A_62 = arith.constant 0 : i32
    %dma_wait3A_63 = tpu.memref_slice %arg32[%dma_wait3A_62] : memref<50000xf32, #tpu.memory_space<vmem_shared>> -> memref<50000xf32, #tpu.memory_space<vmem_shared>>
    tpu.wait_indirect_dma semaphore(%arg35 : memref<!tpu.dma_semaphore, #tpu.memory_space<semaphore_mem>>) src(%dma_wait3A_63 : memref<50000xf32, #tpu.memory_space<vmem_shared>>) dst(%arg21 : memref<1280xf32, #tpu.memory_space<vmem>>)
    %dma_wait3A_64 = arith.constant 0 : i32
    %dma_wait3A_65 = tpu.memref_slice %arg33[%dma_wait3A_64] : memref<50000xf32, #tpu.memory_space<vmem_shared>> -> memref<50000xf32, #tpu.memory_space<vmem_shared>>
    tpu.wait_indirect_dma semaphore(%arg35 : memref<!tpu.dma_semaphore, #tpu.memory_space<semaphore_mem>>) src(%dma_wait3A_65 : memref<50000xf32, #tpu.memory_space<vmem_shared>>) dst(%arg23 : memref<1280xf32, #tpu.memory_space<vmem>>)
    %dma_wait3A_66 = arith.constant 0 : i32
    %dma_wait3A_67 = tpu.memref_slice %arg34[%dma_wait3A_66] : memref<50000xf32, #tpu.memory_space<vmem_shared>> -> memref<50000xf32, #tpu.memory_space<vmem_shared>>
    tpu.wait_indirect_dma semaphore(%arg35 : memref<!tpu.dma_semaphore, #tpu.memory_space<semaphore_mem>>) src(%dma_wait3A_67 : memref<50000xf32, #tpu.memory_space<vmem_shared>>) dst(%arg25 : memref<1280xf32, #tpu.memory_space<vmem>>)
    %add3A_68 = arith.constant 1152 : i32
    %add3A_69 = arith.addi %add3A, %add3A_68 : i32
    %mul3A_70 = arith.constant 10 : i32
    %mul3A_71 = arith.muli %add3A_69, %mul3A_70 : i32
    %mul3A_72 = arith.constant 1024 : i32
    %mul3A_73 = arith.muli %mul3A_71, %mul3A_72 : i32
    %add3A_74 = arith.constant 0 : i32
    %add3A_75 = arith.addi %add3A_74, %mul3A_73 : i32
    %dma_wait3A_76 = arith.constant 0 : i32
    %dma_wait3A_77 = tpu.memref_slice %arg27[%dma_wait3A_76] : memref<20480xf32, #tpu.memory_space<vmem>> -> memref<10240xf32, #tpu.memory_space<vmem>>
    %dma_wait3A_78 = tpu.memref_slice %arg10[%add3A_75] : memref<25600000xf32, #tpu.memory_space<hbm>> -> memref<10240xf32, #tpu.memory_space<hbm>>
    %dma_wait3A_79 = tpu.memref_slice %arg10[%add3A_75] : memref<25600000xf32, #tpu.memory_space<hbm>> -> memref<10240xf32, #tpu.memory_space<hbm>>
    %dma_wait3A_80 = arith.constant 0 : i32
    %dma_wait3A_81 = tpu.memref_slice %arg27[%dma_wait3A_80] : memref<20480xf32, #tpu.memory_space<vmem>> -> memref<10240xf32, #tpu.memory_space<vmem>>
    tpu.wait_dma2 semaphore(%arg37 : memref<!tpu.dma_semaphore, #tpu.memory_space<semaphore_mem>>) src(%dma_wait3A_81 : memref<10240xf32, #tpu.memory_space<vmem>>) dst(%dma_wait3A_79 : memref<10240xf32, #tpu.memory_space<hbm>>)
    %mul3A_82 = arith.constant 1024 : i32
    %mul3A_83 = arith.muli %mul3A_71, %mul3A_82 : i32
    %add3A_84 = arith.constant 12800000 : i32
    %add3A_85 = arith.addi %add3A_84, %mul3A_83 : i32
    %dma_wait3A_86 = arith.constant 10240 : i32
    %dma_wait3A_87 = tpu.memref_slice %arg27[%dma_wait3A_86] : memref<20480xf32, #tpu.memory_space<vmem>> -> memref<10240xf32, #tpu.memory_space<vmem>>
    %dma_wait3A_88 = tpu.memref_slice %arg10[%add3A_85] : memref<25600000xf32, #tpu.memory_space<hbm>> -> memref<10240xf32, #tpu.memory_space<hbm>>
    %dma_wait3A_89 = tpu.memref_slice %arg10[%add3A_85] : memref<25600000xf32, #tpu.memory_space<hbm>> -> memref<10240xf32, #tpu.memory_space<hbm>>
    %dma_wait3A_90 = arith.constant 10240 : i32
    %dma_wait3A_91 = tpu.memref_slice %arg27[%dma_wait3A_90] : memref<20480xf32, #tpu.memory_space<vmem>> -> memref<10240xf32, #tpu.memory_space<vmem>>
    tpu.wait_dma2 semaphore(%arg37 : memref<!tpu.dma_semaphore, #tpu.memory_space<semaphore_mem>>) src(%dma_wait3A_91 : memref<10240xf32, #tpu.memory_space<vmem>>) dst(%dma_wait3A_89 : memref<10240xf32, #tpu.memory_space<hbm>>)
    %scan3A_92 = arith.constant 0 : i32
    %scan3A_93 = arith.constant 0 : i32
    %scan3A_94 = arith.constant 40 : i32
    %scan3A_95 = arith.addi %scan3A_93, %scan3A_94 : i32
    %scan3A_96 = arith.constant 1 : i32
    %scan3A_97 = scf.for %scan3A_174 = %scan3A_93 to %scan3A_95 step %scan3A_96 iter_args(%scan3A_175 = %scan3A_92) -> (i32)  : i32 {
      %mul3A_176 = arith.constant 2 : i32
      %mul3A_177 = arith.muli %scan3A_174, %mul3A_176 : i32
      %add3A_178 = arith.constant 0 : i32
      %add3A_179 = arith.addi %mul3A_177, %add3A_178 : i32
      %mul3A_180 = arith.constant 16 : i32
      %mul3A_181 = arith.muli %add3A_179, %mul3A_180 : i32
      %get3A = arith.index_cast %mul3A_181 : i32 to index
      %get3A_182 = tpu.vector_load %arg15[%get3A] {strides = array<i32>} : memref<1280xf32, #tpu.memory_space<vmem>>, vector<16xf32>,
      %get3A_183 = arith.index_cast %mul3A_181 : i32 to index
      %get3A_184 = tpu.vector_load %arg21[%get3A_183] {strides = array<i32>} : memref<1280xf32, #tpu.memory_space<vmem>>, vector<16xf32>,
      %sub3A_185 = arith.subf %get3A_182, %get3A_184 : vector<16xf32>
      %get3A_186 = arith.index_cast %mul3A_181 : i32 to index
      %get3A_187 = tpu.vector_load %arg17[%get3A_186] {strides = array<i32>} : memref<1280xf32, #tpu.memory_space<vmem>>, vector<16xf32>,
      %get3A_188 = arith.index_cast %mul3A_181 : i32 to index
      %get3A_189 = tpu.vector_load %arg23[%get3A_188] {strides = array<i32>} : memref<1280xf32, #tpu.memory_space<vmem>>, vector<16xf32>,
      %sub3A_190 = arith.subf %get3A_187, %get3A_189 : vector<16xf32>
      %get3A_191 = arith.index_cast %mul3A_181 : i32 to index
      %get3A_192 = tpu.vector_load %arg19[%get3A_191] {strides = array<i32>} : memref<1280xf32, #tpu.memory_space<vmem>>, vector<16xf32>,
      %get3A_193 = arith.index_cast %mul3A_181 : i32 to index
      %get3A_194 = tpu.vector_load %arg25[%get3A_193] {strides = array<i32>} : memref<1280xf32, #tpu.memory_space<vmem>>, vector<16xf32>,
      %sub3A_195 = arith.subf %get3A_192, %get3A_194 : vector<16xf32>
      %mul3A_196 = arith.mulf %sub3A_185, %sub3A_185 : vector<16xf32>
      %mul3A_197 = arith.mulf %sub3A_190, %sub3A_190 : vector<16xf32>
      %add3A_198 = arith.addf %mul3A_196, %mul3A_197 : vector<16xf32>
      %mul3A_199 = arith.mulf %sub3A_195, %sub3A_195 : vector<16xf32>
      %add3A_200 = arith.addf %add3A_198, %mul3A_199 : vector<16xf32>
      %bitcast_convert_type3A = tpu.bitcast %add3A_200 : vector<16xf32> -> vector<16xi32>
      %broadcast_in_dim3A = arith.constant 1597463007 : i32
      %broadcast_in_dim3A_201 = vector.broadcast %broadcast_in_dim3A : i32 to vector<16xi32>
      %broadcast_in_dim3A_202 = arith.constant 1 : i32
      %broadcast_in_dim3A_203 = vector.broadcast %broadcast_in_dim3A_202 : i32 to vector<16xi32>
      %shift_right_arithmetic3A = arith.shrsi %bitcast_convert_type3A, %broadcast_in_dim3A_203 : vector<16xi32>
      %sub3A_204 = arith.subi %broadcast_in_dim3A_201, %shift_right_arithmetic3A : vector<16xi32>
      %bitcast_convert_type3A_205 = tpu.bitcast %sub3A_204 : vector<16xi32> -> vector<16xf32>
      %broadcast_in_dim3A_206 = arith.constant 5.000000e-01 : f32
      %broadcast_in_dim3A_207 = vector.broadcast %broadcast_in_dim3A_206 : f32 to vector<16xf32>
      %mul3A_208 = arith.mulf %broadcast_in_dim3A_207, %add3A_200 : vector<16xf32>
      %broadcast_in_dim3A_209 = arith.constant 1.500000e+00 : f32
      %broadcast_in_dim3A_210 = vector.broadcast %broadcast_in_dim3A_209 : f32 to vector<16xf32>
      %mul3A_211 = arith.mulf %mul3A_208, %bitcast_convert_type3A_205 : vector<16xf32>
      %mul3A_212 = arith.mulf %mul3A_211, %bitcast_convert_type3A_205 : vector<16xf32>
      %sub3A_213 = arith.subf %broadcast_in_dim3A_210, %mul3A_212 : vector<16xf32>
      %mul3A_214 = arith.mulf %bitcast_convert_type3A_205, %sub3A_213 : vector<16xf32>
      %mul3A_215 = arith.mulf %mul3A_208, %mul3A_214 : vector<16xf32>
      %mul3A_216 = arith.mulf %mul3A_215, %mul3A_214 : vector<16xf32>
      %sub3A_217 = arith.subf %broadcast_in_dim3A_210, %mul3A_216 : vector<16xf32>
      %mul3A_218 = arith.mulf %mul3A_214, %sub3A_217 : vector<16xf32>
      %mul3A_219 = arith.mulf %sub3A_185, %mul3A_218 : vector<16xf32>
      %mul3A_220 = arith.mulf %sub3A_190, %mul3A_218 : vector<16xf32>
      %mul3A_221 = arith.mulf %sub3A_195, %mul3A_218 : vector<16xf32>
      %mul3A_222 = arith.mulf %mul3A_219, %mul3A_219 : vector<16xf32>
      %mul3A_223 = arith.mulf %mul3A_220, %mul3A_220 : vector<16xf32>
      %mul3A_224 = arith.mulf %mul3A_221, %mul3A_221 : vector<16xf32>
      %mul3A_225 = arith.mulf %mul3A_219, %mul3A_220 : vector<16xf32>
      %broadcast_in_dim3A_226 = arith.constant 1.000000e+00 : f32
      %broadcast_in_dim3A_227 = vector.broadcast %broadcast_in_dim3A_226 : f32 to vector<16xf32>
      %broadcast_in_dim3A_228 = arith.constant 0.282094806 : f32
      %broadcast_in_dim3A_229 = vector.broadcast %broadcast_in_dim3A_228 : f32 to vector<16xf32>
      %broadcast_in_dim3A_230 = arith.constant -0.488602519 : f32
      %broadcast_in_dim3A_231 = vector.broadcast %broadcast_in_dim3A_230 : f32 to vector<16xf32>
      %mul3A_232 = arith.mulf %broadcast_in_dim3A_231, %mul3A_220 : vector<16xf32>
      %broadcast_in_dim3A_233 = arith.constant 0.488602519 : f32
      %broadcast_in_dim3A_234 = vector.broadcast %broadcast_in_dim3A_233 : f32 to vector<16xf32>
      %mul3A_235 = arith.mulf %broadcast_in_dim3A_234, %mul3A_221 : vector<16xf32>
      %broadcast_in_dim3A_236 = arith.constant -0.488602519 : f32
      %broadcast_in_dim3A_237 = vector.broadcast %broadcast_in_dim3A_236 : f32 to vector<16xf32>
      %mul3A_238 = arith.mulf %broadcast_in_dim3A_237, %mul3A_219 : vector<16xf32>
      %broadcast_in_dim3A_239 = arith.constant 1.09254849 : f32
      %broadcast_in_dim3A_240 = vector.broadcast %broadcast_in_dim3A_239 : f32 to vector<16xf32>
      %mul3A_241 = arith.mulf %broadcast_in_dim3A_240, %mul3A_225 : vector<16xf32>
      %broadcast_in_dim3A_242 = arith.constant -1.09254849 : f32
      %broadcast_in_dim3A_243 = vector.broadcast %broadcast_in_dim3A_242 : f32 to vector<16xf32>
      %mul3A_244 = arith.mulf %mul3A_220, %mul3A_221 : vector<16xf32>
      %mul3A_245 = arith.mulf %broadcast_in_dim3A_243, %mul3A_244 : vector<16xf32>
      %broadcast_in_dim3A_246 = arith.constant 0.31539157 : f32
      %broadcast_in_dim3A_247 = vector.broadcast %broadcast_in_dim3A_246 : f32 to vector<16xf32>
      %broadcast_in_dim3A_248 = arith.constant 3.000000e+00 : f32
      %broadcast_in_dim3A_249 = vector.broadcast %broadcast_in_dim3A_248 : f32 to vector<16xf32>
      %mul3A_250 = arith.mulf %broadcast_in_dim3A_249, %mul3A_224 : vector<16xf32>
      %sub3A_251 = arith.subf %mul3A_250, %broadcast_in_dim3A_227 : vector<16xf32>
      %mul3A_252 = arith.mulf %broadcast_in_dim3A_247, %sub3A_251 : vector<16xf32>
      %broadcast_in_dim3A_253 = arith.constant -1.09254849 : f32
      %broadcast_in_dim3A_254 = vector.broadcast %broadcast_in_dim3A_253 : f32 to vector<16xf32>
      %mul3A_255 = arith.mulf %mul3A_219, %mul3A_221 : vector<16xf32>
      %mul3A_256 = arith.mulf %broadcast_in_dim3A_254, %mul3A_255 : vector<16xf32>
      %broadcast_in_dim3A_257 = arith.constant 0.546274245 : f32
      %broadcast_in_dim3A_258 = vector.broadcast %broadcast_in_dim3A_257 : f32 to vector<16xf32>
      %sub3A_259 = arith.subf %mul3A_222, %mul3A_223 : vector<16xf32>
      %mul3A_260 = arith.mulf %broadcast_in_dim3A_258, %sub3A_259 : vector<16xf32>
      %broadcast_in_dim3A_261 = arith.constant -0.590043604 : f32
      %broadcast_in_dim3A_262 = vector.broadcast %broadcast_in_dim3A_261 : f32 to vector<16xf32>
      %mul3A_263 = arith.mulf %broadcast_in_dim3A_262, %mul3A_220 : vector<16xf32>
      %broadcast_in_dim3A_264 = arith.constant 3.000000e+00 : f32
      %broadcast_in_dim3A_265 = vector.broadcast %broadcast_in_dim3A_264 : f32 to vector<16xf32>
      %mul3A_266 = arith.mulf %broadcast_in_dim3A_265, %mul3A_222 : vector<16xf32>
      %sub3A_267 = arith.subf %mul3A_266, %mul3A_223 : vector<16xf32>
      %mul3A_268 = arith.mulf %mul3A_263, %sub3A_267 : vector<16xf32>
      %broadcast_in_dim3A_269 = arith.constant 2.89061141 : f32
      %broadcast_in_dim3A_270 = vector.broadcast %broadcast_in_dim3A_269 : f32 to vector<16xf32>
      %mul3A_271 = arith.mulf %broadcast_in_dim3A_270, %mul3A_225 : vector<16xf32>
      %mul3A_272 = arith.mulf %mul3A_271, %mul3A_221 : vector<16xf32>
      %broadcast_in_dim3A_273 = arith.constant -0.457045794 : f32
      %broadcast_in_dim3A_274 = vector.broadcast %broadcast_in_dim3A_273 : f32 to vector<16xf32>
      %mul3A_275 = arith.mulf %broadcast_in_dim3A_274, %mul3A_220 : vector<16xf32>
      %broadcast_in_dim3A_276 = arith.constant 5.000000e+00 : f32
      %broadcast_in_dim3A_277 = vector.broadcast %broadcast_in_dim3A_276 : f32 to vector<16xf32>
      %mul3A_278 = arith.mulf %broadcast_in_dim3A_277, %mul3A_224 : vector<16xf32>
      %sub3A_279 = arith.subf %mul3A_278, %broadcast_in_dim3A_227 : vector<16xf32>
      %mul3A_280 = arith.mulf %mul3A_275, %sub3A_279 : vector<16xf32>
      %broadcast_in_dim3A_281 = arith.constant 0.373176336 : f32
      %broadcast_in_dim3A_282 = vector.broadcast %broadcast_in_dim3A_281 : f32 to vector<16xf32>
      %mul3A_283 = arith.mulf %broadcast_in_dim3A_282, %mul3A_221 : vector<16xf32>
      %broadcast_in_dim3A_284 = arith.constant 5.000000e+00 : f32
      %broadcast_in_dim3A_285 = vector.broadcast %broadcast_in_dim3A_284 : f32 to vector<16xf32>
      %mul3A_286 = arith.mulf %broadcast_in_dim3A_285, %mul3A_224 : vector<16xf32>
      %broadcast_in_dim3A_287 = arith.constant 3.000000e+00 : f32
      %broadcast_in_dim3A_288 = vector.broadcast %broadcast_in_dim3A_287 : f32 to vector<16xf32>
      %sub3A_289 = arith.subf %mul3A_286, %broadcast_in_dim3A_288 : vector<16xf32>
      %mul3A_290 = arith.mulf %mul3A_283, %sub3A_289 : vector<16xf32>
      %broadcast_in_dim3A_291 = arith.constant -0.457045794 : f32
      %broadcast_in_dim3A_292 = vector.broadcast %broadcast_in_dim3A_291 : f32 to vector<16xf32>
      %mul3A_293 = arith.mulf %broadcast_in_dim3A_292, %mul3A_219 : vector<16xf32>
      %broadcast_in_dim3A_294 = arith.constant 5.000000e+00 : f32
      %broadcast_in_dim3A_295 = vector.broadcast %broadcast_in_dim3A_294 : f32 to vector<16xf32>
      %mul3A_296 = arith.mulf %broadcast_in_dim3A_295, %mul3A_224 : vector<16xf32>
      %sub3A_297 = arith.subf %mul3A_296, %broadcast_in_dim3A_227 : vector<16xf32>
      %mul3A_298 = arith.mulf %mul3A_293, %sub3A_297 : vector<16xf32>
      %broadcast_in_dim3A_299 = arith.constant 1.44530571 : f32
      %broadcast_in_dim3A_300 = vector.broadcast %broadcast_in_dim3A_299 : f32 to vector<16xf32>
      %mul3A_301 = arith.mulf %broadcast_in_dim3A_300, %mul3A_221 : vector<16xf32>
      %sub3A_302 = arith.subf %mul3A_222, %mul3A_223 : vector<16xf32>
      %mul3A_303 = arith.mulf %mul3A_301, %sub3A_302 : vector<16xf32>
      %broadcast_in_dim3A_304 = arith.constant -0.590043604 : f32
      %broadcast_in_dim3A_305 = vector.broadcast %broadcast_in_dim3A_304 : f32 to vector<16xf32>
      %mul3A_306 = arith.mulf %broadcast_in_dim3A_305, %mul3A_219 : vector<16xf32>
      %broadcast_in_dim3A_307 = arith.constant 3.000000e+00 : f32
      %broadcast_in_dim3A_308 = vector.broadcast %broadcast_in_dim3A_307 : f32 to vector<16xf32>
      %mul3A_309 = arith.mulf %broadcast_in_dim3A_308, %mul3A_223 : vector<16xf32>
      %sub3A_310 = arith.subf %mul3A_222, %mul3A_309 : vector<16xf32>
      %mul3A_311 = arith.mulf %mul3A_306, %sub3A_310 : vector<16xf32>
      %jit3A_312 = arith.constant 8 : i32
      %div3A_313 = arith.divsi %add3A_179, %jit3A_312 : i32
      %sign3A_314 = arith.constant 0 : i32
      %sign3A_315 = arith.cmpi sgt, %add3A_179, %sign3A_314 : i32
      %sign3A_316 = arith.extui %sign3A_315 : i1 to i32
      %sign3A_317 = arith.constant 0 : i32
      %sign3A_318 = arith.cmpi slt, %add3A_179, %sign3A_317 : i32
      %sign3A_319 = arith.extui %sign3A_318 : i1 to i32
      %sign3A_320 = arith.subi %sign3A_316, %sign3A_319 : i32
      %sign3A_321 = arith.constant 0 : i32
      %sign3A_322 = arith.cmpi sgt, %jit3A_312, %sign3A_321 : i32
      %sign3A_323 = arith.extui %sign3A_322 : i1 to i32
      %sign3A_324 = arith.constant 0 : i32
      %sign3A_325 = arith.cmpi slt, %jit3A_312, %sign3A_324 : i32
      %sign3A_326 = arith.extui %sign3A_325 : i1 to i32
      %sign3A_327 = arith.subi %sign3A_323, %sign3A_326 : i32
      %ne3A_328 = arith.cmpi ne, %sign3A_320, %sign3A_327 : i32
      %rem3A_329 = arith.remsi %add3A_179, %jit3A_312 : i32
      %ne3A_330 = arith.constant 0 : i32
      %ne3A_331 = arith.cmpi ne, %rem3A_329, %ne3A_330 : i32
      %and3A_332 = arith.andi %ne3A_328, %ne3A_331 : i1
      %sub3A_333 = arith.constant 1 : i32
      %sub3A_334 = arith.subi %div3A_313, %sub3A_333 : i32
      %select_n3A_335 = arith.select %and3A_332, %sub3A_334, %div3A_313 : i32
      %mul3A_336 = arith.constant 1024 : i32
      %mul3A_337 = arith.muli %select_n3A_335, %mul3A_336 : i32
      %jit3A_338 = arith.constant 8 : i32
      %eq3A = arith.constant 0 : i32
      %eq3A_339 = arith.cmpi eq, %jit3A_338, %eq3A : i32
      %jit3A_340 = arith.constant 1 : i32
      %select_n3A_341 = arith.select %eq3A_339, %jit3A_340, %jit3A_338 : i32
      %rem3A_342 = arith.remsi %add3A_179, %select_n3A_341 : i32
      %ne3A_343 = arith.constant 0 : i32
      %ne3A_344 = arith.cmpi ne, %rem3A_342, %ne3A_343 : i32
      %lt3A_345 = arith.constant 0 : i32
      %lt3A_346 = arith.cmpi slt, %rem3A_342, %lt3A_345 : i32
      %lt3A_347 = arith.constant 0 : i32
      %lt3A_348 = arith.cmpi slt, %select_n3A_341, %lt3A_347 : i32
      %ne3A_349 = arith.xori %lt3A_346, %lt3A_348 : i1
      %and3A_350 = arith.andi %ne3A_349, %ne3A_344 : i1
      %add3A_351 = arith.addi %rem3A_342, %select_n3A_341 : i32
      %select_n3A_352 = arith.select %and3A_350, %add3A_351, %rem3A_342 : i32
      %mul3A_353 = arith.constant 16 : i32
      %mul3A_354 = arith.muli %select_n3A_352, %mul3A_353 : i32
      %add3A_355 = arith.addi %mul3A_337, %mul3A_354 : i32
      %add3A_356 = arith.constant 0 : i32
      %add3A_357 = arith.addi %add3A_355, %add3A_356 : i32
      %swap3A = arith.index_cast %add3A_357 : i32 to index
      %swap3A_358 = tpu.vector_load %arg27[%swap3A] {strides = array<i32>} : memref<20480xf32, #tpu.memory_space<vmem>>, vector<16xf32>,
      tpu.vector_store %arg27[%swap3A], %broadcast_in_dim3A_229 {strides = array<i32>} : memref<20480xf32, #tpu.memory_space<vmem>>, vector<16xf32>,
      %add3A_359 = arith.constant 128 : i32
      %add3A_360 = arith.addi %add3A_355, %add3A_359 : i32
      %swap3A_361 = arith.index_cast %add3A_360 : i32 to index
      %swap3A_362 = tpu.vector_load %arg27[%swap3A_361] {strides = array<i32>} : memref<20480xf32, #tpu.memory_space<vmem>>, vector<16xf32>,
      tpu.vector_store %arg27[%swap3A_361], %mul3A_232 {strides = array<i32>} : memref<20480xf32, #tpu.memory_space<vmem>>, vector<16xf32>,
      %add3A_363 = arith.constant 256 : i32
      %add3A_364 = arith.addi %add3A_355, %add3A_363 : i32
      %swap3A_365 = arith.index_cast %add3A_364 : i32 to index
      %swap3A_366 = tpu.vector_load %arg27[%swap3A_365] {strides = array<i32>} : memref<20480xf32, #tpu.memory_space<vmem>>, vector<16xf32>,
      tpu.vector_store %arg27[%swap3A_365], %mul3A_235 {strides = array<i32>} : memref<20480xf32, #tpu.memory_space<vmem>>, vector<16xf32>,
      %add3A_367 = arith.constant 384 : i32
      %add3A_368 = arith.addi %add3A_355, %add3A_367 : i32
      %swap3A_369 = arith.index_cast %add3A_368 : i32 to index
      %swap3A_370 = tpu.vector_load %arg27[%swap3A_369] {strides = array<i32>} : memref<20480xf32, #tpu.memory_space<vmem>>, vector<16xf32>,
      tpu.vector_store %arg27[%swap3A_369], %mul3A_238 {strides = array<i32>} : memref<20480xf32, #tpu.memory_space<vmem>>, vector<16xf32>,
      %add3A_371 = arith.constant 512 : i32
      %add3A_372 = arith.addi %add3A_355, %add3A_371 : i32
      %swap3A_373 = arith.index_cast %add3A_372 : i32 to index
      %swap3A_374 = tpu.vector_load %arg27[%swap3A_373] {strides = array<i32>} : memref<20480xf32, #tpu.memory_space<vmem>>, vector<16xf32>,
      tpu.vector_store %arg27[%swap3A_373], %mul3A_241 {strides = array<i32>} : memref<20480xf32, #tpu.memory_space<vmem>>, vector<16xf32>,
      %add3A_375 = arith.constant 640 : i32
      %add3A_376 = arith.addi %add3A_355, %add3A_375 : i32
      %swap3A_377 = arith.index_cast %add3A_376 : i32 to index
      %swap3A_378 = tpu.vector_load %arg27[%swap3A_377] {strides = array<i32>} : memref<20480xf32, #tpu.memory_space<vmem>>, vector<16xf32>,
      tpu.vector_store %arg27[%swap3A_377], %mul3A_245 {strides = array<i32>} : memref<20480xf32, #tpu.memory_space<vmem>>, vector<16xf32>,
      %add3A_379 = arith.constant 768 : i32
      %add3A_380 = arith.addi %add3A_355, %add3A_379 : i32
      %swap3A_381 = arith.index_cast %add3A_380 : i32 to index
      %swap3A_382 = tpu.vector_load %arg27[%swap3A_381] {strides = array<i32>} : memref<20480xf32, #tpu.memory_space<vmem>>, vector<16xf32>,
      tpu.vector_store %arg27[%swap3A_381], %mul3A_252 {strides = array<i32>} : memref<20480xf32, #tpu.memory_space<vmem>>, vector<16xf32>,
      %add3A_383 = arith.constant 896 : i32
      %add3A_384 = arith.addi %add3A_355, %add3A_383 : i32
      %swap3A_385 = arith.index_cast %add3A_384 : i32 to index
      %swap3A_386 = tpu.vector_load %arg27[%swap3A_385] {strides = array<i32>} : memref<20480xf32, #tpu.memory_space<vmem>>, vector<16xf32>,
      tpu.vector_store %arg27[%swap3A_385], %mul3A_256 {strides = array<i32>} : memref<20480xf32, #tpu.memory_space<vmem>>, vector<16xf32>,
      %add3A_387 = arith.constant 10240 : i32
      %add3A_388 = arith.addi %add3A_355, %add3A_387 : i32
      %swap3A_389 = arith.index_cast %add3A_388 : i32 to index
      %swap3A_390 = tpu.vector_load %arg27[%swap3A_389] {strides = array<i32>} : memref<20480xf32, #tpu.memory_space<vmem>>, vector<16xf32>,
      tpu.vector_store %arg27[%swap3A_389], %mul3A_260 {strides = array<i32>} : memref<20480xf32, #tpu.memory_space<vmem>>, vector<16xf32>,
      %add3A_391 = arith.constant 10368 : i32
      %add3A_392 = arith.addi %add3A_355, %add3A_391 : i32
      %swap3A_393 = arith.index_cast %add3A_392 : i32 to index
      %swap3A_394 = tpu.vector_load %arg27[%swap3A_393] {strides = array<i32>} : memref<20480xf32, #tpu.memory_space<vmem>>, vector<16xf32>,
      tpu.vector_store %arg27[%swap3A_393], %mul3A_268 {strides = array<i32>} : memref<20480xf32, #tpu.memory_space<vmem>>, vector<16xf32>,
      %add3A_395 = arith.constant 10496 : i32
      %add3A_396 = arith.addi %add3A_355, %add3A_395 : i32
      %swap3A_397 = arith.index_cast %add3A_396 : i32 to index
      %swap3A_398 = tpu.vector_load %arg27[%swap3A_397] {strides = array<i32>} : memref<20480xf32, #tpu.memory_space<vmem>>, vector<16xf32>,
      tpu.vector_store %arg27[%swap3A_397], %mul3A_272 {strides = array<i32>} : memref<20480xf32, #tpu.memory_space<vmem>>, vector<16xf32>,
      %add3A_399 = arith.constant 10624 : i32
      %add3A_400 = arith.addi %add3A_355, %add3A_399 : i32
      %swap3A_401 = arith.index_cast %add3A_400 : i32 to index
      %swap3A_402 = tpu.vector_load %arg27[%swap3A_401] {strides = array<i32>} : memref<20480xf32, #tpu.memory_space<vmem>>, vector<16xf32>,
      tpu.vector_store %arg27[%swap3A_401], %mul3A_280 {strides = array<i32>} : memref<20480xf32, #tpu.memory_space<vmem>>, vector<16xf32>,
      %add3A_403 = arith.constant 10752 : i32
      %add3A_404 = arith.addi %add3A_355, %add3A_403 : i32
      %swap3A_405 = arith.index_cast %add3A_404 : i32 to index
      %swap3A_406 = tpu.vector_load %arg27[%swap3A_405] {strides = array<i32>} : memref<20480xf32, #tpu.memory_space<vmem>>, vector<16xf32>,
      tpu.vector_store %arg27[%swap3A_405], %mul3A_290 {strides = array<i32>} : memref<20480xf32, #tpu.memory_space<vmem>>, vector<16xf32>,
      %add3A_407 = arith.constant 10880 : i32
      %add3A_408 = arith.addi %add3A_355, %add3A_407 : i32
      %swap3A_409 = arith.index_cast %add3A_408 : i32 to index
      %swap3A_410 = tpu.vector_load %arg27[%swap3A_409] {strides = array<i32>} : memref<20480xf32, #tpu.memory_space<vmem>>, vector<16xf32>,
      tpu.vector_store %arg27[%swap3A_409], %mul3A_298 {strides = array<i32>} : memref<20480xf32, #tpu.memory_space<vmem>>, vector<16xf32>,
      %add3A_411 = arith.constant 11008 : i32
      %add3A_412 = arith.addi %add3A_355, %add3A_411 : i32
      %swap3A_413 = arith.index_cast %add3A_412 : i32 to index
      %swap3A_414 = tpu.vector_load %arg27[%swap3A_413] {strides = array<i32>} : memref<20480xf32, #tpu.memory_space<vmem>>, vector<16xf32>,
      tpu.vector_store %arg27[%swap3A_413], %mul3A_303 {strides = array<i32>} : memref<20480xf32, #tpu.memory_space<vmem>>, vector<16xf32>,
      %add3A_415 = arith.constant 11136 : i32
      %add3A_416 = arith.addi %add3A_355, %add3A_415 : i32
      %swap3A_417 = arith.index_cast %add3A_416 : i32 to index
      %swap3A_418 = tpu.vector_load %arg27[%swap3A_417] {strides = array<i32>} : memref<20480xf32, #tpu.memory_space<vmem>>, vector<16xf32>,
      tpu.vector_store %arg27[%swap3A_417], %mul3A_311 {strides = array<i32>} : memref<20480xf32, #tpu.memory_space<vmem>>, vector<16xf32>,
      %mul3A_419 = arith.constant 2 : i32
      %mul3A_420 = arith.muli %scan3A_174, %mul3A_419 : i32
      %add3A_421 = arith.constant 1 : i32
      %add3A_422 = arith.addi %mul3A_420, %add3A_421 : i32
      %mul3A_423 = arith.constant 16 : i32
      %mul3A_424 = arith.muli %add3A_422, %mul3A_423 : i32
      %get3A_425 = arith.index_cast %mul3A_424 : i32 to index
      %get3A_426 = tpu.vector_load %arg15[%get3A_425] {strides = array<i32>} : memref<1280xf32, #tpu.memory_space<vmem>>, vector<16xf32>,
      %get3A_427 = arith.index_cast %mul3A_424 : i32 to index
      %get3A_428 = tpu.vector_load %arg21[%get3A_427] {strides = array<i32>} : memref<1280xf32, #tpu.memory_space<vmem>>, vector<16xf32>,
      %sub3A_429 = arith.subf %get3A_426, %get3A_428 : vector<16xf32>
      %get3A_430 = arith.index_cast %mul3A_424 : i32 to index
      %get3A_431 = tpu.vector_load %arg17[%get3A_430] {strides = array<i32>} : memref<1280xf32, #tpu.memory_space<vmem>>, vector<16xf32>,
      %get3A_432 = arith.index_cast %mul3A_424 : i32 to index
      %get3A_433 = tpu.vector_load %arg23[%get3A_432] {strides = array<i32>} : memref<1280xf32, #tpu.memory_space<vmem>>, vector<16xf32>,
      %sub3A_434 = arith.subf %get3A_431, %get3A_433 : vector<16xf32>
      %get3A_435 = arith.index_cast %mul3A_424 : i32 to index
      %get3A_436 = tpu.vector_load %arg19[%get3A_435] {strides = array<i32>} : memref<1280xf32, #tpu.memory_space<vmem>>, vector<16xf32>,
      %get3A_437 = arith.index_cast %mul3A_424 : i32 to index
      %get3A_438 = tpu.vector_load %arg25[%get3A_437] {strides = array<i32>} : memref<1280xf32, #tpu.memory_space<vmem>>, vector<16xf32>,
      %sub3A_439 = arith.subf %get3A_436, %get3A_438 : vector<16xf32>
      %mul3A_440 = arith.mulf %sub3A_429, %sub3A_429 : vector<16xf32>
      %mul3A_441 = arith.mulf %sub3A_434, %sub3A_434 : vector<16xf32>
      %add3A_442 = arith.addf %mul3A_440, %mul3A_441 : vector<16xf32>
      %mul3A_443 = arith.mulf %sub3A_439, %sub3A_439 : vector<16xf32>
      %add3A_444 = arith.addf %add3A_442, %mul3A_443 : vector<16xf32>
      %bitcast_convert_type3A_445 = tpu.bitcast %add3A_444 : vector<16xf32> -> vector<16xi32>
      %broadcast_in_dim3A_446 = arith.constant 1597463007 : i32
      %broadcast_in_dim3A_447 = vector.broadcast %broadcast_in_dim3A_446 : i32 to vector<16xi32>
      %broadcast_in_dim3A_448 = arith.constant 1 : i32
      %broadcast_in_dim3A_449 = vector.broadcast %broadcast_in_dim3A_448 : i32 to vector<16xi32>
      %shift_right_arithmetic3A_450 = arith.shrsi %bitcast_convert_type3A_445, %broadcast_in_dim3A_449 : vector<16xi32>
      %sub3A_451 = arith.subi %broadcast_in_dim3A_447, %shift_right_arithmetic3A_450 : vector<16xi32>
      %bitcast_convert_type3A_452 = tpu.bitcast %sub3A_451 : vector<16xi32> -> vector<16xf32>
      %broadcast_in_dim3A_453 = arith.constant 5.000000e-01 : f32
      %broadcast_in_dim3A_454 = vector.broadcast %broadcast_in_dim3A_453 : f32 to vector<16xf32>
      %mul3A_455 = arith.mulf %broadcast_in_dim3A_454, %add3A_444 : vector<16xf32>
      %broadcast_in_dim3A_456 = arith.constant 1.500000e+00 : f32
      %broadcast_in_dim3A_457 = vector.broadcast %broadcast_in_dim3A_456 : f32 to vector<16xf32>
      %mul3A_458 = arith.mulf %mul3A_455, %bitcast_convert_type3A_452 : vector<16xf32>
      %mul3A_459 = arith.mulf %mul3A_458, %bitcast_convert_type3A_452 : vector<16xf32>
      %sub3A_460 = arith.subf %broadcast_in_dim3A_457, %mul3A_459 : vector<16xf32>
      %mul3A_461 = arith.mulf %bitcast_convert_type3A_452, %sub3A_460 : vector<16xf32>
      %mul3A_462 = arith.mulf %mul3A_455, %mul3A_461 : vector<16xf32>
      %mul3A_463 = arith.mulf %mul3A_462, %mul3A_461 : vector<16xf32>
      %sub3A_464 = arith.subf %broadcast_in_dim3A_457, %mul3A_463 : vector<16xf32>
      %mul3A_465 = arith.mulf %mul3A_461, %sub3A_464 : vector<16xf32>
      %mul3A_466 = arith.mulf %sub3A_429, %mul3A_465 : vector<16xf32>
      %mul3A_467 = arith.mulf %sub3A_434, %mul3A_465 : vector<16xf32>
      %mul3A_468 = arith.mulf %sub3A_439, %mul3A_465 : vector<16xf32>
      %mul3A_469 = arith.mulf %mul3A_466, %mul3A_466 : vector<16xf32>
      %mul3A_470 = arith.mulf %mul3A_467, %mul3A_467 : vector<16xf32>
      %mul3A_471 = arith.mulf %mul3A_468, %mul3A_468 : vector<16xf32>
      %mul3A_472 = arith.mulf %mul3A_466, %mul3A_467 : vector<16xf32>
      %broadcast_in_dim3A_473 = arith.constant 1.000000e+00 : f32
      %broadcast_in_dim3A_474 = vector.broadcast %broadcast_in_dim3A_473 : f32 to vector<16xf32>
      %broadcast_in_dim3A_475 = arith.constant 0.282094806 : f32
      %broadcast_in_dim3A_476 = vector.broadcast %broadcast_in_dim3A_475 : f32 to vector<16xf32>
      %broadcast_in_dim3A_477 = arith.constant -0.488602519 : f32
      %broadcast_in_dim3A_478 = vector.broadcast %broadcast_in_dim3A_477 : f32 to vector<16xf32>
      %mul3A_479 = arith.mulf %broadcast_in_dim3A_478, %mul3A_467 : vector<16xf32>
      %broadcast_in_dim3A_480 = arith.constant 0.488602519 : f32
      %broadcast_in_dim3A_481 = vector.broadcast %broadcast_in_dim3A_480 : f32 to vector<16xf32>
      %mul3A_482 = arith.mulf %broadcast_in_dim3A_481, %mul3A_468 : vector<16xf32>
      %broadcast_in_dim3A_483 = arith.constant -0.488602519 : f32
      %broadcast_in_dim3A_484 = vector.broadcast %broadcast_in_dim3A_483 : f32 to vector<16xf32>
      %mul3A_485 = arith.mulf %broadcast_in_dim3A_484, %mul3A_466 : vector<16xf32>
      %broadcast_in_dim3A_486 = arith.constant 1.09254849 : f32
      %broadcast_in_dim3A_487 = vector.broadcast %broadcast_in_dim3A_486 : f32 to vector<16xf32>
      %mul3A_488 = arith.mulf %broadcast_in_dim3A_487, %mul3A_472 : vector<16xf32>
      %broadcast_in_dim3A_489 = arith.constant -1.09254849 : f32
      %broadcast_in_dim3A_490 = vector.broadcast %broadcast_in_dim3A_489 : f32 to vector<16xf32>
      %mul3A_491 = arith.mulf %mul3A_467, %mul3A_468 : vector<16xf32>
      %mul3A_492 = arith.mulf %broadcast_in_dim3A_490, %mul3A_491 : vector<16xf32>
      %broadcast_in_dim3A_493 = arith.constant 0.31539157 : f32
      %broadcast_in_dim3A_494 = vector.broadcast %broadcast_in_dim3A_493 : f32 to vector<16xf32>
      %broadcast_in_dim3A_495 = arith.constant 3.000000e+00 : f32
      %broadcast_in_dim3A_496 = vector.broadcast %broadcast_in_dim3A_495 : f32 to vector<16xf32>
      %mul3A_497 = arith.mulf %broadcast_in_dim3A_496, %mul3A_471 : vector<16xf32>
      %sub3A_498 = arith.subf %mul3A_497, %broadcast_in_dim3A_474 : vector<16xf32>
      %mul3A_499 = arith.mulf %broadcast_in_dim3A_494, %sub3A_498 : vector<16xf32>
      %broadcast_in_dim3A_500 = arith.constant -1.09254849 : f32
      %broadcast_in_dim3A_501 = vector.broadcast %broadcast_in_dim3A_500 : f32 to vector<16xf32>
      %mul3A_502 = arith.mulf %mul3A_466, %mul3A_468 : vector<16xf32>
      %mul3A_503 = arith.mulf %broadcast_in_dim3A_501, %mul3A_502 : vector<16xf32>
      %broadcast_in_dim3A_504 = arith.constant 0.546274245 : f32
      %broadcast_in_dim3A_505 = vector.broadcast %broadcast_in_dim3A_504 : f32 to vector<16xf32>
      %sub3A_506 = arith.subf %mul3A_469, %mul3A_470 : vector<16xf32>
      %mul3A_507 = arith.mulf %broadcast_in_dim3A_505, %sub3A_506 : vector<16xf32>
      %broadcast_in_dim3A_508 = arith.constant -0.590043604 : f32
      %broadcast_in_dim3A_509 = vector.broadcast %broadcast_in_dim3A_508 : f32 to vector<16xf32>
      %mul3A_510 = arith.mulf %broadcast_in_dim3A_509, %mul3A_467 : vector<16xf32>
      %broadcast_in_dim3A_511 = arith.constant 3.000000e+00 : f32
      %broadcast_in_dim3A_512 = vector.broadcast %broadcast_in_dim3A_511 : f32 to vector<16xf32>
      %mul3A_513 = arith.mulf %broadcast_in_dim3A_512, %mul3A_469 : vector<16xf32>
      %sub3A_514 = arith.subf %mul3A_513, %mul3A_470 : vector<16xf32>
      %mul3A_515 = arith.mulf %mul3A_510, %sub3A_514 : vector<16xf32>
      %broadcast_in_dim3A_516 = arith.constant 2.89061141 : f32
      %broadcast_in_dim3A_517 = vector.broadcast %broadcast_in_dim3A_516 : f32 to vector<16xf32>
      %mul3A_518 = arith.mulf %broadcast_in_dim3A_517, %mul3A_472 : vector<16xf32>
      %mul3A_519 = arith.mulf %mul3A_518, %mul3A_468 : vector<16xf32>
      %broadcast_in_dim3A_520 = arith.constant -0.457045794 : f32
      %broadcast_in_dim3A_521 = vector.broadcast %broadcast_in_dim3A_520 : f32 to vector<16xf32>
      %mul3A_522 = arith.mulf %broadcast_in_dim3A_521, %mul3A_467 : vector<16xf32>
      %broadcast_in_dim3A_523 = arith.constant 5.000000e+00 : f32
      %broadcast_in_dim3A_524 = vector.broadcast %broadcast_in_dim3A_523 : f32 to vector<16xf32>
      %mul3A_525 = arith.mulf %broadcast_in_dim3A_524, %mul3A_471 : vector<16xf32>
      %sub3A_526 = arith.subf %mul3A_525, %broadcast_in_dim3A_474 : vector<16xf32>
      %mul3A_527 = arith.mulf %mul3A_522, %sub3A_526 : vector<16xf32>
      %broadcast_in_dim3A_528 = arith.constant 0.373176336 : f32
      %broadcast_in_dim3A_529 = vector.broadcast %broadcast_in_dim3A_528 : f32 to vector<16xf32>
      %mul3A_530 = arith.mulf %broadcast_in_dim3A_529, %mul3A_468 : vector<16xf32>
      %broadcast_in_dim3A_531 = arith.constant 5.000000e+00 : f32
      %broadcast_in_dim3A_532 = vector.broadcast %broadcast_in_dim3A_531 : f32 to vector<16xf32>
      %mul3A_533 = arith.mulf %broadcast_in_dim3A_532, %mul3A_471 : vector<16xf32>
      %broadcast_in_dim3A_534 = arith.constant 3.000000e+00 : f32
      %broadcast_in_dim3A_535 = vector.broadcast %broadcast_in_dim3A_534 : f32 to vector<16xf32>
      %sub3A_536 = arith.subf %mul3A_533, %broadcast_in_dim3A_535 : vector<16xf32>
      %mul3A_537 = arith.mulf %mul3A_530, %sub3A_536 : vector<16xf32>
      %broadcast_in_dim3A_538 = arith.constant -0.457045794 : f32
      %broadcast_in_dim3A_539 = vector.broadcast %broadcast_in_dim3A_538 : f32 to vector<16xf32>
      %mul3A_540 = arith.mulf %broadcast_in_dim3A_539, %mul3A_466 : vector<16xf32>
      %broadcast_in_dim3A_541 = arith.constant 5.000000e+00 : f32
      %broadcast_in_dim3A_542 = vector.broadcast %broadcast_in_dim3A_541 : f32 to vector<16xf32>
      %mul3A_543 = arith.mulf %broadcast_in_dim3A_542, %mul3A_471 : vector<16xf32>
      %sub3A_544 = arith.subf %mul3A_543, %broadcast_in_dim3A_474 : vector<16xf32>
      %mul3A_545 = arith.mulf %mul3A_540, %sub3A_544 : vector<16xf32>
      %broadcast_in_dim3A_546 = arith.constant 1.44530571 : f32
      %broadcast_in_dim3A_547 = vector.broadcast %broadcast_in_dim3A_546 : f32 to vector<16xf32>
      %mul3A_548 = arith.mulf %broadcast_in_dim3A_547, %mul3A_468 : vector<16xf32>
      %sub3A_549 = arith.subf %mul3A_469, %mul3A_470 : vector<16xf32>
      %mul3A_550 = arith.mulf %mul3A_548, %sub3A_549 : vector<16xf32>
      %broadcast_in_dim3A_551 = arith.constant -0.590043604 : f32
      %broadcast_in_dim3A_552 = vector.broadcast %broadcast_in_dim3A_551 : f32 to vector<16xf32>
      %mul3A_553 = arith.mulf %broadcast_in_dim3A_552, %mul3A_466 : vector<16xf32>
      %broadcast_in_dim3A_554 = arith.constant 3.000000e+00 : f32
      %broadcast_in_dim3A_555 = vector.broadcast %broadcast_in_dim3A_554 : f32 to vector<16xf32>
      %mul3A_556 = arith.mulf %broadcast_in_dim3A_555, %mul3A_470 : vector<16xf32>
      %sub3A_557 = arith.subf %mul3A_469, %mul3A_556 : vector<16xf32>
      %mul3A_558 = arith.mulf %mul3A_553, %sub3A_557 : vector<16xf32>
      %jit3A_559 = arith.constant 8 : i32
      %div3A_560 = arith.divsi %add3A_422, %jit3A_559 : i32
      %sign3A_561 = arith.constant 0 : i32
      %sign3A_562 = arith.cmpi sgt, %add3A_422, %sign3A_561 : i32
      %sign3A_563 = arith.extui %sign3A_562 : i1 to i32
      %sign3A_564 = arith.constant 0 : i32
      %sign3A_565 = arith.cmpi slt, %add3A_422, %sign3A_564 : i32
      %sign3A_566 = arith.extui %sign3A_565 : i1 to i32
      %sign3A_567 = arith.subi %sign3A_563, %sign3A_566 : i32
      %sign3A_568 = arith.constant 0 : i32
      %sign3A_569 = arith.cmpi sgt, %jit3A_559, %sign3A_568 : i32
      %sign3A_570 = arith.extui %sign3A_569 : i1 to i32
      %sign3A_571 = arith.constant 0 : i32
      %sign3A_572 = arith.cmpi slt, %jit3A_559, %sign3A_571 : i32
      %sign3A_573 = arith.extui %sign3A_572 : i1 to i32
      %sign3A_574 = arith.subi %sign3A_570, %sign3A_573 : i32
      %ne3A_575 = arith.cmpi ne, %sign3A_567, %sign3A_574 : i32
      %rem3A_576 = arith.remsi %add3A_422, %jit3A_559 : i32
      %ne3A_577 = arith.constant 0 : i32
      %ne3A_578 = arith.cmpi ne, %rem3A_576, %ne3A_577 : i32
      %and3A_579 = arith.andi %ne3A_575, %ne3A_578 : i1
      %sub3A_580 = arith.constant 1 : i32
      %sub3A_581 = arith.subi %div3A_560, %sub3A_580 : i32
      %select_n3A_582 = arith.select %and3A_579, %sub3A_581, %div3A_560 : i32
      %mul3A_583 = arith.constant 1024 : i32
      %mul3A_584 = arith.muli %select_n3A_582, %mul3A_583 : i32
      %jit3A_585 = arith.constant 8 : i32
      %eq3A_586 = arith.constant 0 : i32
      %eq3A_587 = arith.cmpi eq, %jit3A_585, %eq3A_586 : i32
      %jit3A_588 = arith.constant 1 : i32
      %select_n3A_589 = arith.select %eq3A_587, %jit3A_588, %jit3A_585 : i32
      %rem3A_590 = arith.remsi %add3A_422, %select_n3A_589 : i32
      %ne3A_591 = arith.constant 0 : i32
      %ne3A_592 = arith.cmpi ne, %rem3A_590, %ne3A_591 : i32
      %lt3A_593 = arith.constant 0 : i32
      %lt3A_594 = arith.cmpi slt, %rem3A_590, %lt3A_593 : i32
      %lt3A_595 = arith.constant 0 : i32
      %lt3A_596 = arith.cmpi slt, %select_n3A_589, %lt3A_595 : i32
      %ne3A_597 = arith.xori %lt3A_594, %lt3A_596 : i1
      %and3A_598 = arith.andi %ne3A_597, %ne3A_592 : i1
      %add3A_599 = arith.addi %rem3A_590, %select_n3A_589 : i32
      %select_n3A_600 = arith.select %and3A_598, %add3A_599, %rem3A_590 : i32
      %mul3A_601 = arith.constant 16 : i32
      %mul3A_602 = arith.muli %select_n3A_600, %mul3A_601 : i32
      %add3A_603 = arith.addi %mul3A_584, %mul3A_602 : i32
      %add3A_604 = arith.constant 0 : i32
      %add3A_605 = arith.addi %add3A_603, %add3A_604 : i32
      %swap3A_606 = arith.index_cast %add3A_605 : i32 to index
      %swap3A_607 = tpu.vector_load %arg27[%swap3A_606] {strides = array<i32>} : memref<20480xf32, #tpu.memory_space<vmem>>, vector<16xf32>,
      tpu.vector_store %arg27[%swap3A_606], %broadcast_in_dim3A_476 {strides = array<i32>} : memref<20480xf32, #tpu.memory_space<vmem>>, vector<16xf32>,
      %add3A_608 = arith.constant 128 : i32
      %add3A_609 = arith.addi %add3A_603, %add3A_608 : i32
      %swap3A_610 = arith.index_cast %add3A_609 : i32 to index
      %swap3A_611 = tpu.vector_load %arg27[%swap3A_610] {strides = array<i32>} : memref<20480xf32, #tpu.memory_space<vmem>>, vector<16xf32>,
      tpu.vector_store %arg27[%swap3A_610], %mul3A_479 {strides = array<i32>} : memref<20480xf32, #tpu.memory_space<vmem>>, vector<16xf32>,
      %add3A_612 = arith.constant 256 : i32
      %add3A_613 = arith.addi %add3A_603, %add3A_612 : i32
      %swap3A_614 = arith.index_cast %add3A_613 : i32 to index
      %swap3A_615 = tpu.vector_load %arg27[%swap3A_614] {strides = array<i32>} : memref<20480xf32, #tpu.memory_space<vmem>>, vector<16xf32>,
      tpu.vector_store %arg27[%swap3A_614], %mul3A_482 {strides = array<i32>} : memref<20480xf32, #tpu.memory_space<vmem>>, vector<16xf32>,
      %add3A_616 = arith.constant 384 : i32
      %add3A_617 = arith.addi %add3A_603, %add3A_616 : i32
      %swap3A_618 = arith.index_cast %add3A_617 : i32 to index
      %swap3A_619 = tpu.vector_load %arg27[%swap3A_618] {strides = array<i32>} : memref<20480xf32, #tpu.memory_space<vmem>>, vector<16xf32>,
      tpu.vector_store %arg27[%swap3A_618], %mul3A_485 {strides = array<i32>} : memref<20480xf32, #tpu.memory_space<vmem>>, vector<16xf32>,
      %add3A_620 = arith.constant 512 : i32
      %add3A_621 = arith.addi %add3A_603, %add3A_620 : i32
      %swap3A_622 = arith.index_cast %add3A_621 : i32 to index
      %swap3A_623 = tpu.vector_load %arg27[%swap3A_622] {strides = array<i32>} : memref<20480xf32, #tpu.memory_space<vmem>>, vector<16xf32>,
      tpu.vector_store %arg27[%swap3A_622], %mul3A_488 {strides = array<i32>} : memref<20480xf32, #tpu.memory_space<vmem>>, vector<16xf32>,
      %add3A_624 = arith.constant 640 : i32
      %add3A_625 = arith.addi %add3A_603, %add3A_624 : i32
      %swap3A_626 = arith.index_cast %add3A_625 : i32 to index
      %swap3A_627 = tpu.vector_load %arg27[%swap3A_626] {strides = array<i32>} : memref<20480xf32, #tpu.memory_space<vmem>>, vector<16xf32>,
      tpu.vector_store %arg27[%swap3A_626], %mul3A_492 {strides = array<i32>} : memref<20480xf32, #tpu.memory_space<vmem>>, vector<16xf32>,
      %add3A_628 = arith.constant 768 : i32
      %add3A_629 = arith.addi %add3A_603, %add3A_628 : i32
      %swap3A_630 = arith.index_cast %add3A_629 : i32 to index
      %swap3A_631 = tpu.vector_load %arg27[%swap3A_630] {strides = array<i32>} : memref<20480xf32, #tpu.memory_space<vmem>>, vector<16xf32>,
      tpu.vector_store %arg27[%swap3A_630], %mul3A_499 {strides = array<i32>} : memref<20480xf32, #tpu.memory_space<vmem>>, vector<16xf32>,
      %add3A_632 = arith.constant 896 : i32
      %add3A_633 = arith.addi %add3A_603, %add3A_632 : i32
      %swap3A_634 = arith.index_cast %add3A_633 : i32 to index
      %swap3A_635 = tpu.vector_load %arg27[%swap3A_634] {strides = array<i32>} : memref<20480xf32, #tpu.memory_space<vmem>>, vector<16xf32>,
      tpu.vector_store %arg27[%swap3A_634], %mul3A_503 {strides = array<i32>} : memref<20480xf32, #tpu.memory_space<vmem>>, vector<16xf32>,
      %add3A_636 = arith.constant 10240 : i32
      %add3A_637 = arith.addi %add3A_603, %add3A_636 : i32
      %swap3A_638 = arith.index_cast %add3A_637 : i32 to index
      %swap3A_639 = tpu.vector_load %arg27[%swap3A_638] {strides = array<i32>} : memref<20480xf32, #tpu.memory_space<vmem>>, vector<16xf32>,
      tpu.vector_store %arg27[%swap3A_638], %mul3A_507 {strides = array<i32>} : memref<20480xf32, #tpu.memory_space<vmem>>, vector<16xf32>,
      %add3A_640 = arith.constant 10368 : i32
      %add3A_641 = arith.addi %add3A_603, %add3A_640 : i32
      %swap3A_642 = arith.index_cast %add3A_641 : i32 to index
      %swap3A_643 = tpu.vector_load %arg27[%swap3A_642] {strides = array<i32>} : memref<20480xf32, #tpu.memory_space<vmem>>, vector<16xf32>,
      tpu.vector_store %arg27[%swap3A_642], %mul3A_515 {strides = array<i32>} : memref<20480xf32, #tpu.memory_space<vmem>>, vector<16xf32>,
      %add3A_644 = arith.constant 10496 : i32
      %add3A_645 = arith.addi %add3A_603, %add3A_644 : i32
      %swap3A_646 = arith.index_cast %add3A_645 : i32 to index
      %swap3A_647 = tpu.vector_load %arg27[%swap3A_646] {strides = array<i32>} : memref<20480xf32, #tpu.memory_space<vmem>>, vector<16xf32>,
      tpu.vector_store %arg27[%swap3A_646], %mul3A_519 {strides = array<i32>} : memref<20480xf32, #tpu.memory_space<vmem>>, vector<16xf32>,
      %add3A_648 = arith.constant 10624 : i32
      %add3A_649 = arith.addi %add3A_603, %add3A_648 : i32
      %swap3A_650 = arith.index_cast %add3A_649 : i32 to index
      %swap3A_651 = tpu.vector_load %arg27[%swap3A_650] {strides = array<i32>} : memref<20480xf32, #tpu.memory_space<vmem>>, vector<16xf32>,
      tpu.vector_store %arg27[%swap3A_650], %mul3A_527 {strides = array<i32>} : memref<20480xf32, #tpu.memory_space<vmem>>, vector<16xf32>,
      %add3A_652 = arith.constant 10752 : i32
      %add3A_653 = arith.addi %add3A_603, %add3A_652 : i32
      %swap3A_654 = arith.index_cast %add3A_653 : i32 to index
      %swap3A_655 = tpu.vector_load %arg27[%swap3A_654] {strides = array<i32>} : memref<20480xf32, #tpu.memory_space<vmem>>, vector<16xf32>,
      tpu.vector_store %arg27[%swap3A_654], %mul3A_537 {strides = array<i32>} : memref<20480xf32, #tpu.memory_space<vmem>>, vector<16xf32>,
      %add3A_656 = arith.constant 10880 : i32
      %add3A_657 = arith.addi %add3A_603, %add3A_656 : i32
      %swap3A_658 = arith.index_cast %add3A_657 : i32 to index
      %swap3A_659 = tpu.vector_load %arg27[%swap3A_658] {strides = array<i32>} : memref<20480xf32, #tpu.memory_space<vmem>>, vector<16xf32>,
      tpu.vector_store %arg27[%swap3A_658], %mul3A_545 {strides = array<i32>} : memref<20480xf32, #tpu.memory_space<vmem>>, vector<16xf32>,
      %add3A_660 = arith.constant 11008 : i32
      %add3A_661 = arith.addi %add3A_603, %add3A_660 : i32
      %swap3A_662 = arith.index_cast %add3A_661 : i32 to index
      %swap3A_663 = tpu.vector_load %arg27[%swap3A_662] {strides = array<i32>} : memref<20480xf32, #tpu.memory_space<vmem>>, vector<16xf32>,
      tpu.vector_store %arg27[%swap3A_662], %mul3A_550 {strides = array<i32>} : memref<20480xf32, #tpu.memory_space<vmem>>, vector<16xf32>,
      %add3A_664 = arith.constant 11136 : i32
      %add3A_665 = arith.addi %add3A_603, %add3A_664 : i32
      %swap3A_666 = arith.index_cast %add3A_665 : i32 to index
      %swap3A_667 = tpu.vector_load %arg27[%swap3A_666] {strides = array<i32>} : memref<20480xf32, #tpu.memory_space<vmem>>, vector<16xf32>,
      tpu.vector_store %arg27[%swap3A_666], %mul3A_558 {strides = array<i32>} : memref<20480xf32, #tpu.memory_space<vmem>>, vector<16xf32>,
      %scan3A_668 = arith.constant 0 : i32
      scf.yield %scan3A_668 : i32
    }
    %scan3A_98 = arith.constant 40 : i32
    %add3A_99 = arith.constant 1216 : i32
    %add3A_100 = arith.addi %add3A, %add3A_99 : i32
    %mul3A_101 = arith.constant 10 : i32
    %mul3A_102 = arith.muli %add3A_100, %mul3A_101 : i32
    %mul3A_103 = arith.constant 1024 : i32
    %mul3A_104 = arith.muli %mul3A_102, %mul3A_103 : i32
    %add3A_105 = arith.constant 0 : i32
    %add3A_106 = arith.addi %add3A_105, %mul3A_104 : i32
    %dma_start3A_107 = arith.constant 0 : i32
    %dma_start3A_108 = tpu.memref_slice %arg27[%dma_start3A_107] : memref<20480xf32, #tpu.memory_space<vmem>> -> memref<10240xf32, #tpu.memory_space<vmem>>
    %dma_start3A_109 = tpu.memref_slice %arg10[%add3A_106] : memref<25600000xf32, #tpu.memory_space<hbm>> -> memref<10240xf32, #tpu.memory_space<hbm>>
    %dma_start3A_110 = tpu.memref_slice %arg10[%add3A_106] : memref<25600000xf32, #tpu.memory_space<hbm>> -> memref<10240xf32, #tpu.memory_space<hbm>>
    %dma_start3A_111 = arith.constant 0 : i32
    %dma_start3A_112 = tpu.memref_slice %arg27[%dma_start3A_111] : memref<20480xf32, #tpu.memory_space<vmem>> -> memref<10240xf32, #tpu.memory_space<vmem>>
    tpu.enqueue_dma source(%dma_start3A_112 : memref<10240xf32, #tpu.memory_space<vmem>>) target(%dma_start3A_110 : memref<10240xf32, #tpu.memory_space<hbm>>) target_semaphore(%arg37 : memref<!tpu.dma_semaphore, #tpu.memory_space<semaphore_mem>>)
    %mul3A_113 = arith.constant 1024 : i32
    %mul3A_114 = arith.muli %mul3A_102, %mul3A_113 : i32
    %add3A_115 = arith.constant 12800000 : i32
    %add3A_116 = arith.addi %add3A_115, %mul3A_114 : i32
    %dma_start3A_117 = arith.constant 10240 : i32
    %dma_start3A_118 = tpu.memref_slice %arg27[%dma_start3A_117] : memref<20480xf32, #tpu.memory_space<vmem>> -> memref<10240xf32, #tpu.memory_space<vmem>>
    %dma_start3A_119 = tpu.memref_slice %arg10[%add3A_116] : memref<25600000xf32, #tpu.memory_space<hbm>> -> memref<10240xf32, #tpu.memory_space<hbm>>
    %dma_start3A_120 = tpu.memref_slice %arg10[%add3A_116] : memref<25600000xf32, #tpu.memory_space<hbm>> -> memref<10240xf32, #tpu.memory_space<hbm>>
    %dma_start3A_121 = arith.constant 10240 : i32
    %dma_start3A_122 = tpu.memref_slice %arg27[%dma_start3A_121] : memref<20480xf32, #tpu.memory_space<vmem>> -> memref<10240xf32, #tpu.memory_space<vmem>>
    tpu.enqueue_dma source(%dma_start3A_122 : memref<10240xf32, #tpu.memory_space<vmem>>) target(%dma_start3A_120 : memref<10240xf32, #tpu.memory_space<hbm>>) target_semaphore(%arg37 : memref<!tpu.dma_semaphore, #tpu.memory_space<semaphore_mem>>)
    %add3A_123 = arith.constant 1184 : i32
    %add3A_124 = arith.addi %add3A, %add3A_123 : i32
    %mul3A_125 = arith.constant 10 : i32
    %mul3A_126 = arith.muli %add3A_124, %mul3A_125 : i32
    %mul3A_127 = arith.constant 1024 : i32
    %mul3A_128 = arith.muli %mul3A_126, %mul3A_127 : i32
    %add3A_129 = arith.constant 0 : i32
    %add3A_130 = arith.addi %add3A_129, %mul3A_128 : i32
    %dma_wait3A_131 = arith.constant 0 : i32
    %dma_wait3A_132 = tpu.memref_slice %arg28[%dma_wait3A_131] : memref<20480xf32, #tpu.memory_space<vmem>> -> memref<10240xf32, #tpu.memory_space<vmem>>
    %dma_wait3A_133 = tpu.memref_slice %arg10[%add3A_130] : memref<25600000xf32, #tpu.memory_space<hbm>> -> memref<10240xf32, #tpu.memory_space<hbm>>
    %dma_wait3A_134 = tpu.memref_slice %arg10[%add3A_130] : memref<25600000xf32, #tpu.memory_space<hbm>> -> memref<10240xf32, #tpu.memory_space<hbm>>
    %dma_wait3A_135 = arith.constant 0 : i32
    %dma_wait3A_136 = tpu.memref_slice %arg28[%dma_wait3A_135] : memref<20480xf32, #tpu.memory_space<vmem>> -> memref<10240xf32, #tpu.memory_space<vmem>>
    tpu.wait_dma2 semaphore(%arg38 : memref<!tpu.dma_semaphore, #tpu.memory_space<semaphore_mem>>) src(%dma_wait3A_136 : memref<10240xf32, #tpu.memory_space<vmem>>) dst(%dma_wait3A_134 : memref<10240xf32, #tpu.memory_space<hbm>>)
    %mul3A_137 = arith.constant 1024 : i32
    %mul3A_138 = arith.muli %mul3A_126, %mul3A_137 : i32
    %add3A_139 = arith.constant 12800000 : i32
    %add3A_140 = arith.addi %add3A_139, %mul3A_138 : i32
    %dma_wait3A_141 = arith.constant 10240 : i32
    %dma_wait3A_142 = tpu.memref_slice %arg28[%dma_wait3A_141] : memref<20480xf32, #tpu.memory_space<vmem>> -> memref<10240xf32, #tpu.memory_space<vmem>>
    %dma_wait3A_143 = tpu.memref_slice %arg10[%add3A_140] : memref<25600000xf32, #tpu.memory_space<hbm>> -> memref<10240xf32, #tpu.memory_space<hbm>>
    %dma_wait3A_144 = tpu.memref_slice %arg10[%add3A_140] : memref<25600000xf32, #tpu.memory_space<hbm>> -> memref<10240xf32, #tpu.memory_space<hbm>>
    %dma_wait3A_145 = arith.constant 10240 : i32
    %dma_wait3A_146 = tpu.memref_slice %arg28[%dma_wait3A_145] : memref<20480xf32, #tpu.memory_space<vmem>> -> memref<10240xf32, #tpu.memory_space<vmem>>
    tpu.wait_dma2 semaphore(%arg38 : memref<!tpu.dma_semaphore, #tpu.memory_space<semaphore_mem>>) src(%dma_wait3A_146 : memref<10240xf32, #tpu.memory_space<vmem>>) dst(%dma_wait3A_144 : memref<10240xf32, #tpu.memory_space<hbm>>)
    %convert_element_type3A_147 = arith.extui %lt3A_55 : i1 to i32
    %cond3A_148 = arith.constant 0 : i32
    %cond3A_149 = arith.cmpi ne, %convert_element_type3A_147, %cond3A_148 : i32
    scf.if %cond3A_149 {
      %dma_wait3A_174 = arith.constant 0 : i32
      %dma_wait3A_175 = tpu.memref_slice %arg29[%dma_wait3A_174] : memref<50000xf32, #tpu.memory_space<vmem_shared>> -> memref<50000xf32, #tpu.memory_space<vmem_shared>>
      tpu.wait_indirect_dma semaphore(%arg36 : memref<!tpu.dma_semaphore, #tpu.memory_space<semaphore_mem>>) src(%dma_wait3A_175 : memref<50000xf32, #tpu.memory_space<vmem_shared>>) dst(%arg16 : memref<1280xf32, #tpu.memory_space<vmem>>)
      %dma_wait3A_176 = arith.constant 0 : i32
      %dma_wait3A_177 = tpu.memref_slice %arg30[%dma_wait3A_176] : memref<50000xf32, #tpu.memory_space<vmem_shared>> -> memref<50000xf32, #tpu.memory_space<vmem_shared>>
      tpu.wait_indirect_dma semaphore(%arg36 : memref<!tpu.dma_semaphore, #tpu.memory_space<semaphore_mem>>) src(%dma_wait3A_177 : memref<50000xf32, #tpu.memory_space<vmem_shared>>) dst(%arg18 : memref<1280xf32, #tpu.memory_space<vmem>>)
      %dma_wait3A_178 = arith.constant 0 : i32
      %dma_wait3A_179 = tpu.memref_slice %arg31[%dma_wait3A_178] : memref<50000xf32, #tpu.memory_space<vmem_shared>> -> memref<50000xf32, #tpu.memory_space<vmem_shared>>
      tpu.wait_indirect_dma semaphore(%arg36 : memref<!tpu.dma_semaphore, #tpu.memory_space<semaphore_mem>>) src(%dma_wait3A_179 : memref<50000xf32, #tpu.memory_space<vmem_shared>>) dst(%arg20 : memref<1280xf32, #tpu.memory_space<vmem>>)
      %dma_wait3A_180 = arith.constant 0 : i32
      %dma_wait3A_181 = tpu.memref_slice %arg32[%dma_wait3A_180] : memref<50000xf32, #tpu.memory_space<vmem_shared>> -> memref<50000xf32, #tpu.memory_space<vmem_shared>>
      tpu.wait_indirect_dma semaphore(%arg36 : memref<!tpu.dma_semaphore, #tpu.memory_space<semaphore_mem>>) src(%dma_wait3A_181 : memref<50000xf32, #tpu.memory_space<vmem_shared>>) dst(%arg22 : memref<1280xf32, #tpu.memory_space<vmem>>)
      %dma_wait3A_182 = arith.constant 0 : i32
      %dma_wait3A_183 = tpu.memref_slice %arg33[%dma_wait3A_182] : memref<50000xf32, #tpu.memory_space<vmem_shared>> -> memref<50000xf32, #tpu.memory_space<vmem_shared>>
      tpu.wait_indirect_dma semaphore(%arg36 : memref<!tpu.dma_semaphore, #tpu.memory_space<semaphore_mem>>) src(%dma_wait3A_183 : memref<50000xf32, #tpu.memory_space<vmem_shared>>) dst(%arg24 : memref<1280xf32, #tpu.memory_space<vmem>>)
      %dma_wait3A_184 = arith.constant 0 : i32
      %dma_wait3A_185 = tpu.memref_slice %arg34[%dma_wait3A_184] : memref<50000xf32, #tpu.memory_space<vmem_shared>> -> memref<50000xf32, #tpu.memory_space<vmem_shared>>
      tpu.wait_indirect_dma semaphore(%arg36 : memref<!tpu.dma_semaphore, #tpu.memory_space<semaphore_mem>>) src(%dma_wait3A_185 : memref<50000xf32, #tpu.memory_space<vmem_shared>>) dst(%arg26 : memref<1280xf32, #tpu.memory_space<vmem>>)
      %scan3A_186 = arith.constant 0 : i32
      %scan3A_187 = arith.constant 0 : i32
      %scan3A_188 = arith.constant 40 : i32
      %scan3A_189 = arith.addi %scan3A_187, %scan3A_188 : i32
      %scan3A_190 = arith.constant 1 : i32
      %scan3A_191 = scf.for %scan3A_241 = %scan3A_187 to %scan3A_189 step %scan3A_190 iter_args(%scan3A_242 = %scan3A_186) -> (i32)  : i32 {
        %mul3A_243 = arith.constant 2 : i32
        %mul3A_244 = arith.muli %scan3A_241, %mul3A_243 : i32
        %add3A_245 = arith.constant 0 : i32
        %add3A_246 = arith.addi %mul3A_244, %add3A_245 : i32
        %mul3A_247 = arith.constant 16 : i32
        %mul3A_248 = arith.muli %add3A_246, %mul3A_247 : i32
        %get3A = arith.index_cast %mul3A_248 : i32 to index
        %get3A_249 = tpu.vector_load %arg16[%get3A] {strides = array<i32>} : memref<1280xf32, #tpu.memory_space<vmem>>, vector<16xf32>,
        %get3A_250 = arith.index_cast %mul3A_248 : i32 to index
        %get3A_251 = tpu.vector_load %arg22[%get3A_250] {strides = array<i32>} : memref<1280xf32, #tpu.memory_space<vmem>>, vector<16xf32>,
        %sub3A_252 = arith.subf %get3A_249, %get3A_251 : vector<16xf32>
        %get3A_253 = arith.index_cast %mul3A_248 : i32 to index
        %get3A_254 = tpu.vector_load %arg18[%get3A_253] {strides = array<i32>} : memref<1280xf32, #tpu.memory_space<vmem>>, vector<16xf32>,
        %get3A_255 = arith.index_cast %mul3A_248 : i32 to index
        %get3A_256 = tpu.vector_load %arg24[%get3A_255] {strides = array<i32>} : memref<1280xf32, #tpu.memory_space<vmem>>, vector<16xf32>,
        %sub3A_257 = arith.subf %get3A_254, %get3A_256 : vector<16xf32>
        %get3A_258 = arith.index_cast %mul3A_248 : i32 to index
        %get3A_259 = tpu.vector_load %arg20[%get3A_258] {strides = array<i32>} : memref<1280xf32, #tpu.memory_space<vmem>>, vector<16xf32>,
        %get3A_260 = arith.index_cast %mul3A_248 : i32 to index
        %get3A_261 = tpu.vector_load %arg26[%get3A_260] {strides = array<i32>} : memref<1280xf32, #tpu.memory_space<vmem>>, vector<16xf32>,
        %sub3A_262 = arith.subf %get3A_259, %get3A_261 : vector<16xf32>
        %mul3A_263 = arith.mulf %sub3A_252, %sub3A_252 : vector<16xf32>
        %mul3A_264 = arith.mulf %sub3A_257, %sub3A_257 : vector<16xf32>
        %add3A_265 = arith.addf %mul3A_263, %mul3A_264 : vector<16xf32>
        %mul3A_266 = arith.mulf %sub3A_262, %sub3A_262 : vector<16xf32>
        %add3A_267 = arith.addf %add3A_265, %mul3A_266 : vector<16xf32>
        %bitcast_convert_type3A = tpu.bitcast %add3A_267 : vector<16xf32> -> vector<16xi32>
        %broadcast_in_dim3A = arith.constant 1597463007 : i32
        %broadcast_in_dim3A_268 = vector.broadcast %broadcast_in_dim3A : i32 to vector<16xi32>
        %broadcast_in_dim3A_269 = arith.constant 1 : i32
        %broadcast_in_dim3A_270 = vector.broadcast %broadcast_in_dim3A_269 : i32 to vector<16xi32>
        %shift_right_arithmetic3A = arith.shrsi %bitcast_convert_type3A, %broadcast_in_dim3A_270 : vector<16xi32>
        %sub3A_271 = arith.subi %broadcast_in_dim3A_268, %shift_right_arithmetic3A : vector<16xi32>
        %bitcast_convert_type3A_272 = tpu.bitcast %sub3A_271 : vector<16xi32> -> vector<16xf32>
        %broadcast_in_dim3A_273 = arith.constant 5.000000e-01 : f32
        %broadcast_in_dim3A_274 = vector.broadcast %broadcast_in_dim3A_273 : f32 to vector<16xf32>
        %mul3A_275 = arith.mulf %broadcast_in_dim3A_274, %add3A_267 : vector<16xf32>
        %broadcast_in_dim3A_276 = arith.constant 1.500000e+00 : f32
        %broadcast_in_dim3A_277 = vector.broadcast %broadcast_in_dim3A_276 : f32 to vector<16xf32>
        %mul3A_278 = arith.mulf %mul3A_275, %bitcast_convert_type3A_272 : vector<16xf32>
        %mul3A_279 = arith.mulf %mul3A_278, %bitcast_convert_type3A_272 : vector<16xf32>
        %sub3A_280 = arith.subf %broadcast_in_dim3A_277, %mul3A_279 : vector<16xf32>
        %mul3A_281 = arith.mulf %bitcast_convert_type3A_272, %sub3A_280 : vector<16xf32>
        %mul3A_282 = arith.mulf %mul3A_275, %mul3A_281 : vector<16xf32>
        %mul3A_283 = arith.mulf %mul3A_282, %mul3A_281 : vector<16xf32>
        %sub3A_284 = arith.subf %broadcast_in_dim3A_277, %mul3A_283 : vector<16xf32>
        %mul3A_285 = arith.mulf %mul3A_281, %sub3A_284 : vector<16xf32>
        %mul3A_286 = arith.mulf %sub3A_252, %mul3A_285 : vector<16xf32>
        %mul3A_287 = arith.mulf %sub3A_257, %mul3A_285 : vector<16xf32>
        %mul3A_288 = arith.mulf %sub3A_262, %mul3A_285 : vector<16xf32>
        %mul3A_289 = arith.mulf %mul3A_286, %mul3A_286 : vector<16xf32>
        %mul3A_290 = arith.mulf %mul3A_287, %mul3A_287 : vector<16xf32>
        %mul3A_291 = arith.mulf %mul3A_288, %mul3A_288 : vector<16xf32>
        %mul3A_292 = arith.mulf %mul3A_286, %mul3A_287 : vector<16xf32>
        %broadcast_in_dim3A_293 = arith.constant 1.000000e+00 : f32
        %broadcast_in_dim3A_294 = vector.broadcast %broadcast_in_dim3A_293 : f32 to vector<16xf32>
        %broadcast_in_dim3A_295 = arith.constant 0.282094806 : f32
        %broadcast_in_dim3A_296 = vector.broadcast %broadcast_in_dim3A_295 : f32 to vector<16xf32>
        %broadcast_in_dim3A_297 = arith.constant -0.488602519 : f32
        %broadcast_in_dim3A_298 = vector.broadcast %broadcast_in_dim3A_297 : f32 to vector<16xf32>
        %mul3A_299 = arith.mulf %broadcast_in_dim3A_298, %mul3A_287 : vector<16xf32>
        %broadcast_in_dim3A_300 = arith.constant 0.488602519 : f32
        %broadcast_in_dim3A_301 = vector.broadcast %broadcast_in_dim3A_300 : f32 to vector<16xf32>
        %mul3A_302 = arith.mulf %broadcast_in_dim3A_301, %mul3A_288 : vector<16xf32>
        %broadcast_in_dim3A_303 = arith.constant -0.488602519 : f32
        %broadcast_in_dim3A_304 = vector.broadcast %broadcast_in_dim3A_303 : f32 to vector<16xf32>
        %mul3A_305 = arith.mulf %broadcast_in_dim3A_304, %mul3A_286 : vector<16xf32>
        %broadcast_in_dim3A_306 = arith.constant 1.09254849 : f32
        %broadcast_in_dim3A_307 = vector.broadcast %broadcast_in_dim3A_306 : f32 to vector<16xf32>
        %mul3A_308 = arith.mulf %broadcast_in_dim3A_307, %mul3A_292 : vector<16xf32>
        %broadcast_in_dim3A_309 = arith.constant -1.09254849 : f32
        %broadcast_in_dim3A_310 = vector.broadcast %broadcast_in_dim3A_309 : f32 to vector<16xf32>
        %mul3A_311 = arith.mulf %mul3A_287, %mul3A_288 : vector<16xf32>
        %mul3A_312 = arith.mulf %broadcast_in_dim3A_310, %mul3A_311 : vector<16xf32>
        %broadcast_in_dim3A_313 = arith.constant 0.31539157 : f32
        %broadcast_in_dim3A_314 = vector.broadcast %broadcast_in_dim3A_313 : f32 to vector<16xf32>
        %broadcast_in_dim3A_315 = arith.constant 3.000000e+00 : f32
        %broadcast_in_dim3A_316 = vector.broadcast %broadcast_in_dim3A_315 : f32 to vector<16xf32>
        %mul3A_317 = arith.mulf %broadcast_in_dim3A_316, %mul3A_291 : vector<16xf32>
        %sub3A_318 = arith.subf %mul3A_317, %broadcast_in_dim3A_294 : vector<16xf32>
        %mul3A_319 = arith.mulf %broadcast_in_dim3A_314, %sub3A_318 : vector<16xf32>
        %broadcast_in_dim3A_320 = arith.constant -1.09254849 : f32
        %broadcast_in_dim3A_321 = vector.broadcast %broadcast_in_dim3A_320 : f32 to vector<16xf32>
        %mul3A_322 = arith.mulf %mul3A_286, %mul3A_288 : vector<16xf32>
        %mul3A_323 = arith.mulf %broadcast_in_dim3A_321, %mul3A_322 : vector<16xf32>
        %broadcast_in_dim3A_324 = arith.constant 0.546274245 : f32
        %broadcast_in_dim3A_325 = vector.broadcast %broadcast_in_dim3A_324 : f32 to vector<16xf32>
        %sub3A_326 = arith.subf %mul3A_289, %mul3A_290 : vector<16xf32>
        %mul3A_327 = arith.mulf %broadcast_in_dim3A_325, %sub3A_326 : vector<16xf32>
        %broadcast_in_dim3A_328 = arith.constant -0.590043604 : f32
        %broadcast_in_dim3A_329 = vector.broadcast %broadcast_in_dim3A_328 : f32 to vector<16xf32>
        %mul3A_330 = arith.mulf %broadcast_in_dim3A_329, %mul3A_287 : vector<16xf32>
        %broadcast_in_dim3A_331 = arith.constant 3.000000e+00 : f32
        %broadcast_in_dim3A_332 = vector.broadcast %broadcast_in_dim3A_331 : f32 to vector<16xf32>
        %mul3A_333 = arith.mulf %broadcast_in_dim3A_332, %mul3A_289 : vector<16xf32>
        %sub3A_334 = arith.subf %mul3A_333, %mul3A_290 : vector<16xf32>
        %mul3A_335 = arith.mulf %mul3A_330, %sub3A_334 : vector<16xf32>
        %broadcast_in_dim3A_336 = arith.constant 2.89061141 : f32
        %broadcast_in_dim3A_337 = vector.broadcast %broadcast_in_dim3A_336 : f32 to vector<16xf32>
        %mul3A_338 = arith.mulf %broadcast_in_dim3A_337, %mul3A_292 : vector<16xf32>
        %mul3A_339 = arith.mulf %mul3A_338, %mul3A_288 : vector<16xf32>
        %broadcast_in_dim3A_340 = arith.constant -0.457045794 : f32
        %broadcast_in_dim3A_341 = vector.broadcast %broadcast_in_dim3A_340 : f32 to vector<16xf32>
        %mul3A_342 = arith.mulf %broadcast_in_dim3A_341, %mul3A_287 : vector<16xf32>
        %broadcast_in_dim3A_343 = arith.constant 5.000000e+00 : f32
        %broadcast_in_dim3A_344 = vector.broadcast %broadcast_in_dim3A_343 : f32 to vector<16xf32>
        %mul3A_345 = arith.mulf %broadcast_in_dim3A_344, %mul3A_291 : vector<16xf32>
        %sub3A_346 = arith.subf %mul3A_345, %broadcast_in_dim3A_294 : vector<16xf32>
        %mul3A_347 = arith.mulf %mul3A_342, %sub3A_346 : vector<16xf32>
        %broadcast_in_dim3A_348 = arith.constant 0.373176336 : f32
        %broadcast_in_dim3A_349 = vector.broadcast %broadcast_in_dim3A_348 : f32 to vector<16xf32>
        %mul3A_350 = arith.mulf %broadcast_in_dim3A_349, %mul3A_288 : vector<16xf32>
        %broadcast_in_dim3A_351 = arith.constant 5.000000e+00 : f32
        %broadcast_in_dim3A_352 = vector.broadcast %broadcast_in_dim3A_351 : f32 to vector<16xf32>
        %mul3A_353 = arith.mulf %broadcast_in_dim3A_352, %mul3A_291 : vector<16xf32>
        %broadcast_in_dim3A_354 = arith.constant 3.000000e+00 : f32
        %broadcast_in_dim3A_355 = vector.broadcast %broadcast_in_dim3A_354 : f32 to vector<16xf32>
        %sub3A_356 = arith.subf %mul3A_353, %broadcast_in_dim3A_355 : vector<16xf32>
        %mul3A_357 = arith.mulf %mul3A_350, %sub3A_356 : vector<16xf32>
        %broadcast_in_dim3A_358 = arith.constant -0.457045794 : f32
        %broadcast_in_dim3A_359 = vector.broadcast %broadcast_in_dim3A_358 : f32 to vector<16xf32>
        %mul3A_360 = arith.mulf %broadcast_in_dim3A_359, %mul3A_286 : vector<16xf32>
        %broadcast_in_dim3A_361 = arith.constant 5.000000e+00 : f32
        %broadcast_in_dim3A_362 = vector.broadcast %broadcast_in_dim3A_361 : f32 to vector<16xf32>
        %mul3A_363 = arith.mulf %broadcast_in_dim3A_362, %mul3A_291 : vector<16xf32>
        %sub3A_364 = arith.subf %mul3A_363, %broadcast_in_dim3A_294 : vector<16xf32>
        %mul3A_365 = arith.mulf %mul3A_360, %sub3A_364 : vector<16xf32>
        %broadcast_in_dim3A_366 = arith.constant 1.44530571 : f32
        %broadcast_in_dim3A_367 = vector.broadcast %broadcast_in_dim3A_366 : f32 to vector<16xf32>
        %mul3A_368 = arith.mulf %broadcast_in_dim3A_367, %mul3A_288 : vector<16xf32>
        %sub3A_369 = arith.subf %mul3A_289, %mul3A_290 : vector<16xf32>
        %mul3A_370 = arith.mulf %mul3A_368, %sub3A_369 : vector<16xf32>
        %broadcast_in_dim3A_371 = arith.constant -0.590043604 : f32
        %broadcast_in_dim3A_372 = vector.broadcast %broadcast_in_dim3A_371 : f32 to vector<16xf32>
        %mul3A_373 = arith.mulf %broadcast_in_dim3A_372, %mul3A_286 : vector<16xf32>
        %broadcast_in_dim3A_374 = arith.constant 3.000000e+00 : f32
        %broadcast_in_dim3A_375 = vector.broadcast %broadcast_in_dim3A_374 : f32 to vector<16xf32>
        %mul3A_376 = arith.mulf %broadcast_in_dim3A_375, %mul3A_290 : vector<16xf32>
        %sub3A_377 = arith.subf %mul3A_289, %mul3A_376 : vector<16xf32>
        %mul3A_378 = arith.mulf %mul3A_373, %sub3A_377 : vector<16xf32>
        %jit3A_379 = arith.constant 8 : i32
        %div3A_380 = arith.divsi %add3A_246, %jit3A_379 : i32
        %sign3A_381 = arith.constant 0 : i32
        %sign3A_382 = arith.cmpi sgt, %add3A_246, %sign3A_381 : i32
        %sign3A_383 = arith.extui %sign3A_382 : i1 to i32
        %sign3A_384 = arith.constant 0 : i32
        %sign3A_385 = arith.cmpi slt, %add3A_246, %sign3A_384 : i32
        %sign3A_386 = arith.extui %sign3A_385 : i1 to i32
        %sign3A_387 = arith.subi %sign3A_383, %sign3A_386 : i32
        %sign3A_388 = arith.constant 0 : i32
        %sign3A_389 = arith.cmpi sgt, %jit3A_379, %sign3A_388 : i32
        %sign3A_390 = arith.extui %sign3A_389 : i1 to i32
        %sign3A_391 = arith.constant 0 : i32
        %sign3A_392 = arith.cmpi slt, %jit3A_379, %sign3A_391 : i32
        %sign3A_393 = arith.extui %sign3A_392 : i1 to i32
        %sign3A_394 = arith.subi %sign3A_390, %sign3A_393 : i32
        %ne3A_395 = arith.cmpi ne, %sign3A_387, %sign3A_394 : i32
        %rem3A_396 = arith.remsi %add3A_246, %jit3A_379 : i32
        %ne3A_397 = arith.constant 0 : i32
        %ne3A_398 = arith.cmpi ne, %rem3A_396, %ne3A_397 : i32
        %and3A_399 = arith.andi %ne3A_395, %ne3A_398 : i1
        %sub3A_400 = arith.constant 1 : i32
        %sub3A_401 = arith.subi %div3A_380, %sub3A_400 : i32
        %select_n3A_402 = arith.select %and3A_399, %sub3A_401, %div3A_380 : i32
        %mul3A_403 = arith.constant 1024 : i32
        %mul3A_404 = arith.muli %select_n3A_402, %mul3A_403 : i32
        %jit3A_405 = arith.constant 8 : i32
        %eq3A = arith.constant 0 : i32
        %eq3A_406 = arith.cmpi eq, %jit3A_405, %eq3A : i32
        %jit3A_407 = arith.constant 1 : i32
        %select_n3A_408 = arith.select %eq3A_406, %jit3A_407, %jit3A_405 : i32
        %rem3A_409 = arith.remsi %add3A_246, %select_n3A_408 : i32
        %ne3A_410 = arith.constant 0 : i32
        %ne3A_411 = arith.cmpi ne, %rem3A_409, %ne3A_410 : i32
        %lt3A_412 = arith.constant 0 : i32
        %lt3A_413 = arith.cmpi slt, %rem3A_409, %lt3A_412 : i32
        %lt3A_414 = arith.constant 0 : i32
        %lt3A_415 = arith.cmpi slt, %select_n3A_408, %lt3A_414 : i32
        %ne3A_416 = arith.xori %lt3A_413, %lt3A_415 : i1
        %and3A_417 = arith.andi %ne3A_416, %ne3A_411 : i1
        %add3A_418 = arith.addi %rem3A_409, %select_n3A_408 : i32
        %select_n3A_419 = arith.select %and3A_417, %add3A_418, %rem3A_409 : i32
        %mul3A_420 = arith.constant 16 : i32
        %mul3A_421 = arith.muli %select_n3A_419, %mul3A_420 : i32
        %add3A_422 = arith.addi %mul3A_404, %mul3A_421 : i32
        %add3A_423 = arith.constant 0 : i32
        %add3A_424 = arith.addi %add3A_422, %add3A_423 : i32
        %swap3A = arith.index_cast %add3A_424 : i32 to index
        %swap3A_425 = tpu.vector_load %arg28[%swap3A] {strides = array<i32>} : memref<20480xf32, #tpu.memory_space<vmem>>, vector<16xf32>,
        tpu.vector_store %arg28[%swap3A], %broadcast_in_dim3A_296 {strides = array<i32>} : memref<20480xf32, #tpu.memory_space<vmem>>, vector<16xf32>,
        %add3A_426 = arith.constant 128 : i32
        %add3A_427 = arith.addi %add3A_422, %add3A_426 : i32
        %swap3A_428 = arith.index_cast %add3A_427 : i32 to index
        %swap3A_429 = tpu.vector_load %arg28[%swap3A_428] {strides = array<i32>} : memref<20480xf32, #tpu.memory_space<vmem>>, vector<16xf32>,
        tpu.vector_store %arg28[%swap3A_428], %mul3A_299 {strides = array<i32>} : memref<20480xf32, #tpu.memory_space<vmem>>, vector<16xf32>,
        %add3A_430 = arith.constant 256 : i32
        %add3A_431 = arith.addi %add3A_422, %add3A_430 : i32
        %swap3A_432 = arith.index_cast %add3A_431 : i32 to index
        %swap3A_433 = tpu.vector_load %arg28[%swap3A_432] {strides = array<i32>} : memref<20480xf32, #tpu.memory_space<vmem>>, vector<16xf32>,
        tpu.vector_store %arg28[%swap3A_432], %mul3A_302 {strides = array<i32>} : memref<20480xf32, #tpu.memory_space<vmem>>, vector<16xf32>,
        %add3A_434 = arith.constant 384 : i32
        %add3A_435 = arith.addi %add3A_422, %add3A_434 : i32
        %swap3A_436 = arith.index_cast %add3A_435 : i32 to index
        %swap3A_437 = tpu.vector_load %arg28[%swap3A_436] {strides = array<i32>} : memref<20480xf32, #tpu.memory_space<vmem>>, vector<16xf32>,
        tpu.vector_store %arg28[%swap3A_436], %mul3A_305 {strides = array<i32>} : memref<20480xf32, #tpu.memory_space<vmem>>, vector<16xf32>,
        %add3A_438 = arith.constant 512 : i32
        %add3A_439 = arith.addi %add3A_422, %add3A_438 : i32
        %swap3A_440 = arith.index_cast %add3A_439 : i32 to index
        %swap3A_441 = tpu.vector_load %arg28[%swap3A_440] {strides = array<i32>} : memref<20480xf32, #tpu.memory_space<vmem>>, vector<16xf32>,
        tpu.vector_store %arg28[%swap3A_440], %mul3A_308 {strides = array<i32>} : memref<20480xf32, #tpu.memory_space<vmem>>, vector<16xf32>,
        %add3A_442 = arith.constant 640 : i32
        %add3A_443 = arith.addi %add3A_422, %add3A_442 : i32
        %swap3A_444 = arith.index_cast %add3A_443 : i32 to index
        %swap3A_445 = tpu.vector_load %arg28[%swap3A_444] {strides = array<i32>} : memref<20480xf32, #tpu.memory_space<vmem>>, vector<16xf32>,
        tpu.vector_store %arg28[%swap3A_444], %mul3A_312 {strides = array<i32>} : memref<20480xf32, #tpu.memory_space<vmem>>, vector<16xf32>,
        %add3A_446 = arith.constant 768 : i32
        %add3A_447 = arith.addi %add3A_422, %add3A_446 : i32
        %swap3A_448 = arith.index_cast %add3A_447 : i32 to index
        %swap3A_449 = tpu.vector_load %arg28[%swap3A_448] {strides = array<i32>} : memref<20480xf32, #tpu.memory_space<vmem>>, vector<16xf32>,
        tpu.vector_store %arg28[%swap3A_448], %mul3A_319 {strides = array<i32>} : memref<20480xf32, #tpu.memory_space<vmem>>, vector<16xf32>,
        %add3A_450 = arith.constant 896 : i32
        %add3A_451 = arith.addi %add3A_422, %add3A_450 : i32
        %swap3A_452 = arith.index_cast %add3A_451 : i32 to index
        %swap3A_453 = tpu.vector_load %arg28[%swap3A_452] {strides = array<i32>} : memref<20480xf32, #tpu.memory_space<vmem>>, vector<16xf32>,
        tpu.vector_store %arg28[%swap3A_452], %mul3A_323 {strides = array<i32>} : memref<20480xf32, #tpu.memory_space<vmem>>, vector<16xf32>,
        %add3A_454 = arith.constant 10240 : i32
        %add3A_455 = arith.addi %add3A_422, %add3A_454 : i32
        %swap3A_456 = arith.index_cast %add3A_455 : i32 to index
        %swap3A_457 = tpu.vector_load %arg28[%swap3A_456] {strides = array<i32>} : memref<20480xf32, #tpu.memory_space<vmem>>, vector<16xf32>,
        tpu.vector_store %arg28[%swap3A_456], %mul3A_327 {strides = array<i32>} : memref<20480xf32, #tpu.memory_space<vmem>>, vector<16xf32>,
        %add3A_458 = arith.constant 10368 : i32
        %add3A_459 = arith.addi %add3A_422, %add3A_458 : i32
        %swap3A_460 = arith.index_cast %add3A_459 : i32 to index
        %swap3A_461 = tpu.vector_load %arg28[%swap3A_460] {strides = array<i32>} : memref<20480xf32, #tpu.memory_space<vmem>>, vector<16xf32>,
        tpu.vector_store %arg28[%swap3A_460], %mul3A_335 {strides = array<i32>} : memref<20480xf32, #tpu.memory_space<vmem>>, vector<16xf32>,
        %add3A_462 = arith.constant 10496 : i32
        %add3A_463 = arith.addi %add3A_422, %add3A_462 : i32
        %swap3A_464 = arith.index_cast %add3A_463 : i32 to index
        %swap3A_465 = tpu.vector_load %arg28[%swap3A_464] {strides = array<i32>} : memref<20480xf32, #tpu.memory_space<vmem>>, vector<16xf32>,
        tpu.vector_store %arg28[%swap3A_464], %mul3A_339 {strides = array<i32>} : memref<20480xf32, #tpu.memory_space<vmem>>, vector<16xf32>,
        %add3A_466 = arith.constant 10624 : i32
        %add3A_467 = arith.addi %add3A_422, %add3A_466 : i32
        %swap3A_468 = arith.index_cast %add3A_467 : i32 to index
        %swap3A_469 = tpu.vector_load %arg28[%swap3A_468] {strides = array<i32>} : memref<20480xf32, #tpu.memory_space<vmem>>, vector<16xf32>,
        tpu.vector_store %arg28[%swap3A_468], %mul3A_347 {strides = array<i32>} : memref<20480xf32, #tpu.memory_space<vmem>>, vector<16xf32>,
        %add3A_470 = arith.constant 10752 : i32
        %add3A_471 = arith.addi %add3A_422, %add3A_470 : i32
        %swap3A_472 = arith.index_cast %add3A_471 : i32 to index
        %swap3A_473 = tpu.vector_load %arg28[%swap3A_472] {strides = array<i32>} : memref<20480xf32, #tpu.memory_space<vmem>>, vector<16xf32>,
        tpu.vector_store %arg28[%swap3A_472], %mul3A_357 {strides = array<i32>} : memref<20480xf32, #tpu.memory_space<vmem>>, vector<16xf32>,
        %add3A_474 = arith.constant 10880 : i32
        %add3A_475 = arith.addi %add3A_422, %add3A_474 : i32
        %swap3A_476 = arith.index_cast %add3A_475 : i32 to index
        %swap3A_477 = tpu.vector_load %arg28[%swap3A_476] {strides = array<i32>} : memref<20480xf32, #tpu.memory_space<vmem>>, vector<16xf32>,
        tpu.vector_store %arg28[%swap3A_476], %mul3A_365 {strides = array<i32>} : memref<20480xf32, #tpu.memory_space<vmem>>, vector<16xf32>,
        %add3A_478 = arith.constant 11008 : i32
        %add3A_479 = arith.addi %add3A_422, %add3A_478 : i32
        %swap3A_480 = arith.index_cast %add3A_479 : i32 to index
        %swap3A_481 = tpu.vector_load %arg28[%swap3A_480] {strides = array<i32>} : memref<20480xf32, #tpu.memory_space<vmem>>, vector<16xf32>,
        tpu.vector_store %arg28[%swap3A_480], %mul3A_370 {strides = array<i32>} : memref<20480xf32, #tpu.memory_space<vmem>>, vector<16xf32>,
        %add3A_482 = arith.constant 11136 : i32
        %add3A_483 = arith.addi %add3A_422, %add3A_482 : i32
        %swap3A_484 = arith.index_cast %add3A_483 : i32 to index
        %swap3A_485 = tpu.vector_load %arg28[%swap3A_484] {strides = array<i32>} : memref<20480xf32, #tpu.memory_space<vmem>>, vector<16xf32>,
        tpu.vector_store %arg28[%swap3A_484], %mul3A_378 {strides = array<i32>} : memref<20480xf32, #tpu.memory_space<vmem>>, vector<16xf32>,
        %mul3A_486 = arith.constant 2 : i32
        %mul3A_487 = arith.muli %scan3A_241, %mul3A_486 : i32
        %add3A_488 = arith.constant 1 : i32
        %add3A_489 = arith.addi %mul3A_487, %add3A_488 : i32
        %mul3A_490 = arith.constant 16 : i32
        %mul3A_491 = arith.muli %add3A_489, %mul3A_490 : i32
        %get3A_492 = arith.index_cast %mul3A_491 : i32 to index
        %get3A_493 = tpu.vector_load %arg16[%get3A_492] {strides = array<i32>} : memref<1280xf32, #tpu.memory_space<vmem>>, vector<16xf32>,
        %get3A_494 = arith.index_cast %mul3A_491 : i32 to index
        %get3A_495 = tpu.vector_load %arg22[%get3A_494] {strides = array<i32>} : memref<1280xf32, #tpu.memory_space<vmem>>, vector<16xf32>,
        %sub3A_496 = arith.subf %get3A_493, %get3A_495 : vector<16xf32>
        %get3A_497 = arith.index_cast %mul3A_491 : i32 to index
        %get3A_498 = tpu.vector_load %arg18[%get3A_497] {strides = array<i32>} : memref<1280xf32, #tpu.memory_space<vmem>>, vector<16xf32>,
        %get3A_499 = arith.index_cast %mul3A_491 : i32 to index
        %get3A_500 = tpu.vector_load %arg24[%get3A_499] {strides = array<i32>} : memref<1280xf32, #tpu.memory_space<vmem>>, vector<16xf32>,
        %sub3A_501 = arith.subf %get3A_498, %get3A_500 : vector<16xf32>
        %get3A_502 = arith.index_cast %mul3A_491 : i32 to index
        %get3A_503 = tpu.vector_load %arg20[%get3A_502] {strides = array<i32>} : memref<1280xf32, #tpu.memory_space<vmem>>, vector<16xf32>,
        %get3A_504 = arith.index_cast %mul3A_491 : i32 to index
        %get3A_505 = tpu.vector_load %arg26[%get3A_504] {strides = array<i32>} : memref<1280xf32, #tpu.memory_space<vmem>>, vector<16xf32>,
        %sub3A_506 = arith.subf %get3A_503, %get3A_505 : vector<16xf32>
        %mul3A_507 = arith.mulf %sub3A_496, %sub3A_496 : vector<16xf32>
        %mul3A_508 = arith.mulf %sub3A_501, %sub3A_501 : vector<16xf32>
        %add3A_509 = arith.addf %mul3A_507, %mul3A_508 : vector<16xf32>
        %mul3A_510 = arith.mulf %sub3A_506, %sub3A_506 : vector<16xf32>
        %add3A_511 = arith.addf %add3A_509, %mul3A_510 : vector<16xf32>
        %bitcast_convert_type3A_512 = tpu.bitcast %add3A_511 : vector<16xf32> -> vector<16xi32>
        %broadcast_in_dim3A_513 = arith.constant 1597463007 : i32
        %broadcast_in_dim3A_514 = vector.broadcast %broadcast_in_dim3A_513 : i32 to vector<16xi32>
        %broadcast_in_dim3A_515 = arith.constant 1 : i32
        %broadcast_in_dim3A_516 = vector.broadcast %broadcast_in_dim3A_515 : i32 to vector<16xi32>
        %shift_right_arithmetic3A_517 = arith.shrsi %bitcast_convert_type3A_512, %broadcast_in_dim3A_516 : vector<16xi32>
        %sub3A_518 = arith.subi %broadcast_in_dim3A_514, %shift_right_arithmetic3A_517 : vector<16xi32>
        %bitcast_convert_type3A_519 = tpu.bitcast %sub3A_518 : vector<16xi32> -> vector<16xf32>
        %broadcast_in_dim3A_520 = arith.constant 5.000000e-01 : f32
        %broadcast_in_dim3A_521 = vector.broadcast %broadcast_in_dim3A_520 : f32 to vector<16xf32>
        %mul3A_522 = arith.mulf %broadcast_in_dim3A_521, %add3A_511 : vector<16xf32>
        %broadcast_in_dim3A_523 = arith.constant 1.500000e+00 : f32
        %broadcast_in_dim3A_524 = vector.broadcast %broadcast_in_dim3A_523 : f32 to vector<16xf32>
        %mul3A_525 = arith.mulf %mul3A_522, %bitcast_convert_type3A_519 : vector<16xf32>
        %mul3A_526 = arith.mulf %mul3A_525, %bitcast_convert_type3A_519 : vector<16xf32>
        %sub3A_527 = arith.subf %broadcast_in_dim3A_524, %mul3A_526 : vector<16xf32>
        %mul3A_528 = arith.mulf %bitcast_convert_type3A_519, %sub3A_527 : vector<16xf32>
        %mul3A_529 = arith.mulf %mul3A_522, %mul3A_528 : vector<16xf32>
        %mul3A_530 = arith.mulf %mul3A_529, %mul3A_528 : vector<16xf32>
        %sub3A_531 = arith.subf %broadcast_in_dim3A_524, %mul3A_530 : vector<16xf32>
        %mul3A_532 = arith.mulf %mul3A_528, %sub3A_531 : vector<16xf32>
        %mul3A_533 = arith.mulf %sub3A_496, %mul3A_532 : vector<16xf32>
        %mul3A_534 = arith.mulf %sub3A_501, %mul3A_532 : vector<16xf32>
        %mul3A_535 = arith.mulf %sub3A_506, %mul3A_532 : vector<16xf32>
        %mul3A_536 = arith.mulf %mul3A_533, %mul3A_533 : vector<16xf32>
        %mul3A_537 = arith.mulf %mul3A_534, %mul3A_534 : vector<16xf32>
        %mul3A_538 = arith.mulf %mul3A_535, %mul3A_535 : vector<16xf32>
        %mul3A_539 = arith.mulf %mul3A_533, %mul3A_534 : vector<16xf32>
        %broadcast_in_dim3A_540 = arith.constant 1.000000e+00 : f32
        %broadcast_in_dim3A_541 = vector.broadcast %broadcast_in_dim3A_540 : f32 to vector<16xf32>
        %broadcast_in_dim3A_542 = arith.constant 0.282094806 : f32
        %broadcast_in_dim3A_543 = vector.broadcast %broadcast_in_dim3A_542 : f32 to vector<16xf32>
        %broadcast_in_dim3A_544 = arith.constant -0.488602519 : f32
        %broadcast_in_dim3A_545 = vector.broadcast %broadcast_in_dim3A_544 : f32 to vector<16xf32>
        %mul3A_546 = arith.mulf %broadcast_in_dim3A_545, %mul3A_534 : vector<16xf32>
        %broadcast_in_dim3A_547 = arith.constant 0.488602519 : f32
        %broadcast_in_dim3A_548 = vector.broadcast %broadcast_in_dim3A_547 : f32 to vector<16xf32>
        %mul3A_549 = arith.mulf %broadcast_in_dim3A_548, %mul3A_535 : vector<16xf32>
        %broadcast_in_dim3A_550 = arith.constant -0.488602519 : f32
        %broadcast_in_dim3A_551 = vector.broadcast %broadcast_in_dim3A_550 : f32 to vector<16xf32>
        %mul3A_552 = arith.mulf %broadcast_in_dim3A_551, %mul3A_533 : vector<16xf32>
        %broadcast_in_dim3A_553 = arith.constant 1.09254849 : f32
        %broadcast_in_dim3A_554 = vector.broadcast %broadcast_in_dim3A_553 : f32 to vector<16xf32>
        %mul3A_555 = arith.mulf %broadcast_in_dim3A_554, %mul3A_539 : vector<16xf32>
        %broadcast_in_dim3A_556 = arith.constant -1.09254849 : f32
        %broadcast_in_dim3A_557 = vector.broadcast %broadcast_in_dim3A_556 : f32 to vector<16xf32>
        %mul3A_558 = arith.mulf %mul3A_534, %mul3A_535 : vector<16xf32>
        %mul3A_559 = arith.mulf %broadcast_in_dim3A_557, %mul3A_558 : vector<16xf32>
        %broadcast_in_dim3A_560 = arith.constant 0.31539157 : f32
        %broadcast_in_dim3A_561 = vector.broadcast %broadcast_in_dim3A_560 : f32 to vector<16xf32>
        %broadcast_in_dim3A_562 = arith.constant 3.000000e+00 : f32
        %broadcast_in_dim3A_563 = vector.broadcast %broadcast_in_dim3A_562 : f32 to vector<16xf32>
        %mul3A_564 = arith.mulf %broadcast_in_dim3A_563, %mul3A_538 : vector<16xf32>
        %sub3A_565 = arith.subf %mul3A_564, %broadcast_in_dim3A_541 : vector<16xf32>
        %mul3A_566 = arith.mulf %broadcast_in_dim3A_561, %sub3A_565 : vector<16xf32>
        %broadcast_in_dim3A_567 = arith.constant -1.09254849 : f32
        %broadcast_in_dim3A_568 = vector.broadcast %broadcast_in_dim3A_567 : f32 to vector<16xf32>
        %mul3A_569 = arith.mulf %mul3A_533, %mul3A_535 : vector<16xf32>
        %mul3A_570 = arith.mulf %broadcast_in_dim3A_568, %mul3A_569 : vector<16xf32>
        %broadcast_in_dim3A_571 = arith.constant 0.546274245 : f32
        %broadcast_in_dim3A_572 = vector.broadcast %broadcast_in_dim3A_571 : f32 to vector<16xf32>
        %sub3A_573 = arith.subf %mul3A_536, %mul3A_537 : vector<16xf32>
        %mul3A_574 = arith.mulf %broadcast_in_dim3A_572, %sub3A_573 : vector<16xf32>
        %broadcast_in_dim3A_575 = arith.constant -0.590043604 : f32
        %broadcast_in_dim3A_576 = vector.broadcast %broadcast_in_dim3A_575 : f32 to vector<16xf32>
        %mul3A_577 = arith.mulf %broadcast_in_dim3A_576, %mul3A_534 : vector<16xf32>
        %broadcast_in_dim3A_578 = arith.constant 3.000000e+00 : f32
        %broadcast_in_dim3A_579 = vector.broadcast %broadcast_in_dim3A_578 : f32 to vector<16xf32>
        %mul3A_580 = arith.mulf %broadcast_in_dim3A_579, %mul3A_536 : vector<16xf32>
        %sub3A_581 = arith.subf %mul3A_580, %mul3A_537 : vector<16xf32>
        %mul3A_582 = arith.mulf %mul3A_577, %sub3A_581 : vector<16xf32>
        %broadcast_in_dim3A_583 = arith.constant 2.89061141 : f32
        %broadcast_in_dim3A_584 = vector.broadcast %broadcast_in_dim3A_583 : f32 to vector<16xf32>
        %mul3A_585 = arith.mulf %broadcast_in_dim3A_584, %mul3A_539 : vector<16xf32>
        %mul3A_586 = arith.mulf %mul3A_585, %mul3A_535 : vector<16xf32>
        %broadcast_in_dim3A_587 = arith.constant -0.457045794 : f32
        %broadcast_in_dim3A_588 = vector.broadcast %broadcast_in_dim3A_587 : f32 to vector<16xf32>
        %mul3A_589 = arith.mulf %broadcast_in_dim3A_588, %mul3A_534 : vector<16xf32>
        %broadcast_in_dim3A_590 = arith.constant 5.000000e+00 : f32
        %broadcast_in_dim3A_591 = vector.broadcast %broadcast_in_dim3A_590 : f32 to vector<16xf32>
        %mul3A_592 = arith.mulf %broadcast_in_dim3A_591, %mul3A_538 : vector<16xf32>
        %sub3A_593 = arith.subf %mul3A_592, %broadcast_in_dim3A_541 : vector<16xf32>
        %mul3A_594 = arith.mulf %mul3A_589, %sub3A_593 : vector<16xf32>
        %broadcast_in_dim3A_595 = arith.constant 0.373176336 : f32
        %broadcast_in_dim3A_596 = vector.broadcast %broadcast_in_dim3A_595 : f32 to vector<16xf32>
        %mul3A_597 = arith.mulf %broadcast_in_dim3A_596, %mul3A_535 : vector<16xf32>
        %broadcast_in_dim3A_598 = arith.constant 5.000000e+00 : f32
        %broadcast_in_dim3A_599 = vector.broadcast %broadcast_in_dim3A_598 : f32 to vector<16xf32>
        %mul3A_600 = arith.mulf %broadcast_in_dim3A_599, %mul3A_538 : vector<16xf32>
        %broadcast_in_dim3A_601 = arith.constant 3.000000e+00 : f32
        %broadcast_in_dim3A_602 = vector.broadcast %broadcast_in_dim3A_601 : f32 to vector<16xf32>
        %sub3A_603 = arith.subf %mul3A_600, %broadcast_in_dim3A_602 : vector<16xf32>
        %mul3A_604 = arith.mulf %mul3A_597, %sub3A_603 : vector<16xf32>
        %broadcast_in_dim3A_605 = arith.constant -0.457045794 : f32
        %broadcast_in_dim3A_606 = vector.broadcast %broadcast_in_dim3A_605 : f32 to vector<16xf32>
        %mul3A_607 = arith.mulf %broadcast_in_dim3A_606, %mul3A_533 : vector<16xf32>
        %broadcast_in_dim3A_608 = arith.constant 5.000000e+00 : f32
        %broadcast_in_dim3A_609 = vector.broadcast %broadcast_in_dim3A_608 : f32 to vector<16xf32>
        %mul3A_610 = arith.mulf %broadcast_in_dim3A_609, %mul3A_538 : vector<16xf32>
        %sub3A_611 = arith.subf %mul3A_610, %broadcast_in_dim3A_541 : vector<16xf32>
        %mul3A_612 = arith.mulf %mul3A_607, %sub3A_611 : vector<16xf32>
        %broadcast_in_dim3A_613 = arith.constant 1.44530571 : f32
        %broadcast_in_dim3A_614 = vector.broadcast %broadcast_in_dim3A_613 : f32 to vector<16xf32>
        %mul3A_615 = arith.mulf %broadcast_in_dim3A_614, %mul3A_535 : vector<16xf32>
        %sub3A_616 = arith.subf %mul3A_536, %mul3A_537 : vector<16xf32>
        %mul3A_617 = arith.mulf %mul3A_615, %sub3A_616 : vector<16xf32>
        %broadcast_in_dim3A_618 = arith.constant -0.590043604 : f32
        %broadcast_in_dim3A_619 = vector.broadcast %broadcast_in_dim3A_618 : f32 to vector<16xf32>
        %mul3A_620 = arith.mulf %broadcast_in_dim3A_619, %mul3A_533 : vector<16xf32>
        %broadcast_in_dim3A_621 = arith.constant 3.000000e+00 : f32
        %broadcast_in_dim3A_622 = vector.broadcast %broadcast_in_dim3A_621 : f32 to vector<16xf32>
        %mul3A_623 = arith.mulf %broadcast_in_dim3A_622, %mul3A_537 : vector<16xf32>
        %sub3A_624 = arith.subf %mul3A_536, %mul3A_623 : vector<16xf32>
        %mul3A_625 = arith.mulf %mul3A_620, %sub3A_624 : vector<16xf32>
        %jit3A_626 = arith.constant 8 : i32
        %div3A_627 = arith.divsi %add3A_489, %jit3A_626 : i32
        %sign3A_628 = arith.constant 0 : i32
        %sign3A_629 = arith.cmpi sgt, %add3A_489, %sign3A_628 : i32
        %sign3A_630 = arith.extui %sign3A_629 : i1 to i32
        %sign3A_631 = arith.constant 0 : i32
        %sign3A_632 = arith.cmpi slt, %add3A_489, %sign3A_631 : i32
        %sign3A_633 = arith.extui %sign3A_632 : i1 to i32
        %sign3A_634 = arith.subi %sign3A_630, %sign3A_633 : i32
        %sign3A_635 = arith.constant 0 : i32
        %sign3A_636 = arith.cmpi sgt, %jit3A_626, %sign3A_635 : i32
        %sign3A_637 = arith.extui %sign3A_636 : i1 to i32
        %sign3A_638 = arith.constant 0 : i32
        %sign3A_639 = arith.cmpi slt, %jit3A_626, %sign3A_638 : i32
        %sign3A_640 = arith.extui %sign3A_639 : i1 to i32
        %sign3A_641 = arith.subi %sign3A_637, %sign3A_640 : i32
        %ne3A_642 = arith.cmpi ne, %sign3A_634, %sign3A_641 : i32
        %rem3A_643 = arith.remsi %add3A_489, %jit3A_626 : i32
        %ne3A_644 = arith.constant 0 : i32
        %ne3A_645 = arith.cmpi ne, %rem3A_643, %ne3A_644 : i32
        %and3A_646 = arith.andi %ne3A_642, %ne3A_645 : i1
        %sub3A_647 = arith.constant 1 : i32
        %sub3A_648 = arith.subi %div3A_627, %sub3A_647 : i32
        %select_n3A_649 = arith.select %and3A_646, %sub3A_648, %div3A_627 : i32
        %mul3A_650 = arith.constant 1024 : i32
        %mul3A_651 = arith.muli %select_n3A_649, %mul3A_650 : i32
        %jit3A_652 = arith.constant 8 : i32
        %eq3A_653 = arith.constant 0 : i32
        %eq3A_654 = arith.cmpi eq, %jit3A_652, %eq3A_653 : i32
        %jit3A_655 = arith.constant 1 : i32
        %select_n3A_656 = arith.select %eq3A_654, %jit3A_655, %jit3A_652 : i32
        %rem3A_657 = arith.remsi %add3A_489, %select_n3A_656 : i32
        %ne3A_658 = arith.constant 0 : i32
        %ne3A_659 = arith.cmpi ne, %rem3A_657, %ne3A_658 : i32
        %lt3A_660 = arith.constant 0 : i32
        %lt3A_661 = arith.cmpi slt, %rem3A_657, %lt3A_660 : i32
        %lt3A_662 = arith.constant 0 : i32
        %lt3A_663 = arith.cmpi slt, %select_n3A_656, %lt3A_662 : i32
        %ne3A_664 = arith.xori %lt3A_661, %lt3A_663 : i1
        %and3A_665 = arith.andi %ne3A_664, %ne3A_659 : i1
        %add3A_666 = arith.addi %rem3A_657, %select_n3A_656 : i32
        %select_n3A_667 = arith.select %and3A_665, %add3A_666, %rem3A_657 : i32
        %mul3A_668 = arith.constant 16 : i32
        %mul3A_669 = arith.muli %select_n3A_667, %mul3A_668 : i32
        %add3A_670 = arith.addi %mul3A_651, %mul3A_669 : i32
        %add3A_671 = arith.constant 0 : i32
        %add3A_672 = arith.addi %add3A_670, %add3A_671 : i32
        %swap3A_673 = arith.index_cast %add3A_672 : i32 to index
        %swap3A_674 = tpu.vector_load %arg28[%swap3A_673] {strides = array<i32>} : memref<20480xf32, #tpu.memory_space<vmem>>, vector<16xf32>,
        tpu.vector_store %arg28[%swap3A_673], %broadcast_in_dim3A_543 {strides = array<i32>} : memref<20480xf32, #tpu.memory_space<vmem>>, vector<16xf32>,
        %add3A_675 = arith.constant 128 : i32
        %add3A_676 = arith.addi %add3A_670, %add3A_675 : i32
        %swap3A_677 = arith.index_cast %add3A_676 : i32 to index
        %swap3A_678 = tpu.vector_load %arg28[%swap3A_677] {strides = array<i32>} : memref<20480xf32, #tpu.memory_space<vmem>>, vector<16xf32>,
        tpu.vector_store %arg28[%swap3A_677], %mul3A_546 {strides = array<i32>} : memref<20480xf32, #tpu.memory_space<vmem>>, vector<16xf32>,
        %add3A_679 = arith.constant 256 : i32
        %add3A_680 = arith.addi %add3A_670, %add3A_679 : i32
        %swap3A_681 = arith.index_cast %add3A_680 : i32 to index
        %swap3A_682 = tpu.vector_load %arg28[%swap3A_681] {strides = array<i32>} : memref<20480xf32, #tpu.memory_space<vmem>>, vector<16xf32>,
        tpu.vector_store %arg28[%swap3A_681], %mul3A_549 {strides = array<i32>} : memref<20480xf32, #tpu.memory_space<vmem>>, vector<16xf32>,
        %add3A_683 = arith.constant 384 : i32
        %add3A_684 = arith.addi %add3A_670, %add3A_683 : i32
        %swap3A_685 = arith.index_cast %add3A_684 : i32 to index
        %swap3A_686 = tpu.vector_load %arg28[%swap3A_685] {strides = array<i32>} : memref<20480xf32, #tpu.memory_space<vmem>>, vector<16xf32>,
        tpu.vector_store %arg28[%swap3A_685], %mul3A_552 {strides = array<i32>} : memref<20480xf32, #tpu.memory_space<vmem>>, vector<16xf32>,
        %add3A_687 = arith.constant 512 : i32
        %add3A_688 = arith.addi %add3A_670, %add3A_687 : i32
        %swap3A_689 = arith.index_cast %add3A_688 : i32 to index
        %swap3A_690 = tpu.vector_load %arg28[%swap3A_689] {strides = array<i32>} : memref<20480xf32, #tpu.memory_space<vmem>>, vector<16xf32>,
        tpu.vector_store %arg28[%swap3A_689], %mul3A_555 {strides = array<i32>} : memref<20480xf32, #tpu.memory_space<vmem>>, vector<16xf32>,
        %add3A_691 = arith.constant 640 : i32
        %add3A_692 = arith.addi %add3A_670, %add3A_691 : i32
        %swap3A_693 = arith.index_cast %add3A_692 : i32 to index
        %swap3A_694 = tpu.vector_load %arg28[%swap3A_693] {strides = array<i32>} : memref<20480xf32, #tpu.memory_space<vmem>>, vector<16xf32>,
        tpu.vector_store %arg28[%swap3A_693], %mul3A_559 {strides = array<i32>} : memref<20480xf32, #tpu.memory_space<vmem>>, vector<16xf32>,
        %add3A_695 = arith.constant 768 : i32
        %add3A_696 = arith.addi %add3A_670, %add3A_695 : i32
        %swap3A_697 = arith.index_cast %add3A_696 : i32 to index
        %swap3A_698 = tpu.vector_load %arg28[%swap3A_697] {strides = array<i32>} : memref<20480xf32, #tpu.memory_space<vmem>>, vector<16xf32>,
        tpu.vector_store %arg28[%swap3A_697], %mul3A_566 {strides = array<i32>} : memref<20480xf32, #tpu.memory_space<vmem>>, vector<16xf32>,
        %add3A_699 = arith.constant 896 : i32
        %add3A_700 = arith.addi %add3A_670, %add3A_699 : i32
        %swap3A_701 = arith.index_cast %add3A_700 : i32 to index
        %swap3A_702 = tpu.vector_load %arg28[%swap3A_701] {strides = array<i32>} : memref<20480xf32, #tpu.memory_space<vmem>>, vector<16xf32>,
        tpu.vector_store %arg28[%swap3A_701], %mul3A_570 {strides = array<i32>} : memref<20480xf32, #tpu.memory_space<vmem>>, vector<16xf32>,
        %add3A_703 = arith.constant 10240 : i32
        %add3A_704 = arith.addi %add3A_670, %add3A_703 : i32
        %swap3A_705 = arith.index_cast %add3A_704 : i32 to index
        %swap3A_706 = tpu.vector_load %arg28[%swap3A_705] {strides = array<i32>} : memref<20480xf32, #tpu.memory_space<vmem>>, vector<16xf32>,
        tpu.vector_store %arg28[%swap3A_705], %mul3A_574 {strides = array<i32>} : memref<20480xf32, #tpu.memory_space<vmem>>, vector<16xf32>,
        %add3A_707 = arith.constant 10368 : i32
        %add3A_708 = arith.addi %add3A_670, %add3A_707 : i32
        %swap3A_709 = arith.index_cast %add3A_708 : i32 to index
        %swap3A_710 = tpu.vector_load %arg28[%swap3A_709] {strides = array<i32>} : memref<20480xf32, #tpu.memory_space<vmem>>, vector<16xf32>,
        tpu.vector_store %arg28[%swap3A_709], %mul3A_582 {strides = array<i32>} : memref<20480xf32, #tpu.memory_space<vmem>>, vector<16xf32>,
        %add3A_711 = arith.constant 10496 : i32
        %add3A_712 = arith.addi %add3A_670, %add3A_711 : i32
        %swap3A_713 = arith.index_cast %add3A_712 : i32 to index
        %swap3A_714 = tpu.vector_load %arg28[%swap3A_713] {strides = array<i32>} : memref<20480xf32, #tpu.memory_space<vmem>>, vector<16xf32>,
        tpu.vector_store %arg28[%swap3A_713], %mul3A_586 {strides = array<i32>} : memref<20480xf32, #tpu.memory_space<vmem>>, vector<16xf32>,
        %add3A_715 = arith.constant 10624 : i32
        %add3A_716 = arith.addi %add3A_670, %add3A_715 : i32
        %swap3A_717 = arith.index_cast %add3A_716 : i32 to index
        %swap3A_718 = tpu.vector_load %arg28[%swap3A_717] {strides = array<i32>} : memref<20480xf32, #tpu.memory_space<vmem>>, vector<16xf32>,
        tpu.vector_store %arg28[%swap3A_717], %mul3A_594 {strides = array<i32>} : memref<20480xf32, #tpu.memory_space<vmem>>, vector<16xf32>,
        %add3A_719 = arith.constant 10752 : i32
        %add3A_720 = arith.addi %add3A_670, %add3A_719 : i32
        %swap3A_721 = arith.index_cast %add3A_720 : i32 to index
        %swap3A_722 = tpu.vector_load %arg28[%swap3A_721] {strides = array<i32>} : memref<20480xf32, #tpu.memory_space<vmem>>, vector<16xf32>,
        tpu.vector_store %arg28[%swap3A_721], %mul3A_604 {strides = array<i32>} : memref<20480xf32, #tpu.memory_space<vmem>>, vector<16xf32>,
        %add3A_723 = arith.constant 10880 : i32
        %add3A_724 = arith.addi %add3A_670, %add3A_723 : i32
        %swap3A_725 = arith.index_cast %add3A_724 : i32 to index
        %swap3A_726 = tpu.vector_load %arg28[%swap3A_725] {strides = array<i32>} : memref<20480xf32, #tpu.memory_space<vmem>>, vector<16xf32>,
        tpu.vector_store %arg28[%swap3A_725], %mul3A_612 {strides = array<i32>} : memref<20480xf32, #tpu.memory_space<vmem>>, vector<16xf32>,
        %add3A_727 = arith.constant 11008 : i32
        %add3A_728 = arith.addi %add3A_670, %add3A_727 : i32
        %swap3A_729 = arith.index_cast %add3A_728 : i32 to index
        %swap3A_730 = tpu.vector_load %arg28[%swap3A_729] {strides = array<i32>} : memref<20480xf32, #tpu.memory_space<vmem>>, vector<16xf32>,
        tpu.vector_store %arg28[%swap3A_729], %mul3A_617 {strides = array<i32>} : memref<20480xf32, #tpu.memory_space<vmem>>, vector<16xf32>,
        %add3A_731 = arith.constant 11136 : i32
        %add3A_732 = arith.addi %add3A_670, %add3A_731 : i32
        %swap3A_733 = arith.index_cast %add3A_732 : i32 to index
        %swap3A_734 = tpu.vector_load %arg28[%swap3A_733] {strides = array<i32>} : memref<20480xf32, #tpu.memory_space<vmem>>, vector<16xf32>,
        tpu.vector_store %arg28[%swap3A_733], %mul3A_625 {strides = array<i32>} : memref<20480xf32, #tpu.memory_space<vmem>>, vector<16xf32>,
        %scan3A_735 = arith.constant 0 : i32
        scf.yield %scan3A_735 : i32
      }
      %scan3A_192 = arith.constant 40 : i32
      %add3A_193 = arith.constant 1248 : i32
      %add3A_194 = arith.addi %add3A, %add3A_193 : i32
      %mul3A_195 = arith.constant 10 : i32
      %mul3A_196 = arith.muli %add3A_194, %mul3A_195 : i32
      %mul3A_197 = arith.constant 1024 : i32
      %mul3A_198 = arith.muli %mul3A_196, %mul3A_197 : i32
      %add3A_199 = arith.constant 0 : i32
      %add3A_200 = arith.addi %add3A_199, %mul3A_198 : i32
      %dma_start3A_201 = arith.constant 0 : i32
      %dma_start3A_202 = tpu.memref_slice %arg28[%dma_start3A_201] : memref<20480xf32, #tpu.memory_space<vmem>> -> memref<10240xf32, #tpu.memory_space<vmem>>
      %dma_start3A_203 = tpu.memref_slice %arg10[%add3A_200] : memref<25600000xf32, #tpu.memory_space<hbm>> -> memref<10240xf32, #tpu.memory_space<hbm>>
      %dma_start3A_204 = tpu.memref_slice %arg10[%add3A_200] : memref<25600000xf32, #tpu.memory_space<hbm>> -> memref<10240xf32, #tpu.memory_space<hbm>>
      %dma_start3A_205 = arith.constant 0 : i32
      %dma_start3A_206 = tpu.memref_slice %arg28[%dma_start3A_205] : memref<20480xf32, #tpu.memory_space<vmem>> -> memref<10240xf32, #tpu.memory_space<vmem>>
      tpu.enqueue_dma source(%dma_start3A_206 : memref<10240xf32, #tpu.memory_space<vmem>>) target(%dma_start3A_204 : memref<10240xf32, #tpu.memory_space<hbm>>) target_semaphore(%arg38 : memref<!tpu.dma_semaphore, #tpu.memory_space<semaphore_mem>>)
      %mul3A_207 = arith.constant 1024 : i32
      %mul3A_208 = arith.muli %mul3A_196, %mul3A_207 : i32
      %add3A_209 = arith.constant 12800000 : i32
      %add3A_210 = arith.addi %add3A_209, %mul3A_208 : i32
      %dma_start3A_211 = arith.constant 10240 : i32
      %dma_start3A_212 = tpu.memref_slice %arg28[%dma_start3A_211] : memref<20480xf32, #tpu.memory_space<vmem>> -> memref<10240xf32, #tpu.memory_space<vmem>>
      %dma_start3A_213 = tpu.memref_slice %arg10[%add3A_210] : memref<25600000xf32, #tpu.memory_space<hbm>> -> memref<10240xf32, #tpu.memory_space<hbm>>
      %dma_start3A_214 = tpu.memref_slice %arg10[%add3A_210] : memref<25600000xf32, #tpu.memory_space<hbm>> -> memref<10240xf32, #tpu.memory_space<hbm>>
      %dma_start3A_215 = arith.constant 10240 : i32
      %dma_start3A_216 = tpu.memref_slice %arg28[%dma_start3A_215] : memref<20480xf32, #tpu.memory_space<vmem>> -> memref<10240xf32, #tpu.memory_space<vmem>>
      tpu.enqueue_dma source(%dma_start3A_216 : memref<10240xf32, #tpu.memory_space<vmem>>) target(%dma_start3A_214 : memref<10240xf32, #tpu.memory_space<hbm>>) target_semaphore(%arg38 : memref<!tpu.dma_semaphore, #tpu.memory_space<semaphore_mem>>)
      %add3A_217 = arith.constant 1248 : i32
      %add3A_218 = arith.addi %add3A, %add3A_217 : i32
      %mul3A_219 = arith.constant 10 : i32
      %mul3A_220 = arith.muli %add3A_218, %mul3A_219 : i32
      %mul3A_221 = arith.constant 1024 : i32
      %mul3A_222 = arith.muli %mul3A_220, %mul3A_221 : i32
      %add3A_223 = arith.constant 0 : i32
      %add3A_224 = arith.addi %add3A_223, %mul3A_222 : i32
      %dma_wait3A_225 = arith.constant 0 : i32
      %dma_wait3A_226 = tpu.memref_slice %arg28[%dma_wait3A_225] : memref<20480xf32, #tpu.memory_space<vmem>> -> memref<10240xf32, #tpu.memory_space<vmem>>
      %dma_wait3A_227 = tpu.memref_slice %arg10[%add3A_224] : memref<25600000xf32, #tpu.memory_space<hbm>> -> memref<10240xf32, #tpu.memory_space<hbm>>
      %dma_wait3A_228 = tpu.memref_slice %arg10[%add3A_224] : memref<25600000xf32, #tpu.memory_space<hbm>> -> memref<10240xf32, #tpu.memory_space<hbm>>
      %dma_wait3A_229 = arith.constant 0 : i32
      %dma_wait3A_230 = tpu.memref_slice %arg28[%dma_wait3A_229] : memref<20480xf32, #tpu.memory_space<vmem>> -> memref<10240xf32, #tpu.memory_space<vmem>>
      tpu.wait_dma2 semaphore(%arg38 : memref<!tpu.dma_semaphore, #tpu.memory_space<semaphore_mem>>) src(%dma_wait3A_230 : memref<10240xf32, #tpu.memory_space<vmem>>) dst(%dma_wait3A_228 : memref<10240xf32, #tpu.memory_space<hbm>>)
      %mul3A_231 = arith.constant 1024 : i32
      %mul3A_232 = arith.muli %mul3A_220, %mul3A_231 : i32
      %add3A_233 = arith.constant 12800000 : i32
      %add3A_234 = arith.addi %add3A_233, %mul3A_232 : i32
      %dma_wait3A_235 = arith.constant 10240 : i32
      %dma_wait3A_236 = tpu.memref_slice %arg28[%dma_wait3A_235] : memref<20480xf32, #tpu.memory_space<vmem>> -> memref<10240xf32, #tpu.memory_space<vmem>>
      %dma_wait3A_237 = tpu.memref_slice %arg10[%add3A_234] : memref<25600000xf32, #tpu.memory_space<hbm>> -> memref<10240xf32, #tpu.memory_space<hbm>>
      %dma_wait3A_238 = tpu.memref_slice %arg10[%add3A_234] : memref<25600000xf32, #tpu.memory_space<hbm>> -> memref<10240xf32, #tpu.memory_space<hbm>>
      %dma_wait3A_239 = arith.constant 10240 : i32
      %dma_wait3A_240 = tpu.memref_slice %arg28[%dma_wait3A_239] : memref<20480xf32, #tpu.memory_space<vmem>> -> memref<10240xf32, #tpu.memory_space<vmem>>
      tpu.wait_dma2 semaphore(%arg38 : memref<!tpu.dma_semaphore, #tpu.memory_space<semaphore_mem>>) src(%dma_wait3A_240 : memref<10240xf32, #tpu.memory_space<vmem>>) dst(%dma_wait3A_238 : memref<10240xf32, #tpu.memory_space<hbm>>)
    } else {
    }
    %add3A_150 = arith.constant 1216 : i32
    %add3A_151 = arith.addi %add3A, %add3A_150 : i32
    %mul3A_152 = arith.constant 10 : i32
    %mul3A_153 = arith.muli %add3A_151, %mul3A_152 : i32
    %mul3A_154 = arith.constant 1024 : i32
    %mul3A_155 = arith.muli %mul3A_153, %mul3A_154 : i32
    %add3A_156 = arith.constant 0 : i32
    %add3A_157 = arith.addi %add3A_156, %mul3A_155 : i32
    %dma_wait3A_158 = arith.constant 0 : i32
    %dma_wait3A_159 = tpu.memref_slice %arg27[%dma_wait3A_158] : memref<20480xf32, #tpu.memory_space<vmem>> -> memref<10240xf32, #tpu.memory_space<vmem>>
    %dma_wait3A_160 = tpu.memref_slice %arg10[%add3A_157] : memref<25600000xf32, #tpu.memory_space<hbm>> -> memref<10240xf32, #tpu.memory_space<hbm>>
    %dma_wait3A_161 = tpu.memref_slice %arg10[%add3A_157] : memref<25600000xf32, #tpu.memory_space<hbm>> -> memref<10240xf32, #tpu.memory_space<hbm>>
    %dma_wait3A_162 = arith.constant 0 : i32
    %dma_wait3A_163 = tpu.memref_slice %arg27[%dma_wait3A_162] : memref<20480xf32, #tpu.memory_space<vmem>> -> memref<10240xf32, #tpu.memory_space<vmem>>
    tpu.wait_dma2 semaphore(%arg37 : memref<!tpu.dma_semaphore, #tpu.memory_space<semaphore_mem>>) src(%dma_wait3A_163 : memref<10240xf32, #tpu.memory_space<vmem>>) dst(%dma_wait3A_161 : memref<10240xf32, #tpu.memory_space<hbm>>)
    %mul3A_164 = arith.constant 1024 : i32
    %mul3A_165 = arith.muli %mul3A_153, %mul3A_164 : i32
    %add3A_166 = arith.constant 12800000 : i32
    %add3A_167 = arith.addi %add3A_166, %mul3A_165 : i32
    %dma_wait3A_168 = arith.constant 10240 : i32
    %dma_wait3A_169 = tpu.memref_slice %arg27[%dma_wait3A_168] : memref<20480xf32, #tpu.memory_space<vmem>> -> memref<10240xf32, #tpu.memory_space<vmem>>
    %dma_wait3A_170 = tpu.memref_slice %arg10[%add3A_167] : memref<25600000xf32, #tpu.memory_space<hbm>> -> memref<10240xf32, #tpu.memory_space<hbm>>
    %dma_wait3A_171 = tpu.memref_slice %arg10[%add3A_167] : memref<25600000xf32, #tpu.memory_space<hbm>> -> memref<10240xf32, #tpu.memory_space<hbm>>
    %dma_wait3A_172 = arith.constant 10240 : i32
    %dma_wait3A_173 = tpu.memref_slice %arg27[%dma_wait3A_172] : memref<20480xf32, #tpu.memory_space<vmem>> -> memref<10240xf32, #tpu.memory_space<vmem>>
    tpu.wait_dma2 semaphore(%arg37 : memref<!tpu.dma_semaphore, #tpu.memory_space<semaphore_mem>>) src(%dma_wait3A_173 : memref<10240xf32, #tpu.memory_space<vmem>>) dst(%dma_wait3A_171 : memref<10240xf32, #tpu.memory_space<hbm>>)
    return
  }
}

</mosaic_0001>

<sc_bundles>
// kernel: kernel.3.cloned.1.call-start
scs
__scs_entry_jumppad:
0x0: {  	(pc) =	sbr.rel $0x88, $3  }
0x1: {  	(tag) =	ssettag $0x0;
	lr =	simm.s32 $0x1  }
0x2: {  	[smem:$0x3F9E] =	sst lr;
	_ =	strace $0xD0000000  }
0x3: {  	_ = 	snop  }
0x4: {  	_ = 	snop  }
0x5: {  	_ = 	snop  }
0x6: {  	_ = 	snop  }
0x7: {  	_ = 	snop  }
__scs_overlays_trampoline_lowered:
0x8: {  	[smem:$0x3FAD] =	sst s0  }
0x9: {  	[smem:$0x3FAE] =	sst s1  }
0xa: {  	[smem:$0x3FAF] =	sst s2  }
0xb: {  	[smem:$0x3FB0] =	sst s3  }
0xc: {  	[smem:$0x3FB1] =	sst s4  }
0xd: {  	[smem:$0x3FB2] =	sst s5  }
0xe: {  	[smem:$0x3FB3] =	sst s6  }
0xf: {  	[smem:$0x3FB4] =	sst s7  }
0x10: {  	[smem:$0x3FB5] =	sst s8  }
0x11: {  	[smem:$0x3FB6] =	sst s9;
	s0 =	simm.s32 @!p0 $0x0  }
0x12: {  	s1 =	sld [smem:$0x3F9C];
	s0 =	simm.s32 @p0 $0x1  }
0x13: {  	[smem:$0x3FB7] =	sst s0;
	s0 =	simm.s32 @!p1 $0x0  }
0x14: {  	s2 =	sld [smem:$0x3F9B];
	s0 =	simm.s32 @p1 $0x1  }
0x15: {  	[smem:$0x3FB8] =	sst s0;
	s0 =	simm.s32 @!p2 $0x0  }
0x16: {  	s3 =	sld [smem:$0x3FDB];
	s0 =	simm.s32 @p2 $0x1  }
0x17: {  	s4 =	simm.s32 $0x1BF5;
	[smem:$0x3FBA] =	sst s0  }
0x18: {  	s0 =	sld [smem:$0x3F9D];
	_ =	swait.ge [sflag:s4], $0x0  }
0x19: {  	s7 =	sld [smem:$0x3F9E]  }
0x1a: {  	s8 =	sadd.s32 $0xFFFFE003, lr  }
0x1b: {  	s9 =	sadd.s32 $0xFFFFFEF7, lr;
	s5 =	simm.s32 $0xFFFFFFFF;
	p2 =	slt.u32 s8, $0xFFFFF086  }
0x1c: {  	p1 =	slt.u32 s9, $0xF7A;
	s5 =	simm.s32 @!p2 $0x0  }
0x1d: {  	s5 =	simm.s32 @p1 $0x1;
	p0 =	seq.s32 s7, s2  }
0x1e: {  	s7 =	smul.u32 @!p0 $0xF7A, s2;
	p2 =	seq.s32 @!p0 s5, $0x0  }
0x1f: {  	s9 =	smul.u32 $0xF7A, s1;
	s8 =	simm.s32 @!p0 $0x1BF5;
	p2 =	por !p2, p0  }
0x20: {  	[sflag:s8] =	ssyncset.s32 @!p0 $0xFFFFF086;
	s6 =	sadd.s32 @!p0 s3, s7;
	s7 =	simm.s32 @!p0 $0x108  }
0x21: {  	s3 =	sadd.s32 s3, s9;
	s6 =	sadd.s32 @!p0 $0x88, s6;
	s7 =	simm.s32 @p2 $0x1082  }
0x22: {  	[simem:s7], [sflag:s8] =	dma.local @!p0 [hbm:s6], $0xF7A  }
0x23: {  	s9 =	sor.u32 $0xD0000000, s2;
	s6 =	simm.s32 $0x108;
	_ =	swait.ge @!p0 [sflag:s8], $0x0  }
0x24: {  	s3 =	sadd.s32 $0x88, s3;
	s6 =	simm.s32 @!p1 $0x1082;
	[sflag:s4] =	ssyncset.s32 $0xFFFFF086  }
0x25: {  	[simem:s6], [sflag:s4] =	dma.local [hbm:s3], $0xF7A  }
0x26: {  	[smem:$0x3F9E] =	sst s1;
	(tag) =	ssettag s2;
	_ =	strace s9  }
0x27: {  	s1 =	sld [smem:$0x3FAE]  }
0x28: {  	s2 =	sld [smem:$0x3FAF]  }
0x29: {  	s4 =	sld [smem:$0x3FB1]  }
0x2a: {  	p0 =	seq.s32 s5, $0x0;
	s5 =	sld [smem:$0x3FB2]  }
0x2b: {  	s6 =	sld [smem:$0x3FB3]  }
0x2c: {  	s7 =	sld [smem:$0x3FB4]  }
0x2d: {  	s3 =	simm.s32 $0x108;
	s8 =	sld [smem:$0x3FB5]  }
0x2e: {  	s3 =	simm.s32 @!p0 $0x1082;
	s9 =	sld [smem:$0x3FB6]  }
0x2f: {  	lr =	sadd.s32 s0, s3;
	s0 =	sld [smem:$0x3FAD]  }
0x30: {  	s3 =	sld [smem:$0x3FB0]  }
0x31: {  	[smem:$0x3FB9] =	sst s10  }
0x32: {  	s10 =	sld [smem:$0x3FB7];
	_ =	sdelay $0x3  }
0x33: {  	p0 =	seq.s32 s10, $0x1;
	s10 =	sld [smem:$0x3FB9];
	_ =	sdelay $0x3  }
0x34: {  	[smem:$0x3FB9] =	sst s10  }
0x35: {  	s10 =	sld [smem:$0x3FB8];
	_ =	sdelay $0x3  }
0x36: {  	p1 =	seq.s32 s10, $0x1;
	s10 =	sld [smem:$0x3FB9];
	_ =	sdelay $0x3  }
0x37: {  	[smem:$0x3FB9] =	sst s10  }
0x38: {  	s10 =	sld [smem:$0x3FBA]  }
0x39: {  	_ = 	snop;
	(pc) =	sbr.ind lr, $3  }
0x3a: {  	_ = 	snop  }
0x3b: {  	_ = 	snop  }
0x3c: {  	p2 =	seq.s32 s10, $0x1;
	s10 =	sld [smem:$0x3FB9]  }
0x3d: {  	_ =	shalt  }
0x3e: {  	_ =	shalt  }
0x3f: {  	_ =	shalt  }
0x40: {  	_ =	shalt  }
0x41: {  	_ =	shalt  }
0x42: {  	_ =	shalt  }
0x43: {  	_ =	shalt  }
0x44: {  	_ =	shalt  }
0x45: {  	_ =	shalt  }
0x46: {  	_ =	shalt  }
0x47: {  	_ =	shalt  }
0x48: {  	_ =	shalt  }
0x49: {  	_ =	shalt  }
0x4a: {  	_ =	shalt  }
0x4b: {  	_ =	shalt  }
0x4c: {  	_ =	shalt  }
0x4d: {  	_ =	shalt  }
0x4e: {  	_ =	shalt  }
0x4f: {  	_ =	shalt  }
0x50: {  	_ =	shalt  }
0x51: {  	_ =	shalt  }
0x52: {  	_ =	shalt  }
0x53: {  	_ =	shalt  }
0x54: {  	_ =	shalt  }
0x55: {  	_ =	shalt  }
0x56: {  	_ =	shalt  }
0x57: {  	_ =	shalt  }
0x58: {  	_ =	shalt  }
0x59: {  	_ =	shalt  }
0x5a: {  	_ =	shalt  }
0x5b: {  	_ =	shalt  }
0x5c: {  	_ =	shalt  }
0x5d: {  	_ =	shalt  }
0x5e: {  	_ =	shalt  }
0x5f: {  	_ =	shalt  }
0x60: {  	_ =	shalt  }
0x61: {  	_ =	shalt  }
0x62: {  	_ =	shalt  }
0x63: {  	_ =	shalt  }
0x64: {  	_ =	shalt  }
0x65: {  	_ =	shalt  }
0x66: {  	_ =	shalt  }
0x67: {  	_ =	shalt  }
0x68: {  	_ =	shalt  }
0x69: {  	_ =	shalt  }
0x6a: {  	_ =	shalt  }
0x6b: {  	_ =	shalt  }
0x6c: {  	_ =	shalt  }
0x6d: {  	_ =	shalt  }
0x6e: {  	_ =	shalt  }
0x6f: {  	_ =	shalt  }
0x70: {  	_ =	shalt  }
0x71: {  	_ =	shalt  }
0x72: {  	_ =	shalt  }
0x73: {  	_ =	shalt  }
0x74: {  	_ =	shalt  }
0x75: {  	_ =	shalt  }
0x76: {  	_ =	shalt  }
0x77: {  	_ =	shalt  }
0x78: {  	_ =	shalt  }
0x79: {  	_ =	shalt  }
0x7a: {  	_ =	shalt  }
0x7b: {  	_ =	shalt  }
0x7c: {  	_ =	shalt  }
0x7d: {  	_ =	shalt  }
0x7e: {  	_ =	shalt  }
0x7f: {  	_ =	shalt  }
0x80: {  	_ =	shalt  }
0x81: {  	_ =	shalt  }
0x82: {  	_ =	shalt  }
0x83: {  	_ =	shalt  }
0x84: {  	_ =	shalt  }
0x85: {  	_ =	shalt  }
0x86: {  	_ =	shalt  }
0x87: {  	_ =	shalt  }
.Lfunc_end0:
.L_simem_size_0:
called_computation_lowered:
.L_overlay_start_0:
0x88: {  	s2 =	sld [smem:$0x3FD9]  }
0x89: {  	s3 =	sld [smem:$0x3FFE];
	_ =	sdelay $0x1  }
0x8a: {  	s1 =	srdreg.scid  }
0x8b: {  	s0 =	sand.u32 $0x1, s1  }
0x8c: {  	s17 =	sshll.u32 s0, $0xA;
	s2 =	sadd.s32 s3, s2  }
0x8d: {  	s2 =	sadd.s32 s2, s17  }
0x8e: {  	[smem:$0x3FC5] =	sst s2  }
0x8f: {  	_ = 	snop  }
0x90: {  	s2 =	sld [smem:$0x3FD0];
	(tm) =	ssettm $0x1  }
0x91: {  	s18 =	sld [smem:$0x3FFB];
	_ =	sdelay $0x3  }
0x92: {  	_ =	strace s18  }
0x93: {  	s3 =	sld [smem:$0x3FFC];
	_ =	sdelay $0x3  }
0x94: {  	_ =	strace s3  }
0x95: {  	s3 =	sld [smem:$0x3FFD];
	_ =	sdelay $0x3  }
0x96: {  	_ =	strace s3  }
0x97: {  	_ =	strace $0x8FFFFFFF  }
0x98: {  	s19 =	sld [smem:$0x3FDB];
	_ =	sdelay $0x1  }
0x99: {  	s4 =	simm.s32 $_scs_section_size  }
0x9a: {  	s5 =	simm.s32 $_size__tile_overlayer_lowered;
	s6 =	simm.s32 $_tile_overlayer_lowered  }
0x9b: {  	s22 =	simm.s32 $0x1BFF;
	s21 =	sshll.u32 s6, $0x1;
	s3 =	sadd.s32 s4, s19  }
0x9c: {  	s7 =	simm.s32 $0x0;
	s20 =	sshll.u32 s5, $0x1;
	s5 =	sadd.s32 s21, s3  }
0x9d: {  	[timem:s7], [sflag:s22] =	dma.local [hbm:s5], s20  }
0x9e: {  	_ =	swait.ge [sflag:s22], s20  }
0x9f: {  	s4 =	ssub.s32 $0x0, s20;
	[sflag:s22] =	ssyncset.done $0x0  }
0xa0: {  	[sflag:s22] =	ssyncadd.s32 s4;
	_ =	sdelay $0x1  }
0xa1: {  	s23 =	simm.s32 $0x1B8B  }
0xa2: {  	_ =	swait.ge [sflag:s23], $0x1  }
0xa3: {  	[sflag:s23] =	ssyncset.done $0x0  }
0xa4: {  	s25 =	simm.s32 $0x1B8E;
	s24 =	sld [smem:$0x3FFE];
	[sflag:s23] =	ssyncadd.s32 $0xFFFFFFFF  }
0xa5: {  	s26 =	simm.s32 $execute0_lowered;
	[smem:$0x3FD2] =	sst s25  }
0xa6: {  	s5 =	sshll.u32 s26, $0x1;
	_ =	strace $0x80000046;
	[dreg:$0x1] =	wrdreg $0xFFFFFFFF  }
0xa7: {  	s28 =	simm.s32 $_size_execute0_lowered;
	s3 =	sadd.s32 s3, s5;
	[dreg:$0x0] =	wrdreg $0x0  }
0xa8: {  	s5 =	sshll.u32 s28, $0x1;
	[dreg:$0x2] =	wrdreg s3  }
0xa9: {  	[dreg:$0x3] =	wrdreg s5  }
0xaa: {  	[dreg:$0x4] =	wrdreg $0xC0  }
0xab: {  	_ =	task [dreg:s7], $0x5FFFF  }
0xac: {  	[dreg:$0x1] =	wrdreg $0xFFFFFFFF  }
0xad: {  	[dreg:$0x0] =	wrdreg $0x60  }
0xae: {  	[dreg:$0x2] =	wrdreg s24  }
0xaf: {  	[dreg:$0x3] =	wrdreg s2  }
0xb0: {  	[dreg:$0x4] =	wrdreg $0xF0000  }
0xb1: {  	[dreg:$0x5] =	wrdreg $0xFC380  }
0xb2: {  	[dreg:$0x6] =	wrdreg $0x108700  }
0xb3: {  	[dreg:$0x7] =	wrdreg $0x114A80  }
0xb4: {  	[dreg:$0x8] =	wrdreg $0x120E00  }
0xb5: {  	[dreg:$0x9] =	wrdreg $0x12D180  }
0xb6: {  	[dreg:$0xa] =	wrdreg $0x9  }
0xb7: {  	_ =	task.clear_ibuf [dreg:s7], $0xBFFFF;
	_ =	strace $0x90000046  }
0xb8: {  	s29 =	simm.s32 $0x9;
	_ =	strace $0x80000048  }
0xb9: {  	_ =	swait.ge [sflag:s29], $0x1  }
0xba: {  	[sflag:s29] =	ssyncadd.s32 $0xFFFFFFFF  }
0xbb: {  	_ =	strace $0x90000048  }
0xbc: {  	_ =	sfence  }
0xbd: {  	s30 =	sld [smem:$0x0];
	_ =	sdelay $0x2  }
0xbe: {  	s31 =	sshll.u32 s1, $0xD;
	s1 =	sshrl.u32 s1, $0x2  }
0xbf: {  	s3 =	sand.u32 $0x4000, s31;
	s1 =	sadd.s32 s1, s30  }
0xc0: {  	s0 =	sor.u32 s3, s0;
	s1 =	sshll.u32 s1, $0x11  }
0xc1: {  	s0 =	sor.u32 s1, s0  }
0xc2: {  	s0 =	sadd.s32 $0x8F2B, s0  }
0xc3: {  	[sflag:s0] =	ssyncadd.remote.s32 $0x1  }
0xc4: {  	_ =	sfence.sel $0xFFFF  }
0xc5: {  	[dreg:$0x0] =	wrdreg $0xFFFFFFFF;
	(pc) =	sbr.abs _section_cstart, $3  }
0xc6: {  	[dreg:$0x1] =	wrdreg $0xFFFFFFFF  }
0xc7: {  	_ =	task.clear_ibuf [dreg:s7], $0x2FFFF;
	_ =	strace $0x9FFFFFFF  }
0xc8: {  	(tm) =	ssettm $0x7FFFFFFF  }
0xc9: {  	_ =	shalt  }
tec
execute0_lowered:
.L_overlay_start_1:
0x0: {  	(tag) =	ssettag $0x1  }
0x1: {  	s0 =	rddreg [dreg:$0x0]  }
0x2: {  	s10 =	rddreg [dreg:$0x1]  }
0x3: {  	s1 =	rddreg [dreg:$0x2]  }
0x4: {  	s3 =	rddreg [dreg:$0x3]  }
0x5: {  	s22 =	rddreg [dreg:$0x4]  }
0x6: {  	s21 =	rddreg [dreg:$0x5]  }
0x7: {  	s5 =	rddreg [dreg:$0x6]  }
0x8: {  	s6 =	rddreg [dreg:$0x7]  }
0x9: {  	s2 =	srdreg.scid;
	s4 =	stileid.u32;
	s9 =	simm.s32 $0x0  }
0xa: {  	s30 =	simm.s32 $0xF00;
	s29 =	simm.s32 $0x2;
	s2 =	sand.u32 $0x1, s2  }
0xb: {  	s8 =	sshll.u32 s4, $0x1;
	[smem:$0x7FF] =	sst s9;
	s11 =	sadd.s32 $0x3AA00, s0  }
0xc: {  	s12 =	sadd.s32 $0x9C00, s0;
	s15 =	ssub.s32 $0x28, s4;
	s26 =	smul.u32 $0x1F40, s4  }
0xd: {  	s17 =	sor.u32 s2, s8;
	_ =	strace $0x80000047;
	s13 =	ssub.s32 $0x2, s2  }
0xe: {  	s2 =	smul.u32 $0xA0, s2;
	s14 =	sshrl.u32 s13, $0x1;
	s20 =	sshrl.u32 s26, $0x2  }
0xf: {  	s8 =	smul.u32 $0xA0, s17;
	s13 =	ssub.s32 s13, s14;
	s24 =	sadd.s32 s20, s1  }
0x10: {  	s14 =	sshrl.u32 s15, $0x4;
	s15 =	sadd.s32 s20, s22;
	[dreg:$0x9] =	wrdreg s24  }
0x11: {  	s28 =	smov.u32 s6;
	s7 =	sadd.s32 s11, s8;
	[dreg:$0xb] =	wrdreg s15  }
0x12: {  	s2 =	sor.u32 $0x30C00, s2;
	s31 =	sadd.s32 s12, s8;
	[dreg:$0xc] =	wrdreg s7  }
0x13: {  	s16 =	smul.u32 $0x2800, s17;
	s8 =	sadd.s32 s11, s2;
	[dreg:$0xd] =	wrdreg s31  }
0x14: {  	p0 =	sne.s32 s4, $0x0;
	s2 =	sadd.s32 s12, s2;
	[dreg:$0xe] =	wrdreg s8  }
0x15: {  	s25 =	sshrl.u32 s16, $0x3;
	s16 =	sor.u32 $0x40, s17;
	[dreg:$0xf] =	wrdreg s2  }
0x16: {  	s1 =	simm.s32 $0x0;
	s7 =	smax.u32 s13, $0x1;
	[dreg:$0x16] =	wrdreg s16  }
0x17: {  	s18 =	sadd.s32 s10, s25;
	s13 =	sadd.s32 s20, s3;
	[dreg:$0x14] =	wrdreg s7  }
0x18: {  	s24 =	sadd.s32 s20, s21;
	s19 =	sadd.s32 $0x17C000, s18;
	[dreg:$0xa] =	wrdreg s13  }
0x19: {  	s25 =	smul.u32 $0xFA, s4;
	s23 =	sadd.s32 $0x302A00, s18;
	[dreg:$0x10] =	wrdreg s19  }
0x1a: {  	s2 =	simm.s32 $0x1;
	s26 =	sadd.s32 $0x186000, s18;
	[dreg:$0x11] =	wrdreg s23  }
0x1b: {  	s31 =	sadd.s32 $0x30CA00, s18;
	s7 =	smov.u32 s5;
	[dreg:$0x12] =	wrdreg s26  }
0x1c: {  	[dreg:$0x13] =	wrdreg s31;
	s8 =	sadd.s32 s25, s0;
	s25 =	sadd.s32 s20, s5  }
0x1d: {  	s5 =	smov.u32 s17;
	s17 =	sadd.s32 $0x4E00, s8;
	[dreg:$0x15] =	wrdreg s8  }
.Ltmp0:
0x1e: {  	s18 =	sadd.s32 $0x6800, s8;
	[dreg:$0x17] =	wrdreg s17;
	(pc) =	sbr.rel .LBB2_1-.Ltmp0, $4  }
0x1f: {  	s13 =	simm.s32 $0xA00;
	s19 =	sadd.s32 $0x8200, s8;
	[dreg:$0x18] =	wrdreg s18  }
0x20: {  	s26 =	sadd.s32 s20, s6;
	s20 =	sadd.s32 $0x1A00, s8;
	[dreg:$0x19] =	wrdreg s19  }
0x21: {  	s23 =	smul.u32 $0x1F400, s14;
	s31 =	sadd.s32 $0x3400, s8;
	[dreg:$0x1a] =	wrdreg s20  }
0x22: {  	v0 =	vimm.f32 $2.820948060e-01;
	s14 =	simm.s32 $0x500;
	[dreg:$0x1b] =	wrdreg s31;
	s20 =	simm.s32 $0x5  }
.LBB2_19:
0x23: {  	_ =	swait.ge [sflag:s3], $0x2800  }
0x24: {  	[sflag:s3] =	ssyncset.done $0x0  }
0x25: {  	[sflag:s3] =	ssyncadd.s32 $0xFFFFD800  }
0x26: {  	_ =	swait.ge [sflag:s3], $0x2800  }
0x27: {  	s1 =	sadd.s32 $0x1, s1;
	s0 =	rddreg [dreg:$0x14]  }
0x28: {  	p1 =	sne.s32 s1, s0  }
.Ltmp1:
0x29: {  	_ = 	snop;
	(pc) =	sbr.rel @!p1 .LBB2_20-.Ltmp1, $3  }
0x2a: {  	_ =	sdelay $0x1  }
0x2b: {  	[sflag:s3] =	ssyncset.done $0x0  }
0x2c: {  	[sflag:s3] =	ssyncadd.s32 $0xFFFFD800  }
.LBB2_1:
0x2d: {  	p2 =	sne.s32 s23, $0x1F400  }
.Ltmp2:
0x2e: {  	_ = 	snop;
	(pc) =	sbr.rel @!p2 .LBB2_2-.Ltmp2, $3  }
0x2f: {  	_ =	sdelay $0x1  }
0x30: {  	[dreg:$0x1c] =	wrdreg s1;
	s6 =	smov.u32 s21  }
0x31: {  	s8 =	simm.s32 $0x1F400;
	s0 =	rddreg [dreg:$0x9];
	p1 =	por $0x0, $0x0  }
0x32: {  	s1 =	stileid.u32  }
0x33: {  	s0 =	sadd.s32 $0x0, s0;
	s15 =	sshll.u32 s1, $0x6  }
0x34: {  	s17 =	rddreg [dreg:$0x1b];
	s0 =	sshrl.u32 s0, $0x3;
	s15 =	sor.u32 $0x1C05, s15  }
0x35: {  	[spmem:s0], [sflag:s15] =	dma.local [hbm:s17], $0xFA  }
0x36: {  	_ =	swait.ge [sflag:s20], $0xFA  }
0x37: {  	s10 =	rddreg [dreg:$0xa]  }
0x38: {  	[sflag:s20] =	ssyncset.done $0x0;
	s0 =	sadd.s32 $0x0, s10  }
0x39: {  	[sflag:s20] =	ssyncadd.s32 $0xFFFFFF06;
	s10 =	rddreg [dreg:$0x1a];
	s0 =	sshrl.u32 s0, $0x3  }
0x3a: {  	[spmem:s0], [sflag:s15] =	dma.local [hbm:s10], $0xFA  }
0x3b: {  	_ =	swait.ge [sflag:s20], $0xFA  }
0x3c: {  	s16 =	rddreg [dreg:$0xb]  }
0x3d: {  	[sflag:s20] =	ssyncset.done $0x0;
	s0 =	sadd.s32 $0x0, s16  }
0x3e: {  	s1 =	rddreg [dreg:$0x15];
	[sflag:s20] =	ssyncadd.s32 $0xFFFFFF06;
	s0 =	sshrl.u32 s0, $0x3  }
0x3f: {  	[spmem:s0], [sflag:s15] =	dma.local [hbm:s1], $0xFA  }
0x40: {  	_ =	swait.ge [sflag:s20], $0xFA  }
0x41: {  	s18 =	sadd.s32 $0x0, s24;
	[sflag:s20] =	ssyncset.done $0x0  }
0x42: {  	s0 =	sshrl.u32 s18, $0x3;
	s4 =	rddreg [dreg:$0x19];
	[sflag:s20] =	ssyncadd.s32 $0xFFFFFF06  }
0x43: {  	[spmem:s0], [sflag:s15] =	dma.local [hbm:s4], $0xFA  }
0x44: {  	s19 =	sadd.s32 $0x0, s25;
	s22 =	simm.s32 $0x3E800;
	_ =	swait.ge [sflag:s20], $0xFA  }
0x45: {  	s21 =	sadd.s32 $0x0, s26;
	p2 =	sne.s32 s23, $0x3E800;
	[sflag:s20] =	ssyncset.done $0x0  }
0x46: {  	s0 =	sshrl.u32 s19, $0x3;
	s3 =	rddreg [dreg:$0x18];
	[sflag:s20] =	ssyncadd.s32 $0xFFFFFF06  }
0x47: {  	[spmem:s0], [sflag:s15] =	dma.local [hbm:s3], $0xFA  }
0x48: {  	p1 =	por $0x1, $0x1;
	s31 =	sadd.s32 $0xFA0, s10;
	_ =	swait.ge [sflag:s20], $0xFA  }
.Ltmp3:
0x49: {  	s18 =	sadd.s32 $0xFA0, s4;
	[sflag:s20] =	ssyncset.done $0x0;
	(pc) =	sbr.rel @!p2 .LBB2_4-.Ltmp3, $4  }
0x4a: {  	s0 =	sshrl.u32 s21, $0x3;
	s16 =	rddreg [dreg:$0x17];
	[sflag:s20] =	ssyncadd.s32 $0xFFFFFF06  }
0x4b: {  	[spmem:s0], [sflag:s15] =	dma.local [hbm:s16], $0xFA  }
0x4c: {  	s19 =	sadd.s32 $0xFA0, s17;
	s17 =	sadd.s32 $0xFA0, s3;
	_ =	swait.ge [sflag:s20], $0xFA  }
0x4d: {  	s21 =	sadd.s32 $0xFA0, s1;
	s0 =	rddreg [dreg:$0x9];
	[sflag:s20] =	ssyncset.done $0x0  }
.LBB2_5:
0x4e: {  	s1 =	sshra.s32 s8, $0x2  }
0x4f: {  	s0 =	sadd.s32 s1, s0  }
0x50: {  	[sflag:s20] =	ssyncadd.s32 $0xFFFFFF06;
	s0 =	sshrl.u32 s0, $0x3  }
0x51: {  	[spmem:s0], [sflag:s15] =	dma.local [hbm:s19], $0xFA  }
0x52: {  	s10 =	smov.u32 s22;
	_ =	swait.ge [sflag:s20], $0xFA  }
0x53: {  	s8 =	smov.u32 s10;
	s10 =	rddreg [dreg:$0xa]  }
0x54: {  	[sflag:s20] =	ssyncset.done $0x0;
	s0 =	sadd.s32 s1, s10  }
0x55: {  	[sflag:s20] =	ssyncadd.s32 $0xFFFFFF06;
	s0 =	sshrl.u32 s0, $0x3  }
0x56: {  	[spmem:s0], [sflag:s15] =	dma.local [hbm:s31], $0xFA  }
0x57: {  	_ =	swait.ge [sflag:s20], $0xFA  }
0x58: {  	s10 =	rddreg [dreg:$0xb]  }
0x59: {  	[sflag:s20] =	ssyncset.done $0x0;
	s0 =	sadd.s32 s1, s10  }
0x5a: {  	[sflag:s20] =	ssyncadd.s32 $0xFFFFFF06;
	s0 =	sshrl.u32 s0, $0x3  }
0x5b: {  	[spmem:s0], [sflag:s15] =	dma.local [hbm:s21], $0xFA  }
0x5c: {  	_ =	swait.ge [sflag:s20], $0xFA  }
0x5d: {  	s3 =	sadd.s32 s1, s24;
	[sflag:s20] =	ssyncset.done $0x0  }
0x5e: {  	s3 =	sshrl.u32 s3, $0x3;
	[sflag:s20] =	ssyncadd.s32 $0xFFFFFF06  }
0x5f: {  	[spmem:s3], [sflag:s15] =	dma.local [hbm:s18], $0xFA  }
0x60: {  	_ =	swait.ge [sflag:s20], $0xFA  }
0x61: {  	s16 =	sadd.s32 $0xFA0, s16;
	s4 =	sadd.s32 s1, s25;
	[sflag:s20] =	ssyncset.done $0x0  }
0x62: {  	s22 =	sadd.s32 $0x1F400, s22;
	s4 =	sshrl.u32 s4, $0x3;
	[sflag:s20] =	ssyncadd.s32 $0xFFFFFF06  }
0x63: {  	[spmem:s4], [sflag:s15] =	dma.local [hbm:s17], $0xFA  }
0x64: {  	p2 =	sne.s32 s23, s22;
	s19 =	sadd.s32 $0xFA0, s19;
	_ =	swait.ge [sflag:s20], $0xFA  }
.Ltmp4:
0x65: {  	s10 =	sadd.s32 s1, s26;
	[sflag:s20] =	ssyncset.done $0x0;
	(pc) =	sbr.rel @p2 .LBB2_5-.Ltmp4, $4  }
0x66: {  	s31 =	sadd.s32 $0xFA0, s31;
	s0 =	sshrl.u32 s10, $0x3;
	[sflag:s20] =	ssyncadd.s32 $0xFFFFFF06  }
0x67: {  	[spmem:s0], [sflag:s15] =	dma.local [hbm:s16], $0xFA  }
0x68: {  	s21 =	sadd.s32 $0xFA0, s21;
	s18 =	sadd.s32 $0xFA0, s18;
	_ =	swait.ge [sflag:s20], $0xFA  }
0x69: {  	s17 =	sadd.s32 $0xFA0, s17;
	s0 =	rddreg [dreg:$0x9];
	[sflag:s20] =	ssyncset.done $0x0  }
0x6a: {  	s10 =	rddreg [dreg:$0x1]  }
0x6b: {  	s22 =	rddreg [dreg:$0x4]  }
.LBB2_7:
0x6c: {  	s1 =	sshra.s32 s8, $0x2;
	s3 =	stileid.u32  }
0x6d: {  	s3 =	sshll.u32 s3, $0x6;
	s0 =	sadd.s32 s1, s0  }
0x6e: {  	[sflag:s20] =	ssyncadd.s32 @p1 $0xFFFFFF06;
	s3 =	sor.u32 $0x1C05, s3;
	s0 =	sshrl.u32 s0, $0x3  }
0x6f: {  	[spmem:s0], [sflag:s3] =	dma.local [hbm:s19], $0xFA  }
0x70: {  	_ =	swait.ge [sflag:s20], $0xFA  }
0x71: {  	s8 =	rddreg [dreg:$0xa]  }
0x72: {  	[sflag:s20] =	ssyncset.done $0x0;
	s0 =	sadd.s32 s1, s8  }
0x73: {  	[sflag:s20] =	ssyncadd.s32 $0xFFFFFF06;
	s0 =	sshrl.u32 s0, $0x3  }
0x74: {  	[spmem:s0], [sflag:s3] =	dma.local [hbm:s31], $0xFA  }
0x75: {  	_ =	swait.ge [sflag:s20], $0xFA  }
0x76: {  	s15 =	rddreg [dreg:$0xb]  }
0x77: {  	[sflag:s20] =	ssyncset.done $0x0;
	s0 =	sadd.s32 s1, s15  }
0x78: {  	[sflag:s20] =	ssyncadd.s32 $0xFFFFFF06;
	s0 =	sshrl.u32 s0, $0x3  }
0x79: {  	[spmem:s0], [sflag:s3] =	dma.local [hbm:s21], $0xFA  }
0x7a: {  	_ =	swait.ge [sflag:s20], $0xFA  }
0x7b: {  	s19 =	sadd.s32 s1, s24;
	[sflag:s20] =	ssyncset.done $0x0  }
0x7c: {  	s0 =	sshrl.u32 s19, $0x3;
	[sflag:s20] =	ssyncadd.s32 $0xFFFFFF06  }
0x7d: {  	[spmem:s0], [sflag:s3] =	dma.local [hbm:s18], $0xFA  }
0x7e: {  	_ =	swait.ge [sflag:s20], $0xFA  }
0x7f: {  	s21 =	sadd.s32 s1, s25;
	[sflag:s20] =	ssyncset.done $0x0  }
0x80: {  	s0 =	sshrl.u32 s21, $0x3;
	[sflag:s20] =	ssyncadd.s32 $0xFFFFFF06  }
0x81: {  	[spmem:s0], [sflag:s3] =	dma.local [hbm:s17], $0xFA  }
0x82: {  	s1 =	sadd.s32 s1, s26;
	_ =	swait.ge [sflag:s20], $0xFA  }
0x83: {  	s0 =	sadd.s32 @p1 $0xFA0, s16;
	[sflag:s20] =	ssyncset.done $0x0;
	s4 =	rddreg [dreg:$0x17]  }
0x84: {  	s1 =	sshrl.u32 s1, $0x3;
	s4 =	smov.u32 @p1 s0;
	[sflag:s20] =	ssyncadd.s32 $0xFFFFFF06  }
0x85: {  	[spmem:s1], [sflag:s3] =	dma.local [hbm:s4], $0xFA  }
0x86: {  	_ =	swait.ge [sflag:s20], $0xFA  }
0x87: {  	[sflag:s20] =	ssyncset.done $0x0  }
0x88: {  	[sflag:s20] =	ssyncadd.s32 $0xFFFFFF06  }
0x89: {  	[bflag:$0x0] =	sbarrier.arrive $0xFFFF  }
0x8a: {  	s31 =	simm.s32 $0x0;
	s3 =	rddreg [dreg:$0xc]  }
0x8b: {  	[tilespmem:s31], [sflag:$0x5] =	stream.linear.gather [hbm4b:s3+s31], $0x500, $0x38;
	[tilespmem:$0x13950] =	vst v63  }
0x8c: {  	_ =	swait.ge [sflag:s20], $0x500  }
0x8d: {  	[sflag:s20] =	ssyncset.done $0x0  }
0x8e: {  	s4 =	rddreg [dreg:$0xd];
	[sflag:s20] =	ssyncadd.s32 $0xFFFFFB00  }
0x8f: {  	[tilespmem:s13], [sflag:$0x5] =	stream.linear.gather [hbm4b:s4+s31], $0x500, $0x38;
	[tilespmem:$0x13950] =	vst v63  }
0x90: {  	_ =	swait.ge [sflag:s20], $0x500  }
0x91: {  	[sflag:s20] =	ssyncset.done $0x0  }
0x92: {  	[sflag:s20] =	ssyncadd.s32 $0xFFFFFB00  }
0x93: {  	s8 =	simm.s32 $0x1400;
	s3 =	rddreg [dreg:$0x2]  }
0x94: {  	[tilespmem:s8], [sflag:$0x1] =	stream.indirect.gather [spmem:s3], $0x1, s13, s14, $0xb8;
	[tilespmem:$0x13950] =	vst v63  }
0x95: {  	s15 =	simm.s32 $0x1E00;
	s4 =	rddreg [dreg:$0x3]  }
0x96: {  	[tilespmem:s15], [sflag:$0x1] =	stream.indirect.gather [spmem:s4], $0x1, s13, s14, $0xb8;
	[tilespmem:$0x13950] =	vst v63  }
0x97: {  	s16 =	simm.s32 $0x2800  }
0x98: {  	[tilespmem:s16], [sflag:$0x1] =	stream.indirect.gather [spmem:s22], $0x1, s13, s14, $0xb8;
	[tilespmem:$0x13950] =	vst v63  }
0x99: {  	s17 =	simm.s32 $0x3200  }
0x9a: {  	[tilespmem:s17], [sflag:$0x1] =	stream.indirect.gather [spmem:s6], $0x1, s31, s14, $0xb8;
	[tilespmem:$0x13950] =	vst v63  }
0x9b: {  	s18 =	simm.s32 $0x3C00  }
0x9c: {  	[tilespmem:s18], [sflag:$0x1] =	stream.indirect.gather [spmem:s7], $0x1, s31, s14, $0xb8;
	[tilespmem:$0x13950] =	vst v63  }
0x9d: {  	s19 =	simm.s32 $0x4600;
	s21 =	smov.u32 s6  }
0x9e: {  	[tilespmem:s19], [sflag:$0x1] =	stream.indirect.gather [spmem:s28], $0x1, s31, s14, $0xb8;
	[tilespmem:$0x13950] =	vst v63  }
.LBB2_8:
0x9f: {  	s16 =	sshll.u32 s31, $0x6  }
0xa0: {  	s17 =	sor.u32 s16, s5  }
0xa1: {  	s15 =	sor.u32 $0x20, s17  }
0xa2: {  	s0 =	smul.u32 $0xA0, s15;
	_ =	sdelay $0x1  }
0xa3: {  	s1 =	sadd.s32 s11, s0  }
0xa4: {  	[tilespmem:s14], [sflag:$0x5] =	stream.linear.gather [hbm4b:s1+s9], $0x500, $0x38;
	[tilespmem:$0x13950] =	vst v63  }
0xa5: {  	_ =	swait.ge [sflag:s20], $0x500  }
0xa6: {  	[sflag:s20] =	ssyncset.done $0x0  }
0xa7: {  	s0 =	sadd.s32 s12, s0;
	[sflag:s20] =	ssyncadd.s32 $0xFFFFFB00  }
0xa8: {  	[tilespmem:s30], [sflag:$0x5] =	stream.linear.gather [hbm4b:s0+s9], $0x500, $0x38;
	[tilespmem:$0x13950] =	vst v63  }
0xa9: {  	_ =	swait.ge [sflag:s20], $0x500  }
0xaa: {  	[sflag:s20] =	ssyncset.done $0x0  }
0xab: {  	s1 =	simm.s32 $0x1900;
	[sflag:s20] =	ssyncadd.s32 $0xFFFFFB00  }
0xac: {  	[tilespmem:s1], [sflag:$0x2] =	stream.indirect.gather [spmem:s3], $0x1, s30, s14, $0xb8;
	[tilespmem:$0x13950] =	vst v63  }
0xad: {  	s8 =	simm.s32 $0x2300  }
0xae: {  	[tilespmem:s8], [sflag:$0x2] =	stream.indirect.gather [spmem:s4], $0x1, s30, s14, $0xb8;
	[tilespmem:$0x13950] =	vst v63  }
0xaf: {  	s18 =	simm.s32 $0x2D00  }
0xb0: {  	[tilespmem:s18], [sflag:$0x2] =	stream.indirect.gather [spmem:s22], $0x1, s30, s14, $0xb8;
	[tilespmem:$0x13950] =	vst v63  }
0xb1: {  	s19 =	simm.s32 $0x3700  }
0xb2: {  	[tilespmem:s19], [sflag:$0x2] =	stream.indirect.gather [spmem:s21], $0x1, s14, s14, $0xb8;
	[tilespmem:$0x13950] =	vst v63  }
0xb3: {  	s21 =	simm.s32 $0x4100  }
0xb4: {  	[tilespmem:s21], [sflag:$0x2] =	stream.indirect.gather [spmem:s7], $0x1, s14, s14, $0xb8;
	[tilespmem:$0x13950] =	vst v63  }
0xb5: {  	s22 =	simm.s32 $0x4B00  }
0xb6: {  	[tilespmem:s22], [sflag:$0x2] =	stream.indirect.gather [spmem:s28], $0x1, s14, s14, $0xb8;
	[tilespmem:$0x13950] =	vst v63  }
0xb7: {  	_ =	swait.ge [sflag:s2], $0x500  }
0xb8: {  	[sflag:s2] =	ssyncset.done $0x0  }
0xb9: {  	[sflag:s2] =	ssyncadd.s32 $0xFFFFFB00  }
0xba: {  	_ =	swait.ge [sflag:s2], $0x500  }
0xbb: {  	[sflag:s2] =	ssyncset.done $0x0  }
0xbc: {  	[sflag:s2] =	ssyncadd.s32 $0xFFFFFB00  }
0xbd: {  	_ =	swait.ge [sflag:s2], $0x500  }
0xbe: {  	[sflag:s2] =	ssyncset.done $0x0  }
0xbf: {  	[sflag:s2] =	ssyncadd.s32 $0xFFFFFB00  }
0xc0: {  	_ =	swait.ge [sflag:s2], $0x500  }
0xc1: {  	[sflag:s2] =	ssyncset.done $0x0  }
0xc2: {  	[sflag:s2] =	ssyncadd.s32 $0xFFFFFB00  }
0xc3: {  	_ =	swait.ge [sflag:s2], $0x500  }
0xc4: {  	[sflag:s2] =	ssyncset.done $0x0  }
0xc5: {  	[sflag:s2] =	ssyncadd.s32 $0xFFFFFB00  }
0xc6: {  	_ =	swait.ge [sflag:s2], $0x500  }
0xc7: {  	p1 =	seq.s32 s31, $0x0;
	[sflag:s2] =	ssyncset.done $0x0  }
0xc8: {  	s0 =	simm.s32 @!p1 $0x3;
	[sflag:s2] =	ssyncadd.s32 $0xFFFFFB00  }
0xc9: {  	_ =	swait.ge @!p1 [sflag:s0], $0x2800  }
0xca: {  	[sflag:s0] =	ssyncset.done @!p1 $0x0  }
0xcb: {  	[sflag:s0] =	ssyncadd.s32 @!p1 $0xFFFFD800  }
0xcc: {  	_ =	swait.ge @!p1 [sflag:s0], $0x2800  }
0xcd: {  	s8 =	simm.s32 $0x0;
	[sflag:s0] =	ssyncset.done @!p1 $0x0  }
0xce: {  	s18 =	simm.s32 $0x10;
	s21 =	simm.s32 $0x0;
	[sflag:s0] =	ssyncadd.s32 @!p1 $0xFFFFD800  }
.LBB2_9:
0xcf: {  	s19 =	sshra.s32 s8, $0x2  }
0xd0: {  	v1 =	vld [tilespmem:s19+$0x1400]  }
0xd1: {  	v2 =	vld [tilespmem:s19+$0x3200]  }
0xd2: {  	v3 =	vld [tilespmem:s19+$0x1E00]  }
0xd3: {  	v4 =	vld [tilespmem:s19+$0x3C00]  }
0xd4: {  	v5 =	vld [tilespmem:s19+$0x2800]  }
0xd5: {  	v6 =	vld [tilespmem:s19+$0x4600];
	_ =	sdelay $0x2  }
0xd6: {  	v1 =	vsub.f32 v1, v2;
	v2 =	vsub.f32 v3, v4;
	_ =	sdelay $0x1  }
0xd7: {  	v3 =	vsub.f32 v5, v6;
	v20 =	vmul.f32 v1, v1;
	v21 =	vmul.f32 v2, v2;
	_ =	sdelay $0x1  }
0xd8: {  	v22 =	vmul.f32 v3, v3;
	v4 =	vadd.f32 v21, v20;
	_ =	sdelay $0x1  }
0xd9: {  	v4 =	vadd.f32 v22, v4;
	_ =	sdelay $0x1  }
0xda: {  	v5 =	vshra.s32 v4, $0x1;
	v4 =	vmul.f32 $5.000000000e-01, v4  }
0xdb: {  	v5 =	vsub.s32 $0x5F3759DF, v5  }
0xdc: {  	v23 =	vmul.f32 v5, v4;
	_ =	sdelay $0x1  }
0xdd: {  	v6 =	vmul.f32 v5, v23;
	_ =	sdelay $0x1  }
0xde: {  	v6 =	vsub.f32 $1.500000000e+00, v6;
	_ =	sdelay $0x1  }
0xdf: {  	v5 =	vmul.f32 v5, v6;
	_ =	sdelay $0x1  }
0xe0: {  	v4 =	vmul.f32 v5, v4;
	_ =	sdelay $0x1  }
0xe1: {  	v4 =	vmul.f32 v4, v5;
	_ =	sdelay $0x1  }
0xe2: {  	v4 =	vsub.f32 $1.500000000e+00, v4;
	_ =	sdelay $0x1  }
0xe3: {  	v4 =	vmul.f32 v4, v5;
	_ =	sdelay $0x1  }
0xe4: {  	v1 =	vmul.f32 v4, v1;
	v3 =	vmul.f32 v4, v3  }
0xe5: {  	v2 =	vmul.f32 v4, v2  }
0xe6: {  	s0 =	sadd.s32 $0xFFFFFFF0, s18;
	s1 =	sand.u32 $0x3C00, s21;
	v24 =	vmul.f32 v1, v1;
	v25 =	vmul.f32 v3, v3  }
0xe7: {  	s0 =	sand.u32 $0x60, s0;
	s22 =	sadd.s32 $0x5000, s1;
	v26 =	vmul.f32 v2, v2;
	v7 =	vmul.f32 v2, v1  }
0xe8: {  	s0 =	sor.u32 s0, s22;
	v8 =	vmul.f32 $-4.886025190e-01, v2;
	v10 =	vmul.f32 $4.886025190e-01, v3  }
0xe9: {  	[tilespmem:s0+$0x0] =	vst v0;
	v11 =	vmul.f32 v3, v2;
	v12 =	vmul.f32 $-4.886025190e-01, v1  }
0xea: {  	v28 =	vmul.f32 v3, v1;
	v31 =	vmul.f32 $-5.900436040e-01, v2;
	[tilespmem:s0+$0x80] =	vst v8  }
0xeb: {  	v9 =	vmul.f32 $3.000000000e+00, v25;
	v13 =	vmul.f32 $1.092548490e+00, v7;
	[tilespmem:s0+$0x100] =	vst v10  }
0xec: {  	v27 =	vmul.f32 $-1.092548490e+00, v11;
	v29 =	vmul.f32 $3.000000000e+00, v24;
	[tilespmem:s0+$0x180] =	vst v12;
	v30 =	vsub.f32 v24, v26  }
0xed: {  	v11 =	vmul.f32 $-1.092548490e+00, v28;
	v7 =	vmul.f32 $2.890611410e+00, v7;
	[tilespmem:s0+$0x200] =	vst v13  }
0xee: {  	v5 =	vmul.f32 $5.000000000e+00, v25;
	v9 =	vadd.f32 $-1.000000000e+00, v9;
	[tilespmem:s0+$0x280] =	vst v27;
	v32 =	vmul.f32 $5.462742450e-01, v30  }
0xef: {  	v2 =	vmul.f32 $-4.570457940e-01, v2;
	v10 =	vsub.f32 v29, v26;
	v7 =	vmul.f32 v7, v3;
	[tilespmem:s0+$0x380] =	vst v11  }
0xf0: {  	v34 =	vmul.f32 $3.731763360e-01, v3;
	v14 =	vadd.f32 $-1.000000000e+00, v5;
	v9 =	vmul.f32 $3.153915700e-01, v9;
	[tilespmem:s0+$0x2800] =	vst v32  }
0xf1: {  	v6 =	vmul.f32 $3.000000000e+00, v26;
	v5 =	vadd.f32 $-3.000000000e+00, v5;
	v33 =	vmul.f32 v10, v31;
	[tilespmem:s0+$0x2900] =	vst v7  }
0xf2: {  	v35 =	vmul.f32 $-4.570457940e-01, v1;
	v2 =	vmul.f32 v14, v2;
	[tilespmem:s0+$0x300] =	vst v9  }
0xf3: {  	v1 =	vmul.f32 $-5.900436040e-01, v1;
	v4 =	vsub.f32 v24, v6;
	v5 =	vmul.f32 v5, v34;
	[tilespmem:s0+$0x2880] =	vst v33  }
0xf4: {  	v3 =	vmul.f32 $1.445305710e+00, v3;
	v36 =	vmul.f32 v14, v35;
	[tilespmem:s0+$0x2980] =	vst v2  }
0xf5: {  	v1 =	vmul.f32 v4, v1;
	[tilespmem:s0+$0x2A00] =	vst v5  }
0xf6: {  	v2 =	vmul.f32 v30, v3;
	[tilespmem:s0+$0x2A80] =	vst v36  }
0xf7: {  	[tilespmem:s0+$0x2B80] =	vst v1  }
0xf8: {  	[tilespmem:s0+$0x2B00] =	vst v2  }
0xf9: {  	v1 =	vld [tilespmem:s19+$0x1410]  }
0xfa: {  	v2 =	vld [tilespmem:s19+$0x3210]  }
0xfb: {  	v3 =	vld [tilespmem:s19+$0x1E10]  }
0xfc: {  	v37 =	vld [tilespmem:s19+$0x3C10]  }
0xfd: {  	v5 =	vld [tilespmem:s19+$0x2810]  }
0xfe: {  	v38 =	vld [tilespmem:s19+$0x4610];
	_ =	sdelay $0x2  }
0xff: {  	v1 =	vsub.f32 v1, v2;
	v2 =	vsub.f32 v3, v37;
	_ =	sdelay $0x1  }
0x100: {  	v3 =	vsub.f32 v5, v38;
	v39 =	vmul.f32 v1, v1;
	v40 =	vmul.f32 v2, v2;
	_ =	sdelay $0x1  }
0x101: {  	v41 =	vmul.f32 v3, v3;
	v4 =	vadd.f32 v40, v39;
	_ =	sdelay $0x1  }
0x102: {  	v4 =	vadd.f32 v41, v4;
	_ =	sdelay $0x1  }
0x103: {  	v5 =	vshra.s32 v4, $0x1;
	v4 =	vmul.f32 $5.000000000e-01, v4  }
0x104: {  	v5 =	vsub.s32 $0x5F3759DF, v5  }
0x105: {  	v42 =	vmul.f32 v5, v4;
	_ =	sdelay $0x1  }
0x106: {  	v6 =	vmul.f32 v5, v42;
	_ =	sdelay $0x1  }
0x107: {  	v6 =	vsub.f32 $1.500000000e+00, v6;
	_ =	sdelay $0x1  }
0x108: {  	v5 =	vmul.f32 v5, v6;
	_ =	sdelay $0x1  }
0x109: {  	v4 =	vmul.f32 v5, v4;
	_ =	sdelay $0x1  }
0x10a: {  	v4 =	vmul.f32 v4, v5;
	_ =	sdelay $0x1  }
0x10b: {  	v4 =	vsub.f32 $1.500000000e+00, v4;
	_ =	sdelay $0x1  }
0x10c: {  	v4 =	vmul.f32 v4, v5;
	_ =	sdelay $0x1  }
0x10d: {  	v1 =	vmul.f32 v4, v1;
	v3 =	vmul.f32 v4, v3  }
0x10e: {  	v2 =	vmul.f32 v4, v2  }
0x10f: {  	v43 =	vmul.f32 v1, v1;
	v44 =	vmul.f32 v3, v3  }
0x110: {  	s19 =	sand.u32 $0x70, s18;
	v45 =	vmul.f32 v2, v2;
	v46 =	vmul.f32 v2, v1  }
0x111: {  	s0 =	sor.u32 s19, s22;
	v47 =	vmul.f32 $-4.886025190e-01, v2;
	v49 =	vmul.f32 $4.886025190e-01, v3  }
0x112: {  	[tilespmem:s0+$0x0] =	vst v0;
	v50 =	vmul.f32 v3, v2;
	v51 =	vmul.f32 $-4.886025190e-01, v1  }
0x113: {  	v54 =	vmul.f32 v3, v1;
	v57 =	vmul.f32 $-5.900436040e-01, v2;
	[tilespmem:s0+$0x80] =	vst v47  }
0x114: {  	v48 =	vmul.f32 $3.000000000e+00, v44;
	v52 =	vmul.f32 $1.092548490e+00, v46;
	[tilespmem:s0+$0x100] =	vst v49  }
0x115: {  	v53 =	vmul.f32 $-1.092548490e+00, v50;
	v55 =	vmul.f32 $3.000000000e+00, v43;
	[tilespmem:s0+$0x180] =	vst v51;
	v56 =	vsub.f32 v43, v45  }
0x116: {  	v11 =	vmul.f32 $-1.092548490e+00, v54;
	v7 =	vmul.f32 $2.890611410e+00, v46;
	[tilespmem:s0+$0x200] =	vst v52  }
0x117: {  	v5 =	vmul.f32 $5.000000000e+00, v44;
	v9 =	vadd.f32 $-1.000000000e+00, v48;
	[tilespmem:s0+$0x280] =	vst v53;
	v58 =	vmul.f32 $5.462742450e-01, v56  }
0x118: {  	v2 =	vmul.f32 $-4.570457940e-01, v2;
	v10 =	vsub.f32 v55, v45;
	v7 =	vmul.f32 v7, v3;
	[tilespmem:s0+$0x380] =	vst v11  }
0x119: {  	v61 =	vmul.f32 $3.731763360e-01, v3;
	v59 =	vadd.f32 $-1.000000000e+00, v5;
	v9 =	vmul.f32 $3.153915700e-01, v9;
	[tilespmem:s0+$0x2800] =	vst v58  }
0x11a: {  	v6 =	vmul.f32 $3.000000000e+00, v45;
	v5 =	vadd.f32 $-3.000000000e+00, v5;
	v60 =	vmul.f32 v10, v57;
	[tilespmem:s0+$0x2900] =	vst v7  }
0x11b: {  	v62 =	vmul.f32 $-4.570457940e-01, v1;
	v2 =	vmul.f32 v59, v2;
	[tilespmem:s0+$0x300] =	vst v9  }
0x11c: {  	p2 =	sne.s32 s8, $0x1380;
	v1 =	vmul.f32 $-5.900436040e-01, v1;
	v4 =	vsub.f32 v43, v6;
	v5 =	vmul.f32 v5, v61;
	[tilespmem:s0+$0x2880] =	vst v60  }
.Ltmp5:
0x11d: {  	v3 =	vmul.f32 $1.445305710e+00, v3;
	v63 =	vmul.f32 v59, v62;
	[tilespmem:s0+$0x2980] =	vst v2;
	(pc) =	sbr.rel @p2 .LBB2_9-.Ltmp5, $4  }
0x11e: {  	v1 =	vmul.f32 v4, v1;
	[tilespmem:s0+$0x2A00] =	vst v5  }
0x11f: {  	v2 =	vmul.f32 v56, v3;
	[tilespmem:s0+$0x2A80] =	vst v63  }
0x120: {  	[tilespmem:s0+$0x2B80] =	vst v1  }
0x121: {  	s21 =	sadd.s32 $0x100, s21;
	s8 =	sadd.s32 $0x80, s8;
	s18 =	sadd.s32 $0x20, s18;
	[tilespmem:s0+$0x2B00] =	vst v2  }
0x122: {  	s0 =	smul.u32 $0x2800, s17;
	_ =	sdelay $0x1  }
0x123: {  	s0 =	sshrl.u32 s0, $0x3  }
0x124: {  	s1 =	simm.s32 $0x5000;
	s19 =	rddreg [dreg:$0x16];
	s0 =	sadd.s32 s10, s0  }
0x125: {  	[hbm4b:s0+s9] =	stream.linear.scatter [tilespmem:s1], [sflag:$0x3], $0x2800, $0x38;
	[tilespmem:$0x13950] =	vst v63  }
0x126: {  	s1 =	sadd.s32 s19, s16  }
0x127: {  	s8 =	simm.s32 $0x7800;
	s0 =	sadd.s32 $0x186A00, s0;
	s1 =	smul.u32 $0xA0, s1  }
0x128: {  	[hbm4b:s0+s9] =	stream.linear.scatter [tilespmem:s8], [sflag:$0x3], $0x2800, $0x38;
	[tilespmem:$0x13950] =	vst v63  }
0x129: {  	s21 =	sadd.s32 s11, s1  }
0x12a: {  	[tilespmem:s9], [sflag:$0x5] =	stream.linear.gather [hbm4b:s21+s9], $0x500, $0x38;
	[tilespmem:$0x13950] =	vst v63  }
0x12b: {  	_ =	swait.ge [sflag:s20], $0x500  }
0x12c: {  	[sflag:s20] =	ssyncset.done $0x0  }
0x12d: {  	s22 =	sadd.s32 s12, s1;
	[sflag:s20] =	ssyncadd.s32 $0xFFFFFB00  }
0x12e: {  	[tilespmem:s13], [sflag:$0x5] =	stream.linear.gather [hbm4b:s22+s9], $0x500, $0x38;
	[tilespmem:$0x13950] =	vst v63  }
0x12f: {  	_ =	swait.ge [sflag:s20], $0x500  }
0x130: {  	[sflag:s20] =	ssyncset.done $0x0  }
0x131: {  	s1 =	simm.s32 $0x1400;
	[sflag:s20] =	ssyncadd.s32 $0xFFFFFB00  }
0x132: {  	[tilespmem:s1], [sflag:$0x1] =	stream.indirect.gather [spmem:s3], $0x1, s13, s14, $0xb8;
	[tilespmem:$0x13950] =	vst v63  }
0x133: {  	s8 =	simm.s32 $0x1E00  }
0x134: {  	[tilespmem:s8], [sflag:$0x1] =	stream.indirect.gather [spmem:s4], $0x1, s13, s14, $0xb8;
	[tilespmem:$0x13950] =	vst v63  }
0x135: {  	s16 =	simm.s32 $0x2800;
	s22 =	rddreg [dreg:$0x4]  }
0x136: {  	[tilespmem:s16], [sflag:$0x1] =	stream.indirect.gather [spmem:s22], $0x1, s13, s14, $0xb8;
	[tilespmem:$0x13950] =	vst v63  }
0x137: {  	s17 =	simm.s32 $0x3200  }
0x138: {  	[tilespmem:s17], [sflag:$0x1] =	stream.indirect.gather [spmem:s6], $0x1, s9, s14, $0xb8;
	[tilespmem:$0x13950] =	vst v63  }
0x139: {  	s18 =	simm.s32 $0x3C00  }
0x13a: {  	[tilespmem:s18], [sflag:$0x1] =	stream.indirect.gather [spmem:s7], $0x1, s9, s14, $0xb8;
	[tilespmem:$0x13950] =	vst v63  }
0x13b: {  	s19 =	simm.s32 $0x4600  }
0x13c: {  	[tilespmem:s19], [sflag:$0x1] =	stream.indirect.gather [spmem:s28], $0x1, s9, s14, $0xb8;
	[tilespmem:$0x13950] =	vst v63  }
0x13d: {  	_ =	swait.ge [sflag:s29], $0x500  }
0x13e: {  	[sflag:s29] =	ssyncset.done $0x0  }
0x13f: {  	[sflag:s29] =	ssyncadd.s32 $0xFFFFFB00  }
0x140: {  	_ =	swait.ge [sflag:s29], $0x500  }
0x141: {  	[sflag:s29] =	ssyncset.done $0x0  }
0x142: {  	[sflag:s29] =	ssyncadd.s32 $0xFFFFFB00  }
0x143: {  	_ =	swait.ge [sflag:s29], $0x500  }
0x144: {  	[sflag:s29] =	ssyncset.done $0x0  }
0x145: {  	[sflag:s29] =	ssyncadd.s32 $0xFFFFFB00  }
0x146: {  	_ =	swait.ge [sflag:s29], $0x500  }
0x147: {  	[sflag:s29] =	ssyncset.done $0x0  }
0x148: {  	[sflag:s29] =	ssyncadd.s32 $0xFFFFFB00  }
0x149: {  	_ =	swait.ge [sflag:s29], $0x500  }
0x14a: {  	[sflag:s29] =	ssyncset.done $0x0  }
0x14b: {  	[sflag:s29] =	ssyncadd.s32 $0xFFFFFB00  }
0x14c: {  	_ =	swait.ge [sflag:s29], $0x500  }
0x14d: {  	[sflag:s29] =	ssyncset.done $0x0  }
0x14e: {  	s0 =	simm.s32 @!p1 $0x4;
	[sflag:s29] =	ssyncadd.s32 $0xFFFFFB00  }
0x14f: {  	_ =	swait.ge @!p1 [sflag:s0], $0x2800  }
0x150: {  	[sflag:s0] =	ssyncset.done @!p1 $0x0  }
0x151: {  	[sflag:s0] =	ssyncadd.s32 @!p1 $0xFFFFD800  }
0x152: {  	_ =	swait.ge @!p1 [sflag:s0], $0x2800  }
0x153: {  	s21 =	smov.u32 s6;
	s8 =	simm.s32 $0x0;
	[sflag:s0] =	ssyncset.done @!p1 $0x0  }
0x154: {  	s16 =	simm.s32 $0x0;
	s17 =	simm.s32 $0x10;
	[sflag:s0] =	ssyncadd.s32 @!p1 $0xFFFFD800  }
.LBB2_11:
0x155: {  	s18 =	sshra.s32 s8, $0x2  }
0x156: {  	v1 =	vld [tilespmem:s18+$0x1900]  }
0x157: {  	v2 =	vld [tilespmem:s18+$0x3700]  }
0x158: {  	v3 =	vld [tilespmem:s18+$0x2300]  }
0x159: {  	v4 =	vld [tilespmem:s18+$0x4100]  }
0x15a: {  	v5 =	vld [tilespmem:s18+$0x2D00]  }
0x15b: {  	v6 =	vld [tilespmem:s18+$0x4B00];
	_ =	sdelay $0x2  }
0x15c: {  	v1 =	vsub.f32 v1, v2;
	v2 =	vsub.f32 v3, v4;
	_ =	sdelay $0x1  }
0x15d: {  	v3 =	vsub.f32 v5, v6;
	v20 =	vmul.f32 v1, v1;
	v21 =	vmul.f32 v2, v2;
	_ =	sdelay $0x1  }
0x15e: {  	v22 =	vmul.f32 v3, v3;
	v4 =	vadd.f32 v21, v20;
	_ =	sdelay $0x1  }
0x15f: {  	v4 =	vadd.f32 v22, v4;
	_ =	sdelay $0x1  }
0x160: {  	v5 =	vshra.s32 v4, $0x1;
	v4 =	vmul.f32 $5.000000000e-01, v4  }
0x161: {  	v5 =	vsub.s32 $0x5F3759DF, v5  }
0x162: {  	v23 =	vmul.f32 v5, v4;
	_ =	sdelay $0x1  }
0x163: {  	v6 =	vmul.f32 v5, v23;
	_ =	sdelay $0x1  }
0x164: {  	v6 =	vsub.f32 $1.500000000e+00, v6;
	_ =	sdelay $0x1  }
0x165: {  	v5 =	vmul.f32 v5, v6;
	_ =	sdelay $0x1  }
0x166: {  	v4 =	vmul.f32 v5, v4;
	_ =	sdelay $0x1  }
0x167: {  	v4 =	vmul.f32 v4, v5;
	_ =	sdelay $0x1  }
0x168: {  	v4 =	vsub.f32 $1.500000000e+00, v4;
	_ =	sdelay $0x1  }
0x169: {  	v4 =	vmul.f32 v4, v5;
	_ =	sdelay $0x1  }
0x16a: {  	v1 =	vmul.f32 v4, v1;
	v3 =	vmul.f32 v4, v3  }
0x16b: {  	v2 =	vmul.f32 v4, v2  }
0x16c: {  	s0 =	sadd.s32 $0xFFFFFFF0, s17;
	s1 =	sand.u32 $0x3C00, s16;
	v24 =	vmul.f32 v1, v1;
	v25 =	vmul.f32 v3, v3  }
0x16d: {  	s0 =	sand.u32 $0x60, s0;
	s19 =	sadd.s32 $0xA000, s1;
	v26 =	vmul.f32 v2, v2;
	v7 =	vmul.f32 v2, v1  }
0x16e: {  	s0 =	sor.u32 s0, s19;
	v8 =	vmul.f32 $-4.886025190e-01, v2;
	v10 =	vmul.f32 $4.886025190e-01, v3  }
0x16f: {  	[tilespmem:s0+$0x0] =	vst v0;
	v11 =	vmul.f32 v3, v2;
	v12 =	vmul.f32 $-4.886025190e-01, v1  }
0x170: {  	v28 =	vmul.f32 v3, v1;
	v31 =	vmul.f32 $-5.900436040e-01, v2;
	[tilespmem:s0+$0x80] =	vst v8  }
0x171: {  	v9 =	vmul.f32 $3.000000000e+00, v25;
	v13 =	vmul.f32 $1.092548490e+00, v7;
	[tilespmem:s0+$0x100] =	vst v10  }
0x172: {  	v27 =	vmul.f32 $-1.092548490e+00, v11;
	v29 =	vmul.f32 $3.000000000e+00, v24;
	[tilespmem:s0+$0x180] =	vst v12;
	v30 =	vsub.f32 v24, v26  }
0x173: {  	v11 =	vmul.f32 $-1.092548490e+00, v28;
	v7 =	vmul.f32 $2.890611410e+00, v7;
	[tilespmem:s0+$0x200] =	vst v13  }
0x174: {  	v5 =	vmul.f32 $5.000000000e+00, v25;
	v9 =	vadd.f32 $-1.000000000e+00, v9;
	[tilespmem:s0+$0x280] =	vst v27;
	v32 =	vmul.f32 $5.462742450e-01, v30  }
0x175: {  	v2 =	vmul.f32 $-4.570457940e-01, v2;
	v10 =	vsub.f32 v29, v26;
	v7 =	vmul.f32 v7, v3;
	[tilespmem:s0+$0x380] =	vst v11  }
0x176: {  	v34 =	vmul.f32 $3.731763360e-01, v3;
	v14 =	vadd.f32 $-1.000000000e+00, v5;
	v9 =	vmul.f32 $3.153915700e-01, v9;
	[tilespmem:s0+$0x2800] =	vst v32  }
0x177: {  	v6 =	vmul.f32 $3.000000000e+00, v26;
	v5 =	vadd.f32 $-3.000000000e+00, v5;
	v33 =	vmul.f32 v10, v31;
	[tilespmem:s0+$0x2900] =	vst v7  }
0x178: {  	v35 =	vmul.f32 $-4.570457940e-01, v1;
	v2 =	vmul.f32 v14, v2;
	[tilespmem:s0+$0x300] =	vst v9  }
0x179: {  	v1 =	vmul.f32 $-5.900436040e-01, v1;
	v4 =	vsub.f32 v24, v6;
	v5 =	vmul.f32 v5, v34;
	[tilespmem:s0+$0x2880] =	vst v33  }
0x17a: {  	v3 =	vmul.f32 $1.445305710e+00, v3;
	v36 =	vmul.f32 v14, v35;
	[tilespmem:s0+$0x2980] =	vst v2  }
0x17b: {  	v1 =	vmul.f32 v4, v1;
	[tilespmem:s0+$0x2A00] =	vst v5  }
0x17c: {  	v2 =	vmul.f32 v30, v3;
	[tilespmem:s0+$0x2A80] =	vst v36  }
0x17d: {  	[tilespmem:s0+$0x2B80] =	vst v1  }
0x17e: {  	[tilespmem:s0+$0x2B00] =	vst v2  }
0x17f: {  	v1 =	vld [tilespmem:s18+$0x1910]  }
0x180: {  	v2 =	vld [tilespmem:s18+$0x3710]  }
0x181: {  	v3 =	vld [tilespmem:s18+$0x2310]  }
0x182: {  	v37 =	vld [tilespmem:s18+$0x4110]  }
0x183: {  	v5 =	vld [tilespmem:s18+$0x2D10]  }
0x184: {  	v38 =	vld [tilespmem:s18+$0x4B10];
	_ =	sdelay $0x2  }
0x185: {  	v1 =	vsub.f32 v1, v2;
	v2 =	vsub.f32 v3, v37;
	_ =	sdelay $0x1  }
0x186: {  	v3 =	vsub.f32 v5, v38;
	v39 =	vmul.f32 v1, v1;
	v40 =	vmul.f32 v2, v2;
	_ =	sdelay $0x1  }
0x187: {  	v41 =	vmul.f32 v3, v3;
	v4 =	vadd.f32 v40, v39;
	_ =	sdelay $0x1  }
0x188: {  	v4 =	vadd.f32 v41, v4;
	_ =	sdelay $0x1  }
0x189: {  	v5 =	vshra.s32 v4, $0x1;
	v4 =	vmul.f32 $5.000000000e-01, v4  }
0x18a: {  	v5 =	vsub.s32 $0x5F3759DF, v5  }
0x18b: {  	v42 =	vmul.f32 v5, v4;
	_ =	sdelay $0x1  }
0x18c: {  	v6 =	vmul.f32 v5, v42;
	_ =	sdelay $0x1  }
0x18d: {  	v6 =	vsub.f32 $1.500000000e+00, v6;
	_ =	sdelay $0x1  }
0x18e: {  	v5 =	vmul.f32 v5, v6;
	_ =	sdelay $0x1  }
0x18f: {  	v4 =	vmul.f32 v5, v4;
	_ =	sdelay $0x1  }
0x190: {  	v4 =	vmul.f32 v4, v5;
	_ =	sdelay $0x1  }
0x191: {  	v4 =	vsub.f32 $1.500000000e+00, v4;
	_ =	sdelay $0x1  }
0x192: {  	v4 =	vmul.f32 v4, v5;
	_ =	sdelay $0x1  }
0x193: {  	v1 =	vmul.f32 v4, v1;
	v3 =	vmul.f32 v4, v3  }
0x194: {  	v2 =	vmul.f32 v4, v2  }
0x195: {  	v43 =	vmul.f32 v1, v1;
	v44 =	vmul.f32 v3, v3  }
0x196: {  	s18 =	sand.u32 $0x70, s17;
	v45 =	vmul.f32 v2, v2;
	v46 =	vmul.f32 v2, v1  }
0x197: {  	s0 =	sor.u32 s18, s19;
	v47 =	vmul.f32 $-4.886025190e-01, v2;
	v49 =	vmul.f32 $4.886025190e-01, v3  }
0x198: {  	[tilespmem:s0+$0x0] =	vst v0;
	v50 =	vmul.f32 v3, v2;
	v51 =	vmul.f32 $-4.886025190e-01, v1  }
0x199: {  	v54 =	vmul.f32 v3, v1;
	v57 =	vmul.f32 $-5.900436040e-01, v2;
	[tilespmem:s0+$0x80] =	vst v47  }
0x19a: {  	v48 =	vmul.f32 $3.000000000e+00, v44;
	v52 =	vmul.f32 $1.092548490e+00, v46;
	[tilespmem:s0+$0x100] =	vst v49  }
0x19b: {  	v53 =	vmul.f32 $-1.092548490e+00, v50;
	v55 =	vmul.f32 $3.000000000e+00, v43;
	[tilespmem:s0+$0x180] =	vst v51;
	v56 =	vsub.f32 v43, v45  }
0x19c: {  	v11 =	vmul.f32 $-1.092548490e+00, v54;
	v7 =	vmul.f32 $2.890611410e+00, v46;
	[tilespmem:s0+$0x200] =	vst v52  }
0x19d: {  	v5 =	vmul.f32 $5.000000000e+00, v44;
	v9 =	vadd.f32 $-1.000000000e+00, v48;
	[tilespmem:s0+$0x280] =	vst v53;
	v58 =	vmul.f32 $5.462742450e-01, v56  }
0x19e: {  	v2 =	vmul.f32 $-4.570457940e-01, v2;
	v10 =	vsub.f32 v55, v45;
	v7 =	vmul.f32 v7, v3;
	[tilespmem:s0+$0x380] =	vst v11  }
0x19f: {  	v61 =	vmul.f32 $3.731763360e-01, v3;
	v59 =	vadd.f32 $-1.000000000e+00, v5;
	v9 =	vmul.f32 $3.153915700e-01, v9;
	[tilespmem:s0+$0x2800] =	vst v58  }
0x1a0: {  	v6 =	vmul.f32 $3.000000000e+00, v45;
	v5 =	vadd.f32 $-3.000000000e+00, v5;
	v60 =	vmul.f32 v10, v57;
	[tilespmem:s0+$0x2900] =	vst v7  }
0x1a1: {  	v62 =	vmul.f32 $-4.570457940e-01, v1;
	v2 =	vmul.f32 v59, v2;
	[tilespmem:s0+$0x300] =	vst v9  }
0x1a2: {  	p1 =	sne.s32 s8, $0x1380;
	v1 =	vmul.f32 $-5.900436040e-01, v1;
	v4 =	vsub.f32 v43, v6;
	v5 =	vmul.f32 v5, v61;
	[tilespmem:s0+$0x2880] =	vst v60  }
.Ltmp6:
0x1a3: {  	v3 =	vmul.f32 $1.445305710e+00, v3;
	v63 =	vmul.f32 v59, v62;
	[tilespmem:s0+$0x2980] =	vst v2;
	(pc) =	sbr.rel @p1 .LBB2_11-.Ltmp6, $4  }
0x1a4: {  	v1 =	vmul.f32 v4, v1;
	[tilespmem:s0+$0x2A00] =	vst v5  }
0x1a5: {  	v2 =	vmul.f32 v56, v3;
	[tilespmem:s0+$0x2A80] =	vst v63  }
0x1a6: {  	[tilespmem:s0+$0x2B80] =	vst v1  }
0x1a7: {  	s16 =	sadd.s32 $0x100, s16;
	s8 =	sadd.s32 $0x80, s8;
	s17 =	sadd.s32 $0x20, s17;
	[tilespmem:s0+$0x2B00] =	vst v2  }
0x1a8: {  	s0 =	smul.u32 $0x2800, s15;
	s31 =	sadd.s32 $0x1, s31  }
0x1a9: {  	p1 =	sne.s32 s31, $0x13  }
.Ltmp7:
0x1aa: {  	s0 =	sshrl.u32 s0, $0x3;
	(pc) =	sbr.rel @p1 .LBB2_8-.Ltmp7, $4  }
0x1ab: {  	s1 =	simm.s32 $0xA000;
	s0 =	sadd.s32 s10, s0  }
0x1ac: {  	[hbm4b:s0+s9] =	stream.linear.scatter [tilespmem:s1], [sflag:$0x4], $0x2800, $0x38;
	[tilespmem:$0x13950] =	vst v63  }
0x1ad: {  	s19 =	simm.s32 $0xC800;
	s0 =	sadd.s32 $0x186A00, s0  }
0x1ae: {  	[hbm4b:s0+s9] =	stream.linear.scatter [tilespmem:s19], [sflag:$0x4], $0x2800, $0x38;
	[tilespmem:$0x13950] =	vst v63  }
0x1af: {  	s0 =	simm.s32 @!p0 $0x0;
	s1 =	simm.s32 @!p0 $0x500;
	s3 =	rddreg [dreg:$0xe]  }
0x1b0: {  	[tilespmem:s1], [sflag:$0x5] =	stream.linear.gather @!p0 [hbm4b:s3+s0], $0x500, $0x38;
	[tilespmem:$0x13950] =	vst v63  }
0x1b1: {  	s3 =	simm.s32 @!p0 $0x5  }
0x1b2: {  	_ =	swait.ge @!p0 [sflag:s3], $0x500  }
0x1b3: {  	s8 =	smov.u32 s4;
	[sflag:s3] =	ssyncset.done @!p0 $0x0  }
0x1b4: {  	s4 =	simm.s32 @!p0 $0xF00;
	s6 =	rddreg [dreg:$0xf];
	[sflag:s3] =	ssyncadd.s32 @!p0 $0xFFFFFB00  }
0x1b5: {  	[tilespmem:s4], [sflag:$0x5] =	stream.linear.gather @!p0 [hbm4b:s6+s0], $0x500, $0x38;
	[tilespmem:$0x13950] =	vst v63  }
0x1b6: {  	_ =	swait.ge @!p0 [sflag:s3], $0x500  }
0x1b7: {  	[sflag:s3] =	ssyncset.done @!p0 $0x0  }
0x1b8: {  	[sflag:s3] =	ssyncadd.s32 @!p0 $0xFFFFFB00  }
0x1b9: {  	s0 =	simm.s32 @!p0 $0x1900;
	s3 =	rddreg [dreg:$0x2]  }
0x1ba: {  	[tilespmem:s0], [sflag:$0x2] =	stream.indirect.gather @!p0 [spmem:s3], $0x1, s4, s1, $0xb8;
	[tilespmem:$0x13950] =	vst v63  }
0x1bb: {  	s0 =	simm.s32 @!p0 $0x2300  }
0x1bc: {  	[tilespmem:s0], [sflag:$0x2] =	stream.indirect.gather @!p0 [spmem:s8], $0x1, s4, s1, $0xb8;
	[tilespmem:$0x13950] =	vst v63  }
0x1bd: {  	s0 =	simm.s32 @!p0 $0x2D00  }
0x1be: {  	[tilespmem:s0], [sflag:$0x2] =	stream.indirect.gather @!p0 [spmem:s22], $0x1, s4, s1, $0xb8;
	[tilespmem:$0x13950] =	vst v63  }
0x1bf: {  	s0 =	simm.s32 @!p0 $0x3700  }
0x1c0: {  	[tilespmem:s0], [sflag:$0x2] =	stream.indirect.gather @!p0 [spmem:s21], $0x1, s1, s1, $0xb8;
	[tilespmem:$0x13950] =	vst v63  }
0x1c1: {  	s0 =	simm.s32 @!p0 $0x4100  }
0x1c2: {  	[tilespmem:s0], [sflag:$0x2] =	stream.indirect.gather @!p0 [spmem:s7], $0x1, s1, s1, $0xb8;
	[tilespmem:$0x13950] =	vst v63  }
0x1c3: {  	s0 =	simm.s32 @!p0 $0x4B00  }
0x1c4: {  	[tilespmem:s0], [sflag:$0x2] =	stream.indirect.gather @!p0 [spmem:s28], $0x1, s1, s1, $0xb8;
	[tilespmem:$0x13950] =	vst v63  }
0x1c5: {  	_ =	swait.ge [sflag:s2], $0x500  }
0x1c6: {  	[sflag:s2] =	ssyncset.done $0x0  }
0x1c7: {  	[sflag:s2] =	ssyncadd.s32 $0xFFFFFB00  }
0x1c8: {  	_ =	swait.ge [sflag:s2], $0x500  }
0x1c9: {  	[sflag:s2] =	ssyncset.done $0x0  }
0x1ca: {  	[sflag:s2] =	ssyncadd.s32 $0xFFFFFB00  }
0x1cb: {  	_ =	swait.ge [sflag:s2], $0x500  }
0x1cc: {  	[sflag:s2] =	ssyncset.done $0x0  }
0x1cd: {  	[sflag:s2] =	ssyncadd.s32 $0xFFFFFB00  }
0x1ce: {  	_ =	swait.ge [sflag:s2], $0x500  }
0x1cf: {  	[sflag:s2] =	ssyncset.done $0x0  }
0x1d0: {  	[sflag:s2] =	ssyncadd.s32 $0xFFFFFB00  }
0x1d1: {  	_ =	swait.ge [sflag:s2], $0x500  }
0x1d2: {  	[sflag:s2] =	ssyncset.done $0x0  }
0x1d3: {  	[sflag:s2] =	ssyncadd.s32 $0xFFFFFB00  }
0x1d4: {  	_ =	swait.ge [sflag:s2], $0x500  }
0x1d5: {  	[sflag:s2] =	ssyncset.done $0x0  }
0x1d6: {  	s3 =	simm.s32 $0x3;
	[sflag:s2] =	ssyncadd.s32 $0xFFFFFB00  }
0x1d7: {  	_ =	swait.ge [sflag:s3], $0x2800  }
0x1d8: {  	[sflag:s3] =	ssyncset.done $0x0  }
0x1d9: {  	[sflag:s3] =	ssyncadd.s32 $0xFFFFD800  }
0x1da: {  	_ =	swait.ge [sflag:s3], $0x2800  }
0x1db: {  	s15 =	simm.s32 $0x0;
	[sflag:s3] =	ssyncset.done $0x0  }
0x1dc: {  	s16 =	simm.s32 $0x10;
	s8 =	simm.s32 $0x0;
	[sflag:s3] =	ssyncadd.s32 $0xFFFFD800  }
.LBB2_14:
0x1dd: {  	s17 =	sshra.s32 s8, $0x2  }
0x1de: {  	v1 =	vld [tilespmem:s17+$0x1400]  }
0x1df: {  	v2 =	vld [tilespmem:s17+$0x3200]  }
0x1e0: {  	v3 =	vld [tilespmem:s17+$0x1E00]  }
0x1e1: {  	v4 =	vld [tilespmem:s17+$0x3C00]  }
0x1e2: {  	v5 =	vld [tilespmem:s17+$0x2800]  }
0x1e3: {  	v6 =	vld [tilespmem:s17+$0x4600];
	_ =	sdelay $0x2  }
0x1e4: {  	v1 =	vsub.f32 v1, v2;
	v2 =	vsub.f32 v3, v4;
	_ =	sdelay $0x1  }
0x1e5: {  	v3 =	vsub.f32 v5, v6;
	v20 =	vmul.f32 v1, v1;
	v21 =	vmul.f32 v2, v2;
	_ =	sdelay $0x1  }
0x1e6: {  	v22 =	vmul.f32 v3, v3;
	v4 =	vadd.f32 v21, v20;
	_ =	sdelay $0x1  }
0x1e7: {  	v4 =	vadd.f32 v22, v4;
	_ =	sdelay $0x1  }
0x1e8: {  	v5 =	vshra.s32 v4, $0x1;
	v4 =	vmul.f32 $5.000000000e-01, v4  }
0x1e9: {  	v5 =	vsub.s32 $0x5F3759DF, v5  }
0x1ea: {  	v23 =	vmul.f32 v5, v4;
	_ =	sdelay $0x1  }
0x1eb: {  	v6 =	vmul.f32 v5, v23;
	_ =	sdelay $0x1  }
0x1ec: {  	v6 =	vsub.f32 $1.500000000e+00, v6;
	_ =	sdelay $0x1  }
0x1ed: {  	v5 =	vmul.f32 v5, v6;
	_ =	sdelay $0x1  }
0x1ee: {  	v4 =	vmul.f32 v5, v4;
	_ =	sdelay $0x1  }
0x1ef: {  	v4 =	vmul.f32 v4, v5;
	_ =	sdelay $0x1  }
0x1f0: {  	v4 =	vsub.f32 $1.500000000e+00, v4;
	_ =	sdelay $0x1  }
0x1f1: {  	v4 =	vmul.f32 v4, v5;
	_ =	sdelay $0x1  }
0x1f2: {  	v1 =	vmul.f32 v4, v1;
	v3 =	vmul.f32 v4, v3  }
0x1f3: {  	v2 =	vmul.f32 v4, v2  }
0x1f4: {  	s0 =	sadd.s32 $0xFFFFFFF0, s16;
	s1 =	sand.u32 $0x3C00, s15;
	v24 =	vmul.f32 v1, v1;
	v25 =	vmul.f32 v3, v3  }
0x1f5: {  	s0 =	sand.u32 $0x60, s0;
	s18 =	sadd.s32 $0x5000, s1;
	v26 =	vmul.f32 v2, v2;
	v7 =	vmul.f32 v2, v1  }
0x1f6: {  	s0 =	sor.u32 s0, s18;
	v8 =	vmul.f32 $-4.886025190e-01, v2;
	v10 =	vmul.f32 $4.886025190e-01, v3  }
0x1f7: {  	[tilespmem:s0+$0x0] =	vst v0;
	v11 =	vmul.f32 v3, v2;
	v12 =	vmul.f32 $-4.886025190e-01, v1  }
0x1f8: {  	v28 =	vmul.f32 v3, v1;
	v31 =	vmul.f32 $-5.900436040e-01, v2;
	[tilespmem:s0+$0x80] =	vst v8  }
0x1f9: {  	v9 =	vmul.f32 $3.000000000e+00, v25;
	v13 =	vmul.f32 $1.092548490e+00, v7;
	[tilespmem:s0+$0x100] =	vst v10  }
0x1fa: {  	v27 =	vmul.f32 $-1.092548490e+00, v11;
	v29 =	vmul.f32 $3.000000000e+00, v24;
	[tilespmem:s0+$0x180] =	vst v12;
	v30 =	vsub.f32 v24, v26  }
0x1fb: {  	v11 =	vmul.f32 $-1.092548490e+00, v28;
	v7 =	vmul.f32 $2.890611410e+00, v7;
	[tilespmem:s0+$0x200] =	vst v13  }
0x1fc: {  	v5 =	vmul.f32 $5.000000000e+00, v25;
	v9 =	vadd.f32 $-1.000000000e+00, v9;
	[tilespmem:s0+$0x280] =	vst v27;
	v32 =	vmul.f32 $5.462742450e-01, v30  }
0x1fd: {  	v2 =	vmul.f32 $-4.570457940e-01, v2;
	v10 =	vsub.f32 v29, v26;
	v7 =	vmul.f32 v7, v3;
	[tilespmem:s0+$0x380] =	vst v11  }
0x1fe: {  	v34 =	vmul.f32 $3.731763360e-01, v3;
	v14 =	vadd.f32 $-1.000000000e+00, v5;
	v9 =	vmul.f32 $3.153915700e-01, v9;
	[tilespmem:s0+$0x2800] =	vst v32  }
0x1ff: {  	v6 =	vmul.f32 $3.000000000e+00, v26;
	v5 =	vadd.f32 $-3.000000000e+00, v5;
	v33 =	vmul.f32 v10, v31;
	[tilespmem:s0+$0x2900] =	vst v7  }
0x200: {  	v35 =	vmul.f32 $-4.570457940e-01, v1;
	v2 =	vmul.f32 v14, v2;
	[tilespmem:s0+$0x300] =	vst v9  }
0x201: {  	v1 =	vmul.f32 $-5.900436040e-01, v1;
	v4 =	vsub.f32 v24, v6;
	v5 =	vmul.f32 v5, v34;
	[tilespmem:s0+$0x2880] =	vst v33  }
0x202: {  	v3 =	vmul.f32 $1.445305710e+00, v3;
	v36 =	vmul.f32 v14, v35;
	[tilespmem:s0+$0x2980] =	vst v2  }
0x203: {  	v1 =	vmul.f32 v4, v1;
	[tilespmem:s0+$0x2A00] =	vst v5  }
0x204: {  	v2 =	vmul.f32 v30, v3;
	[tilespmem:s0+$0x2A80] =	vst v36  }
0x205: {  	[tilespmem:s0+$0x2B80] =	vst v1  }
0x206: {  	[tilespmem:s0+$0x2B00] =	vst v2  }
0x207: {  	v1 =	vld [tilespmem:s17+$0x1410]  }
0x208: {  	v2 =	vld [tilespmem:s17+$0x3210]  }
0x209: {  	v3 =	vld [tilespmem:s17+$0x1E10]  }
0x20a: {  	v37 =	vld [tilespmem:s17+$0x3C10]  }
0x20b: {  	v5 =	vld [tilespmem:s17+$0x2810]  }
0x20c: {  	v38 =	vld [tilespmem:s17+$0x4610];
	_ =	sdelay $0x2  }
0x20d: {  	v1 =	vsub.f32 v1, v2;
	v2 =	vsub.f32 v3, v37;
	_ =	sdelay $0x1  }
0x20e: {  	v3 =	vsub.f32 v5, v38;
	v39 =	vmul.f32 v1, v1;
	v40 =	vmul.f32 v2, v2;
	_ =	sdelay $0x1  }
0x20f: {  	v41 =	vmul.f32 v3, v3;
	v4 =	vadd.f32 v40, v39;
	_ =	sdelay $0x1  }
0x210: {  	v4 =	vadd.f32 v41, v4;
	_ =	sdelay $0x1  }
0x211: {  	v5 =	vshra.s32 v4, $0x1;
	v4 =	vmul.f32 $5.000000000e-01, v4  }
0x212: {  	v5 =	vsub.s32 $0x5F3759DF, v5  }
0x213: {  	v42 =	vmul.f32 v5, v4;
	_ =	sdelay $0x1  }
0x214: {  	v6 =	vmul.f32 v5, v42;
	_ =	sdelay $0x1  }
0x215: {  	v6 =	vsub.f32 $1.500000000e+00, v6;
	_ =	sdelay $0x1  }
0x216: {  	v5 =	vmul.f32 v5, v6;
	_ =	sdelay $0x1  }
0x217: {  	v4 =	vmul.f32 v5, v4;
	_ =	sdelay $0x1  }
0x218: {  	v4 =	vmul.f32 v4, v5;
	_ =	sdelay $0x1  }
0x219: {  	v4 =	vsub.f32 $1.500000000e+00, v4;
	_ =	sdelay $0x1  }
0x21a: {  	v4 =	vmul.f32 v4, v5;
	_ =	sdelay $0x1  }
0x21b: {  	v1 =	vmul.f32 v4, v1;
	v3 =	vmul.f32 v4, v3  }
0x21c: {  	v2 =	vmul.f32 v4, v2  }
0x21d: {  	v43 =	vmul.f32 v1, v1;
	v44 =	vmul.f32 v3, v3  }
0x21e: {  	s31 =	sand.u32 $0x70, s16;
	v45 =	vmul.f32 v2, v2;
	v46 =	vmul.f32 v2, v1  }
0x21f: {  	s0 =	sor.u32 s31, s18;
	v47 =	vmul.f32 $-4.886025190e-01, v2;
	v49 =	vmul.f32 $4.886025190e-01, v3  }
0x220: {  	[tilespmem:s0+$0x0] =	vst v0;
	v50 =	vmul.f32 v3, v2;
	v51 =	vmul.f32 $-4.886025190e-01, v1  }
0x221: {  	v54 =	vmul.f32 v3, v1;
	v57 =	vmul.f32 $-5.900436040e-01, v2;
	[tilespmem:s0+$0x80] =	vst v47  }
0x222: {  	v48 =	vmul.f32 $3.000000000e+00, v44;
	v52 =	vmul.f32 $1.092548490e+00, v46;
	[tilespmem:s0+$0x100] =	vst v49  }
0x223: {  	v53 =	vmul.f32 $-1.092548490e+00, v50;
	v55 =	vmul.f32 $3.000000000e+00, v43;
	[tilespmem:s0+$0x180] =	vst v51;
	v56 =	vsub.f32 v43, v45  }
0x224: {  	v11 =	vmul.f32 $-1.092548490e+00, v54;
	v7 =	vmul.f32 $2.890611410e+00, v46;
	[tilespmem:s0+$0x200] =	vst v52  }
0x225: {  	v5 =	vmul.f32 $5.000000000e+00, v44;
	v9 =	vadd.f32 $-1.000000000e+00, v48;
	[tilespmem:s0+$0x280] =	vst v53;
	v58 =	vmul.f32 $5.462742450e-01, v56  }
0x226: {  	v2 =	vmul.f32 $-4.570457940e-01, v2;
	v10 =	vsub.f32 v55, v45;
	v7 =	vmul.f32 v7, v3;
	[tilespmem:s0+$0x380] =	vst v11  }
0x227: {  	v61 =	vmul.f32 $3.731763360e-01, v3;
	v59 =	vadd.f32 $-1.000000000e+00, v5;
	v9 =	vmul.f32 $3.153915700e-01, v9;
	[tilespmem:s0+$0x2800] =	vst v58  }
0x228: {  	v6 =	vmul.f32 $3.000000000e+00, v45;
	v5 =	vadd.f32 $-3.000000000e+00, v5;
	v60 =	vmul.f32 v10, v57;
	[tilespmem:s0+$0x2900] =	vst v7  }
0x229: {  	v62 =	vmul.f32 $-4.570457940e-01, v1;
	v2 =	vmul.f32 v59, v2;
	[tilespmem:s0+$0x300] =	vst v9  }
0x22a: {  	p1 =	sne.s32 s8, $0x1380;
	v1 =	vmul.f32 $-5.900436040e-01, v1;
	v4 =	vsub.f32 v43, v6;
	v5 =	vmul.f32 v5, v61;
	[tilespmem:s0+$0x2880] =	vst v60  }
.Ltmp8:
0x22b: {  	v3 =	vmul.f32 $1.445305710e+00, v3;
	v63 =	vmul.f32 v59, v62;
	[tilespmem:s0+$0x2980] =	vst v2;
	(pc) =	sbr.rel @p1 .LBB2_14-.Ltmp8, $4  }
0x22c: {  	v1 =	vmul.f32 v4, v1;
	[tilespmem:s0+$0x2A00] =	vst v5  }
0x22d: {  	v2 =	vmul.f32 v56, v3;
	[tilespmem:s0+$0x2A80] =	vst v63  }
0x22e: {  	[tilespmem:s0+$0x2B80] =	vst v1  }
0x22f: {  	s15 =	sadd.s32 $0x100, s15;
	s16 =	sadd.s32 $0x20, s16;
	s8 =	sadd.s32 $0x80, s8;
	[tilespmem:s0+$0x2B00] =	vst v2  }
0x230: {  	s0 =	rddreg [dreg:$0x10];
	s1 =	simm.s32 $0x5000  }
0x231: {  	[hbm4b:s0+s9] =	stream.linear.scatter [tilespmem:s1], [sflag:$0x3], $0x2800, $0x38;
	[tilespmem:$0x13950] =	vst v63  }
0x232: {  	s18 =	rddreg [dreg:$0x11];
	s19 =	simm.s32 $0x7800;
	s31 =	simm.s32 $0x4  }
0x233: {  	[hbm4b:s18+s9] =	stream.linear.scatter [tilespmem:s19], [sflag:$0x3], $0x2800, $0x38;
	[tilespmem:$0x13950] =	vst v63  }
0x234: {  	_ =	swait.ge [sflag:s31], $0x2800  }
.Ltmp9:
0x235: {  	[sflag:s31] =	ssyncset.done $0x0;
	(pc) =	sbr.rel @p0 .LBB2_19-.Ltmp9, $4  }
0x236: {  	[sflag:s31] =	ssyncadd.s32 $0xFFFFD800  }
0x237: {  	_ =	swait.ge [sflag:s31], $0x2800  }
0x238: {  	[sflag:s31] =	ssyncset.done $0x0  }
0x239: {  	s1 =	rddreg [dreg:$0x1c];
	[sflag:s31] =	ssyncadd.s32 $0xFFFFD800  }
0x23a: {  	_ =	swait.ge [sflag:s29], $0x500  }
0x23b: {  	[sflag:s29] =	ssyncset.done $0x0  }
0x23c: {  	[sflag:s29] =	ssyncadd.s32 $0xFFFFFB00  }
0x23d: {  	_ =	swait.ge [sflag:s29], $0x500  }
0x23e: {  	[sflag:s29] =	ssyncset.done $0x0  }
0x23f: {  	[sflag:s29] =	ssyncadd.s32 $0xFFFFFB00  }
0x240: {  	_ =	swait.ge [sflag:s29], $0x500  }
0x241: {  	[sflag:s29] =	ssyncset.done $0x0  }
0x242: {  	[sflag:s29] =	ssyncadd.s32 $0xFFFFFB00  }
0x243: {  	_ =	swait.ge [sflag:s29], $0x500  }
0x244: {  	[sflag:s29] =	ssyncset.done $0x0  }
0x245: {  	[sflag:s29] =	ssyncadd.s32 $0xFFFFFB00  }
0x246: {  	_ =	swait.ge [sflag:s29], $0x500  }
0x247: {  	[sflag:s29] =	ssyncset.done $0x0  }
0x248: {  	[sflag:s29] =	ssyncadd.s32 $0xFFFFFB00  }
0x249: {  	_ =	swait.ge [sflag:s29], $0x500  }
0x24a: {  	s15 =	simm.s32 $0x0;
	[sflag:s29] =	ssyncset.done $0x0  }
0x24b: {  	s16 =	simm.s32 $0x10;
	s8 =	simm.s32 $0x0;
	[sflag:s29] =	ssyncadd.s32 $0xFFFFFB00  }
.LBB2_17:
0x24c: {  	s17 =	sshra.s32 s8, $0x2  }
0x24d: {  	v1 =	vld [tilespmem:s17+$0x1900]  }
0x24e: {  	v2 =	vld [tilespmem:s17+$0x3700]  }
0x24f: {  	v3 =	vld [tilespmem:s17+$0x2300]  }
0x250: {  	v4 =	vld [tilespmem:s17+$0x4100]  }
0x251: {  	v5 =	vld [tilespmem:s17+$0x2D00]  }
0x252: {  	v6 =	vld [tilespmem:s17+$0x4B00];
	_ =	sdelay $0x2  }
0x253: {  	v1 =	vsub.f32 v1, v2;
	v2 =	vsub.f32 v3, v4;
	_ =	sdelay $0x1  }
0x254: {  	v3 =	vsub.f32 v5, v6;
	v20 =	vmul.f32 v1, v1;
	v21 =	vmul.f32 v2, v2;
	_ =	sdelay $0x1  }
0x255: {  	v22 =	vmul.f32 v3, v3;
	v4 =	vadd.f32 v21, v20;
	_ =	sdelay $0x1  }
0x256: {  	v4 =	vadd.f32 v22, v4;
	_ =	sdelay $0x1  }
0x257: {  	v5 =	vshra.s32 v4, $0x1;
	v4 =	vmul.f32 $5.000000000e-01, v4  }
0x258: {  	v5 =	vsub.s32 $0x5F3759DF, v5  }
0x259: {  	v23 =	vmul.f32 v5, v4;
	_ =	sdelay $0x1  }
0x25a: {  	v6 =	vmul.f32 v5, v23;
	_ =	sdelay $0x1  }
0x25b: {  	v6 =	vsub.f32 $1.500000000e+00, v6;
	_ =	sdelay $0x1  }
0x25c: {  	v5 =	vmul.f32 v5, v6;
	_ =	sdelay $0x1  }
0x25d: {  	v4 =	vmul.f32 v5, v4;
	_ =	sdelay $0x1  }
0x25e: {  	v4 =	vmul.f32 v4, v5;
	_ =	sdelay $0x1  }
0x25f: {  	v4 =	vsub.f32 $1.500000000e+00, v4;
	_ =	sdelay $0x1  }
0x260: {  	v4 =	vmul.f32 v4, v5;
	_ =	sdelay $0x1  }
0x261: {  	v1 =	vmul.f32 v4, v1;
	v3 =	vmul.f32 v4, v3  }
0x262: {  	v2 =	vmul.f32 v4, v2  }
0x263: {  	s0 =	sadd.s32 $0xFFFFFFF0, s16;
	s1 =	sand.u32 $0x3C00, s15;
	v24 =	vmul.f32 v1, v1;
	v25 =	vmul.f32 v3, v3  }
0x264: {  	s0 =	sand.u32 $0x60, s0;
	s18 =	sadd.s32 $0xA000, s1;
	v26 =	vmul.f32 v2, v2;
	v7 =	vmul.f32 v2, v1  }
0x265: {  	s0 =	sor.u32 s0, s18;
	v8 =	vmul.f32 $-4.886025190e-01, v2;
	v10 =	vmul.f32 $4.886025190e-01, v3  }
0x266: {  	[tilespmem:s0+$0x0] =	vst v0;
	v11 =	vmul.f32 v3, v2;
	v12 =	vmul.f32 $-4.886025190e-01, v1  }
0x267: {  	v28 =	vmul.f32 v3, v1;
	v31 =	vmul.f32 $-5.900436040e-01, v2;
	[tilespmem:s0+$0x80] =	vst v8  }
0x268: {  	v9 =	vmul.f32 $3.000000000e+00, v25;
	v13 =	vmul.f32 $1.092548490e+00, v7;
	[tilespmem:s0+$0x100] =	vst v10  }
0x269: {  	v27 =	vmul.f32 $-1.092548490e+00, v11;
	v29 =	vmul.f32 $3.000000000e+00, v24;
	[tilespmem:s0+$0x180] =	vst v12;
	v30 =	vsub.f32 v24, v26  }
0x26a: {  	v11 =	vmul.f32 $-1.092548490e+00, v28;
	v7 =	vmul.f32 $2.890611410e+00, v7;
	[tilespmem:s0+$0x200] =	vst v13  }
0x26b: {  	v5 =	vmul.f32 $5.000000000e+00, v25;
	v9 =	vadd.f32 $-1.000000000e+00, v9;
	[tilespmem:s0+$0x280] =	vst v27;
	v32 =	vmul.f32 $5.462742450e-01, v30  }
0x26c: {  	v2 =	vmul.f32 $-4.570457940e-01, v2;
	v10 =	vsub.f32 v29, v26;
	v7 =	vmul.f32 v7, v3;
	[tilespmem:s0+$0x380] =	vst v11  }
0x26d: {  	v34 =	vmul.f32 $3.731763360e-01, v3;
	v14 =	vadd.f32 $-1.000000000e+00, v5;
	v9 =	vmul.f32 $3.153915700e-01, v9;
	[tilespmem:s0+$0x2800] =	vst v32  }
0x26e: {  	v6 =	vmul.f32 $3.000000000e+00, v26;
	v5 =	vadd.f32 $-3.000000000e+00, v5;
	v33 =	vmul.f32 v10, v31;
	[tilespmem:s0+$0x2900] =	vst v7  }
0x26f: {  	v35 =	vmul.f32 $-4.570457940e-01, v1;
	v2 =	vmul.f32 v14, v2;
	[tilespmem:s0+$0x300] =	vst v9  }
0x270: {  	v1 =	vmul.f32 $-5.900436040e-01, v1;
	v4 =	vsub.f32 v24, v6;
	v5 =	vmul.f32 v5, v34;
	[tilespmem:s0+$0x2880] =	vst v33  }
0x271: {  	v3 =	vmul.f32 $1.445305710e+00, v3;
	v36 =	vmul.f32 v14, v35;
	[tilespmem:s0+$0x2980] =	vst v2  }
0x272: {  	v1 =	vmul.f32 v4, v1;
	[tilespmem:s0+$0x2A00] =	vst v5  }
0x273: {  	v2 =	vmul.f32 v30, v3;
	[tilespmem:s0+$0x2A80] =	vst v36  }
0x274: {  	[tilespmem:s0+$0x2B80] =	vst v1  }
0x275: {  	[tilespmem:s0+$0x2B00] =	vst v2  }
0x276: {  	v1 =	vld [tilespmem:s17+$0x1910]  }
0x277: {  	v2 =	vld [tilespmem:s17+$0x3710]  }
0x278: {  	v3 =	vld [tilespmem:s17+$0x2310]  }
0x279: {  	v37 =	vld [tilespmem:s17+$0x4110]  }
0x27a: {  	v5 =	vld [tilespmem:s17+$0x2D10]  }
0x27b: {  	v38 =	vld [tilespmem:s17+$0x4B10];
	_ =	sdelay $0x2  }
0x27c: {  	v1 =	vsub.f32 v1, v2;
	v2 =	vsub.f32 v3, v37;
	_ =	sdelay $0x1  }
0x27d: {  	v3 =	vsub.f32 v5, v38;
	v39 =	vmul.f32 v1, v1;
	v40 =	vmul.f32 v2, v2;
	_ =	sdelay $0x1  }
0x27e: {  	v41 =	vmul.f32 v3, v3;
	v4 =	vadd.f32 v40, v39;
	_ =	sdelay $0x1  }
0x27f: {  	v4 =	vadd.f32 v41, v4;
	_ =	sdelay $0x1  }
0x280: {  	v5 =	vshra.s32 v4, $0x1;
	v4 =	vmul.f32 $5.000000000e-01, v4  }
0x281: {  	v5 =	vsub.s32 $0x5F3759DF, v5  }
0x282: {  	v42 =	vmul.f32 v5, v4;
	_ =	sdelay $0x1  }
0x283: {  	v6 =	vmul.f32 v5, v42;
	_ =	sdelay $0x1  }
0x284: {  	v6 =	vsub.f32 $1.500000000e+00, v6;
	_ =	sdelay $0x1  }
0x285: {  	v5 =	vmul.f32 v5, v6;
	_ =	sdelay $0x1  }
0x286: {  	v4 =	vmul.f32 v5, v4;
	_ =	sdelay $0x1  }
0x287: {  	v4 =	vmul.f32 v4, v5;
	_ =	sdelay $0x1  }
0x288: {  	v4 =	vsub.f32 $1.500000000e+00, v4;
	_ =	sdelay $0x1  }
0x289: {  	v4 =	vmul.f32 v4, v5;
	_ =	sdelay $0x1  }
0x28a: {  	v1 =	vmul.f32 v4, v1;
	v3 =	vmul.f32 v4, v3  }
0x28b: {  	v2 =	vmul.f32 v4, v2  }
0x28c: {  	v43 =	vmul.f32 v1, v1;
	v44 =	vmul.f32 v3, v3  }
0x28d: {  	s31 =	sand.u32 $0x70, s16;
	v45 =	vmul.f32 v2, v2;
	v46 =	vmul.f32 v2, v1  }
0x28e: {  	s0 =	sor.u32 s31, s18;
	v47 =	vmul.f32 $-4.886025190e-01, v2;
	v49 =	vmul.f32 $4.886025190e-01, v3  }
0x28f: {  	[tilespmem:s0+$0x0] =	vst v0;
	v50 =	vmul.f32 v3, v2;
	v51 =	vmul.f32 $-4.886025190e-01, v1  }
0x290: {  	v54 =	vmul.f32 v3, v1;
	v57 =	vmul.f32 $-5.900436040e-01, v2;
	[tilespmem:s0+$0x80] =	vst v47  }
0x291: {  	v48 =	vmul.f32 $3.000000000e+00, v44;
	v52 =	vmul.f32 $1.092548490e+00, v46;
	[tilespmem:s0+$0x100] =	vst v49  }
0x292: {  	v53 =	vmul.f32 $-1.092548490e+00, v50;
	v55 =	vmul.f32 $3.000000000e+00, v43;
	[tilespmem:s0+$0x180] =	vst v51;
	v56 =	vsub.f32 v43, v45  }
0x293: {  	v11 =	vmul.f32 $-1.092548490e+00, v54;
	v7 =	vmul.f32 $2.890611410e+00, v46;
	[tilespmem:s0+$0x200] =	vst v52  }
0x294: {  	v5 =	vmul.f32 $5.000000000e+00, v44;
	v9 =	vadd.f32 $-1.000000000e+00, v48;
	[tilespmem:s0+$0x280] =	vst v53;
	v58 =	vmul.f32 $5.462742450e-01, v56  }
0x295: {  	v2 =	vmul.f32 $-4.570457940e-01, v2;
	v10 =	vsub.f32 v55, v45;
	v7 =	vmul.f32 v7, v3;
	[tilespmem:s0+$0x380] =	vst v11  }
0x296: {  	v61 =	vmul.f32 $3.731763360e-01, v3;
	v59 =	vadd.f32 $-1.000000000e+00, v5;
	v9 =	vmul.f32 $3.153915700e-01, v9;
	[tilespmem:s0+$0x2800] =	vst v58  }
0x297: {  	v6 =	vmul.f32 $3.000000000e+00, v45;
	v5 =	vadd.f32 $-3.000000000e+00, v5;
	v60 =	vmul.f32 v10, v57;
	[tilespmem:s0+$0x2900] =	vst v7  }
0x298: {  	v62 =	vmul.f32 $-4.570457940e-01, v1;
	v2 =	vmul.f32 v59, v2;
	[tilespmem:s0+$0x300] =	vst v9  }
0x299: {  	p1 =	sne.s32 s8, $0x1380;
	v1 =	vmul.f32 $-5.900436040e-01, v1;
	v4 =	vsub.f32 v43, v6;
	v5 =	vmul.f32 v5, v61;
	[tilespmem:s0+$0x2880] =	vst v60  }
.Ltmp10:
0x29a: {  	v3 =	vmul.f32 $1.445305710e+00, v3;
	v63 =	vmul.f32 v59, v62;
	[tilespmem:s0+$0x2980] =	vst v2;
	(pc) =	sbr.rel @p1 .LBB2_17-.Ltmp10, $4  }
0x29b: {  	v1 =	vmul.f32 v4, v1;
	[tilespmem:s0+$0x2A00] =	vst v5  }
0x29c: {  	v2 =	vmul.f32 v56, v3;
	[tilespmem:s0+$0x2A80] =	vst v63  }
0x29d: {  	[tilespmem:s0+$0x2B80] =	vst v1  }
0x29e: {  	s15 =	sadd.s32 $0x100, s15;
	s16 =	sadd.s32 $0x20, s16;
	s8 =	sadd.s32 $0x80, s8;
	[tilespmem:s0+$0x2B00] =	vst v2  }
0x29f: {  	s0 =	rddreg [dreg:$0x12];
	s1 =	simm.s32 $0xA000  }
0x2a0: {  	[hbm4b:s0+s9] =	stream.linear.scatter [tilespmem:s1], [sflag:$0x4], $0x2800, $0x38;
	[tilespmem:$0x13950] =	vst v63  }
0x2a1: {  	s18 =	rddreg [dreg:$0x13];
	s19 =	simm.s32 $0xC800;
	s31 =	simm.s32 $0x4  }
0x2a2: {  	[hbm4b:s18+s9] =	stream.linear.scatter [tilespmem:s19], [sflag:$0x4], $0x2800, $0x38;
	[tilespmem:$0x13950] =	vst v63  }
0x2a3: {  	_ =	swait.ge [sflag:s31], $0x2800  }
.Ltmp11:
0x2a4: {  	[sflag:s31] =	ssyncset.done $0x0;
	(pc) =	sbr.rel .LBB2_19-.Ltmp11, $4  }
0x2a5: {  	[sflag:s31] =	ssyncadd.s32 $0xFFFFD800  }
0x2a6: {  	_ =	swait.ge [sflag:s31], $0x2800  }
0x2a7: {  	[sflag:s31] =	ssyncset.done $0x0  }
0x2a8: {  	s1 =	rddreg [dreg:$0x1c];
	[sflag:s31] =	ssyncadd.s32 $0xFFFFD800  }
.LBB2_2:
0x2a9: {  	s16 =	rddreg [dreg:$0x17]  }
.Ltmp12:
0x2aa: {  	s19 =	rddreg [dreg:$0x1b];
	(pc) =	sbr.rel .LBB2_7-.Ltmp12, $4  }
0x2ab: {  	s31 =	rddreg [dreg:$0x1a]  }
0x2ac: {  	s21 =	rddreg [dreg:$0x15]  }
0x2ad: {  	s18 =	rddreg [dreg:$0x19]  }
0x2ae: {  	s8 =	simm.s32 $0x0;
	s17 =	rddreg [dreg:$0x18]  }
.LBB2_4:
.Ltmp13:
0x2af: {  	(pc) =	sbr.rel .LBB2_7-.Ltmp13, $4  }
0x2b0: {  	_ = 	snop  }
0x2b1: {  	s16 =	rddreg [dreg:$0x17]  }
0x2b2: {  	s10 =	rddreg [dreg:$0x1]  }
0x2b3: {  	s22 =	rddreg [dreg:$0x4]  }
.LBB2_20:
0x2b4: {  	_ =	sfence.sel $0x180000  }
0x2b5: {  	[bflag:$0x0] =	sbarrier.arrive $0xFFFF  }
0x2b6: {  	_ =	strace $0x90000047  }
0x2b7: {  	[bflag:$0x2] =	sbarrier.arrive $0xFFFF  }
0x2b8: {  	s0 =	rddreg [dreg:$0x8]  }
0x2b9: {  	s0 =	sadd.s32 @!p0 $0x100000, s0  }
0x2ba: {  	[sflag:s0] =	ssyncadd.tile.s32 @!p0 $0x1;
	_ =	shalt  }
.Lfunc_end2:
_tile_overlayer_lowered:
.L_overlay_start_2:
0x2bb: {  	(tag) =	ssettag $0x2  }
0x2bc: {  	s0 =	rddreg [dreg:$0x0];
	s2 =	stileid.u32  }
0x2bd: {  	s1 =	rddreg [dreg:$0x1];
	p0 =	sne.s32 s2, $0x0  }
0x2be: {  	s3 =	rddreg [dreg:$0x2];
	[bflag:$0x3] =	sbarrier.arrive $0xFFFF;
	s2 =	simm.s32 @!p0 $0x1C05  }
0x2bf: {  	[timem:s3], [sflag:s2] =	dma.local @!p0 [hbm:s0], s1  }
0x2c0: {  	s0 =	simm.s32 @!p0 $0x5  }
0x2c1: {  	_ =	swait.ge @!p0 [sflag:s0], s1  }
0x2c2: {  	s1 =	ssub.s32 @!p0 $0x0, s1;
	[sflag:s0] =	ssyncset.done @!p0 $0x0  }
0x2c3: {  	[sflag:s0] =	ssyncadd.s32 @!p0 s1  }
0x2c4: {  	[bflag:$0x3] =	sbarrier.arrive $0xFFFF  }
0x2c5: {  	_ =	shalt  }

</sc_bundles>
